<compile_context>
chip_gen: v7x
topology: tpu7x:2x2x1
jax: 0.10.2.dev20260603
libtpu: 0.0.44.dev20260713+nightly
codegen_flags: <defaults>
</compile_context>

<pallas_src>
import jax
import jax.numpy as jnp
from jax import lax
from jax.experimental import pallas as pl
from jax.experimental.pallas import tpu as pltpu
from jax.experimental.pallas import tpu_sc as plsc

_N = 100000
_G = 256
_H = 64
_NC, _NS = 2, 16
_NPAD = 100352
_BN = 2048
_GRID = _NPAD // _BN
_E = 3200000
_KB = 6
_EB = _KB * 128
_EPW_A = _E // (_NC * _NS)
_NB_A = _EPW_A // _EB // 2 * 2
_TAIL_A = _EPW_A - _NB_A * _EB
_EPW_C = _E // _NS
_NB_C = _EPW_C // _EB // 2 * 2
_TAIL_C = _EPW_C - _NB_C * _EB
_ZR = _NPAD // _NS

_mesh = plsc.VectorSubcoreMesh(core_axis_name="c", subcore_axis_name="s")


def _sc_pipeline(nb, tail, base, src_hbm, dst_hbm, tab_hbm, table, zdrain,
                 src_v, dst_v, rows_v, st_v, dt_v, sem_g, sem_s0, sem_s1,
                 sem_i):
    pltpu.async_copy(src_hbm.at[pl.ds(base, _EB)], src_v.at[0], sem_i)
    pltpu.async_copy(dst_hbm.at[pl.ds(base, _EB)], dst_v.at[0], sem_i)
    zrows = zdrain.at[pl.ds(0, _EB)]

    def body(k, carry):
        for p, sem_s in ((0, sem_s0), (1, sem_s1)):
            i = 2 * k + p
            s3 = lax.rem(i, 3)

            @pl.when(k >= 1)
            def _():
                pltpu.make_async_copy(zrows, rows_v.at[p], sem_s).wait()

            pltpu.make_async_copy(src_hbm.at[pl.ds(base, _EB)],
                                  src_v.at[s3], sem_i).wait()
            pltpu.make_async_copy(dst_hbm.at[pl.ds(base, _EB)],
                                  dst_v.at[s3], sem_i).wait()

            @pl.when(i + 1 < nb)
            def _():
                r1 = base + (i + 1) * _EB
                nx = lax.rem(i + 1, 3)
                pltpu.async_copy(src_hbm.at[pl.ds(r1, _EB)], src_v.at[nx],
                                 sem_i)
                pltpu.async_copy(dst_hbm.at[pl.ds(r1, _EB)], dst_v.at[nx],
                                 sem_i)

            pltpu.async_copy(tab_hbm.at[src_v.at[s3]], rows_v.at[p],
                             sem_g).wait()
            pltpu.async_copy(rows_v.at[p], table.at[dst_v.at[s3]], sem_s,
                             add=True)
        return carry

    lax.fori_loop(0, nb // 2, body, 0)
    pltpu.make_async_copy(zrows, rows_v.at[0], sem_s0).wait()
    pltpu.make_async_copy(zrows, rows_v.at[1], sem_s1).wait()

    t0 = base + nb * _EB
    pltpu.sync_copy(src_hbm.at[pl.ds(t0, tail)], st_v)
    pltpu.sync_copy(dst_hbm.at[pl.ds(t0, tail)], dt_v)
    pltpu.async_copy(tab_hbm.at[st_v], rows_v.at[0, pl.ds(0, tail)],
                     sem_g).wait()
    pltpu.sync_copy(rows_v.at[0, pl.ds(0, tail)], table.at[dt_v], add=True)


def _agg_a_body(h0, src_hbm, dst_hbm, zeros, zdrain, p0, p1, table, src_v,
                dst_v, rows_v, st_v, dt_v, sem_g, sem_s0, sem_s1, sem_i):
    cid = lax.axis_index("c")
    sid = lax.axis_index("s")
    z0 = sid * _ZR
    pltpu.sync_copy(zeros.at[pl.ds(z0, _ZR)], table.at[pl.ds(z0, _ZR)])
    plsc.subcore_barrier()
    base = (cid * _NS + sid) * _EPW_A
    _sc_pipeline(_NB_A, _TAIL_A, base, src_hbm, dst_hbm, h0, table, zdrain,
                 src_v, dst_v, rows_v, st_v, dt_v, sem_g, sem_s0, sem_s1,
                 sem_i)
    plsc.subcore_barrier()

    @pl.when(cid == 0)
    def _():
        pltpu.sync_copy(table.at[pl.ds(z0, _ZR)], p0.at[pl.ds(z0, _ZR)])

    @pl.when(cid == 1)
    def _():
        pltpu.sync_copy(table.at[pl.ds(z0, _ZR)], p1.at[pl.ds(z0, _ZR)])


def _agg_c_body(hc0, hc1, hc2, hc3, src_hbm, dst_hbm, zeros, zdrain, a0, a1,
                a2, a3, table, src_v, dst_v, rows_v, st_v, dt_v, sem_g,
                sem_s0, sem_s1, sem_i):
    cid = lax.axis_index("c")
    sid = lax.axis_index("s")
    z0 = sid * _ZR
    base = sid * _EPW_C

    def one_pass(tab_hbm, out_hbm):
        pltpu.sync_copy(zeros.at[pl.ds(z0, _ZR)], table.at[pl.ds(z0, _ZR)])
        plsc.subcore_barrier()
        _sc_pipeline(_NB_C, _TAIL_C, base, src_hbm, dst_hbm, tab_hbm, table,
                     zdrain, src_v, dst_v, rows_v, st_v, dt_v, sem_g, sem_s0,
                     sem_s1, sem_i)
        plsc.subcore_barrier()
        pltpu.sync_copy(table.at[pl.ds(z0, _ZR)], out_hbm.at[pl.ds(z0, _ZR)])

    @pl.when(cid == 0)
    def _():
        one_pass(hc0, a0)
        one_pass(hc1, a1)

    @pl.when(cid == 1)
    def _():
        one_pass(hc2, a2)
        one_pass(hc3, a3)


_sc_params = pltpu.CompilerParams(use_tc_tiling_on_sc=False)

_agg_a = pl.kernel(
    _agg_a_body,
    out_type=[jax.ShapeDtypeStruct((_NPAD, 16), jnp.float32)] * 2,
    mesh=_mesh,
    compiler_params=_sc_params,
    scratch_types=[
        pltpu.VMEM_SHARED((_NPAD, 16), jnp.float32),
        pltpu.VMEM((3, _EB), jnp.int32),
        pltpu.VMEM((3, _EB), jnp.int32),
        pltpu.VMEM((2, _EB, 16), jnp.float32),
        pltpu.VMEM((_TAIL_A,), jnp.int32),
        pltpu.VMEM((_TAIL_A,), jnp.int32),
        pltpu.SemaphoreType.DMA,
        pltpu.SemaphoreType.DMA,
        pltpu.SemaphoreType.DMA,
        pltpu.SemaphoreType.DMA,
    ],
)

_agg_c = pl.kernel(
    _agg_c_body,
    out_type=[jax.ShapeDtypeStruct((_NPAD, 16), jnp.float32)] * 4,
    mesh=_mesh,
    compiler_params=_sc_params,
    scratch_types=[
        pltpu.VMEM_SHARED((_NPAD, 16), jnp.float32),
        pltpu.VMEM((3, _EB), jnp.int32),
        pltpu.VMEM((3, _EB), jnp.int32),
        pltpu.VMEM((2, _EB, 16), jnp.float32),
        pltpu.VMEM((_TAIL_C,), jnp.int32),
        pltpu.VMEM((_TAIL_C,), jnp.int32),
        pltpu.SemaphoreType.DMA,
        pltpu.SemaphoreType.DMA,
        pltpu.SemaphoreType.DMA,
        pltpu.SemaphoreType.DMA,
    ],
)


def _mlp_a_body(h0, p0, p1, w1, b1, w2, b2, o0, o1, o2, o3):
    hin = h0[...] + p0[...] + p1[...]
    z = jnp.maximum(hin @ w1[...] + b1[...], 0.0)
    h1 = jnp.maximum(jnp.maximum(z @ w2[...] + b2[...], 0.0), 0.0)
    o0[...] = h1[:, 0:16]
    o1[...] = h1[:, 16:32]
    o2[...] = h1[:, 32:48]
    o3[...] = h1[:, 48:64]


def _mlp_b_body(hc0, hc1, hc2, hc3, a0, a1, a2, a3, bat, w1, b1, w2, b2, wl,
                bl, out, acc):
    i = pl.program_id(0)

    @pl.when(i == 0)
    def _():
        acc[...] = jnp.zeros_like(acc)

    hin = jnp.concatenate(
        [hc0[...] + a0[...], hc1[...] + a1[...], hc2[...] + a2[...],
         hc3[...] + a3[...]], axis=1)
    z = jnp.maximum(hin @ w1[...] + b1[...], 0.0)
    h2 = jnp.maximum(z @ w2[...] + b2[...], 0.0)
    onehot = (bat[...] == lax.broadcasted_iota(jnp.int32, (_BN, _G), 1)
              ).astype(jnp.float32)
    ext = jnp.concatenate([h2, jnp.ones((_BN, _H), jnp.float32)], axis=1)
    acc[...] += lax.dot_general(onehot, ext, (((0,), (0,)), ((), ())))

    @pl.when(i == _GRID - 1)
    def _():
        s = acc[...]
        mean = s[:, :_H] / jnp.maximum(s[:, _H:_H + 1], 1.0)
        out[...] = mean @ wl[...] + bl[0, 0]


_row_spec = pl.BlockSpec((_BN, 16), lambda i: (i, 0))


def _full(shape):
    return pl.BlockSpec(shape, lambda i: tuple(0 for _ in shape))


_mlp_a = pl.pallas_call(
    _mlp_a_body,
    grid=(_GRID,),
    in_specs=[_row_spec, _row_spec, _row_spec,
              _full((16, _H)), _full((1, _H)), _full((_H, _H)),
              _full((1, _H))],
    out_specs=[_row_spec] * 4,
    out_shape=[jax.ShapeDtypeStruct((_NPAD, 16), jnp.float32)] * 4,
)

_mlp_b = pl.pallas_call(
    _mlp_b_body,
    grid=(_GRID,),
    in_specs=[_row_spec] * 8 + [
        pl.BlockSpec((_BN, 1), lambda i: (i, 0)),
        _full((_H, _H)), _full((1, _H)), _full((_H, _H)), _full((1, _H)),
        _full((_H, 1)), _full((1, 1))],
    out_specs=_full((_G, 1)),
    out_shape=jax.ShapeDtypeStruct((_G, 1), jnp.float32),
    scratch_shapes=[pltpu.VMEM((_G, 2 * _H), jnp.float32)],
)


def kernel(x, pos, edge_index, batch, W1a, b1a, W2a, b2a, W1b, b1b, W2b, b2b,
           Wl, bl):
    h0 = jnp.concatenate([x, pos], axis=1)
    h0 = jnp.pad(h0, ((0, _NPAD - _N), (0, 16 - h0.shape[1])))
    src = edge_index[0]
    dst = edge_index[1]
    zeros = jnp.zeros((_NPAD, 16), jnp.float32)
    w1a = jnp.pad(W1a, ((0, 16 - W1a.shape[0]), (0, 0)))
    bat = jnp.pad(batch, (0, _NPAD - _N), constant_values=_G).reshape(_NPAD, 1)

    p0, p1 = _agg_a(h0, src, dst, zeros, zeros)
    hc = _mlp_a(h0, p0, p1, w1a, b1a.reshape(1, _H), W2a, b2a.reshape(1, _H))
    ac = _agg_c(hc[0], hc[1], hc[2], hc[3], src, dst, zeros, zeros)
    out = _mlp_b(hc[0], hc[1], hc[2], hc[3], ac[0], ac[1], ac[2], ac[3], bat,
                 W1b, b1b.reshape(1, _H), W2b, b2b.reshape(1, _H), Wl,
                 bl.reshape(1, 1))
    return out

# --- scband reference (transcript-rebuilt; emitter-appended) ---
"""Pipeline reference for scband-gin-34832184770913 (READ-ONLY COPY).

The authoritative reference and input builder live on the scoring server;
editing this copy changes nothing except your own understanding.
"""

import jax, jax.numpy as jnp
import numpy as np

NUM_GRAPHS = 256
N = 100000
E = 3200000
H = 64
F_NODE = 11


def _lin_init(k, fan_in, fan_out):
    bound = 1.0 / np.sqrt(fan_in)
    kw, kb = jax.random.split(k)
    W = jax.random.uniform(kw, (fan_in, fan_out), minval=-bound, maxval=bound, dtype=jnp.float32)
    b = jax.random.uniform(kb, (fan_out,), minval=-bound, maxval=bound, dtype=jnp.float32)
    return W, b


def setup_inputs(seed: int = 0) -> dict:
    key = jax.random.key(seed)
    ks = jax.random.split(key, 10)
    x = jax.random.normal(ks[0], (N, F_NODE), dtype=jnp.float32)
    pos = jax.random.normal(ks[1], (N, 3), dtype=jnp.float32)
    edge_index = jax.random.randint(ks[2], (2, E), 0, N, dtype=jnp.int32)
    batch = jnp.sort(jax.random.randint(ks[3], (N,), 0, NUM_GRAPHS, dtype=jnp.int32))
    W1a, b1a = _lin_init(ks[4], F_NODE + 3, H)
    W2a, b2a = _lin_init(ks[5], H, H)
    W1b, b1b = _lin_init(ks[6], H, H)
    W2b, b2b = _lin_init(ks[7], H, H)
    Wl, bl = _lin_init(ks[8], H, 1)
    return {"x": x, "pos": pos, "edge_index": edge_index, "batch": batch,
            "W1a": W1a, "b1a": b1a, "W2a": W2a, "b2a": b2a,
            "W1b": W1b, "b1b": b1b, "W2b": W2b, "b2b": b2b,
            "Wl": Wl, "bl": bl}


def _gin_conv(h, edge_index, W1, b1, W2, b2, eps=0.0):
    src = edge_index[0]
    dst = edge_index[1]
    # scatter-add aggregation of neighbor features (sum aggregator, GIN)
    agg = jnp.zeros(h.shape, h.dtype).at[dst].add(h[src])
    z = (1.0 + eps) * h + agg
    z = jnp.maximum(z @ W1 + b1, 0.0) @ W2 + b2
    return z


def reference(x, pos, edge_index, batch, W1a, b1a, W2a, b2a, W1b, b1b, W2b, b2b, Wl, bl):
    h = jnp.concatenate([x, pos], axis=1)
    h = jnp.maximum(_gin_conv(h, edge_index, W1a, b1a, W2a, b2a), 0.0)
    h = jnp.maximum(_gin_conv(h, edge_index, W1b, b1b, W2b, b2b), 0.0)
    sums = jax.ops.segment_sum(h, batch, num_segments=NUM_GRAPHS)
    counts = jax.ops.segment_sum(jnp.ones((h.shape[0], 1), h.dtype), batch, num_segments=NUM_GRAPHS)
    mean = sums / jnp.maximum(counts, 1.0)
    out = mean @ Wl + bl
    return out

if __name__ == "__main__":
    import jax
    _d = setup_inputs()
    print(jax.jit(kernel)(*tuple(_d.values())))

</pallas_src>

<mosaic_0001>
#map = affine_map<(d0, d1) -> (0, 0)>
#map1 = affine_map<(d0, d1) -> (0)>
module attributes {stable_mosaic.version = 14 : i64} {
  func.func @_agg_c_body(%arg0: i32, %arg1: i32, %arg2: memref<100352x16xf32, #tpu.memory_space<hbm>>, %arg3: memref<100352x16xf32, #tpu.memory_space<hbm>>, %arg4: memref<100352x16xf32, #tpu.memory_space<hbm>>, %arg5: memref<100352x16xf32, #tpu.memory_space<hbm>>, %arg6: memref<3200000xi32, #tpu.memory_space<hbm>>, %arg7: memref<3200000xi32, #tpu.memory_space<hbm>>, %arg8: memref<100352x16xf32, #tpu.memory_space<hbm>>, %arg9: memref<100352x16xf32, #tpu.memory_space<hbm>>, %arg10: memref<100352x16xf32, #tpu.memory_space<hbm>>, %arg11: memref<100352x16xf32, #tpu.memory_space<hbm>>, %arg12: memref<100352x16xf32, #tpu.memory_space<hbm>>, %arg13: memref<100352x16xf32, #tpu.memory_space<hbm>>, %arg14: memref<100352x16xf32, #tpu.memory_space<vmem_shared>>, %arg15: memref<3x768xi32, #tpu.memory_space<vmem>>, %arg16: memref<3x768xi32, #tpu.memory_space<vmem>>, %arg17: memref<2x768x16xf32, #tpu.memory_space<vmem>>, %arg18: memref<320xi32, #tpu.memory_space<vmem>>, %arg19: memref<320xi32, #tpu.memory_space<vmem>>, %arg20: memref<!tpu.dma_semaphore, #tpu.memory_space<semaphore_mem>>, %arg21: memref<!tpu.dma_semaphore, #tpu.memory_space<semaphore_mem>>, %arg22: memref<!tpu.dma_semaphore, #tpu.memory_space<semaphore_mem>>, %arg23: memref<!tpu.dma_semaphore, #tpu.memory_space<semaphore_mem>>) attributes {dimension_semantics = [#tpu.dimension_semantics<core_parallel>, #tpu.dimension_semantics<subcore_parallel>], iteration_bounds = array<i64: 2, 16>, scalar_prefetch = 0 : i64, scratch_operands = 10 : i64, tpu.core_type = #tpu.core_type<sc_vector_subcore>, window_params = [{transform_indices = #map}, {transform_indices = #map}, {transform_indices = #map}, {transform_indices = #map}, {transform_indices = #map1}, {transform_indices = #map1}, {transform_indices = #map}, {transform_indices = #map}, {transform_indices = #map}, {transform_indices = #map}, {transform_indices = #map}, {transform_indices = #map}]} {
    %mul3A = arith.constant 6272 : i32
    %mul3A_0 = arith.muli %arg1, %mul3A : i32
    %mul3A_1 = arith.constant 200000 : i32
    %mul3A_2 = arith.muli %arg1, %mul3A_1 : i32
    %eq3A = arith.constant 0 : i32
    %eq3A_3 = arith.cmpi eq, %arg0, %eq3A : i32
    %convert_element_type3A = arith.extui %eq3A_3 : i1 to i32
    %cond3A = arith.constant 0 : i32
    %cond3A_4 = arith.cmpi ne, %convert_element_type3A, %cond3A : i32
    scf.if %cond3A_4 {
      "tpu.region"() ({
        %run_scoped3A_154 = tpu.sem_alloc : memref<!tpu.dma_semaphore, #tpu.memory_space<semaphore_mem>>
        %dma_start3A_155 = arith.constant 0 : i32
        %dma_start3A_156 = tpu.memref_slice %arg14[%mul3A_0, %dma_start3A_155] : memref<100352x16xf32, #tpu.memory_space<vmem_shared>> -> memref<6272x16xf32, #tpu.memory_space<vmem_shared>>
        %dma_start3A_157 = arith.constant 0 : i32
        %dma_start3A_158 = tpu.memref_slice %arg8[%mul3A_0, %dma_start3A_157] : memref<100352x16xf32, #tpu.memory_space<hbm>> -> memref<6272x16xf32, #tpu.memory_space<hbm>>
        tpu.enqueue_dma source(%dma_start3A_158 : memref<6272x16xf32, #tpu.memory_space<hbm>>) target(%dma_start3A_156 : memref<6272x16xf32, #tpu.memory_space<vmem_shared>>) target_semaphore(%run_scoped3A_154 : memref<!tpu.dma_semaphore, #tpu.memory_space<semaphore_mem>>)
        %dma_wait3A_159 = arith.constant 0 : i32
        %dma_wait3A_160 = tpu.memref_slice %arg14[%mul3A_0, %dma_wait3A_159] : memref<100352x16xf32, #tpu.memory_space<vmem_shared>> -> memref<6272x16xf32, #tpu.memory_space<vmem_shared>>
        %dma_wait3A_161 = arith.constant 0 : i32
        %dma_wait3A_162 = tpu.memref_slice %arg8[%mul3A_0, %dma_wait3A_161] : memref<100352x16xf32, #tpu.memory_space<hbm>> -> memref<6272x16xf32, #tpu.memory_space<hbm>>
        tpu.wait_dma2 semaphore(%run_scoped3A_154 : memref<!tpu.dma_semaphore, #tpu.memory_space<semaphore_mem>>) src(%dma_wait3A_162 : memref<6272x16xf32, #tpu.memory_space<hbm>>) dst(%dma_wait3A_160 : memref<6272x16xf32, #tpu.memory_space<vmem_shared>>)
        tpu.yield
      }) : () -> ()
      %barrier3A = arith.constant 0 : index
      tpu.barrier barrier_id(%barrier3A)
      %dma_start3A = arith.constant 0 : i32
      %dma_start3A_10 = arith.constant 0 : i32
      %dma_start3A_11 = tpu.memref_slice %arg15[%dma_start3A, %dma_start3A_10] : memref<3x768xi32, #tpu.memory_space<vmem>> -> memref<1x768xi32, #tpu.memory_space<vmem>>
      %dma_start3A_12 = tpu.memref_squeeze %dma_start3A_11 : memref<1x768xi32, #tpu.memory_space<vmem>> -> memref<768xi32, #tpu.memory_space<vmem>>
      %dma_start3A_13 = tpu.memref_slice %arg6[%mul3A_2] : memref<3200000xi32, #tpu.memory_space<hbm>> -> memref<768xi32, #tpu.memory_space<hbm>>
      %dma_start3A_14 = arith.constant 0 : i32
      %dma_start3A_15 = tpu.memref_slice %arg15[%dma_start3A, %dma_start3A_14] : memref<3x768xi32, #tpu.memory_space<vmem>> -> memref<1x768xi32, #tpu.memory_space<vmem>>
      %dma_start3A_16 = tpu.memref_squeeze %dma_start3A_15 : memref<1x768xi32, #tpu.memory_space<vmem>> -> memref<768xi32, #tpu.memory_space<vmem>>
      %dma_start3A_17 = tpu.memref_slice %arg6[%mul3A_2] : memref<3200000xi32, #tpu.memory_space<hbm>> -> memref<768xi32, #tpu.memory_space<hbm>>
      tpu.enqueue_dma source(%dma_start3A_17 : memref<768xi32, #tpu.memory_space<hbm>>) target(%dma_start3A_16 : memref<768xi32, #tpu.memory_space<vmem>>) target_semaphore(%arg23 : memref<!tpu.dma_semaphore, #tpu.memory_space<semaphore_mem>>)
      %dma_start3A_18 = arith.constant 0 : i32
      %dma_start3A_19 = arith.constant 0 : i32
      %dma_start3A_20 = tpu.memref_slice %arg16[%dma_start3A_18, %dma_start3A_19] : memref<3x768xi32, #tpu.memory_space<vmem>> -> memref<1x768xi32, #tpu.memory_space<vmem>>
      %dma_start3A_21 = tpu.memref_squeeze %dma_start3A_20 : memref<1x768xi32, #tpu.memory_space<vmem>> -> memref<768xi32, #tpu.memory_space<vmem>>
      %dma_start3A_22 = tpu.memref_slice %arg7[%mul3A_2] : memref<3200000xi32, #tpu.memory_space<hbm>> -> memref<768xi32, #tpu.memory_space<hbm>>
      %dma_start3A_23 = arith.constant 0 : i32
      %dma_start3A_24 = tpu.memref_slice %arg16[%dma_start3A_18, %dma_start3A_23] : memref<3x768xi32, #tpu.memory_space<vmem>> -> memref<1x768xi32, #tpu.memory_space<vmem>>
      %dma_start3A_25 = tpu.memref_squeeze %dma_start3A_24 : memref<1x768xi32, #tpu.memory_space<vmem>> -> memref<768xi32, #tpu.memory_space<vmem>>
      %dma_start3A_26 = tpu.memref_slice %arg7[%mul3A_2] : memref<3200000xi32, #tpu.memory_space<hbm>> -> memref<768xi32, #tpu.memory_space<hbm>>
      tpu.enqueue_dma source(%dma_start3A_26 : memref<768xi32, #tpu.memory_space<hbm>>) target(%dma_start3A_25 : memref<768xi32, #tpu.memory_space<vmem>>) target_semaphore(%arg23 : memref<!tpu.dma_semaphore, #tpu.memory_space<semaphore_mem>>)
      %scan3A = arith.constant 0 : i32
      %scan3A_27 = arith.constant 0 : i32
      %scan3A_28 = arith.constant 130 : i32
      %scan3A_29 = arith.addi %scan3A_27, %scan3A_28 : i32
      %scan3A_30 = arith.constant 1 : i32
      scf.for %scan3A_154 = %scan3A_27 to %scan3A_29 step %scan3A_30  : i32 {
        %mul3A_155 = arith.constant 2 : i32
        %mul3A_156 = arith.muli %mul3A_155, %scan3A_154 : i32
        %add3A_157 = arith.constant 0 : i32
        %add3A_158 = arith.addi %mul3A_156, %add3A_157 : i32
        %rem3A = arith.constant 3 : i32
        %rem3A_159 = arith.remsi %add3A_158, %rem3A : i32
        %ge3A = arith.constant 1 : i32
        %ge3A_160 = arith.cmpi sge, %scan3A_154, %ge3A : i32
        %convert_element_type3A_161 = arith.extui %ge3A_160 : i1 to i32
        %cond3A_162 = arith.constant 0 : i32
        %cond3A_163 = arith.cmpi ne, %convert_element_type3A_161, %cond3A_162 : i32
        scf.if %cond3A_163 {
          %dma_wait3A_286 = arith.constant 0 : i32
          %dma_wait3A_287 = arith.constant 0 : i32
          %dma_wait3A_288 = arith.constant 0 : i32
          %dma_wait3A_289 = tpu.memref_slice %arg17[%dma_wait3A_286, %dma_wait3A_287, %dma_wait3A_288] : memref<2x768x16xf32, #tpu.memory_space<vmem>> -> memref<1x768x16xf32, #tpu.memory_space<vmem>>
          %dma_wait3A_290 = tpu.memref_squeeze %dma_wait3A_289 : memref<1x768x16xf32, #tpu.memory_space<vmem>> -> memref<768x16xf32, #tpu.memory_space<vmem>>
          %dma_wait3A_291 = arith.constant 0 : i32
          %dma_wait3A_292 = arith.constant 0 : i32
          %dma_wait3A_293 = tpu.memref_slice %arg9[%dma_wait3A_291, %dma_wait3A_292] : memref<100352x16xf32, #tpu.memory_space<hbm>> -> memref<768x16xf32, #tpu.memory_space<hbm>>
          %dma_wait3A_294 = arith.constant 0 : i32
          %dma_wait3A_295 = arith.constant 0 : i32
          %dma_wait3A_296 = tpu.memref_slice %arg17[%dma_wait3A_286, %dma_wait3A_294, %dma_wait3A_295] : memref<2x768x16xf32, #tpu.memory_space<vmem>> -> memref<1x768x16xf32, #tpu.memory_space<vmem>>
          %dma_wait3A_297 = tpu.memref_squeeze %dma_wait3A_296 : memref<1x768x16xf32, #tpu.memory_space<vmem>> -> memref<768x16xf32, #tpu.memory_space<vmem>>
          %dma_wait3A_298 = arith.constant 0 : i32
          %dma_wait3A_299 = arith.constant 0 : i32
          %dma_wait3A_300 = tpu.memref_slice %arg9[%dma_wait3A_298, %dma_wait3A_299] : memref<100352x16xf32, #tpu.memory_space<hbm>> -> memref<768x16xf32, #tpu.memory_space<hbm>>
          tpu.wait_dma2 semaphore(%arg21 : memref<!tpu.dma_semaphore, #tpu.memory_space<semaphore_mem>>) src(%dma_wait3A_300 : memref<768x16xf32, #tpu.memory_space<hbm>>) dst(%dma_wait3A_297 : memref<768x16xf32, #tpu.memory_space<vmem>>)
        } else {
        }
        %dma_wait3A_164 = arith.constant 0 : i32
        %dma_wait3A_165 = tpu.memref_slice %arg15[%rem3A_159, %dma_wait3A_164] : memref<3x768xi32, #tpu.memory_space<vmem>> -> memref<1x768xi32, #tpu.memory_space<vmem>>
        %dma_wait3A_166 = tpu.memref_squeeze %dma_wait3A_165 : memref<1x768xi32, #tpu.memory_space<vmem>> -> memref<768xi32, #tpu.memory_space<vmem>>
        %dma_wait3A_167 = tpu.memref_slice %arg6[%mul3A_2] : memref<3200000xi32, #tpu.memory_space<hbm>> -> memref<768xi32, #tpu.memory_space<hbm>>
        %dma_wait3A_168 = arith.constant 0 : i32
        %dma_wait3A_169 = tpu.memref_slice %arg15[%rem3A_159, %dma_wait3A_168] : memref<3x768xi32, #tpu.memory_space<vmem>> -> memref<1x768xi32, #tpu.memory_space<vmem>>
        %dma_wait3A_170 = tpu.memref_squeeze %dma_wait3A_169 : memref<1x768xi32, #tpu.memory_space<vmem>> -> memref<768xi32, #tpu.memory_space<vmem>>
        %dma_wait3A_171 = tpu.memref_slice %arg6[%mul3A_2] : memref<3200000xi32, #tpu.memory_space<hbm>> -> memref<768xi32, #tpu.memory_space<hbm>>
        tpu.wait_dma2 semaphore(%arg23 : memref<!tpu.dma_semaphore, #tpu.memory_space<semaphore_mem>>) src(%dma_wait3A_171 : memref<768xi32, #tpu.memory_space<hbm>>) dst(%dma_wait3A_170 : memref<768xi32, #tpu.memory_space<vmem>>)
        %dma_wait3A_172 = arith.constant 0 : i32
        %dma_wait3A_173 = tpu.memref_slice %arg16[%rem3A_159, %dma_wait3A_172] : memref<3x768xi32, #tpu.memory_space<vmem>> -> memref<1x768xi32, #tpu.memory_space<vmem>>
        %dma_wait3A_174 = tpu.memref_squeeze %dma_wait3A_173 : memref<1x768xi32, #tpu.memory_space<vmem>> -> memref<768xi32, #tpu.memory_space<vmem>>
        %dma_wait3A_175 = tpu.memref_slice %arg7[%mul3A_2] : memref<3200000xi32, #tpu.memory_space<hbm>> -> memref<768xi32, #tpu.memory_space<hbm>>
        %dma_wait3A_176 = arith.constant 0 : i32
        %dma_wait3A_177 = tpu.memref_slice %arg16[%rem3A_159, %dma_wait3A_176] : memref<3x768xi32, #tpu.memory_space<vmem>> -> memref<1x768xi32, #tpu.memory_space<vmem>>
        %dma_wait3A_178 = tpu.memref_squeeze %dma_wait3A_177 : memref<1x768xi32, #tpu.memory_space<vmem>> -> memref<768xi32, #tpu.memory_space<vmem>>
        %dma_wait3A_179 = tpu.memref_slice %arg7[%mul3A_2] : memref<3200000xi32, #tpu.memory_space<hbm>> -> memref<768xi32, #tpu.memory_space<hbm>>
        tpu.wait_dma2 semaphore(%arg23 : memref<!tpu.dma_semaphore, #tpu.memory_space<semaphore_mem>>) src(%dma_wait3A_179 : memref<768xi32, #tpu.memory_space<hbm>>) dst(%dma_wait3A_178 : memref<768xi32, #tpu.memory_space<vmem>>)
        %add3A_180 = arith.constant 1 : i32
        %add3A_181 = arith.addi %add3A_158, %add3A_180 : i32
        %lt3A = arith.constant 260 : i32
        %lt3A_182 = arith.cmpi slt, %add3A_181, %lt3A : i32
        %convert_element_type3A_183 = arith.extui %lt3A_182 : i1 to i32
        %cond3A_184 = arith.constant 0 : i32
        %cond3A_185 = arith.cmpi ne, %convert_element_type3A_183, %cond3A_184 : i32
        scf.if %cond3A_185 {
          %add3A_286 = arith.constant 1 : i32
          %add3A_287 = arith.addi %add3A_158, %add3A_286 : i32
          %mul3A_288 = arith.constant 768 : i32
          %mul3A_289 = arith.muli %add3A_287, %mul3A_288 : i32
          %add3A_290 = arith.addi %mul3A_2, %mul3A_289 : i32
          %add3A_291 = arith.constant 1 : i32
          %add3A_292 = arith.addi %add3A_158, %add3A_291 : i32
          %rem3A_293 = arith.constant 3 : i32
          %rem3A_294 = arith.remsi %add3A_292, %rem3A_293 : i32
          %dma_start3A_295 = arith.constant 0 : i32
          %dma_start3A_296 = tpu.memref_slice %arg15[%rem3A_294, %dma_start3A_295] : memref<3x768xi32, #tpu.memory_space<vmem>> -> memref<1x768xi32, #tpu.memory_space<vmem>>
          %dma_start3A_297 = tpu.memref_squeeze %dma_start3A_296 : memref<1x768xi32, #tpu.memory_space<vmem>> -> memref<768xi32, #tpu.memory_space<vmem>>
          %dma_start3A_298 = tpu.memref_slice %arg6[%add3A_290] : memref<3200000xi32, #tpu.memory_space<hbm>> -> memref<768xi32, #tpu.memory_space<hbm>>
          %dma_start3A_299 = arith.constant 0 : i32
          %dma_start3A_300 = tpu.memref_slice %arg15[%rem3A_294, %dma_start3A_299] : memref<3x768xi32, #tpu.memory_space<vmem>> -> memref<1x768xi32, #tpu.memory_space<vmem>>
          %dma_start3A_301 = tpu.memref_squeeze %dma_start3A_300 : memref<1x768xi32, #tpu.memory_space<vmem>> -> memref<768xi32, #tpu.memory_space<vmem>>
          %dma_start3A_302 = tpu.memref_slice %arg6[%add3A_290] : memref<3200000xi32, #tpu.memory_space<hbm>> -> memref<768xi32, #tpu.memory_space<hbm>>
          tpu.enqueue_dma source(%dma_start3A_302 : memref<768xi32, #tpu.memory_space<hbm>>) target(%dma_start3A_301 : memref<768xi32, #tpu.memory_space<vmem>>) target_semaphore(%arg23 : memref<!tpu.dma_semaphore, #tpu.memory_space<semaphore_mem>>)
          %dma_start3A_303 = arith.constant 0 : i32
          %dma_start3A_304 = tpu.memref_slice %arg16[%rem3A_294, %dma_start3A_303] : memref<3x768xi32, #tpu.memory_space<vmem>> -> memref<1x768xi32, #tpu.memory_space<vmem>>
          %dma_start3A_305 = tpu.memref_squeeze %dma_start3A_304 : memref<1x768xi32, #tpu.memory_space<vmem>> -> memref<768xi32, #tpu.memory_space<vmem>>
          %dma_start3A_306 = tpu.memref_slice %arg7[%add3A_290] : memref<3200000xi32, #tpu.memory_space<hbm>> -> memref<768xi32, #tpu.memory_space<hbm>>
          %dma_start3A_307 = arith.constant 0 : i32
          %dma_start3A_308 = tpu.memref_slice %arg16[%rem3A_294, %dma_start3A_307] : memref<3x768xi32, #tpu.memory_space<vmem>> -> memref<1x768xi32, #tpu.memory_space<vmem>>
          %dma_start3A_309 = tpu.memref_squeeze %dma_start3A_308 : memref<1x768xi32, #tpu.memory_space<vmem>> -> memref<768xi32, #tpu.memory_space<vmem>>
          %dma_start3A_310 = tpu.memref_slice %arg7[%add3A_290] : memref<3200000xi32, #tpu.memory_space<hbm>> -> memref<768xi32, #tpu.memory_space<hbm>>
          tpu.enqueue_dma source(%dma_start3A_310 : memref<768xi32, #tpu.memory_space<hbm>>) target(%dma_start3A_309 : memref<768xi32, #tpu.memory_space<vmem>>) target_semaphore(%arg23 : memref<!tpu.dma_semaphore, #tpu.memory_space<semaphore_mem>>)
        } else {
        }
        %dma_start3A_186 = arith.constant 0 : i32
        %dma_start3A_187 = arith.constant 0 : i32
        %dma_start3A_188 = arith.constant 0 : i32
        %dma_start3A_189 = tpu.memref_slice %arg17[%dma_start3A_186, %dma_start3A_187, %dma_start3A_188] : memref<2x768x16xf32, #tpu.memory_space<vmem>> -> memref<1x768x16xf32, #tpu.memory_space<vmem>>
        %dma_start3A_190 = tpu.memref_squeeze %dma_start3A_189 : memref<1x768x16xf32, #tpu.memory_space<vmem>> -> memref<768x16xf32, #tpu.memory_space<vmem>>
        %dma_start3A_191 = arith.constant 0 : i32
        %dma_start3A_192 = tpu.memref_slice %arg15[%rem3A_159, %dma_start3A_191] : memref<3x768xi32, #tpu.memory_space<vmem>> -> memref<1x768xi32, #tpu.memory_space<vmem>>
        %dma_start3A_193 = tpu.memref_squeeze %dma_start3A_192 : memref<1x768xi32, #tpu.memory_space<vmem>> -> memref<768xi32, #tpu.memory_space<vmem>>
        %dma_start3A_194 = arith.constant 0 : i32
        %dma_start3A_195 = arith.constant 0 : i32
        %dma_start3A_196 = tpu.memref_slice %arg2[%dma_start3A_194, %dma_start3A_195] : memref<100352x16xf32, #tpu.memory_space<hbm>> -> memref<100352x16xf32, #tpu.memory_space<hbm>>
        tpu.enqueue_indirect_dma source(%dma_start3A_196 : memref<100352x16xf32, #tpu.memory_space<hbm>>) target(%dma_start3A_190 : memref<768x16xf32, #tpu.memory_space<vmem>>) offsets(%dma_start3A_193 : memref<768xi32, #tpu.memory_space<vmem>>) semaphore(%arg20 : memref<!tpu.dma_semaphore, #tpu.memory_space<semaphore_mem>>)
        %dma_wait3A_197 = arith.constant 0 : i32
        %dma_wait3A_198 = arith.constant 0 : i32
        %dma_wait3A_199 = arith.constant 0 : i32
        %dma_wait3A_200 = tpu.memref_slice %arg17[%dma_wait3A_197, %dma_wait3A_198, %dma_wait3A_199] : memref<2x768x16xf32, #tpu.memory_space<vmem>> -> memref<1x768x16xf32, #tpu.memory_space<vmem>>
        %dma_wait3A_201 = tpu.memref_squeeze %dma_wait3A_200 : memref<1x768x16xf32, #tpu.memory_space<vmem>> -> memref<768x16xf32, #tpu.memory_space<vmem>>
        %dma_wait3A_202 = arith.constant 0 : i32
        %dma_wait3A_203 = tpu.memref_slice %arg15[%rem3A_159, %dma_wait3A_202] : memref<3x768xi32, #tpu.memory_space<vmem>> -> memref<1x768xi32, #tpu.memory_space<vmem>>
        %dma_wait3A_204 = tpu.memref_squeeze %dma_wait3A_203 : memref<1x768xi32, #tpu.memory_space<vmem>> -> memref<768xi32, #tpu.memory_space<vmem>>
        %dma_wait3A_205 = arith.constant 0 : i32
        %dma_wait3A_206 = arith.constant 0 : i32
        %dma_wait3A_207 = tpu.memref_slice %arg2[%dma_wait3A_205, %dma_wait3A_206] : memref<100352x16xf32, #tpu.memory_space<hbm>> -> memref<100352x16xf32, #tpu.memory_space<hbm>>
        tpu.wait_indirect_dma semaphore(%arg20 : memref<!tpu.dma_semaphore, #tpu.memory_space<semaphore_mem>>) src(%dma_wait3A_207 : memref<100352x16xf32, #tpu.memory_space<hbm>>) dst(%dma_wait3A_201 : memref<768x16xf32, #tpu.memory_space<vmem>>)
        %dma_start3A_208 = arith.constant 0 : i32
        %dma_start3A_209 = arith.constant 0 : i32
        %dma_start3A_210 = arith.constant 0 : i32
        %dma_start3A_211 = tpu.memref_slice %arg17[%dma_start3A_208, %dma_start3A_209, %dma_start3A_210] : memref<2x768x16xf32, #tpu.memory_space<vmem>> -> memref<1x768x16xf32, #tpu.memory_space<vmem>>
        %dma_start3A_212 = tpu.memref_squeeze %dma_start3A_211 : memref<1x768x16xf32, #tpu.memory_space<vmem>> -> memref<768x16xf32, #tpu.memory_space<vmem>>
        %dma_start3A_213 = arith.constant 0 : i32
        %dma_start3A_214 = tpu.memref_slice %arg16[%rem3A_159, %dma_start3A_213] : memref<3x768xi32, #tpu.memory_space<vmem>> -> memref<1x768xi32, #tpu.memory_space<vmem>>
        %dma_start3A_215 = tpu.memref_squeeze %dma_start3A_214 : memref<1x768xi32, #tpu.memory_space<vmem>> -> memref<768xi32, #tpu.memory_space<vmem>>
        %dma_start3A_216 = arith.constant 0 : i32
        %dma_start3A_217 = arith.constant 0 : i32
        %dma_start3A_218 = tpu.memref_slice %arg14[%dma_start3A_216, %dma_start3A_217] : memref<100352x16xf32, #tpu.memory_space<vmem_shared>> -> memref<100352x16xf32, #tpu.memory_space<vmem_shared>>
        tpu.enqueue_indirect_dma source(%dma_start3A_212 : memref<768x16xf32, #tpu.memory_space<vmem>>) target(%dma_start3A_218 : memref<100352x16xf32, #tpu.memory_space<vmem_shared>>) offsets(%dma_start3A_215 : memref<768xi32, #tpu.memory_space<vmem>>) semaphore(%arg21 : memref<!tpu.dma_semaphore, #tpu.memory_space<semaphore_mem>>) {add = true}
        %mul3A_219 = arith.constant 2 : i32
        %mul3A_220 = arith.muli %mul3A_219, %scan3A_154 : i32
        %add3A_221 = arith.constant 1 : i32
        %add3A_222 = arith.addi %mul3A_220, %add3A_221 : i32
        %rem3A_223 = arith.constant 3 : i32
        %rem3A_224 = arith.remsi %add3A_222, %rem3A_223 : i32
        %ge3A_225 = arith.constant 1 : i32
        %ge3A_226 = arith.cmpi sge, %scan3A_154, %ge3A_225 : i32
        %convert_element_type3A_227 = arith.extui %ge3A_226 : i1 to i32
        %cond3A_228 = arith.constant 0 : i32
        %cond3A_229 = arith.cmpi ne, %convert_element_type3A_227, %cond3A_228 : i32
        scf.if %cond3A_229 {
          %dma_wait3A_286 = arith.constant 1 : i32
          %dma_wait3A_287 = arith.constant 0 : i32
          %dma_wait3A_288 = arith.constant 0 : i32
          %dma_wait3A_289 = tpu.memref_slice %arg17[%dma_wait3A_286, %dma_wait3A_287, %dma_wait3A_288] : memref<2x768x16xf32, #tpu.memory_space<vmem>> -> memref<1x768x16xf32, #tpu.memory_space<vmem>>
          %dma_wait3A_290 = tpu.memref_squeeze %dma_wait3A_289 : memref<1x768x16xf32, #tpu.memory_space<vmem>> -> memref<768x16xf32, #tpu.memory_space<vmem>>
          %dma_wait3A_291 = arith.constant 0 : i32
          %dma_wait3A_292 = arith.constant 0 : i32
          %dma_wait3A_293 = tpu.memref_slice %arg9[%dma_wait3A_291, %dma_wait3A_292] : memref<100352x16xf32, #tpu.memory_space<hbm>> -> memref<768x16xf32, #tpu.memory_space<hbm>>
          %dma_wait3A_294 = arith.constant 0 : i32
          %dma_wait3A_295 = arith.constant 0 : i32
          %dma_wait3A_296 = tpu.memref_slice %arg17[%dma_wait3A_286, %dma_wait3A_294, %dma_wait3A_295] : memref<2x768x16xf32, #tpu.memory_space<vmem>> -> memref<1x768x16xf32, #tpu.memory_space<vmem>>
          %dma_wait3A_297 = tpu.memref_squeeze %dma_wait3A_296 : memref<1x768x16xf32, #tpu.memory_space<vmem>> -> memref<768x16xf32, #tpu.memory_space<vmem>>
          %dma_wait3A_298 = arith.constant 0 : i32
          %dma_wait3A_299 = arith.constant 0 : i32
          %dma_wait3A_300 = tpu.memref_slice %arg9[%dma_wait3A_298, %dma_wait3A_299] : memref<100352x16xf32, #tpu.memory_space<hbm>> -> memref<768x16xf32, #tpu.memory_space<hbm>>
          tpu.wait_dma2 semaphore(%arg22 : memref<!tpu.dma_semaphore, #tpu.memory_space<semaphore_mem>>) src(%dma_wait3A_300 : memref<768x16xf32, #tpu.memory_space<hbm>>) dst(%dma_wait3A_297 : memref<768x16xf32, #tpu.memory_space<vmem>>)
        } else {
        }
        %dma_wait3A_230 = arith.constant 0 : i32
        %dma_wait3A_231 = tpu.memref_slice %arg15[%rem3A_224, %dma_wait3A_230] : memref<3x768xi32, #tpu.memory_space<vmem>> -> memref<1x768xi32, #tpu.memory_space<vmem>>
        %dma_wait3A_232 = tpu.memref_squeeze %dma_wait3A_231 : memref<1x768xi32, #tpu.memory_space<vmem>> -> memref<768xi32, #tpu.memory_space<vmem>>
        %dma_wait3A_233 = tpu.memref_slice %arg6[%mul3A_2] : memref<3200000xi32, #tpu.memory_space<hbm>> -> memref<768xi32, #tpu.memory_space<hbm>>
        %dma_wait3A_234 = arith.constant 0 : i32
        %dma_wait3A_235 = tpu.memref_slice %arg15[%rem3A_224, %dma_wait3A_234] : memref<3x768xi32, #tpu.memory_space<vmem>> -> memref<1x768xi32, #tpu.memory_space<vmem>>
        %dma_wait3A_236 = tpu.memref_squeeze %dma_wait3A_235 : memref<1x768xi32, #tpu.memory_space<vmem>> -> memref<768xi32, #tpu.memory_space<vmem>>
        %dma_wait3A_237 = tpu.memref_slice %arg6[%mul3A_2] : memref<3200000xi32, #tpu.memory_space<hbm>> -> memref<768xi32, #tpu.memory_space<hbm>>
        tpu.wait_dma2 semaphore(%arg23 : memref<!tpu.dma_semaphore, #tpu.memory_space<semaphore_mem>>) src(%dma_wait3A_237 : memref<768xi32, #tpu.memory_space<hbm>>) dst(%dma_wait3A_236 : memref<768xi32, #tpu.memory_space<vmem>>)
        %dma_wait3A_238 = arith.constant 0 : i32
        %dma_wait3A_239 = tpu.memref_slice %arg16[%rem3A_224, %dma_wait3A_238] : memref<3x768xi32, #tpu.memory_space<vmem>> -> memref<1x768xi32, #tpu.memory_space<vmem>>
        %dma_wait3A_240 = tpu.memref_squeeze %dma_wait3A_239 : memref<1x768xi32, #tpu.memory_space<vmem>> -> memref<768xi32, #tpu.memory_space<vmem>>
        %dma_wait3A_241 = tpu.memref_slice %arg7[%mul3A_2] : memref<3200000xi32, #tpu.memory_space<hbm>> -> memref<768xi32, #tpu.memory_space<hbm>>
        %dma_wait3A_242 = arith.constant 0 : i32
        %dma_wait3A_243 = tpu.memref_slice %arg16[%rem3A_224, %dma_wait3A_242] : memref<3x768xi32, #tpu.memory_space<vmem>> -> memref<1x768xi32, #tpu.memory_space<vmem>>
        %dma_wait3A_244 = tpu.memref_squeeze %dma_wait3A_243 : memref<1x768xi32, #tpu.memory_space<vmem>> -> memref<768xi32, #tpu.memory_space<vmem>>
        %dma_wait3A_245 = tpu.memref_slice %arg7[%mul3A_2] : memref<3200000xi32, #tpu.memory_space<hbm>> -> memref<768xi32, #tpu.memory_space<hbm>>
        tpu.wait_dma2 semaphore(%arg23 : memref<!tpu.dma_semaphore, #tpu.memory_space<semaphore_mem>>) src(%dma_wait3A_245 : memref<768xi32, #tpu.memory_space<hbm>>) dst(%dma_wait3A_244 : memref<768xi32, #tpu.memory_space<vmem>>)
        %add3A_246 = arith.constant 1 : i32
        %add3A_247 = arith.addi %add3A_222, %add3A_246 : i32
        %lt3A_248 = arith.constant 260 : i32
        %lt3A_249 = arith.cmpi slt, %add3A_247, %lt3A_248 : i32
        %convert_element_type3A_250 = arith.extui %lt3A_249 : i1 to i32
        %cond3A_251 = arith.constant 0 : i32
        %cond3A_252 = arith.cmpi ne, %convert_element_type3A_250, %cond3A_251 : i32
        scf.if %cond3A_252 {
          %add3A_286 = arith.constant 1 : i32
          %add3A_287 = arith.addi %add3A_222, %add3A_286 : i32
          %mul3A_288 = arith.constant 768 : i32
          %mul3A_289 = arith.muli %add3A_287, %mul3A_288 : i32
          %add3A_290 = arith.addi %mul3A_2, %mul3A_289 : i32
          %add3A_291 = arith.constant 1 : i32
          %add3A_292 = arith.addi %add3A_222, %add3A_291 : i32
          %rem3A_293 = arith.constant 3 : i32
          %rem3A_294 = arith.remsi %add3A_292, %rem3A_293 : i32
          %dma_start3A_295 = arith.constant 0 : i32
          %dma_start3A_296 = tpu.memref_slice %arg15[%rem3A_294, %dma_start3A_295] : memref<3x768xi32, #tpu.memory_space<vmem>> -> memref<1x768xi32, #tpu.memory_space<vmem>>
          %dma_start3A_297 = tpu.memref_squeeze %dma_start3A_296 : memref<1x768xi32, #tpu.memory_space<vmem>> -> memref<768xi32, #tpu.memory_space<vmem>>
          %dma_start3A_298 = tpu.memref_slice %arg6[%add3A_290] : memref<3200000xi32, #tpu.memory_space<hbm>> -> memref<768xi32, #tpu.memory_space<hbm>>
          %dma_start3A_299 = arith.constant 0 : i32
          %dma_start3A_300 = tpu.memref_slice %arg15[%rem3A_294, %dma_start3A_299] : memref<3x768xi32, #tpu.memory_space<vmem>> -> memref<1x768xi32, #tpu.memory_space<vmem>>
          %dma_start3A_301 = tpu.memref_squeeze %dma_start3A_300 : memref<1x768xi32, #tpu.memory_space<vmem>> -> memref<768xi32, #tpu.memory_space<vmem>>
          %dma_start3A_302 = tpu.memref_slice %arg6[%add3A_290] : memref<3200000xi32, #tpu.memory_space<hbm>> -> memref<768xi32, #tpu.memory_space<hbm>>
          tpu.enqueue_dma source(%dma_start3A_302 : memref<768xi32, #tpu.memory_space<hbm>>) target(%dma_start3A_301 : memref<768xi32, #tpu.memory_space<vmem>>) target_semaphore(%arg23 : memref<!tpu.dma_semaphore, #tpu.memory_space<semaphore_mem>>)
          %dma_start3A_303 = arith.constant 0 : i32
          %dma_start3A_304 = tpu.memref_slice %arg16[%rem3A_294, %dma_start3A_303] : memref<3x768xi32, #tpu.memory_space<vmem>> -> memref<1x768xi32, #tpu.memory_space<vmem>>
          %dma_start3A_305 = tpu.memref_squeeze %dma_start3A_304 : memref<1x768xi32, #tpu.memory_space<vmem>> -> memref<768xi32, #tpu.memory_space<vmem>>
          %dma_start3A_306 = tpu.memref_slice %arg7[%add3A_290] : memref<3200000xi32, #tpu.memory_space<hbm>> -> memref<768xi32, #tpu.memory_space<hbm>>
          %dma_start3A_307 = arith.constant 0 : i32
          %dma_start3A_308 = tpu.memref_slice %arg16[%rem3A_294, %dma_start3A_307] : memref<3x768xi32, #tpu.memory_space<vmem>> -> memref<1x768xi32, #tpu.memory_space<vmem>>
          %dma_start3A_309 = tpu.memref_squeeze %dma_start3A_308 : memref<1x768xi32, #tpu.memory_space<vmem>> -> memref<768xi32, #tpu.memory_space<vmem>>
          %dma_start3A_310 = tpu.memref_slice %arg7[%add3A_290] : memref<3200000xi32, #tpu.memory_space<hbm>> -> memref<768xi32, #tpu.memory_space<hbm>>
          tpu.enqueue_dma source(%dma_start3A_310 : memref<768xi32, #tpu.memory_space<hbm>>) target(%dma_start3A_309 : memref<768xi32, #tpu.memory_space<vmem>>) target_semaphore(%arg23 : memref<!tpu.dma_semaphore, #tpu.memory_space<semaphore_mem>>)
        } else {
        }
        %dma_start3A_253 = arith.constant 1 : i32
        %dma_start3A_254 = arith.constant 0 : i32
        %dma_start3A_255 = arith.constant 0 : i32
        %dma_start3A_256 = tpu.memref_slice %arg17[%dma_start3A_253, %dma_start3A_254, %dma_start3A_255] : memref<2x768x16xf32, #tpu.memory_space<vmem>> -> memref<1x768x16xf32, #tpu.memory_space<vmem>>
        %dma_start3A_257 = tpu.memref_squeeze %dma_start3A_256 : memref<1x768x16xf32, #tpu.memory_space<vmem>> -> memref<768x16xf32, #tpu.memory_space<vmem>>
        %dma_start3A_258 = arith.constant 0 : i32
        %dma_start3A_259 = tpu.memref_slice %arg15[%rem3A_224, %dma_start3A_258] : memref<3x768xi32, #tpu.memory_space<vmem>> -> memref<1x768xi32, #tpu.memory_space<vmem>>
        %dma_start3A_260 = tpu.memref_squeeze %dma_start3A_259 : memref<1x768xi32, #tpu.memory_space<vmem>> -> memref<768xi32, #tpu.memory_space<vmem>>
        %dma_start3A_261 = arith.constant 0 : i32
        %dma_start3A_262 = arith.constant 0 : i32
        %dma_start3A_263 = tpu.memref_slice %arg2[%dma_start3A_261, %dma_start3A_262] : memref<100352x16xf32, #tpu.memory_space<hbm>> -> memref<100352x16xf32, #tpu.memory_space<hbm>>
        tpu.enqueue_indirect_dma source(%dma_start3A_263 : memref<100352x16xf32, #tpu.memory_space<hbm>>) target(%dma_start3A_257 : memref<768x16xf32, #tpu.memory_space<vmem>>) offsets(%dma_start3A_260 : memref<768xi32, #tpu.memory_space<vmem>>) semaphore(%arg20 : memref<!tpu.dma_semaphore, #tpu.memory_space<semaphore_mem>>)
        %dma_wait3A_264 = arith.constant 1 : i32
        %dma_wait3A_265 = arith.constant 0 : i32
        %dma_wait3A_266 = arith.constant 0 : i32
        %dma_wait3A_267 = tpu.memref_slice %arg17[%dma_wait3A_264, %dma_wait3A_265, %dma_wait3A_266] : memref<2x768x16xf32, #tpu.memory_space<vmem>> -> memref<1x768x16xf32, #tpu.memory_space<vmem>>
        %dma_wait3A_268 = tpu.memref_squeeze %dma_wait3A_267 : memref<1x768x16xf32, #tpu.memory_space<vmem>> -> memref<768x16xf32, #tpu.memory_space<vmem>>
        %dma_wait3A_269 = arith.constant 0 : i32
        %dma_wait3A_270 = tpu.memref_slice %arg15[%rem3A_224, %dma_wait3A_269] : memref<3x768xi32, #tpu.memory_space<vmem>> -> memref<1x768xi32, #tpu.memory_space<vmem>>
        %dma_wait3A_271 = tpu.memref_squeeze %dma_wait3A_270 : memref<1x768xi32, #tpu.memory_space<vmem>> -> memref<768xi32, #tpu.memory_space<vmem>>
        %dma_wait3A_272 = arith.constant 0 : i32
        %dma_wait3A_273 = arith.constant 0 : i32
        %dma_wait3A_274 = tpu.memref_slice %arg2[%dma_wait3A_272, %dma_wait3A_273] : memref<100352x16xf32, #tpu.memory_space<hbm>> -> memref<100352x16xf32, #tpu.memory_space<hbm>>
        tpu.wait_indirect_dma semaphore(%arg20 : memref<!tpu.dma_semaphore, #tpu.memory_space<semaphore_mem>>) src(%dma_wait3A_274 : memref<100352x16xf32, #tpu.memory_space<hbm>>) dst(%dma_wait3A_268 : memref<768x16xf32, #tpu.memory_space<vmem>>)
        %dma_start3A_275 = arith.constant 1 : i32
        %dma_start3A_276 = arith.constant 0 : i32
        %dma_start3A_277 = arith.constant 0 : i32
        %dma_start3A_278 = tpu.memref_slice %arg17[%dma_start3A_275, %dma_start3A_276, %dma_start3A_277] : memref<2x768x16xf32, #tpu.memory_space<vmem>> -> memref<1x768x16xf32, #tpu.memory_space<vmem>>
        %dma_start3A_279 = tpu.memref_squeeze %dma_start3A_278 : memref<1x768x16xf32, #tpu.memory_space<vmem>> -> memref<768x16xf32, #tpu.memory_space<vmem>>
        %dma_start3A_280 = arith.constant 0 : i32
        %dma_start3A_281 = tpu.memref_slice %arg16[%rem3A_224, %dma_start3A_280] : memref<3x768xi32, #tpu.memory_space<vmem>> -> memref<1x768xi32, #tpu.memory_space<vmem>>
        %dma_start3A_282 = tpu.memref_squeeze %dma_start3A_281 : memref<1x768xi32, #tpu.memory_space<vmem>> -> memref<768xi32, #tpu.memory_space<vmem>>
        %dma_start3A_283 = arith.constant 0 : i32
        %dma_start3A_284 = arith.constant 0 : i32
        %dma_start3A_285 = tpu.memref_slice %arg14[%dma_start3A_283, %dma_start3A_284] : memref<100352x16xf32, #tpu.memory_space<vmem_shared>> -> memref<100352x16xf32, #tpu.memory_space<vmem_shared>>
        tpu.enqueue_indirect_dma source(%dma_start3A_279 : memref<768x16xf32, #tpu.memory_space<vmem>>) target(%dma_start3A_285 : memref<100352x16xf32, #tpu.memory_space<vmem_shared>>) offsets(%dma_start3A_282 : memref<768xi32, #tpu.memory_space<vmem>>) semaphore(%arg22 : memref<!tpu.dma_semaphore, #tpu.memory_space<semaphore_mem>>) {add = true}
      }
      %scan3A_31 = arith.constant 130 : i32
      %dma_wait3A = arith.constant 0 : i32
      %dma_wait3A_32 = arith.constant 0 : i32
      %dma_wait3A_33 = arith.constant 0 : i32
      %dma_wait3A_34 = tpu.memref_slice %arg17[%dma_wait3A, %dma_wait3A_32, %dma_wait3A_33] : memref<2x768x16xf32, #tpu.memory_space<vmem>> -> memref<1x768x16xf32, #tpu.memory_space<vmem>>
      %dma_wait3A_35 = tpu.memref_squeeze %dma_wait3A_34 : memref<1x768x16xf32, #tpu.memory_space<vmem>> -> memref<768x16xf32, #tpu.memory_space<vmem>>
      %dma_wait3A_36 = arith.constant 0 : i32
      %dma_wait3A_37 = arith.constant 0 : i32
      %dma_wait3A_38 = tpu.memref_slice %arg9[%dma_wait3A_36, %dma_wait3A_37] : memref<100352x16xf32, #tpu.memory_space<hbm>> -> memref<768x16xf32, #tpu.memory_space<hbm>>
      %dma_wait3A_39 = arith.constant 0 : i32
      %dma_wait3A_40 = arith.constant 0 : i32
      %dma_wait3A_41 = tpu.memref_slice %arg17[%dma_wait3A, %dma_wait3A_39, %dma_wait3A_40] : memref<2x768x16xf32, #tpu.memory_space<vmem>> -> memref<1x768x16xf32, #tpu.memory_space<vmem>>
      %dma_wait3A_42 = tpu.memref_squeeze %dma_wait3A_41 : memref<1x768x16xf32, #tpu.memory_space<vmem>> -> memref<768x16xf32, #tpu.memory_space<vmem>>
      %dma_wait3A_43 = arith.constant 0 : i32
      %dma_wait3A_44 = arith.constant 0 : i32
      %dma_wait3A_45 = tpu.memref_slice %arg9[%dma_wait3A_43, %dma_wait3A_44] : memref<100352x16xf32, #tpu.memory_space<hbm>> -> memref<768x16xf32, #tpu.memory_space<hbm>>
      tpu.wait_dma2 semaphore(%arg21 : memref<!tpu.dma_semaphore, #tpu.memory_space<semaphore_mem>>) src(%dma_wait3A_45 : memref<768x16xf32, #tpu.memory_space<hbm>>) dst(%dma_wait3A_42 : memref<768x16xf32, #tpu.memory_space<vmem>>)
      %dma_wait3A_46 = arith.constant 1 : i32
      %dma_wait3A_47 = arith.constant 0 : i32
      %dma_wait3A_48 = arith.constant 0 : i32
      %dma_wait3A_49 = tpu.memref_slice %arg17[%dma_wait3A_46, %dma_wait3A_47, %dma_wait3A_48] : memref<2x768x16xf32, #tpu.memory_space<vmem>> -> memref<1x768x16xf32, #tpu.memory_space<vmem>>
      %dma_wait3A_50 = tpu.memref_squeeze %dma_wait3A_49 : memref<1x768x16xf32, #tpu.memory_space<vmem>> -> memref<768x16xf32, #tpu.memory_space<vmem>>
      %dma_wait3A_51 = arith.constant 0 : i32
      %dma_wait3A_52 = arith.constant 0 : i32
      %dma_wait3A_53 = tpu.memref_slice %arg9[%dma_wait3A_51, %dma_wait3A_52] : memref<100352x16xf32, #tpu.memory_space<hbm>> -> memref<768x16xf32, #tpu.memory_space<hbm>>
      %dma_wait3A_54 = arith.constant 0 : i32
      %dma_wait3A_55 = arith.constant 0 : i32
      %dma_wait3A_56 = tpu.memref_slice %arg17[%dma_wait3A_46, %dma_wait3A_54, %dma_wait3A_55] : memref<2x768x16xf32, #tpu.memory_space<vmem>> -> memref<1x768x16xf32, #tpu.memory_space<vmem>>
      %dma_wait3A_57 = tpu.memref_squeeze %dma_wait3A_56 : memref<1x768x16xf32, #tpu.memory_space<vmem>> -> memref<768x16xf32, #tpu.memory_space<vmem>>
      %dma_wait3A_58 = arith.constant 0 : i32
      %dma_wait3A_59 = arith.constant 0 : i32
      %dma_wait3A_60 = tpu.memref_slice %arg9[%dma_wait3A_58, %dma_wait3A_59] : memref<100352x16xf32, #tpu.memory_space<hbm>> -> memref<768x16xf32, #tpu.memory_space<hbm>>
      tpu.wait_dma2 semaphore(%arg22 : memref<!tpu.dma_semaphore, #tpu.memory_space<semaphore_mem>>) src(%dma_wait3A_60 : memref<768x16xf32, #tpu.memory_space<hbm>>) dst(%dma_wait3A_57 : memref<768x16xf32, #tpu.memory_space<vmem>>)
      %add3A = arith.constant 199680 : i32
      %add3A_61 = arith.addi %mul3A_2, %add3A : i32
      "tpu.region"() ({
        %run_scoped3A_154 = tpu.sem_alloc : memref<!tpu.dma_semaphore, #tpu.memory_space<semaphore_mem>>
        %dma_start3A_155 = tpu.memref_slice %arg6[%add3A_61] : memref<3200000xi32, #tpu.memory_space<hbm>> -> memref<320xi32, #tpu.memory_space<hbm>>
        %dma_start3A_156 = tpu.memref_slice %arg6[%add3A_61] : memref<3200000xi32, #tpu.memory_space<hbm>> -> memref<320xi32, #tpu.memory_space<hbm>>
        tpu.enqueue_dma source(%dma_start3A_156 : memref<320xi32, #tpu.memory_space<hbm>>) target(%arg18 : memref<320xi32, #tpu.memory_space<vmem>>) target_semaphore(%run_scoped3A_154 : memref<!tpu.dma_semaphore, #tpu.memory_space<semaphore_mem>>)
        %dma_wait3A_157 = tpu.memref_slice %arg6[%add3A_61] : memref<3200000xi32, #tpu.memory_space<hbm>> -> memref<320xi32, #tpu.memory_space<hbm>>
        %dma_wait3A_158 = tpu.memref_slice %arg6[%add3A_61] : memref<3200000xi32, #tpu.memory_space<hbm>> -> memref<320xi32, #tpu.memory_space<hbm>>
        tpu.wait_dma2 semaphore(%run_scoped3A_154 : memref<!tpu.dma_semaphore, #tpu.memory_space<semaphore_mem>>) src(%dma_wait3A_158 : memref<320xi32, #tpu.memory_space<hbm>>) dst(%arg18 : memref<320xi32, #tpu.memory_space<vmem>>)
        tpu.yield
      }) : () -> ()
      "tpu.region"() ({
        %run_scoped3A_154 = tpu.sem_alloc : memref<!tpu.dma_semaphore, #tpu.memory_space<semaphore_mem>>
        %dma_start3A_155 = tpu.memref_slice %arg7[%add3A_61] : memref<3200000xi32, #tpu.memory_space<hbm>> -> memref<320xi32, #tpu.memory_space<hbm>>
        %dma_start3A_156 = tpu.memref_slice %arg7[%add3A_61] : memref<3200000xi32, #tpu.memory_space<hbm>> -> memref<320xi32, #tpu.memory_space<hbm>>
        tpu.enqueue_dma source(%dma_start3A_156 : memref<320xi32, #tpu.memory_space<hbm>>) target(%arg19 : memref<320xi32, #tpu.memory_space<vmem>>) target_semaphore(%run_scoped3A_154 : memref<!tpu.dma_semaphore, #tpu.memory_space<semaphore_mem>>)
        %dma_wait3A_157 = tpu.memref_slice %arg7[%add3A_61] : memref<3200000xi32, #tpu.memory_space<hbm>> -> memref<320xi32, #tpu.memory_space<hbm>>
        %dma_wait3A_158 = tpu.memref_slice %arg7[%add3A_61] : memref<3200000xi32, #tpu.memory_space<hbm>> -> memref<320xi32, #tpu.memory_space<hbm>>
        tpu.wait_dma2 semaphore(%run_scoped3A_154 : memref<!tpu.dma_semaphore, #tpu.memory_space<semaphore_mem>>) src(%dma_wait3A_158 : memref<320xi32, #tpu.memory_space<hbm>>) dst(%arg19 : memref<320xi32, #tpu.memory_space<vmem>>)
        tpu.yield
      }) : () -> ()
      %dma_start3A_62 = arith.constant 0 : i32
      %dma_start3A_63 = arith.constant 0 : i32
      %dma_start3A_64 = arith.constant 0 : i32
      %dma_start3A_65 = tpu.memref_slice %arg17[%dma_start3A_62, %dma_start3A_63, %dma_start3A_64] : memref<2x768x16xf32, #tpu.memory_space<vmem>> -> memref<1x320x16xf32, #tpu.memory_space<vmem>>
      %dma_start3A_66 = tpu.memref_squeeze %dma_start3A_65 : memref<1x320x16xf32, #tpu.memory_space<vmem>> -> memref<320x16xf32, #tpu.memory_space<vmem>>
      %dma_start3A_67 = arith.constant 0 : i32
      %dma_start3A_68 = arith.constant 0 : i32
      %dma_start3A_69 = tpu.memref_slice %arg2[%dma_start3A_67, %dma_start3A_68] : memref<100352x16xf32, #tpu.memory_space<hbm>> -> memref<100352x16xf32, #tpu.memory_space<hbm>>
      tpu.enqueue_indirect_dma source(%dma_start3A_69 : memref<100352x16xf32, #tpu.memory_space<hbm>>) target(%dma_start3A_66 : memref<320x16xf32, #tpu.memory_space<vmem>>) offsets(%arg18 : memref<320xi32, #tpu.memory_space<vmem>>) semaphore(%arg20 : memref<!tpu.dma_semaphore, #tpu.memory_space<semaphore_mem>>)
      %dma_wait3A_70 = arith.constant 0 : i32
      %dma_wait3A_71 = arith.constant 0 : i32
      %dma_wait3A_72 = arith.constant 0 : i32
      %dma_wait3A_73 = tpu.memref_slice %arg17[%dma_wait3A_70, %dma_wait3A_71, %dma_wait3A_72] : memref<2x768x16xf32, #tpu.memory_space<vmem>> -> memref<1x320x16xf32, #tpu.memory_space<vmem>>
      %dma_wait3A_74 = tpu.memref_squeeze %dma_wait3A_73 : memref<1x320x16xf32, #tpu.memory_space<vmem>> -> memref<320x16xf32, #tpu.memory_space<vmem>>
      %dma_wait3A_75 = arith.constant 0 : i32
      %dma_wait3A_76 = arith.constant 0 : i32
      %dma_wait3A_77 = tpu.memref_slice %arg2[%dma_wait3A_75, %dma_wait3A_76] : memref<100352x16xf32, #tpu.memory_space<hbm>> -> memref<100352x16xf32, #tpu.memory_space<hbm>>
      tpu.wait_indirect_dma semaphore(%arg20 : memref<!tpu.dma_semaphore, #tpu.memory_space<semaphore_mem>>) src(%dma_wait3A_77 : memref<100352x16xf32, #tpu.memory_space<hbm>>) dst(%dma_wait3A_74 : memref<320x16xf32, #tpu.memory_space<vmem>>)
      %run_scoped3A = arith.constant 0 : i32
      "tpu.region"() ({
        %run_scoped3A_154 = tpu.sem_alloc : memref<!tpu.dma_semaphore, #tpu.memory_space<semaphore_mem>>
        %dma_start3A_155 = arith.constant 0 : i32
        %dma_start3A_156 = arith.constant 0 : i32
        %dma_start3A_157 = tpu.memref_slice %arg17[%run_scoped3A, %dma_start3A_155, %dma_start3A_156] : memref<2x768x16xf32, #tpu.memory_space<vmem>> -> memref<1x320x16xf32, #tpu.memory_space<vmem>>
        %dma_start3A_158 = tpu.memref_squeeze %dma_start3A_157 : memref<1x320x16xf32, #tpu.memory_space<vmem>> -> memref<320x16xf32, #tpu.memory_space<vmem>>
        %dma_start3A_159 = arith.constant 0 : i32
        %dma_start3A_160 = arith.constant 0 : i32
        %dma_start3A_161 = tpu.memref_slice %arg14[%dma_start3A_159, %dma_start3A_160] : memref<100352x16xf32, #tpu.memory_space<vmem_shared>> -> memref<100352x16xf32, #tpu.memory_space<vmem_shared>>
        tpu.enqueue_indirect_dma source(%dma_start3A_158 : memref<320x16xf32, #tpu.memory_space<vmem>>) target(%dma_start3A_161 : memref<100352x16xf32, #tpu.memory_space<vmem_shared>>) offsets(%arg19 : memref<320xi32, #tpu.memory_space<vmem>>) semaphore(%run_scoped3A_154 : memref<!tpu.dma_semaphore, #tpu.memory_space<semaphore_mem>>) {add = true}
        %dma_wait3A_162 = arith.constant 0 : i32
        %dma_wait3A_163 = arith.constant 0 : i32
        %dma_wait3A_164 = tpu.memref_slice %arg17[%run_scoped3A, %dma_wait3A_162, %dma_wait3A_163] : memref<2x768x16xf32, #tpu.memory_space<vmem>> -> memref<1x320x16xf32, #tpu.memory_space<vmem>>
        %dma_wait3A_165 = tpu.memref_squeeze %dma_wait3A_164 : memref<1x320x16xf32, #tpu.memory_space<vmem>> -> memref<320x16xf32, #tpu.memory_space<vmem>>
        %dma_wait3A_166 = arith.constant 0 : i32
        %dma_wait3A_167 = arith.constant 0 : i32
        %dma_wait3A_168 = tpu.memref_slice %arg14[%dma_wait3A_166, %dma_wait3A_167] : memref<100352x16xf32, #tpu.memory_space<vmem_shared>> -> memref<100352x16xf32, #tpu.memory_space<vmem_shared>>
        tpu.wait_indirect_dma semaphore(%run_scoped3A_154 : memref<!tpu.dma_semaphore, #tpu.memory_space<semaphore_mem>>) src(%dma_wait3A_165 : memref<320x16xf32, #tpu.memory_space<vmem>>) dst(%dma_wait3A_168 : memref<100352x16xf32, #tpu.memory_space<vmem_shared>>)
        tpu.yield
      }) : () -> ()
      %barrier3A_78 = arith.constant 0 : index
      tpu.barrier barrier_id(%barrier3A_78)
      "tpu.region"() ({
        %run_scoped3A_154 = tpu.sem_alloc : memref<!tpu.dma_semaphore, #tpu.memory_space<semaphore_mem>>
        %dma_start3A_155 = arith.constant 0 : i32
        %dma_start3A_156 = tpu.memref_slice %arg10[%mul3A_0, %dma_start3A_155] : memref<100352x16xf32, #tpu.memory_space<hbm>> -> memref<6272x16xf32, #tpu.memory_space<hbm>>
        %dma_start3A_157 = arith.constant 0 : i32
        %dma_start3A_158 = tpu.memref_slice %arg14[%mul3A_0, %dma_start3A_157] : memref<100352x16xf32, #tpu.memory_space<vmem_shared>> -> memref<6272x16xf32, #tpu.memory_space<vmem_shared>>
        tpu.enqueue_dma source(%dma_start3A_158 : memref<6272x16xf32, #tpu.memory_space<vmem_shared>>) target(%dma_start3A_156 : memref<6272x16xf32, #tpu.memory_space<hbm>>) target_semaphore(%run_scoped3A_154 : memref<!tpu.dma_semaphore, #tpu.memory_space<semaphore_mem>>)
        %dma_wait3A_159 = arith.constant 0 : i32
        %dma_wait3A_160 = tpu.memref_slice %arg10[%mul3A_0, %dma_wait3A_159] : memref<100352x16xf32, #tpu.memory_space<hbm>> -> memref<6272x16xf32, #tpu.memory_space<hbm>>
        %dma_wait3A_161 = arith.constant 0 : i32
        %dma_wait3A_162 = tpu.memref_slice %arg14[%mul3A_0, %dma_wait3A_161] : memref<100352x16xf32, #tpu.memory_space<vmem_shared>> -> memref<6272x16xf32, #tpu.memory_space<vmem_shared>>
        tpu.wait_dma2 semaphore(%run_scoped3A_154 : memref<!tpu.dma_semaphore, #tpu.memory_space<semaphore_mem>>) src(%dma_wait3A_162 : memref<6272x16xf32, #tpu.memory_space<vmem_shared>>) dst(%dma_wait3A_160 : memref<6272x16xf32, #tpu.memory_space<hbm>>)
        tpu.yield
      }) : () -> ()
      "tpu.region"() ({
        %run_scoped3A_154 = tpu.sem_alloc : memref<!tpu.dma_semaphore, #tpu.memory_space<semaphore_mem>>
        %dma_start3A_155 = arith.constant 0 : i32
        %dma_start3A_156 = tpu.memref_slice %arg14[%mul3A_0, %dma_start3A_155] : memref<100352x16xf32, #tpu.memory_space<vmem_shared>> -> memref<6272x16xf32, #tpu.memory_space<vmem_shared>>
        %dma_start3A_157 = arith.constant 0 : i32
        %dma_start3A_158 = tpu.memref_slice %arg8[%mul3A_0, %dma_start3A_157] : memref<100352x16xf32, #tpu.memory_space<hbm>> -> memref<6272x16xf32, #tpu.memory_space<hbm>>
        tpu.enqueue_dma source(%dma_start3A_158 : memref<6272x16xf32, #tpu.memory_space<hbm>>) target(%dma_start3A_156 : memref<6272x16xf32, #tpu.memory_space<vmem_shared>>) target_semaphore(%run_scoped3A_154 : memref<!tpu.dma_semaphore, #tpu.memory_space<semaphore_mem>>)
        %dma_wait3A_159 = arith.constant 0 : i32
        %dma_wait3A_160 = tpu.memref_slice %arg14[%mul3A_0, %dma_wait3A_159] : memref<100352x16xf32, #tpu.memory_space<vmem_shared>> -> memref<6272x16xf32, #tpu.memory_space<vmem_shared>>
        %dma_wait3A_161 = arith.constant 0 : i32
        %dma_wait3A_162 = tpu.memref_slice %arg8[%mul3A_0, %dma_wait3A_161] : memref<100352x16xf32, #tpu.memory_space<hbm>> -> memref<6272x16xf32, #tpu.memory_space<hbm>>
        tpu.wait_dma2 semaphore(%run_scoped3A_154 : memref<!tpu.dma_semaphore, #tpu.memory_space<semaphore_mem>>) src(%dma_wait3A_162 : memref<6272x16xf32, #tpu.memory_space<hbm>>) dst(%dma_wait3A_160 : memref<6272x16xf32, #tpu.memory_space<vmem_shared>>)
        tpu.yield
      }) : () -> ()
      %barrier3A_79 = arith.constant 0 : index
      tpu.barrier barrier_id(%barrier3A_79)
      %dma_start3A_80 = arith.constant 0 : i32
      %dma_start3A_81 = arith.constant 0 : i32
      %dma_start3A_82 = tpu.memref_slice %arg15[%dma_start3A_80, %dma_start3A_81] : memref<3x768xi32, #tpu.memory_space<vmem>> -> memref<1x768xi32, #tpu.memory_space<vmem>>
      %dma_start3A_83 = tpu.memref_squeeze %dma_start3A_82 : memref<1x768xi32, #tpu.memory_space<vmem>> -> memref<768xi32, #tpu.memory_space<vmem>>
      %dma_start3A_84 = tpu.memref_slice %arg6[%mul3A_2] : memref<3200000xi32, #tpu.memory_space<hbm>> -> memref<768xi32, #tpu.memory_space<hbm>>
      %dma_start3A_85 = arith.constant 0 : i32
      %dma_start3A_86 = tpu.memref_slice %arg15[%dma_start3A_80, %dma_start3A_85] : memref<3x768xi32, #tpu.memory_space<vmem>> -> memref<1x768xi32, #tpu.memory_space<vmem>>
      %dma_start3A_87 = tpu.memref_squeeze %dma_start3A_86 : memref<1x768xi32, #tpu.memory_space<vmem>> -> memref<768xi32, #tpu.memory_space<vmem>>
      %dma_start3A_88 = tpu.memref_slice %arg6[%mul3A_2] : memref<3200000xi32, #tpu.memory_space<hbm>> -> memref<768xi32, #tpu.memory_space<hbm>>
      tpu.enqueue_dma source(%dma_start3A_88 : memref<768xi32, #tpu.memory_space<hbm>>) target(%dma_start3A_87 : memref<768xi32, #tpu.memory_space<vmem>>) target_semaphore(%arg23 : memref<!tpu.dma_semaphore, #tpu.memory_space<semaphore_mem>>)
      %dma_start3A_89 = arith.constant 0 : i32
      %dma_start3A_90 = arith.constant 0 : i32
      %dma_start3A_91 = tpu.memref_slice %arg16[%dma_start3A_89, %dma_start3A_90] : memref<3x768xi32, #tpu.memory_space<vmem>> -> memref<1x768xi32, #tpu.memory_space<vmem>>
      %dma_start3A_92 = tpu.memref_squeeze %dma_start3A_91 : memref<1x768xi32, #tpu.memory_space<vmem>> -> memref<768xi32, #tpu.memory_space<vmem>>
      %dma_start3A_93 = tpu.memref_slice %arg7[%mul3A_2] : memref<3200000xi32, #tpu.memory_space<hbm>> -> memref<768xi32, #tpu.memory_space<hbm>>
      %dma_start3A_94 = arith.constant 0 : i32
      %dma_start3A_95 = tpu.memref_slice %arg16[%dma_start3A_89, %dma_start3A_94] : memref<3x768xi32, #tpu.memory_space<vmem>> -> memref<1x768xi32, #tpu.memory_space<vmem>>
      %dma_start3A_96 = tpu.memref_squeeze %dma_start3A_95 : memref<1x768xi32, #tpu.memory_space<vmem>> -> memref<768xi32, #tpu.memory_space<vmem>>
      %dma_start3A_97 = tpu.memref_slice %arg7[%mul3A_2] : memref<3200000xi32, #tpu.memory_space<hbm>> -> memref<768xi32, #tpu.memory_space<hbm>>
      tpu.enqueue_dma source(%dma_start3A_97 : memref<768xi32, #tpu.memory_space<hbm>>) target(%dma_start3A_96 : memref<768xi32, #tpu.memory_space<vmem>>) target_semaphore(%arg23 : memref<!tpu.dma_semaphore, #tpu.memory_space<semaphore_mem>>)
      %scan3A_98 = arith.constant 0 : i32
      %scan3A_99 = arith.constant 0 : i32
      %scan3A_100 = arith.constant 130 : i32
      %scan3A_101 = arith.addi %scan3A_99, %scan3A_100 : i32
      %scan3A_102 = arith.constant 1 : i32
      scf.for %scan3A_154 = %scan3A_99 to %scan3A_101 step %scan3A_102  : i32 {
        %mul3A_155 = arith.constant 2 : i32
        %mul3A_156 = arith.muli %mul3A_155, %scan3A_154 : i32
        %add3A_157 = arith.constant 0 : i32
        %add3A_158 = arith.addi %mul3A_156, %add3A_157 : i32
        %rem3A = arith.constant 3 : i32
        %rem3A_159 = arith.remsi %add3A_158, %rem3A : i32
        %ge3A = arith.constant 1 : i32
        %ge3A_160 = arith.cmpi sge, %scan3A_154, %ge3A : i32
        %convert_element_type3A_161 = arith.extui %ge3A_160 : i1 to i32
        %cond3A_162 = arith.constant 0 : i32
        %cond3A_163 = arith.cmpi ne, %convert_element_type3A_161, %cond3A_162 : i32
        scf.if %cond3A_163 {
          %dma_wait3A_286 = arith.constant 0 : i32
          %dma_wait3A_287 = arith.constant 0 : i32
          %dma_wait3A_288 = arith.constant 0 : i32
          %dma_wait3A_289 = tpu.memref_slice %arg17[%dma_wait3A_286, %dma_wait3A_287, %dma_wait3A_288] : memref<2x768x16xf32, #tpu.memory_space<vmem>> -> memref<1x768x16xf32, #tpu.memory_space<vmem>>
          %dma_wait3A_290 = tpu.memref_squeeze %dma_wait3A_289 : memref<1x768x16xf32, #tpu.memory_space<vmem>> -> memref<768x16xf32, #tpu.memory_space<vmem>>
          %dma_wait3A_291 = arith.constant 0 : i32
          %dma_wait3A_292 = arith.constant 0 : i32
          %dma_wait3A_293 = tpu.memref_slice %arg9[%dma_wait3A_291, %dma_wait3A_292] : memref<100352x16xf32, #tpu.memory_space<hbm>> -> memref<768x16xf32, #tpu.memory_space<hbm>>
          %dma_wait3A_294 = arith.constant 0 : i32
          %dma_wait3A_295 = arith.constant 0 : i32
          %dma_wait3A_296 = tpu.memref_slice %arg17[%dma_wait3A_286, %dma_wait3A_294, %dma_wait3A_295] : memref<2x768x16xf32, #tpu.memory_space<vmem>> -> memref<1x768x16xf32, #tpu.memory_space<vmem>>
          %dma_wait3A_297 = tpu.memref_squeeze %dma_wait3A_296 : memref<1x768x16xf32, #tpu.memory_space<vmem>> -> memref<768x16xf32, #tpu.memory_space<vmem>>
          %dma_wait3A_298 = arith.constant 0 : i32
          %dma_wait3A_299 = arith.constant 0 : i32
          %dma_wait3A_300 = tpu.memref_slice %arg9[%dma_wait3A_298, %dma_wait3A_299] : memref<100352x16xf32, #tpu.memory_space<hbm>> -> memref<768x16xf32, #tpu.memory_space<hbm>>
          tpu.wait_dma2 semaphore(%arg21 : memref<!tpu.dma_semaphore, #tpu.memory_space<semaphore_mem>>) src(%dma_wait3A_300 : memref<768x16xf32, #tpu.memory_space<hbm>>) dst(%dma_wait3A_297 : memref<768x16xf32, #tpu.memory_space<vmem>>)
        } else {
        }
        %dma_wait3A_164 = arith.constant 0 : i32
        %dma_wait3A_165 = tpu.memref_slice %arg15[%rem3A_159, %dma_wait3A_164] : memref<3x768xi32, #tpu.memory_space<vmem>> -> memref<1x768xi32, #tpu.memory_space<vmem>>
        %dma_wait3A_166 = tpu.memref_squeeze %dma_wait3A_165 : memref<1x768xi32, #tpu.memory_space<vmem>> -> memref<768xi32, #tpu.memory_space<vmem>>
        %dma_wait3A_167 = tpu.memref_slice %arg6[%mul3A_2] : memref<3200000xi32, #tpu.memory_space<hbm>> -> memref<768xi32, #tpu.memory_space<hbm>>
        %dma_wait3A_168 = arith.constant 0 : i32
        %dma_wait3A_169 = tpu.memref_slice %arg15[%rem3A_159, %dma_wait3A_168] : memref<3x768xi32, #tpu.memory_space<vmem>> -> memref<1x768xi32, #tpu.memory_space<vmem>>
        %dma_wait3A_170 = tpu.memref_squeeze %dma_wait3A_169 : memref<1x768xi32, #tpu.memory_space<vmem>> -> memref<768xi32, #tpu.memory_space<vmem>>
        %dma_wait3A_171 = tpu.memref_slice %arg6[%mul3A_2] : memref<3200000xi32, #tpu.memory_space<hbm>> -> memref<768xi32, #tpu.memory_space<hbm>>
        tpu.wait_dma2 semaphore(%arg23 : memref<!tpu.dma_semaphore, #tpu.memory_space<semaphore_mem>>) src(%dma_wait3A_171 : memref<768xi32, #tpu.memory_space<hbm>>) dst(%dma_wait3A_170 : memref<768xi32, #tpu.memory_space<vmem>>)
        %dma_wait3A_172 = arith.constant 0 : i32
        %dma_wait3A_173 = tpu.memref_slice %arg16[%rem3A_159, %dma_wait3A_172] : memref<3x768xi32, #tpu.memory_space<vmem>> -> memref<1x768xi32, #tpu.memory_space<vmem>>
        %dma_wait3A_174 = tpu.memref_squeeze %dma_wait3A_173 : memref<1x768xi32, #tpu.memory_space<vmem>> -> memref<768xi32, #tpu.memory_space<vmem>>
        %dma_wait3A_175 = tpu.memref_slice %arg7[%mul3A_2] : memref<3200000xi32, #tpu.memory_space<hbm>> -> memref<768xi32, #tpu.memory_space<hbm>>
        %dma_wait3A_176 = arith.constant 0 : i32
        %dma_wait3A_177 = tpu.memref_slice %arg16[%rem3A_159, %dma_wait3A_176] : memref<3x768xi32, #tpu.memory_space<vmem>> -> memref<1x768xi32, #tpu.memory_space<vmem>>
        %dma_wait3A_178 = tpu.memref_squeeze %dma_wait3A_177 : memref<1x768xi32, #tpu.memory_space<vmem>> -> memref<768xi32, #tpu.memory_space<vmem>>
        %dma_wait3A_179 = tpu.memref_slice %arg7[%mul3A_2] : memref<3200000xi32, #tpu.memory_space<hbm>> -> memref<768xi32, #tpu.memory_space<hbm>>
        tpu.wait_dma2 semaphore(%arg23 : memref<!tpu.dma_semaphore, #tpu.memory_space<semaphore_mem>>) src(%dma_wait3A_179 : memref<768xi32, #tpu.memory_space<hbm>>) dst(%dma_wait3A_178 : memref<768xi32, #tpu.memory_space<vmem>>)
        %add3A_180 = arith.constant 1 : i32
        %add3A_181 = arith.addi %add3A_158, %add3A_180 : i32
        %lt3A = arith.constant 260 : i32
        %lt3A_182 = arith.cmpi slt, %add3A_181, %lt3A : i32
        %convert_element_type3A_183 = arith.extui %lt3A_182 : i1 to i32
        %cond3A_184 = arith.constant 0 : i32
        %cond3A_185 = arith.cmpi ne, %convert_element_type3A_183, %cond3A_184 : i32
        scf.if %cond3A_185 {
          %add3A_286 = arith.constant 1 : i32
          %add3A_287 = arith.addi %add3A_158, %add3A_286 : i32
          %mul3A_288 = arith.constant 768 : i32
          %mul3A_289 = arith.muli %add3A_287, %mul3A_288 : i32
          %add3A_290 = arith.addi %mul3A_2, %mul3A_289 : i32
          %add3A_291 = arith.constant 1 : i32
          %add3A_292 = arith.addi %add3A_158, %add3A_291 : i32
          %rem3A_293 = arith.constant 3 : i32
          %rem3A_294 = arith.remsi %add3A_292, %rem3A_293 : i32
          %dma_start3A_295 = arith.constant 0 : i32
          %dma_start3A_296 = tpu.memref_slice %arg15[%rem3A_294, %dma_start3A_295] : memref<3x768xi32, #tpu.memory_space<vmem>> -> memref<1x768xi32, #tpu.memory_space<vmem>>
          %dma_start3A_297 = tpu.memref_squeeze %dma_start3A_296 : memref<1x768xi32, #tpu.memory_space<vmem>> -> memref<768xi32, #tpu.memory_space<vmem>>
          %dma_start3A_298 = tpu.memref_slice %arg6[%add3A_290] : memref<3200000xi32, #tpu.memory_space<hbm>> -> memref<768xi32, #tpu.memory_space<hbm>>
          %dma_start3A_299 = arith.constant 0 : i32
          %dma_start3A_300 = tpu.memref_slice %arg15[%rem3A_294, %dma_start3A_299] : memref<3x768xi32, #tpu.memory_space<vmem>> -> memref<1x768xi32, #tpu.memory_space<vmem>>
          %dma_start3A_301 = tpu.memref_squeeze %dma_start3A_300 : memref<1x768xi32, #tpu.memory_space<vmem>> -> memref<768xi32, #tpu.memory_space<vmem>>
          %dma_start3A_302 = tpu.memref_slice %arg6[%add3A_290] : memref<3200000xi32, #tpu.memory_space<hbm>> -> memref<768xi32, #tpu.memory_space<hbm>>
          tpu.enqueue_dma source(%dma_start3A_302 : memref<768xi32, #tpu.memory_space<hbm>>) target(%dma_start3A_301 : memref<768xi32, #tpu.memory_space<vmem>>) target_semaphore(%arg23 : memref<!tpu.dma_semaphore, #tpu.memory_space<semaphore_mem>>)
          %dma_start3A_303 = arith.constant 0 : i32
          %dma_start3A_304 = tpu.memref_slice %arg16[%rem3A_294, %dma_start3A_303] : memref<3x768xi32, #tpu.memory_space<vmem>> -> memref<1x768xi32, #tpu.memory_space<vmem>>
          %dma_start3A_305 = tpu.memref_squeeze %dma_start3A_304 : memref<1x768xi32, #tpu.memory_space<vmem>> -> memref<768xi32, #tpu.memory_space<vmem>>
          %dma_start3A_306 = tpu.memref_slice %arg7[%add3A_290] : memref<3200000xi32, #tpu.memory_space<hbm>> -> memref<768xi32, #tpu.memory_space<hbm>>
          %dma_start3A_307 = arith.constant 0 : i32
          %dma_start3A_308 = tpu.memref_slice %arg16[%rem3A_294, %dma_start3A_307] : memref<3x768xi32, #tpu.memory_space<vmem>> -> memref<1x768xi32, #tpu.memory_space<vmem>>
          %dma_start3A_309 = tpu.memref_squeeze %dma_start3A_308 : memref<1x768xi32, #tpu.memory_space<vmem>> -> memref<768xi32, #tpu.memory_space<vmem>>
          %dma_start3A_310 = tpu.memref_slice %arg7[%add3A_290] : memref<3200000xi32, #tpu.memory_space<hbm>> -> memref<768xi32, #tpu.memory_space<hbm>>
          tpu.enqueue_dma source(%dma_start3A_310 : memref<768xi32, #tpu.memory_space<hbm>>) target(%dma_start3A_309 : memref<768xi32, #tpu.memory_space<vmem>>) target_semaphore(%arg23 : memref<!tpu.dma_semaphore, #tpu.memory_space<semaphore_mem>>)
        } else {
        }
        %dma_start3A_186 = arith.constant 0 : i32
        %dma_start3A_187 = arith.constant 0 : i32
        %dma_start3A_188 = arith.constant 0 : i32
        %dma_start3A_189 = tpu.memref_slice %arg17[%dma_start3A_186, %dma_start3A_187, %dma_start3A_188] : memref<2x768x16xf32, #tpu.memory_space<vmem>> -> memref<1x768x16xf32, #tpu.memory_space<vmem>>
        %dma_start3A_190 = tpu.memref_squeeze %dma_start3A_189 : memref<1x768x16xf32, #tpu.memory_space<vmem>> -> memref<768x16xf32, #tpu.memory_space<vmem>>
        %dma_start3A_191 = arith.constant 0 : i32
        %dma_start3A_192 = tpu.memref_slice %arg15[%rem3A_159, %dma_start3A_191] : memref<3x768xi32, #tpu.memory_space<vmem>> -> memref<1x768xi32, #tpu.memory_space<vmem>>
        %dma_start3A_193 = tpu.memref_squeeze %dma_start3A_192 : memref<1x768xi32, #tpu.memory_space<vmem>> -> memref<768xi32, #tpu.memory_space<vmem>>
        %dma_start3A_194 = arith.constant 0 : i32
        %dma_start3A_195 = arith.constant 0 : i32
        %dma_start3A_196 = tpu.memref_slice %arg3[%dma_start3A_194, %dma_start3A_195] : memref<100352x16xf32, #tpu.memory_space<hbm>> -> memref<100352x16xf32, #tpu.memory_space<hbm>>
        tpu.enqueue_indirect_dma source(%dma_start3A_196 : memref<100352x16xf32, #tpu.memory_space<hbm>>) target(%dma_start3A_190 : memref<768x16xf32, #tpu.memory_space<vmem>>) offsets(%dma_start3A_193 : memref<768xi32, #tpu.memory_space<vmem>>) semaphore(%arg20 : memref<!tpu.dma_semaphore, #tpu.memory_space<semaphore_mem>>)
        %dma_wait3A_197 = arith.constant 0 : i32
        %dma_wait3A_198 = arith.constant 0 : i32
        %dma_wait3A_199 = arith.constant 0 : i32
        %dma_wait3A_200 = tpu.memref_slice %arg17[%dma_wait3A_197, %dma_wait3A_198, %dma_wait3A_199] : memref<2x768x16xf32, #tpu.memory_space<vmem>> -> memref<1x768x16xf32, #tpu.memory_space<vmem>>
        %dma_wait3A_201 = tpu.memref_squeeze %dma_wait3A_200 : memref<1x768x16xf32, #tpu.memory_space<vmem>> -> memref<768x16xf32, #tpu.memory_space<vmem>>
        %dma_wait3A_202 = arith.constant 0 : i32
        %dma_wait3A_203 = tpu.memref_slice %arg15[%rem3A_159, %dma_wait3A_202] : memref<3x768xi32, #tpu.memory_space<vmem>> -> memref<1x768xi32, #tpu.memory_space<vmem>>
        %dma_wait3A_204 = tpu.memref_squeeze %dma_wait3A_203 : memref<1x768xi32, #tpu.memory_space<vmem>> -> memref<768xi32, #tpu.memory_space<vmem>>
        %dma_wait3A_205 = arith.constant 0 : i32
        %dma_wait3A_206 = arith.constant 0 : i32
        %dma_wait3A_207 = tpu.memref_slice %arg3[%dma_wait3A_205, %dma_wait3A_206] : memref<100352x16xf32, #tpu.memory_space<hbm>> -> memref<100352x16xf32, #tpu.memory_space<hbm>>
        tpu.wait_indirect_dma semaphore(%arg20 : memref<!tpu.dma_semaphore, #tpu.memory_space<semaphore_mem>>) src(%dma_wait3A_207 : memref<100352x16xf32, #tpu.memory_space<hbm>>) dst(%dma_wait3A_201 : memref<768x16xf32, #tpu.memory_space<vmem>>)
        %dma_start3A_208 = arith.constant 0 : i32
        %dma_start3A_209 = arith.constant 0 : i32
        %dma_start3A_210 = arith.constant 0 : i32
        %dma_start3A_211 = tpu.memref_slice %arg17[%dma_start3A_208, %dma_start3A_209, %dma_start3A_210] : memref<2x768x16xf32, #tpu.memory_space<vmem>> -> memref<1x768x16xf32, #tpu.memory_space<vmem>>
        %dma_start3A_212 = tpu.memref_squeeze %dma_start3A_211 : memref<1x768x16xf32, #tpu.memory_space<vmem>> -> memref<768x16xf32, #tpu.memory_space<vmem>>
        %dma_start3A_213 = arith.constant 0 : i32
        %dma_start3A_214 = tpu.memref_slice %arg16[%rem3A_159, %dma_start3A_213] : memref<3x768xi32, #tpu.memory_space<vmem>> -> memref<1x768xi32, #tpu.memory_space<vmem>>
        %dma_start3A_215 = tpu.memref_squeeze %dma_start3A_214 : memref<1x768xi32, #tpu.memory_space<vmem>> -> memref<768xi32, #tpu.memory_space<vmem>>
        %dma_start3A_216 = arith.constant 0 : i32
        %dma_start3A_217 = arith.constant 0 : i32
        %dma_start3A_218 = tpu.memref_slice %arg14[%dma_start3A_216, %dma_start3A_217] : memref<100352x16xf32, #tpu.memory_space<vmem_shared>> -> memref<100352x16xf32, #tpu.memory_space<vmem_shared>>
        tpu.enqueue_indirect_dma source(%dma_start3A_212 : memref<768x16xf32, #tpu.memory_space<vmem>>) target(%dma_start3A_218 : memref<100352x16xf32, #tpu.memory_space<vmem_shared>>) offsets(%dma_start3A_215 : memref<768xi32, #tpu.memory_space<vmem>>) semaphore(%arg21 : memref<!tpu.dma_semaphore, #tpu.memory_space<semaphore_mem>>) {add = true}
        %mul3A_219 = arith.constant 2 : i32
        %mul3A_220 = arith.muli %mul3A_219, %scan3A_154 : i32
        %add3A_221 = arith.constant 1 : i32
        %add3A_222 = arith.addi %mul3A_220, %add3A_221 : i32
        %rem3A_223 = arith.constant 3 : i32
        %rem3A_224 = arith.remsi %add3A_222, %rem3A_223 : i32
        %ge3A_225 = arith.constant 1 : i32
        %ge3A_226 = arith.cmpi sge, %scan3A_154, %ge3A_225 : i32
        %convert_element_type3A_227 = arith.extui %ge3A_226 : i1 to i32
        %cond3A_228 = arith.constant 0 : i32
        %cond3A_229 = arith.cmpi ne, %convert_element_type3A_227, %cond3A_228 : i32
        scf.if %cond3A_229 {
          %dma_wait3A_286 = arith.constant 1 : i32
          %dma_wait3A_287 = arith.constant 0 : i32
          %dma_wait3A_288 = arith.constant 0 : i32
          %dma_wait3A_289 = tpu.memref_slice %arg17[%dma_wait3A_286, %dma_wait3A_287, %dma_wait3A_288] : memref<2x768x16xf32, #tpu.memory_space<vmem>> -> memref<1x768x16xf32, #tpu.memory_space<vmem>>
          %dma_wait3A_290 = tpu.memref_squeeze %dma_wait3A_289 : memref<1x768x16xf32, #tpu.memory_space<vmem>> -> memref<768x16xf32, #tpu.memory_space<vmem>>
          %dma_wait3A_291 = arith.constant 0 : i32
          %dma_wait3A_292 = arith.constant 0 : i32
          %dma_wait3A_293 = tpu.memref_slice %arg9[%dma_wait3A_291, %dma_wait3A_292] : memref<100352x16xf32, #tpu.memory_space<hbm>> -> memref<768x16xf32, #tpu.memory_space<hbm>>
          %dma_wait3A_294 = arith.constant 0 : i32
          %dma_wait3A_295 = arith.constant 0 : i32
          %dma_wait3A_296 = tpu.memref_slice %arg17[%dma_wait3A_286, %dma_wait3A_294, %dma_wait3A_295] : memref<2x768x16xf32, #tpu.memory_space<vmem>> -> memref<1x768x16xf32, #tpu.memory_space<vmem>>
          %dma_wait3A_297 = tpu.memref_squeeze %dma_wait3A_296 : memref<1x768x16xf32, #tpu.memory_space<vmem>> -> memref<768x16xf32, #tpu.memory_space<vmem>>
          %dma_wait3A_298 = arith.constant 0 : i32
          %dma_wait3A_299 = arith.constant 0 : i32
          %dma_wait3A_300 = tpu.memref_slice %arg9[%dma_wait3A_298, %dma_wait3A_299] : memref<100352x16xf32, #tpu.memory_space<hbm>> -> memref<768x16xf32, #tpu.memory_space<hbm>>
          tpu.wait_dma2 semaphore(%arg22 : memref<!tpu.dma_semaphore, #tpu.memory_space<semaphore_mem>>) src(%dma_wait3A_300 : memref<768x16xf32, #tpu.memory_space<hbm>>) dst(%dma_wait3A_297 : memref<768x16xf32, #tpu.memory_space<vmem>>)
        } else {
        }
        %dma_wait3A_230 = arith.constant 0 : i32
        %dma_wait3A_231 = tpu.memref_slice %arg15[%rem3A_224, %dma_wait3A_230] : memref<3x768xi32, #tpu.memory_space<vmem>> -> memref<1x768xi32, #tpu.memory_space<vmem>>
        %dma_wait3A_232 = tpu.memref_squeeze %dma_wait3A_231 : memref<1x768xi32, #tpu.memory_space<vmem>> -> memref<768xi32, #tpu.memory_space<vmem>>
        %dma_wait3A_233 = tpu.memref_slice %arg6[%mul3A_2] : memref<3200000xi32, #tpu.memory_space<hbm>> -> memref<768xi32, #tpu.memory_space<hbm>>
        %dma_wait3A_234 = arith.constant 0 : i32
        %dma_wait3A_235 = tpu.memref_slice %arg15[%rem3A_224, %dma_wait3A_234] : memref<3x768xi32, #tpu.memory_space<vmem>> -> memref<1x768xi32, #tpu.memory_space<vmem>>
        %dma_wait3A_236 = tpu.memref_squeeze %dma_wait3A_235 : memref<1x768xi32, #tpu.memory_space<vmem>> -> memref<768xi32, #tpu.memory_space<vmem>>
        %dma_wait3A_237 = tpu.memref_slice %arg6[%mul3A_2] : memref<3200000xi32, #tpu.memory_space<hbm>> -> memref<768xi32, #tpu.memory_space<hbm>>
        tpu.wait_dma2 semaphore(%arg23 : memref<!tpu.dma_semaphore, #tpu.memory_space<semaphore_mem>>) src(%dma_wait3A_237 : memref<768xi32, #tpu.memory_space<hbm>>) dst(%dma_wait3A_236 : memref<768xi32, #tpu.memory_space<vmem>>)
        %dma_wait3A_238 = arith.constant 0 : i32
        %dma_wait3A_239 = tpu.memref_slice %arg16[%rem3A_224, %dma_wait3A_238] : memref<3x768xi32, #tpu.memory_space<vmem>> -> memref<1x768xi32, #tpu.memory_space<vmem>>
        %dma_wait3A_240 = tpu.memref_squeeze %dma_wait3A_239 : memref<1x768xi32, #tpu.memory_space<vmem>> -> memref<768xi32, #tpu.memory_space<vmem>>
        %dma_wait3A_241 = tpu.memref_slice %arg7[%mul3A_2] : memref<3200000xi32, #tpu.memory_space<hbm>> -> memref<768xi32, #tpu.memory_space<hbm>>
        %dma_wait3A_242 = arith.constant 0 : i32
        %dma_wait3A_243 = tpu.memref_slice %arg16[%rem3A_224, %dma_wait3A_242] : memref<3x768xi32, #tpu.memory_space<vmem>> -> memref<1x768xi32, #tpu.memory_space<vmem>>
        %dma_wait3A_244 = tpu.memref_squeeze %dma_wait3A_243 : memref<1x768xi32, #tpu.memory_space<vmem>> -> memref<768xi32, #tpu.memory_space<vmem>>
        %dma_wait3A_245 = tpu.memref_slice %arg7[%mul3A_2] : memref<3200000xi32, #tpu.memory_space<hbm>> -> memref<768xi32, #tpu.memory_space<hbm>>
        tpu.wait_dma2 semaphore(%arg23 : memref<!tpu.dma_semaphore, #tpu.memory_space<semaphore_mem>>) src(%dma_wait3A_245 : memref<768xi32, #tpu.memory_space<hbm>>) dst(%dma_wait3A_244 : memref<768xi32, #tpu.memory_space<vmem>>)
        %add3A_246 = arith.constant 1 : i32
        %add3A_247 = arith.addi %add3A_222, %add3A_246 : i32
        %lt3A_248 = arith.constant 260 : i32
        %lt3A_249 = arith.cmpi slt, %add3A_247, %lt3A_248 : i32
        %convert_element_type3A_250 = arith.extui %lt3A_249 : i1 to i32
        %cond3A_251 = arith.constant 0 : i32
        %cond3A_252 = arith.cmpi ne, %convert_element_type3A_250, %cond3A_251 : i32
        scf.if %cond3A_252 {
          %add3A_286 = arith.constant 1 : i32
          %add3A_287 = arith.addi %add3A_222, %add3A_286 : i32
          %mul3A_288 = arith.constant 768 : i32
          %mul3A_289 = arith.muli %add3A_287, %mul3A_288 : i32
          %add3A_290 = arith.addi %mul3A_2, %mul3A_289 : i32
          %add3A_291 = arith.constant 1 : i32
          %add3A_292 = arith.addi %add3A_222, %add3A_291 : i32
          %rem3A_293 = arith.constant 3 : i32
          %rem3A_294 = arith.remsi %add3A_292, %rem3A_293 : i32
          %dma_start3A_295 = arith.constant 0 : i32
          %dma_start3A_296 = tpu.memref_slice %arg15[%rem3A_294, %dma_start3A_295] : memref<3x768xi32, #tpu.memory_space<vmem>> -> memref<1x768xi32, #tpu.memory_space<vmem>>
          %dma_start3A_297 = tpu.memref_squeeze %dma_start3A_296 : memref<1x768xi32, #tpu.memory_space<vmem>> -> memref<768xi32, #tpu.memory_space<vmem>>
          %dma_start3A_298 = tpu.memref_slice %arg6[%add3A_290] : memref<3200000xi32, #tpu.memory_space<hbm>> -> memref<768xi32, #tpu.memory_space<hbm>>
          %dma_start3A_299 = arith.constant 0 : i32
          %dma_start3A_300 = tpu.memref_slice %arg15[%rem3A_294, %dma_start3A_299] : memref<3x768xi32, #tpu.memory_space<vmem>> -> memref<1x768xi32, #tpu.memory_space<vmem>>
          %dma_start3A_301 = tpu.memref_squeeze %dma_start3A_300 : memref<1x768xi32, #tpu.memory_space<vmem>> -> memref<768xi32, #tpu.memory_space<vmem>>
          %dma_start3A_302 = tpu.memref_slice %arg6[%add3A_290] : memref<3200000xi32, #tpu.memory_space<hbm>> -> memref<768xi32, #tpu.memory_space<hbm>>
          tpu.enqueue_dma source(%dma_start3A_302 : memref<768xi32, #tpu.memory_space<hbm>>) target(%dma_start3A_301 : memref<768xi32, #tpu.memory_space<vmem>>) target_semaphore(%arg23 : memref<!tpu.dma_semaphore, #tpu.memory_space<semaphore_mem>>)
          %dma_start3A_303 = arith.constant 0 : i32
          %dma_start3A_304 = tpu.memref_slice %arg16[%rem3A_294, %dma_start3A_303] : memref<3x768xi32, #tpu.memory_space<vmem>> -> memref<1x768xi32, #tpu.memory_space<vmem>>
          %dma_start3A_305 = tpu.memref_squeeze %dma_start3A_304 : memref<1x768xi32, #tpu.memory_space<vmem>> -> memref<768xi32, #tpu.memory_space<vmem>>
          %dma_start3A_306 = tpu.memref_slice %arg7[%add3A_290] : memref<3200000xi32, #tpu.memory_space<hbm>> -> memref<768xi32, #tpu.memory_space<hbm>>
          %dma_start3A_307 = arith.constant 0 : i32
          %dma_start3A_308 = tpu.memref_slice %arg16[%rem3A_294, %dma_start3A_307] : memref<3x768xi32, #tpu.memory_space<vmem>> -> memref<1x768xi32, #tpu.memory_space<vmem>>
          %dma_start3A_309 = tpu.memref_squeeze %dma_start3A_308 : memref<1x768xi32, #tpu.memory_space<vmem>> -> memref<768xi32, #tpu.memory_space<vmem>>
          %dma_start3A_310 = tpu.memref_slice %arg7[%add3A_290] : memref<3200000xi32, #tpu.memory_space<hbm>> -> memref<768xi32, #tpu.memory_space<hbm>>
          tpu.enqueue_dma source(%dma_start3A_310 : memref<768xi32, #tpu.memory_space<hbm>>) target(%dma_start3A_309 : memref<768xi32, #tpu.memory_space<vmem>>) target_semaphore(%arg23 : memref<!tpu.dma_semaphore, #tpu.memory_space<semaphore_mem>>)
        } else {
        }
        %dma_start3A_253 = arith.constant 1 : i32
        %dma_start3A_254 = arith.constant 0 : i32
        %dma_start3A_255 = arith.constant 0 : i32
        %dma_start3A_256 = tpu.memref_slice %arg17[%dma_start3A_253, %dma_start3A_254, %dma_start3A_255] : memref<2x768x16xf32, #tpu.memory_space<vmem>> -> memref<1x768x16xf32, #tpu.memory_space<vmem>>
        %dma_start3A_257 = tpu.memref_squeeze %dma_start3A_256 : memref<1x768x16xf32, #tpu.memory_space<vmem>> -> memref<768x16xf32, #tpu.memory_space<vmem>>
        %dma_start3A_258 = arith.constant 0 : i32
        %dma_start3A_259 = tpu.memref_slice %arg15[%rem3A_224, %dma_start3A_258] : memref<3x768xi32, #tpu.memory_space<vmem>> -> memref<1x768xi32, #tpu.memory_space<vmem>>
        %dma_start3A_260 = tpu.memref_squeeze %dma_start3A_259 : memref<1x768xi32, #tpu.memory_space<vmem>> -> memref<768xi32, #tpu.memory_space<vmem>>
        %dma_start3A_261 = arith.constant 0 : i32
        %dma_start3A_262 = arith.constant 0 : i32
        %dma_start3A_263 = tpu.memref_slice %arg3[%dma_start3A_261, %dma_start3A_262] : memref<100352x16xf32, #tpu.memory_space<hbm>> -> memref<100352x16xf32, #tpu.memory_space<hbm>>
        tpu.enqueue_indirect_dma source(%dma_start3A_263 : memref<100352x16xf32, #tpu.memory_space<hbm>>) target(%dma_start3A_257 : memref<768x16xf32, #tpu.memory_space<vmem>>) offsets(%dma_start3A_260 : memref<768xi32, #tpu.memory_space<vmem>>) semaphore(%arg20 : memref<!tpu.dma_semaphore, #tpu.memory_space<semaphore_mem>>)
        %dma_wait3A_264 = arith.constant 1 : i32
        %dma_wait3A_265 = arith.constant 0 : i32
        %dma_wait3A_266 = arith.constant 0 : i32
        %dma_wait3A_267 = tpu.memref_slice %arg17[%dma_wait3A_264, %dma_wait3A_265, %dma_wait3A_266] : memref<2x768x16xf32, #tpu.memory_space<vmem>> -> memref<1x768x16xf32, #tpu.memory_space<vmem>>
        %dma_wait3A_268 = tpu.memref_squeeze %dma_wait3A_267 : memref<1x768x16xf32, #tpu.memory_space<vmem>> -> memref<768x16xf32, #tpu.memory_space<vmem>>
        %dma_wait3A_269 = arith.constant 0 : i32
        %dma_wait3A_270 = tpu.memref_slice %arg15[%rem3A_224, %dma_wait3A_269] : memref<3x768xi32, #tpu.memory_space<vmem>> -> memref<1x768xi32, #tpu.memory_space<vmem>>
        %dma_wait3A_271 = tpu.memref_squeeze %dma_wait3A_270 : memref<1x768xi32, #tpu.memory_space<vmem>> -> memref<768xi32, #tpu.memory_space<vmem>>
        %dma_wait3A_272 = arith.constant 0 : i32
        %dma_wait3A_273 = arith.constant 0 : i32
        %dma_wait3A_274 = tpu.memref_slice %arg3[%dma_wait3A_272, %dma_wait3A_273] : memref<100352x16xf32, #tpu.memory_space<hbm>> -> memref<100352x16xf32, #tpu.memory_space<hbm>>
        tpu.wait_indirect_dma semaphore(%arg20 : memref<!tpu.dma_semaphore, #tpu.memory_space<semaphore_mem>>) src(%dma_wait3A_274 : memref<100352x16xf32, #tpu.memory_space<hbm>>) dst(%dma_wait3A_268 : memref<768x16xf32, #tpu.memory_space<vmem>>)
        %dma_start3A_275 = arith.constant 1 : i32
        %dma_start3A_276 = arith.constant 0 : i32
        %dma_start3A_277 = arith.constant 0 : i32
        %dma_start3A_278 = tpu.memref_slice %arg17[%dma_start3A_275, %dma_start3A_276, %dma_start3A_277] : memref<2x768x16xf32, #tpu.memory_space<vmem>> -> memref<1x768x16xf32, #tpu.memory_space<vmem>>
        %dma_start3A_279 = tpu.memref_squeeze %dma_start3A_278 : memref<1x768x16xf32, #tpu.memory_space<vmem>> -> memref<768x16xf32, #tpu.memory_space<vmem>>
        %dma_start3A_280 = arith.constant 0 : i32
        %dma_start3A_281 = tpu.memref_slice %arg16[%rem3A_224, %dma_start3A_280] : memref<3x768xi32, #tpu.memory_space<vmem>> -> memref<1x768xi32, #tpu.memory_space<vmem>>
        %dma_start3A_282 = tpu.memref_squeeze %dma_start3A_281 : memref<1x768xi32, #tpu.memory_space<vmem>> -> memref<768xi32, #tpu.memory_space<vmem>>
        %dma_start3A_283 = arith.constant 0 : i32
        %dma_start3A_284 = arith.constant 0 : i32
        %dma_start3A_285 = tpu.memref_slice %arg14[%dma_start3A_283, %dma_start3A_284] : memref<100352x16xf32, #tpu.memory_space<vmem_shared>> -> memref<100352x16xf32, #tpu.memory_space<vmem_shared>>
        tpu.enqueue_indirect_dma source(%dma_start3A_279 : memref<768x16xf32, #tpu.memory_space<vmem>>) target(%dma_start3A_285 : memref<100352x16xf32, #tpu.memory_space<vmem_shared>>) offsets(%dma_start3A_282 : memref<768xi32, #tpu.memory_space<vmem>>) semaphore(%arg22 : memref<!tpu.dma_semaphore, #tpu.memory_space<semaphore_mem>>) {add = true}
      }
      %scan3A_103 = arith.constant 130 : i32
      %dma_wait3A_104 = arith.constant 0 : i32
      %dma_wait3A_105 = arith.constant 0 : i32
      %dma_wait3A_106 = arith.constant 0 : i32
      %dma_wait3A_107 = tpu.memref_slice %arg17[%dma_wait3A_104, %dma_wait3A_105, %dma_wait3A_106] : memref<2x768x16xf32, #tpu.memory_space<vmem>> -> memref<1x768x16xf32, #tpu.memory_space<vmem>>
      %dma_wait3A_108 = tpu.memref_squeeze %dma_wait3A_107 : memref<1x768x16xf32, #tpu.memory_space<vmem>> -> memref<768x16xf32, #tpu.memory_space<vmem>>
      %dma_wait3A_109 = arith.constant 0 : i32
      %dma_wait3A_110 = arith.constant 0 : i32
      %dma_wait3A_111 = tpu.memref_slice %arg9[%dma_wait3A_109, %dma_wait3A_110] : memref<100352x16xf32, #tpu.memory_space<hbm>> -> memref<768x16xf32, #tpu.memory_space<hbm>>
      %dma_wait3A_112 = arith.constant 0 : i32
      %dma_wait3A_113 = arith.constant 0 : i32
      %dma_wait3A_114 = tpu.memref_slice %arg17[%dma_wait3A_104, %dma_wait3A_112, %dma_wait3A_113] : memref<2x768x16xf32, #tpu.memory_space<vmem>> -> memref<1x768x16xf32, #tpu.memory_space<vmem>>
      %dma_wait3A_115 = tpu.memref_squeeze %dma_wait3A_114 : memref<1x768x16xf32, #tpu.memory_space<vmem>> -> memref<768x16xf32, #tpu.memory_space<vmem>>
      %dma_wait3A_116 = arith.constant 0 : i32
      %dma_wait3A_117 = arith.constant 0 : i32
      %dma_wait3A_118 = tpu.memref_slice %arg9[%dma_wait3A_116, %dma_wait3A_117] : memref<100352x16xf32, #tpu.memory_space<hbm>> -> memref<768x16xf32, #tpu.memory_space<hbm>>
      tpu.wait_dma2 semaphore(%arg21 : memref<!tpu.dma_semaphore, #tpu.memory_space<semaphore_mem>>) src(%dma_wait3A_118 : memref<768x16xf32, #tpu.memory_space<hbm>>) dst(%dma_wait3A_115 : memref<768x16xf32, #tpu.memory_space<vmem>>)
      %dma_wait3A_119 = arith.constant 1 : i32
      %dma_wait3A_120 = arith.constant 0 : i32
      %dma_wait3A_121 = arith.constant 0 : i32
      %dma_wait3A_122 = tpu.memref_slice %arg17[%dma_wait3A_119, %dma_wait3A_120, %dma_wait3A_121] : memref<2x768x16xf32, #tpu.memory_space<vmem>> -> memref<1x768x16xf32, #tpu.memory_space<vmem>>
      %dma_wait3A_123 = tpu.memref_squeeze %dma_wait3A_122 : memref<1x768x16xf32, #tpu.memory_space<vmem>> -> memref<768x16xf32, #tpu.memory_space<vmem>>
      %dma_wait3A_124 = arith.constant 0 : i32
      %dma_wait3A_125 = arith.constant 0 : i32
      %dma_wait3A_126 = tpu.memref_slice %arg9[%dma_wait3A_124, %dma_wait3A_125] : memref<100352x16xf32, #tpu.memory_space<hbm>> -> memref<768x16xf32, #tpu.memory_space<hbm>>
      %dma_wait3A_127 = arith.constant 0 : i32
      %dma_wait3A_128 = arith.constant 0 : i32
      %dma_wait3A_129 = tpu.memref_slice %arg17[%dma_wait3A_119, %dma_wait3A_127, %dma_wait3A_128] : memref<2x768x16xf32, #tpu.memory_space<vmem>> -> memref<1x768x16xf32, #tpu.memory_space<vmem>>
      %dma_wait3A_130 = tpu.memref_squeeze %dma_wait3A_129 : memref<1x768x16xf32, #tpu.memory_space<vmem>> -> memref<768x16xf32, #tpu.memory_space<vmem>>
      %dma_wait3A_131 = arith.constant 0 : i32
      %dma_wait3A_132 = arith.constant 0 : i32
      %dma_wait3A_133 = tpu.memref_slice %arg9[%dma_wait3A_131, %dma_wait3A_132] : memref<100352x16xf32, #tpu.memory_space<hbm>> -> memref<768x16xf32, #tpu.memory_space<hbm>>
      tpu.wait_dma2 semaphore(%arg22 : memref<!tpu.dma_semaphore, #tpu.memory_space<semaphore_mem>>) src(%dma_wait3A_133 : memref<768x16xf32, #tpu.memory_space<hbm>>) dst(%dma_wait3A_130 : memref<768x16xf32, #tpu.memory_space<vmem>>)
      %add3A_134 = arith.constant 199680 : i32
      %add3A_135 = arith.addi %mul3A_2, %add3A_134 : i32
      "tpu.region"() ({
        %run_scoped3A_154 = tpu.sem_alloc : memref<!tpu.dma_semaphore, #tpu.memory_space<semaphore_mem>>
        %dma_start3A_155 = tpu.memref_slice %arg6[%add3A_135] : memref<3200000xi32, #tpu.memory_space<hbm>> -> memref<320xi32, #tpu.memory_space<hbm>>
        %dma_start3A_156 = tpu.memref_slice %arg6[%add3A_135] : memref<3200000xi32, #tpu.memory_space<hbm>> -> memref<320xi32, #tpu.memory_space<hbm>>
        tpu.enqueue_dma source(%dma_start3A_156 : memref<320xi32, #tpu.memory_space<hbm>>) target(%arg18 : memref<320xi32, #tpu.memory_space<vmem>>) target_semaphore(%run_scoped3A_154 : memref<!tpu.dma_semaphore, #tpu.memory_space<semaphore_mem>>)
        %dma_wait3A_157 = tpu.memref_slice %arg6[%add3A_135] : memref<3200000xi32, #tpu.memory_space<hbm>> -> memref<320xi32, #tpu.memory_space<hbm>>
        %dma_wait3A_158 = tpu.memref_slice %arg6[%add3A_135] : memref<3200000xi32, #tpu.memory_space<hbm>> -> memref<320xi32, #tpu.memory_space<hbm>>
        tpu.wait_dma2 semaphore(%run_scoped3A_154 : memref<!tpu.dma_semaphore, #tpu.memory_space<semaphore_mem>>) src(%dma_wait3A_158 : memref<320xi32, #tpu.memory_space<hbm>>) dst(%arg18 : memref<320xi32, #tpu.memory_space<vmem>>)
        tpu.yield
      }) : () -> ()
      "tpu.region"() ({
        %run_scoped3A_154 = tpu.sem_alloc : memref<!tpu.dma_semaphore, #tpu.memory_space<semaphore_mem>>
        %dma_start3A_155 = tpu.memref_slice %arg7[%add3A_135] : memref<3200000xi32, #tpu.memory_space<hbm>> -> memref<320xi32, #tpu.memory_space<hbm>>
        %dma_start3A_156 = tpu.memref_slice %arg7[%add3A_135] : memref<3200000xi32, #tpu.memory_space<hbm>> -> memref<320xi32, #tpu.memory_space<hbm>>
        tpu.enqueue_dma source(%dma_start3A_156 : memref<320xi32, #tpu.memory_space<hbm>>) target(%arg19 : memref<320xi32, #tpu.memory_space<vmem>>) target_semaphore(%run_scoped3A_154 : memref<!tpu.dma_semaphore, #tpu.memory_space<semaphore_mem>>)
        %dma_wait3A_157 = tpu.memref_slice %arg7[%add3A_135] : memref<3200000xi32, #tpu.memory_space<hbm>> -> memref<320xi32, #tpu.memory_space<hbm>>
        %dma_wait3A_158 = tpu.memref_slice %arg7[%add3A_135] : memref<3200000xi32, #tpu.memory_space<hbm>> -> memref<320xi32, #tpu.memory_space<hbm>>
        tpu.wait_dma2 semaphore(%run_scoped3A_154 : memref<!tpu.dma_semaphore, #tpu.memory_space<semaphore_mem>>) src(%dma_wait3A_158 : memref<320xi32, #tpu.memory_space<hbm>>) dst(%arg19 : memref<320xi32, #tpu.memory_space<vmem>>)
        tpu.yield
      }) : () -> ()
      %dma_start3A_136 = arith.constant 0 : i32
      %dma_start3A_137 = arith.constant 0 : i32
      %dma_start3A_138 = arith.constant 0 : i32
      %dma_start3A_139 = tpu.memref_slice %arg17[%dma_start3A_136, %dma_start3A_137, %dma_start3A_138] : memref<2x768x16xf32, #tpu.memory_space<vmem>> -> memref<1x320x16xf32, #tpu.memory_space<vmem>>
      %dma_start3A_140 = tpu.memref_squeeze %dma_start3A_139 : memref<1x320x16xf32, #tpu.memory_space<vmem>> -> memref<320x16xf32, #tpu.memory_space<vmem>>
      %dma_start3A_141 = arith.constant 0 : i32
      %dma_start3A_142 = arith.constant 0 : i32
      %dma_start3A_143 = tpu.memref_slice %arg3[%dma_start3A_141, %dma_start3A_142] : memref<100352x16xf32, #tpu.memory_space<hbm>> -> memref<100352x16xf32, #tpu.memory_space<hbm>>
      tpu.enqueue_indirect_dma source(%dma_start3A_143 : memref<100352x16xf32, #tpu.memory_space<hbm>>) target(%dma_start3A_140 : memref<320x16xf32, #tpu.memory_space<vmem>>) offsets(%arg18 : memref<320xi32, #tpu.memory_space<vmem>>) semaphore(%arg20 : memref<!tpu.dma_semaphore, #tpu.memory_space<semaphore_mem>>)
      %dma_wait3A_144 = arith.constant 0 : i32
      %dma_wait3A_145 = arith.constant 0 : i32
      %dma_wait3A_146 = arith.constant 0 : i32
      %dma_wait3A_147 = tpu.memref_slice %arg17[%dma_wait3A_144, %dma_wait3A_145, %dma_wait3A_146] : memref<2x768x16xf32, #tpu.memory_space<vmem>> -> memref<1x320x16xf32, #tpu.memory_space<vmem>>
      %dma_wait3A_148 = tpu.memref_squeeze %dma_wait3A_147 : memref<1x320x16xf32, #tpu.memory_space<vmem>> -> memref<320x16xf32, #tpu.memory_space<vmem>>
      %dma_wait3A_149 = arith.constant 0 : i32
      %dma_wait3A_150 = arith.constant 0 : i32
      %dma_wait3A_151 = tpu.memref_slice %arg3[%dma_wait3A_149, %dma_wait3A_150] : memref<100352x16xf32, #tpu.memory_space<hbm>> -> memref<100352x16xf32, #tpu.memory_space<hbm>>
      tpu.wait_indirect_dma semaphore(%arg20 : memref<!tpu.dma_semaphore, #tpu.memory_space<semaphore_mem>>) src(%dma_wait3A_151 : memref<100352x16xf32, #tpu.memory_space<hbm>>) dst(%dma_wait3A_148 : memref<320x16xf32, #tpu.memory_space<vmem>>)
      %run_scoped3A_152 = arith.constant 0 : i32
      "tpu.region"() ({
        %run_scoped3A_154 = tpu.sem_alloc : memref<!tpu.dma_semaphore, #tpu.memory_space<semaphore_mem>>
        %dma_start3A_155 = arith.constant 0 : i32
        %dma_start3A_156 = arith.constant 0 : i32
        %dma_start3A_157 = tpu.memref_slice %arg17[%run_scoped3A_152, %dma_start3A_155, %dma_start3A_156] : memref<2x768x16xf32, #tpu.memory_space<vmem>> -> memref<1x320x16xf32, #tpu.memory_space<vmem>>
        %dma_start3A_158 = tpu.memref_squeeze %dma_start3A_157 : memref<1x320x16xf32, #tpu.memory_space<vmem>> -> memref<320x16xf32, #tpu.memory_space<vmem>>
        %dma_start3A_159 = arith.constant 0 : i32
        %dma_start3A_160 = arith.constant 0 : i32
        %dma_start3A_161 = tpu.memref_slice %arg14[%dma_start3A_159, %dma_start3A_160] : memref<100352x16xf32, #tpu.memory_space<vmem_shared>> -> memref<100352x16xf32, #tpu.memory_space<vmem_shared>>
        tpu.enqueue_indirect_dma source(%dma_start3A_158 : memref<320x16xf32, #tpu.memory_space<vmem>>) target(%dma_start3A_161 : memref<100352x16xf32, #tpu.memory_space<vmem_shared>>) offsets(%arg19 : memref<320xi32, #tpu.memory_space<vmem>>) semaphore(%run_scoped3A_154 : memref<!tpu.dma_semaphore, #tpu.memory_space<semaphore_mem>>) {add = true}
        %dma_wait3A_162 = arith.constant 0 : i32
        %dma_wait3A_163 = arith.constant 0 : i32
        %dma_wait3A_164 = tpu.memref_slice %arg17[%run_scoped3A_152, %dma_wait3A_162, %dma_wait3A_163] : memref<2x768x16xf32, #tpu.memory_space<vmem>> -> memref<1x320x16xf32, #tpu.memory_space<vmem>>
        %dma_wait3A_165 = tpu.memref_squeeze %dma_wait3A_164 : memref<1x320x16xf32, #tpu.memory_space<vmem>> -> memref<320x16xf32, #tpu.memory_space<vmem>>
        %dma_wait3A_166 = arith.constant 0 : i32
        %dma_wait3A_167 = arith.constant 0 : i32
        %dma_wait3A_168 = tpu.memref_slice %arg14[%dma_wait3A_166, %dma_wait3A_167] : memref<100352x16xf32, #tpu.memory_space<vmem_shared>> -> memref<100352x16xf32, #tpu.memory_space<vmem_shared>>
        tpu.wait_indirect_dma semaphore(%run_scoped3A_154 : memref<!tpu.dma_semaphore, #tpu.memory_space<semaphore_mem>>) src(%dma_wait3A_165 : memref<320x16xf32, #tpu.memory_space<vmem>>) dst(%dma_wait3A_168 : memref<100352x16xf32, #tpu.memory_space<vmem_shared>>)
        tpu.yield
      }) : () -> ()
      %barrier3A_153 = arith.constant 0 : index
      tpu.barrier barrier_id(%barrier3A_153)
      "tpu.region"() ({
        %run_scoped3A_154 = tpu.sem_alloc : memref<!tpu.dma_semaphore, #tpu.memory_space<semaphore_mem>>
        %dma_start3A_155 = arith.constant 0 : i32
        %dma_start3A_156 = tpu.memref_slice %arg11[%mul3A_0, %dma_start3A_155] : memref<100352x16xf32, #tpu.memory_space<hbm>> -> memref<6272x16xf32, #tpu.memory_space<hbm>>
        %dma_start3A_157 = arith.constant 0 : i32
        %dma_start3A_158 = tpu.memref_slice %arg14[%mul3A_0, %dma_start3A_157] : memref<100352x16xf32, #tpu.memory_space<vmem_shared>> -> memref<6272x16xf32, #tpu.memory_space<vmem_shared>>
        tpu.enqueue_dma source(%dma_start3A_158 : memref<6272x16xf32, #tpu.memory_space<vmem_shared>>) target(%dma_start3A_156 : memref<6272x16xf32, #tpu.memory_space<hbm>>) target_semaphore(%run_scoped3A_154 : memref<!tpu.dma_semaphore, #tpu.memory_space<semaphore_mem>>)
        %dma_wait3A_159 = arith.constant 0 : i32
        %dma_wait3A_160 = tpu.memref_slice %arg11[%mul3A_0, %dma_wait3A_159] : memref<100352x16xf32, #tpu.memory_space<hbm>> -> memref<6272x16xf32, #tpu.memory_space<hbm>>
        %dma_wait3A_161 = arith.constant 0 : i32
        %dma_wait3A_162 = tpu.memref_slice %arg14[%mul3A_0, %dma_wait3A_161] : memref<100352x16xf32, #tpu.memory_space<vmem_shared>> -> memref<6272x16xf32, #tpu.memory_space<vmem_shared>>
        tpu.wait_dma2 semaphore(%run_scoped3A_154 : memref<!tpu.dma_semaphore, #tpu.memory_space<semaphore_mem>>) src(%dma_wait3A_162 : memref<6272x16xf32, #tpu.memory_space<vmem_shared>>) dst(%dma_wait3A_160 : memref<6272x16xf32, #tpu.memory_space<hbm>>)
        tpu.yield
      }) : () -> ()
    } else {
    }
    %eq3A_5 = arith.constant 1 : i32
    %eq3A_6 = arith.cmpi eq, %arg0, %eq3A_5 : i32
    %convert_element_type3A_7 = arith.extui %eq3A_6 : i1 to i32
    %cond3A_8 = arith.constant 0 : i32
    %cond3A_9 = arith.cmpi ne, %convert_element_type3A_7, %cond3A_8 : i32
    scf.if %cond3A_9 {
      "tpu.region"() ({
        %run_scoped3A_154 = tpu.sem_alloc : memref<!tpu.dma_semaphore, #tpu.memory_space<semaphore_mem>>
        %dma_start3A_155 = arith.constant 0 : i32
        %dma_start3A_156 = tpu.memref_slice %arg14[%mul3A_0, %dma_start3A_155] : memref<100352x16xf32, #tpu.memory_space<vmem_shared>> -> memref<6272x16xf32, #tpu.memory_space<vmem_shared>>
        %dma_start3A_157 = arith.constant 0 : i32
        %dma_start3A_158 = tpu.memref_slice %arg8[%mul3A_0, %dma_start3A_157] : memref<100352x16xf32, #tpu.memory_space<hbm>> -> memref<6272x16xf32, #tpu.memory_space<hbm>>
        tpu.enqueue_dma source(%dma_start3A_158 : memref<6272x16xf32, #tpu.memory_space<hbm>>) target(%dma_start3A_156 : memref<6272x16xf32, #tpu.memory_space<vmem_shared>>) target_semaphore(%run_scoped3A_154 : memref<!tpu.dma_semaphore, #tpu.memory_space<semaphore_mem>>)
        %dma_wait3A_159 = arith.constant 0 : i32
        %dma_wait3A_160 = tpu.memref_slice %arg14[%mul3A_0, %dma_wait3A_159] : memref<100352x16xf32, #tpu.memory_space<vmem_shared>> -> memref<6272x16xf32, #tpu.memory_space<vmem_shared>>
        %dma_wait3A_161 = arith.constant 0 : i32
        %dma_wait3A_162 = tpu.memref_slice %arg8[%mul3A_0, %dma_wait3A_161] : memref<100352x16xf32, #tpu.memory_space<hbm>> -> memref<6272x16xf32, #tpu.memory_space<hbm>>
        tpu.wait_dma2 semaphore(%run_scoped3A_154 : memref<!tpu.dma_semaphore, #tpu.memory_space<semaphore_mem>>) src(%dma_wait3A_162 : memref<6272x16xf32, #tpu.memory_space<hbm>>) dst(%dma_wait3A_160 : memref<6272x16xf32, #tpu.memory_space<vmem_shared>>)
        tpu.yield
      }) : () -> ()
      %barrier3A = arith.constant 0 : index
      tpu.barrier barrier_id(%barrier3A)
      %dma_start3A = arith.constant 0 : i32
      %dma_start3A_10 = arith.constant 0 : i32
      %dma_start3A_11 = tpu.memref_slice %arg15[%dma_start3A, %dma_start3A_10] : memref<3x768xi32, #tpu.memory_space<vmem>> -> memref<1x768xi32, #tpu.memory_space<vmem>>
      %dma_start3A_12 = tpu.memref_squeeze %dma_start3A_11 : memref<1x768xi32, #tpu.memory_space<vmem>> -> memref<768xi32, #tpu.memory_space<vmem>>
      %dma_start3A_13 = tpu.memref_slice %arg6[%mul3A_2] : memref<3200000xi32, #tpu.memory_space<hbm>> -> memref<768xi32, #tpu.memory_space<hbm>>
      %dma_start3A_14 = arith.constant 0 : i32
      %dma_start3A_15 = tpu.memref_slice %arg15[%dma_start3A, %dma_start3A_14] : memref<3x768xi32, #tpu.memory_space<vmem>> -> memref<1x768xi32, #tpu.memory_space<vmem>>
      %dma_start3A_16 = tpu.memref_squeeze %dma_start3A_15 : memref<1x768xi32, #tpu.memory_space<vmem>> -> memref<768xi32, #tpu.memory_space<vmem>>
      %dma_start3A_17 = tpu.memref_slice %arg6[%mul3A_2] : memref<3200000xi32, #tpu.memory_space<hbm>> -> memref<768xi32, #tpu.memory_space<hbm>>
      tpu.enqueue_dma source(%dma_start3A_17 : memref<768xi32, #tpu.memory_space<hbm>>) target(%dma_start3A_16 : memref<768xi32, #tpu.memory_space<vmem>>) target_semaphore(%arg23 : memref<!tpu.dma_semaphore, #tpu.memory_space<semaphore_mem>>)
      %dma_start3A_18 = arith.constant 0 : i32
      %dma_start3A_19 = arith.constant 0 : i32
      %dma_start3A_20 = tpu.memref_slice %arg16[%dma_start3A_18, %dma_start3A_19] : memref<3x768xi32, #tpu.memory_space<vmem>> -> memref<1x768xi32, #tpu.memory_space<vmem>>
      %dma_start3A_21 = tpu.memref_squeeze %dma_start3A_20 : memref<1x768xi32, #tpu.memory_space<vmem>> -> memref<768xi32, #tpu.memory_space<vmem>>
      %dma_start3A_22 = tpu.memref_slice %arg7[%mul3A_2] : memref<3200000xi32, #tpu.memory_space<hbm>> -> memref<768xi32, #tpu.memory_space<hbm>>
      %dma_start3A_23 = arith.constant 0 : i32
      %dma_start3A_24 = tpu.memref_slice %arg16[%dma_start3A_18, %dma_start3A_23] : memref<3x768xi32, #tpu.memory_space<vmem>> -> memref<1x768xi32, #tpu.memory_space<vmem>>
      %dma_start3A_25 = tpu.memref_squeeze %dma_start3A_24 : memref<1x768xi32, #tpu.memory_space<vmem>> -> memref<768xi32, #tpu.memory_space<vmem>>
      %dma_start3A_26 = tpu.memref_slice %arg7[%mul3A_2] : memref<3200000xi32, #tpu.memory_space<hbm>> -> memref<768xi32, #tpu.memory_space<hbm>>
      tpu.enqueue_dma source(%dma_start3A_26 : memref<768xi32, #tpu.memory_space<hbm>>) target(%dma_start3A_25 : memref<768xi32, #tpu.memory_space<vmem>>) target_semaphore(%arg23 : memref<!tpu.dma_semaphore, #tpu.memory_space<semaphore_mem>>)
      %scan3A = arith.constant 0 : i32
      %scan3A_27 = arith.constant 0 : i32
      %scan3A_28 = arith.constant 130 : i32
      %scan3A_29 = arith.addi %scan3A_27, %scan3A_28 : i32
      %scan3A_30 = arith.constant 1 : i32
      scf.for %scan3A_154 = %scan3A_27 to %scan3A_29 step %scan3A_30  : i32 {
        %mul3A_155 = arith.constant 2 : i32
        %mul3A_156 = arith.muli %mul3A_155, %scan3A_154 : i32
        %add3A_157 = arith.constant 0 : i32
        %add3A_158 = arith.addi %mul3A_156, %add3A_157 : i32
        %rem3A = arith.constant 3 : i32
        %rem3A_159 = arith.remsi %add3A_158, %rem3A : i32
        %ge3A = arith.constant 1 : i32
        %ge3A_160 = arith.cmpi sge, %scan3A_154, %ge3A : i32
        %convert_element_type3A_161 = arith.extui %ge3A_160 : i1 to i32
        %cond3A_162 = arith.constant 0 : i32
        %cond3A_163 = arith.cmpi ne, %convert_element_type3A_161, %cond3A_162 : i32
        scf.if %cond3A_163 {
          %dma_wait3A_286 = arith.constant 0 : i32
          %dma_wait3A_287 = arith.constant 0 : i32
          %dma_wait3A_288 = arith.constant 0 : i32
          %dma_wait3A_289 = tpu.memref_slice %arg17[%dma_wait3A_286, %dma_wait3A_287, %dma_wait3A_288] : memref<2x768x16xf32, #tpu.memory_space<vmem>> -> memref<1x768x16xf32, #tpu.memory_space<vmem>>
          %dma_wait3A_290 = tpu.memref_squeeze %dma_wait3A_289 : memref<1x768x16xf32, #tpu.memory_space<vmem>> -> memref<768x16xf32, #tpu.memory_space<vmem>>
          %dma_wait3A_291 = arith.constant 0 : i32
          %dma_wait3A_292 = arith.constant 0 : i32
          %dma_wait3A_293 = tpu.memref_slice %arg9[%dma_wait3A_291, %dma_wait3A_292] : memref<100352x16xf32, #tpu.memory_space<hbm>> -> memref<768x16xf32, #tpu.memory_space<hbm>>
          %dma_wait3A_294 = arith.constant 0 : i32
          %dma_wait3A_295 = arith.constant 0 : i32
          %dma_wait3A_296 = tpu.memref_slice %arg17[%dma_wait3A_286, %dma_wait3A_294, %dma_wait3A_295] : memref<2x768x16xf32, #tpu.memory_space<vmem>> -> memref<1x768x16xf32, #tpu.memory_space<vmem>>
          %dma_wait3A_297 = tpu.memref_squeeze %dma_wait3A_296 : memref<1x768x16xf32, #tpu.memory_space<vmem>> -> memref<768x16xf32, #tpu.memory_space<vmem>>
          %dma_wait3A_298 = arith.constant 0 : i32
          %dma_wait3A_299 = arith.constant 0 : i32
          %dma_wait3A_300 = tpu.memref_slice %arg9[%dma_wait3A_298, %dma_wait3A_299] : memref<100352x16xf32, #tpu.memory_space<hbm>> -> memref<768x16xf32, #tpu.memory_space<hbm>>
          tpu.wait_dma2 semaphore(%arg21 : memref<!tpu.dma_semaphore, #tpu.memory_space<semaphore_mem>>) src(%dma_wait3A_300 : memref<768x16xf32, #tpu.memory_space<hbm>>) dst(%dma_wait3A_297 : memref<768x16xf32, #tpu.memory_space<vmem>>)
        } else {
        }
        %dma_wait3A_164 = arith.constant 0 : i32
        %dma_wait3A_165 = tpu.memref_slice %arg15[%rem3A_159, %dma_wait3A_164] : memref<3x768xi32, #tpu.memory_space<vmem>> -> memref<1x768xi32, #tpu.memory_space<vmem>>
        %dma_wait3A_166 = tpu.memref_squeeze %dma_wait3A_165 : memref<1x768xi32, #tpu.memory_space<vmem>> -> memref<768xi32, #tpu.memory_space<vmem>>
        %dma_wait3A_167 = tpu.memref_slice %arg6[%mul3A_2] : memref<3200000xi32, #tpu.memory_space<hbm>> -> memref<768xi32, #tpu.memory_space<hbm>>
        %dma_wait3A_168 = arith.constant 0 : i32
        %dma_wait3A_169 = tpu.memref_slice %arg15[%rem3A_159, %dma_wait3A_168] : memref<3x768xi32, #tpu.memory_space<vmem>> -> memref<1x768xi32, #tpu.memory_space<vmem>>
        %dma_wait3A_170 = tpu.memref_squeeze %dma_wait3A_169 : memref<1x768xi32, #tpu.memory_space<vmem>> -> memref<768xi32, #tpu.memory_space<vmem>>
        %dma_wait3A_171 = tpu.memref_slice %arg6[%mul3A_2] : memref<3200000xi32, #tpu.memory_space<hbm>> -> memref<768xi32, #tpu.memory_space<hbm>>
        tpu.wait_dma2 semaphore(%arg23 : memref<!tpu.dma_semaphore, #tpu.memory_space<semaphore_mem>>) src(%dma_wait3A_171 : memref<768xi32, #tpu.memory_space<hbm>>) dst(%dma_wait3A_170 : memref<768xi32, #tpu.memory_space<vmem>>)
        %dma_wait3A_172 = arith.constant 0 : i32
        %dma_wait3A_173 = tpu.memref_slice %arg16[%rem3A_159, %dma_wait3A_172] : memref<3x768xi32, #tpu.memory_space<vmem>> -> memref<1x768xi32, #tpu.memory_space<vmem>>
        %dma_wait3A_174 = tpu.memref_squeeze %dma_wait3A_173 : memref<1x768xi32, #tpu.memory_space<vmem>> -> memref<768xi32, #tpu.memory_space<vmem>>
        %dma_wait3A_175 = tpu.memref_slice %arg7[%mul3A_2] : memref<3200000xi32, #tpu.memory_space<hbm>> -> memref<768xi32, #tpu.memory_space<hbm>>
        %dma_wait3A_176 = arith.constant 0 : i32
        %dma_wait3A_177 = tpu.memref_slice %arg16[%rem3A_159, %dma_wait3A_176] : memref<3x768xi32, #tpu.memory_space<vmem>> -> memref<1x768xi32, #tpu.memory_space<vmem>>
        %dma_wait3A_178 = tpu.memref_squeeze %dma_wait3A_177 : memref<1x768xi32, #tpu.memory_space<vmem>> -> memref<768xi32, #tpu.memory_space<vmem>>
        %dma_wait3A_179 = tpu.memref_slice %arg7[%mul3A_2] : memref<3200000xi32, #tpu.memory_space<hbm>> -> memref<768xi32, #tpu.memory_space<hbm>>
        tpu.wait_dma2 semaphore(%arg23 : memref<!tpu.dma_semaphore, #tpu.memory_space<semaphore_mem>>) src(%dma_wait3A_179 : memref<768xi32, #tpu.memory_space<hbm>>) dst(%dma_wait3A_178 : memref<768xi32, #tpu.memory_space<vmem>>)
        %add3A_180 = arith.constant 1 : i32
        %add3A_181 = arith.addi %add3A_158, %add3A_180 : i32
        %lt3A = arith.constant 260 : i32
        %lt3A_182 = arith.cmpi slt, %add3A_181, %lt3A : i32
        %convert_element_type3A_183 = arith.extui %lt3A_182 : i1 to i32
        %cond3A_184 = arith.constant 0 : i32
        %cond3A_185 = arith.cmpi ne, %convert_element_type3A_183, %cond3A_184 : i32
        scf.if %cond3A_185 {
          %add3A_286 = arith.constant 1 : i32
          %add3A_287 = arith.addi %add3A_158, %add3A_286 : i32
          %mul3A_288 = arith.constant 768 : i32
          %mul3A_289 = arith.muli %add3A_287, %mul3A_288 : i32
          %add3A_290 = arith.addi %mul3A_2, %mul3A_289 : i32
          %add3A_291 = arith.constant 1 : i32
          %add3A_292 = arith.addi %add3A_158, %add3A_291 : i32
          %rem3A_293 = arith.constant 3 : i32
          %rem3A_294 = arith.remsi %add3A_292, %rem3A_293 : i32
          %dma_start3A_295 = arith.constant 0 : i32
          %dma_start3A_296 = tpu.memref_slice %arg15[%rem3A_294, %dma_start3A_295] : memref<3x768xi32, #tpu.memory_space<vmem>> -> memref<1x768xi32, #tpu.memory_space<vmem>>
          %dma_start3A_297 = tpu.memref_squeeze %dma_start3A_296 : memref<1x768xi32, #tpu.memory_space<vmem>> -> memref<768xi32, #tpu.memory_space<vmem>>
          %dma_start3A_298 = tpu.memref_slice %arg6[%add3A_290] : memref<3200000xi32, #tpu.memory_space<hbm>> -> memref<768xi32, #tpu.memory_space<hbm>>
          %dma_start3A_299 = arith.constant 0 : i32
          %dma_start3A_300 = tpu.memref_slice %arg15[%rem3A_294, %dma_start3A_299] : memref<3x768xi32, #tpu.memory_space<vmem>> -> memref<1x768xi32, #tpu.memory_space<vmem>>
          %dma_start3A_301 = tpu.memref_squeeze %dma_start3A_300 : memref<1x768xi32, #tpu.memory_space<vmem>> -> memref<768xi32, #tpu.memory_space<vmem>>
          %dma_start3A_302 = tpu.memref_slice %arg6[%add3A_290] : memref<3200000xi32, #tpu.memory_space<hbm>> -> memref<768xi32, #tpu.memory_space<hbm>>
          tpu.enqueue_dma source(%dma_start3A_302 : memref<768xi32, #tpu.memory_space<hbm>>) target(%dma_start3A_301 : memref<768xi32, #tpu.memory_space<vmem>>) target_semaphore(%arg23 : memref<!tpu.dma_semaphore, #tpu.memory_space<semaphore_mem>>)
          %dma_start3A_303 = arith.constant 0 : i32
          %dma_start3A_304 = tpu.memref_slice %arg16[%rem3A_294, %dma_start3A_303] : memref<3x768xi32, #tpu.memory_space<vmem>> -> memref<1x768xi32, #tpu.memory_space<vmem>>
          %dma_start3A_305 = tpu.memref_squeeze %dma_start3A_304 : memref<1x768xi32, #tpu.memory_space<vmem>> -> memref<768xi32, #tpu.memory_space<vmem>>
          %dma_start3A_306 = tpu.memref_slice %arg7[%add3A_290] : memref<3200000xi32, #tpu.memory_space<hbm>> -> memref<768xi32, #tpu.memory_space<hbm>>
          %dma_start3A_307 = arith.constant 0 : i32
          %dma_start3A_308 = tpu.memref_slice %arg16[%rem3A_294, %dma_start3A_307] : memref<3x768xi32, #tpu.memory_space<vmem>> -> memref<1x768xi32, #tpu.memory_space<vmem>>
          %dma_start3A_309 = tpu.memref_squeeze %dma_start3A_308 : memref<1x768xi32, #tpu.memory_space<vmem>> -> memref<768xi32, #tpu.memory_space<vmem>>
          %dma_start3A_310 = tpu.memref_slice %arg7[%add3A_290] : memref<3200000xi32, #tpu.memory_space<hbm>> -> memref<768xi32, #tpu.memory_space<hbm>>
          tpu.enqueue_dma source(%dma_start3A_310 : memref<768xi32, #tpu.memory_space<hbm>>) target(%dma_start3A_309 : memref<768xi32, #tpu.memory_space<vmem>>) target_semaphore(%arg23 : memref<!tpu.dma_semaphore, #tpu.memory_space<semaphore_mem>>)
        } else {
        }
        %dma_start3A_186 = arith.constant 0 : i32
        %dma_start3A_187 = arith.constant 0 : i32
        %dma_start3A_188 = arith.constant 0 : i32
        %dma_start3A_189 = tpu.memref_slice %arg17[%dma_start3A_186, %dma_start3A_187, %dma_start3A_188] : memref<2x768x16xf32, #tpu.memory_space<vmem>> -> memref<1x768x16xf32, #tpu.memory_space<vmem>>
        %dma_start3A_190 = tpu.memref_squeeze %dma_start3A_189 : memref<1x768x16xf32, #tpu.memory_space<vmem>> -> memref<768x16xf32, #tpu.memory_space<vmem>>
        %dma_start3A_191 = arith.constant 0 : i32
        %dma_start3A_192 = tpu.memref_slice %arg15[%rem3A_159, %dma_start3A_191] : memref<3x768xi32, #tpu.memory_space<vmem>> -> memref<1x768xi32, #tpu.memory_space<vmem>>
        %dma_start3A_193 = tpu.memref_squeeze %dma_start3A_192 : memref<1x768xi32, #tpu.memory_space<vmem>> -> memref<768xi32, #tpu.memory_space<vmem>>
        %dma_start3A_194 = arith.constant 0 : i32
        %dma_start3A_195 = arith.constant 0 : i32
        %dma_start3A_196 = tpu.memref_slice %arg4[%dma_start3A_194, %dma_start3A_195] : memref<100352x16xf32, #tpu.memory_space<hbm>> -> memref<100352x16xf32, #tpu.memory_space<hbm>>
        tpu.enqueue_indirect_dma source(%dma_start3A_196 : memref<100352x16xf32, #tpu.memory_space<hbm>>) target(%dma_start3A_190 : memref<768x16xf32, #tpu.memory_space<vmem>>) offsets(%dma_start3A_193 : memref<768xi32, #tpu.memory_space<vmem>>) semaphore(%arg20 : memref<!tpu.dma_semaphore, #tpu.memory_space<semaphore_mem>>)
        %dma_wait3A_197 = arith.constant 0 : i32
        %dma_wait3A_198 = arith.constant 0 : i32
        %dma_wait3A_199 = arith.constant 0 : i32
        %dma_wait3A_200 = tpu.memref_slice %arg17[%dma_wait3A_197, %dma_wait3A_198, %dma_wait3A_199] : memref<2x768x16xf32, #tpu.memory_space<vmem>> -> memref<1x768x16xf32, #tpu.memory_space<vmem>>
        %dma_wait3A_201 = tpu.memref_squeeze %dma_wait3A_200 : memref<1x768x16xf32, #tpu.memory_space<vmem>> -> memref<768x16xf32, #tpu.memory_space<vmem>>
        %dma_wait3A_202 = arith.constant 0 : i32
        %dma_wait3A_203 = tpu.memref_slice %arg15[%rem3A_159, %dma_wait3A_202] : memref<3x768xi32, #tpu.memory_space<vmem>> -> memref<1x768xi32, #tpu.memory_space<vmem>>
        %dma_wait3A_204 = tpu.memref_squeeze %dma_wait3A_203 : memref<1x768xi32, #tpu.memory_space<vmem>> -> memref<768xi32, #tpu.memory_space<vmem>>
        %dma_wait3A_205 = arith.constant 0 : i32
        %dma_wait3A_206 = arith.constant 0 : i32
        %dma_wait3A_207 = tpu.memref_slice %arg4[%dma_wait3A_205, %dma_wait3A_206] : memref<100352x16xf32, #tpu.memory_space<hbm>> -> memref<100352x16xf32, #tpu.memory_space<hbm>>
        tpu.wait_indirect_dma semaphore(%arg20 : memref<!tpu.dma_semaphore, #tpu.memory_space<semaphore_mem>>) src(%dma_wait3A_207 : memref<100352x16xf32, #tpu.memory_space<hbm>>) dst(%dma_wait3A_201 : memref<768x16xf32, #tpu.memory_space<vmem>>)
        %dma_start3A_208 = arith.constant 0 : i32
        %dma_start3A_209 = arith.constant 0 : i32
        %dma_start3A_210 = arith.constant 0 : i32
        %dma_start3A_211 = tpu.memref_slice %arg17[%dma_start3A_208, %dma_start3A_209, %dma_start3A_210] : memref<2x768x16xf32, #tpu.memory_space<vmem>> -> memref<1x768x16xf32, #tpu.memory_space<vmem>>
        %dma_start3A_212 = tpu.memref_squeeze %dma_start3A_211 : memref<1x768x16xf32, #tpu.memory_space<vmem>> -> memref<768x16xf32, #tpu.memory_space<vmem>>
        %dma_start3A_213 = arith.constant 0 : i32
        %dma_start3A_214 = tpu.memref_slice %arg16[%rem3A_159, %dma_start3A_213] : memref<3x768xi32, #tpu.memory_space<vmem>> -> memref<1x768xi32, #tpu.memory_space<vmem>>
        %dma_start3A_215 = tpu.memref_squeeze %dma_start3A_214 : memref<1x768xi32, #tpu.memory_space<vmem>> -> memref<768xi32, #tpu.memory_space<vmem>>
        %dma_start3A_216 = arith.constant 0 : i32
        %dma_start3A_217 = arith.constant 0 : i32
        %dma_start3A_218 = tpu.memref_slice %arg14[%dma_start3A_216, %dma_start3A_217] : memref<100352x16xf32, #tpu.memory_space<vmem_shared>> -> memref<100352x16xf32, #tpu.memory_space<vmem_shared>>
        tpu.enqueue_indirect_dma source(%dma_start3A_212 : memref<768x16xf32, #tpu.memory_space<vmem>>) target(%dma_start3A_218 : memref<100352x16xf32, #tpu.memory_space<vmem_shared>>) offsets(%dma_start3A_215 : memref<768xi32, #tpu.memory_space<vmem>>) semaphore(%arg21 : memref<!tpu.dma_semaphore, #tpu.memory_space<semaphore_mem>>) {add = true}
        %mul3A_219 = arith.constant 2 : i32
        %mul3A_220 = arith.muli %mul3A_219, %scan3A_154 : i32
        %add3A_221 = arith.constant 1 : i32
        %add3A_222 = arith.addi %mul3A_220, %add3A_221 : i32
        %rem3A_223 = arith.constant 3 : i32
        %rem3A_224 = arith.remsi %add3A_222, %rem3A_223 : i32
        %ge3A_225 = arith.constant 1 : i32
        %ge3A_226 = arith.cmpi sge, %scan3A_154, %ge3A_225 : i32
        %convert_element_type3A_227 = arith.extui %ge3A_226 : i1 to i32
        %cond3A_228 = arith.constant 0 : i32
        %cond3A_229 = arith.cmpi ne, %convert_element_type3A_227, %cond3A_228 : i32
        scf.if %cond3A_229 {
          %dma_wait3A_286 = arith.constant 1 : i32
          %dma_wait3A_287 = arith.constant 0 : i32
          %dma_wait3A_288 = arith.constant 0 : i32
          %dma_wait3A_289 = tpu.memref_slice %arg17[%dma_wait3A_286, %dma_wait3A_287, %dma_wait3A_288] : memref<2x768x16xf32, #tpu.memory_space<vmem>> -> memref<1x768x16xf32, #tpu.memory_space<vmem>>
          %dma_wait3A_290 = tpu.memref_squeeze %dma_wait3A_289 : memref<1x768x16xf32, #tpu.memory_space<vmem>> -> memref<768x16xf32, #tpu.memory_space<vmem>>
          %dma_wait3A_291 = arith.constant 0 : i32
          %dma_wait3A_292 = arith.constant 0 : i32
          %dma_wait3A_293 = tpu.memref_slice %arg9[%dma_wait3A_291, %dma_wait3A_292] : memref<100352x16xf32, #tpu.memory_space<hbm>> -> memref<768x16xf32, #tpu.memory_space<hbm>>
          %dma_wait3A_294 = arith.constant 0 : i32
          %dma_wait3A_295 = arith.constant 0 : i32
          %dma_wait3A_296 = tpu.memref_slice %arg17[%dma_wait3A_286, %dma_wait3A_294, %dma_wait3A_295] : memref<2x768x16xf32, #tpu.memory_space<vmem>> -> memref<1x768x16xf32, #tpu.memory_space<vmem>>
          %dma_wait3A_297 = tpu.memref_squeeze %dma_wait3A_296 : memref<1x768x16xf32, #tpu.memory_space<vmem>> -> memref<768x16xf32, #tpu.memory_space<vmem>>
          %dma_wait3A_298 = arith.constant 0 : i32
          %dma_wait3A_299 = arith.constant 0 : i32
          %dma_wait3A_300 = tpu.memref_slice %arg9[%dma_wait3A_298, %dma_wait3A_299] : memref<100352x16xf32, #tpu.memory_space<hbm>> -> memref<768x16xf32, #tpu.memory_space<hbm>>
          tpu.wait_dma2 semaphore(%arg22 : memref<!tpu.dma_semaphore, #tpu.memory_space<semaphore_mem>>) src(%dma_wait3A_300 : memref<768x16xf32, #tpu.memory_space<hbm>>) dst(%dma_wait3A_297 : memref<768x16xf32, #tpu.memory_space<vmem>>)
        } else {
        }
        %dma_wait3A_230 = arith.constant 0 : i32
        %dma_wait3A_231 = tpu.memref_slice %arg15[%rem3A_224, %dma_wait3A_230] : memref<3x768xi32, #tpu.memory_space<vmem>> -> memref<1x768xi32, #tpu.memory_space<vmem>>
        %dma_wait3A_232 = tpu.memref_squeeze %dma_wait3A_231 : memref<1x768xi32, #tpu.memory_space<vmem>> -> memref<768xi32, #tpu.memory_space<vmem>>
        %dma_wait3A_233 = tpu.memref_slice %arg6[%mul3A_2] : memref<3200000xi32, #tpu.memory_space<hbm>> -> memref<768xi32, #tpu.memory_space<hbm>>
        %dma_wait3A_234 = arith.constant 0 : i32
        %dma_wait3A_235 = tpu.memref_slice %arg15[%rem3A_224, %dma_wait3A_234] : memref<3x768xi32, #tpu.memory_space<vmem>> -> memref<1x768xi32, #tpu.memory_space<vmem>>
        %dma_wait3A_236 = tpu.memref_squeeze %dma_wait3A_235 : memref<1x768xi32, #tpu.memory_space<vmem>> -> memref<768xi32, #tpu.memory_space<vmem>>
        %dma_wait3A_237 = tpu.memref_slice %arg6[%mul3A_2] : memref<3200000xi32, #tpu.memory_space<hbm>> -> memref<768xi32, #tpu.memory_space<hbm>>
        tpu.wait_dma2 semaphore(%arg23 : memref<!tpu.dma_semaphore, #tpu.memory_space<semaphore_mem>>) src(%dma_wait3A_237 : memref<768xi32, #tpu.memory_space<hbm>>) dst(%dma_wait3A_236 : memref<768xi32, #tpu.memory_space<vmem>>)
        %dma_wait3A_238 = arith.constant 0 : i32
        %dma_wait3A_239 = tpu.memref_slice %arg16[%rem3A_224, %dma_wait3A_238] : memref<3x768xi32, #tpu.memory_space<vmem>> -> memref<1x768xi32, #tpu.memory_space<vmem>>
        %dma_wait3A_240 = tpu.memref_squeeze %dma_wait3A_239 : memref<1x768xi32, #tpu.memory_space<vmem>> -> memref<768xi32, #tpu.memory_space<vmem>>
        %dma_wait3A_241 = tpu.memref_slice %arg7[%mul3A_2] : memref<3200000xi32, #tpu.memory_space<hbm>> -> memref<768xi32, #tpu.memory_space<hbm>>
        %dma_wait3A_242 = arith.constant 0 : i32
        %dma_wait3A_243 = tpu.memref_slice %arg16[%rem3A_224, %dma_wait3A_242] : memref<3x768xi32, #tpu.memory_space<vmem>> -> memref<1x768xi32, #tpu.memory_space<vmem>>
        %dma_wait3A_244 = tpu.memref_squeeze %dma_wait3A_243 : memref<1x768xi32, #tpu.memory_space<vmem>> -> memref<768xi32, #tpu.memory_space<vmem>>
        %dma_wait3A_245 = tpu.memref_slice %arg7[%mul3A_2] : memref<3200000xi32, #tpu.memory_space<hbm>> -> memref<768xi32, #tpu.memory_space<hbm>>
        tpu.wait_dma2 semaphore(%arg23 : memref<!tpu.dma_semaphore, #tpu.memory_space<semaphore_mem>>) src(%dma_wait3A_245 : memref<768xi32, #tpu.memory_space<hbm>>) dst(%dma_wait3A_244 : memref<768xi32, #tpu.memory_space<vmem>>)
        %add3A_246 = arith.constant 1 : i32
        %add3A_247 = arith.addi %add3A_222, %add3A_246 : i32
        %lt3A_248 = arith.constant 260 : i32
        %lt3A_249 = arith.cmpi slt, %add3A_247, %lt3A_248 : i32
        %convert_element_type3A_250 = arith.extui %lt3A_249 : i1 to i32
        %cond3A_251 = arith.constant 0 : i32
        %cond3A_252 = arith.cmpi ne, %convert_element_type3A_250, %cond3A_251 : i32
        scf.if %cond3A_252 {
          %add3A_286 = arith.constant 1 : i32
          %add3A_287 = arith.addi %add3A_222, %add3A_286 : i32
          %mul3A_288 = arith.constant 768 : i32
          %mul3A_289 = arith.muli %add3A_287, %mul3A_288 : i32
          %add3A_290 = arith.addi %mul3A_2, %mul3A_289 : i32
          %add3A_291 = arith.constant 1 : i32
          %add3A_292 = arith.addi %add3A_222, %add3A_291 : i32
          %rem3A_293 = arith.constant 3 : i32
          %rem3A_294 = arith.remsi %add3A_292, %rem3A_293 : i32
          %dma_start3A_295 = arith.constant 0 : i32
          %dma_start3A_296 = tpu.memref_slice %arg15[%rem3A_294, %dma_start3A_295] : memref<3x768xi32, #tpu.memory_space<vmem>> -> memref<1x768xi32, #tpu.memory_space<vmem>>
          %dma_start3A_297 = tpu.memref_squeeze %dma_start3A_296 : memref<1x768xi32, #tpu.memory_space<vmem>> -> memref<768xi32, #tpu.memory_space<vmem>>
          %dma_start3A_298 = tpu.memref_slice %arg6[%add3A_290] : memref<3200000xi32, #tpu.memory_space<hbm>> -> memref<768xi32, #tpu.memory_space<hbm>>
          %dma_start3A_299 = arith.constant 0 : i32
          %dma_start3A_300 = tpu.memref_slice %arg15[%rem3A_294, %dma_start3A_299] : memref<3x768xi32, #tpu.memory_space<vmem>> -> memref<1x768xi32, #tpu.memory_space<vmem>>
          %dma_start3A_301 = tpu.memref_squeeze %dma_start3A_300 : memref<1x768xi32, #tpu.memory_space<vmem>> -> memref<768xi32, #tpu.memory_space<vmem>>
          %dma_start3A_302 = tpu.memref_slice %arg6[%add3A_290] : memref<3200000xi32, #tpu.memory_space<hbm>> -> memref<768xi32, #tpu.memory_space<hbm>>
          tpu.enqueue_dma source(%dma_start3A_302 : memref<768xi32, #tpu.memory_space<hbm>>) target(%dma_start3A_301 : memref<768xi32, #tpu.memory_space<vmem>>) target_semaphore(%arg23 : memref<!tpu.dma_semaphore, #tpu.memory_space<semaphore_mem>>)
          %dma_start3A_303 = arith.constant 0 : i32
          %dma_start3A_304 = tpu.memref_slice %arg16[%rem3A_294, %dma_start3A_303] : memref<3x768xi32, #tpu.memory_space<vmem>> -> memref<1x768xi32, #tpu.memory_space<vmem>>
          %dma_start3A_305 = tpu.memref_squeeze %dma_start3A_304 : memref<1x768xi32, #tpu.memory_space<vmem>> -> memref<768xi32, #tpu.memory_space<vmem>>
          %dma_start3A_306 = tpu.memref_slice %arg7[%add3A_290] : memref<3200000xi32, #tpu.memory_space<hbm>> -> memref<768xi32, #tpu.memory_space<hbm>>
          %dma_start3A_307 = arith.constant 0 : i32
          %dma_start3A_308 = tpu.memref_slice %arg16[%rem3A_294, %dma_start3A_307] : memref<3x768xi32, #tpu.memory_space<vmem>> -> memref<1x768xi32, #tpu.memory_space<vmem>>
          %dma_start3A_309 = tpu.memref_squeeze %dma_start3A_308 : memref<1x768xi32, #tpu.memory_space<vmem>> -> memref<768xi32, #tpu.memory_space<vmem>>
          %dma_start3A_310 = tpu.memref_slice %arg7[%add3A_290] : memref<3200000xi32, #tpu.memory_space<hbm>> -> memref<768xi32, #tpu.memory_space<hbm>>
          tpu.enqueue_dma source(%dma_start3A_310 : memref<768xi32, #tpu.memory_space<hbm>>) target(%dma_start3A_309 : memref<768xi32, #tpu.memory_space<vmem>>) target_semaphore(%arg23 : memref<!tpu.dma_semaphore, #tpu.memory_space<semaphore_mem>>)
        } else {
        }
        %dma_start3A_253 = arith.constant 1 : i32
        %dma_start3A_254 = arith.constant 0 : i32
        %dma_start3A_255 = arith.constant 0 : i32
        %dma_start3A_256 = tpu.memref_slice %arg17[%dma_start3A_253, %dma_start3A_254, %dma_start3A_255] : memref<2x768x16xf32, #tpu.memory_space<vmem>> -> memref<1x768x16xf32, #tpu.memory_space<vmem>>
        %dma_start3A_257 = tpu.memref_squeeze %dma_start3A_256 : memref<1x768x16xf32, #tpu.memory_space<vmem>> -> memref<768x16xf32, #tpu.memory_space<vmem>>
        %dma_start3A_258 = arith.constant 0 : i32
        %dma_start3A_259 = tpu.memref_slice %arg15[%rem3A_224, %dma_start3A_258] : memref<3x768xi32, #tpu.memory_space<vmem>> -> memref<1x768xi32, #tpu.memory_space<vmem>>
        %dma_start3A_260 = tpu.memref_squeeze %dma_start3A_259 : memref<1x768xi32, #tpu.memory_space<vmem>> -> memref<768xi32, #tpu.memory_space<vmem>>
        %dma_start3A_261 = arith.constant 0 : i32
        %dma_start3A_262 = arith.constant 0 : i32
        %dma_start3A_263 = tpu.memref_slice %arg4[%dma_start3A_261, %dma_start3A_262] : memref<100352x16xf32, #tpu.memory_space<hbm>> -> memref<100352x16xf32, #tpu.memory_space<hbm>>
        tpu.enqueue_indirect_dma source(%dma_start3A_263 : memref<100352x16xf32, #tpu.memory_space<hbm>>) target(%dma_start3A_257 : memref<768x16xf32, #tpu.memory_space<vmem>>) offsets(%dma_start3A_260 : memref<768xi32, #tpu.memory_space<vmem>>) semaphore(%arg20 : memref<!tpu.dma_semaphore, #tpu.memory_space<semaphore_mem>>)
        %dma_wait3A_264 = arith.constant 1 : i32
        %dma_wait3A_265 = arith.constant 0 : i32
        %dma_wait3A_266 = arith.constant 0 : i32
        %dma_wait3A_267 = tpu.memref_slice %arg17[%dma_wait3A_264, %dma_wait3A_265, %dma_wait3A_266] : memref<2x768x16xf32, #tpu.memory_space<vmem>> -> memref<1x768x16xf32, #tpu.memory_space<vmem>>
        %dma_wait3A_268 = tpu.memref_squeeze %dma_wait3A_267 : memref<1x768x16xf32, #tpu.memory_space<vmem>> -> memref<768x16xf32, #tpu.memory_space<vmem>>
        %dma_wait3A_269 = arith.constant 0 : i32
        %dma_wait3A_270 = tpu.memref_slice %arg15[%rem3A_224, %dma_wait3A_269] : memref<3x768xi32, #tpu.memory_space<vmem>> -> memref<1x768xi32, #tpu.memory_space<vmem>>
        %dma_wait3A_271 = tpu.memref_squeeze %dma_wait3A_270 : memref<1x768xi32, #tpu.memory_space<vmem>> -> memref<768xi32, #tpu.memory_space<vmem>>
        %dma_wait3A_272 = arith.constant 0 : i32
        %dma_wait3A_273 = arith.constant 0 : i32
        %dma_wait3A_274 = tpu.memref_slice %arg4[%dma_wait3A_272, %dma_wait3A_273] : memref<100352x16xf32, #tpu.memory_space<hbm>> -> memref<100352x16xf32, #tpu.memory_space<hbm>>
        tpu.wait_indirect_dma semaphore(%arg20 : memref<!tpu.dma_semaphore, #tpu.memory_space<semaphore_mem>>) src(%dma_wait3A_274 : memref<100352x16xf32, #tpu.memory_space<hbm>>) dst(%dma_wait3A_268 : memref<768x16xf32, #tpu.memory_space<vmem>>)
        %dma_start3A_275 = arith.constant 1 : i32
        %dma_start3A_276 = arith.constant 0 : i32
        %dma_start3A_277 = arith.constant 0 : i32
        %dma_start3A_278 = tpu.memref_slice %arg17[%dma_start3A_275, %dma_start3A_276, %dma_start3A_277] : memref<2x768x16xf32, #tpu.memory_space<vmem>> -> memref<1x768x16xf32, #tpu.memory_space<vmem>>
        %dma_start3A_279 = tpu.memref_squeeze %dma_start3A_278 : memref<1x768x16xf32, #tpu.memory_space<vmem>> -> memref<768x16xf32, #tpu.memory_space<vmem>>
        %dma_start3A_280 = arith.constant 0 : i32
        %dma_start3A_281 = tpu.memref_slice %arg16[%rem3A_224, %dma_start3A_280] : memref<3x768xi32, #tpu.memory_space<vmem>> -> memref<1x768xi32, #tpu.memory_space<vmem>>
        %dma_start3A_282 = tpu.memref_squeeze %dma_start3A_281 : memref<1x768xi32, #tpu.memory_space<vmem>> -> memref<768xi32, #tpu.memory_space<vmem>>
        %dma_start3A_283 = arith.constant 0 : i32
        %dma_start3A_284 = arith.constant 0 : i32
        %dma_start3A_285 = tpu.memref_slice %arg14[%dma_start3A_283, %dma_start3A_284] : memref<100352x16xf32, #tpu.memory_space<vmem_shared>> -> memref<100352x16xf32, #tpu.memory_space<vmem_shared>>
        tpu.enqueue_indirect_dma source(%dma_start3A_279 : memref<768x16xf32, #tpu.memory_space<vmem>>) target(%dma_start3A_285 : memref<100352x16xf32, #tpu.memory_space<vmem_shared>>) offsets(%dma_start3A_282 : memref<768xi32, #tpu.memory_space<vmem>>) semaphore(%arg22 : memref<!tpu.dma_semaphore, #tpu.memory_space<semaphore_mem>>) {add = true}
      }
      %scan3A_31 = arith.constant 130 : i32
      %dma_wait3A = arith.constant 0 : i32
      %dma_wait3A_32 = arith.constant 0 : i32
      %dma_wait3A_33 = arith.constant 0 : i32
      %dma_wait3A_34 = tpu.memref_slice %arg17[%dma_wait3A, %dma_wait3A_32, %dma_wait3A_33] : memref<2x768x16xf32, #tpu.memory_space<vmem>> -> memref<1x768x16xf32, #tpu.memory_space<vmem>>
      %dma_wait3A_35 = tpu.memref_squeeze %dma_wait3A_34 : memref<1x768x16xf32, #tpu.memory_space<vmem>> -> memref<768x16xf32, #tpu.memory_space<vmem>>
      %dma_wait3A_36 = arith.constant 0 : i32
      %dma_wait3A_37 = arith.constant 0 : i32
      %dma_wait3A_38 = tpu.memref_slice %arg9[%dma_wait3A_36, %dma_wait3A_37] : memref<100352x16xf32, #tpu.memory_space<hbm>> -> memref<768x16xf32, #tpu.memory_space<hbm>>
      %dma_wait3A_39 = arith.constant 0 : i32
      %dma_wait3A_40 = arith.constant 0 : i32
      %dma_wait3A_41 = tpu.memref_slice %arg17[%dma_wait3A, %dma_wait3A_39, %dma_wait3A_40] : memref<2x768x16xf32, #tpu.memory_space<vmem>> -> memref<1x768x16xf32, #tpu.memory_space<vmem>>
      %dma_wait3A_42 = tpu.memref_squeeze %dma_wait3A_41 : memref<1x768x16xf32, #tpu.memory_space<vmem>> -> memref<768x16xf32, #tpu.memory_space<vmem>>
      %dma_wait3A_43 = arith.constant 0 : i32
      %dma_wait3A_44 = arith.constant 0 : i32
      %dma_wait3A_45 = tpu.memref_slice %arg9[%dma_wait3A_43, %dma_wait3A_44] : memref<100352x16xf32, #tpu.memory_space<hbm>> -> memref<768x16xf32, #tpu.memory_space<hbm>>
      tpu.wait_dma2 semaphore(%arg21 : memref<!tpu.dma_semaphore, #tpu.memory_space<semaphore_mem>>) src(%dma_wait3A_45 : memref<768x16xf32, #tpu.memory_space<hbm>>) dst(%dma_wait3A_42 : memref<768x16xf32, #tpu.memory_space<vmem>>)
      %dma_wait3A_46 = arith.constant 1 : i32
      %dma_wait3A_47 = arith.constant 0 : i32
      %dma_wait3A_48 = arith.constant 0 : i32
      %dma_wait3A_49 = tpu.memref_slice %arg17[%dma_wait3A_46, %dma_wait3A_47, %dma_wait3A_48] : memref<2x768x16xf32, #tpu.memory_space<vmem>> -> memref<1x768x16xf32, #tpu.memory_space<vmem>>
      %dma_wait3A_50 = tpu.memref_squeeze %dma_wait3A_49 : memref<1x768x16xf32, #tpu.memory_space<vmem>> -> memref<768x16xf32, #tpu.memory_space<vmem>>
      %dma_wait3A_51 = arith.constant 0 : i32
      %dma_wait3A_52 = arith.constant 0 : i32
      %dma_wait3A_53 = tpu.memref_slice %arg9[%dma_wait3A_51, %dma_wait3A_52] : memref<100352x16xf32, #tpu.memory_space<hbm>> -> memref<768x16xf32, #tpu.memory_space<hbm>>
      %dma_wait3A_54 = arith.constant 0 : i32
      %dma_wait3A_55 = arith.constant 0 : i32
      %dma_wait3A_56 = tpu.memref_slice %arg17[%dma_wait3A_46, %dma_wait3A_54, %dma_wait3A_55] : memref<2x768x16xf32, #tpu.memory_space<vmem>> -> memref<1x768x16xf32, #tpu.memory_space<vmem>>
      %dma_wait3A_57 = tpu.memref_squeeze %dma_wait3A_56 : memref<1x768x16xf32, #tpu.memory_space<vmem>> -> memref<768x16xf32, #tpu.memory_space<vmem>>
      %dma_wait3A_58 = arith.constant 0 : i32
      %dma_wait3A_59 = arith.constant 0 : i32
      %dma_wait3A_60 = tpu.memref_slice %arg9[%dma_wait3A_58, %dma_wait3A_59] : memref<100352x16xf32, #tpu.memory_space<hbm>> -> memref<768x16xf32, #tpu.memory_space<hbm>>
      tpu.wait_dma2 semaphore(%arg22 : memref<!tpu.dma_semaphore, #tpu.memory_space<semaphore_mem>>) src(%dma_wait3A_60 : memref<768x16xf32, #tpu.memory_space<hbm>>) dst(%dma_wait3A_57 : memref<768x16xf32, #tpu.memory_space<vmem>>)
      %add3A = arith.constant 199680 : i32
      %add3A_61 = arith.addi %mul3A_2, %add3A : i32
      "tpu.region"() ({
        %run_scoped3A_154 = tpu.sem_alloc : memref<!tpu.dma_semaphore, #tpu.memory_space<semaphore_mem>>
        %dma_start3A_155 = tpu.memref_slice %arg6[%add3A_61] : memref<3200000xi32, #tpu.memory_space<hbm>> -> memref<320xi32, #tpu.memory_space<hbm>>
        %dma_start3A_156 = tpu.memref_slice %arg6[%add3A_61] : memref<3200000xi32, #tpu.memory_space<hbm>> -> memref<320xi32, #tpu.memory_space<hbm>>
        tpu.enqueue_dma source(%dma_start3A_156 : memref<320xi32, #tpu.memory_space<hbm>>) target(%arg18 : memref<320xi32, #tpu.memory_space<vmem>>) target_semaphore(%run_scoped3A_154 : memref<!tpu.dma_semaphore, #tpu.memory_space<semaphore_mem>>)
        %dma_wait3A_157 = tpu.memref_slice %arg6[%add3A_61] : memref<3200000xi32, #tpu.memory_space<hbm>> -> memref<320xi32, #tpu.memory_space<hbm>>
        %dma_wait3A_158 = tpu.memref_slice %arg6[%add3A_61] : memref<3200000xi32, #tpu.memory_space<hbm>> -> memref<320xi32, #tpu.memory_space<hbm>>
        tpu.wait_dma2 semaphore(%run_scoped3A_154 : memref<!tpu.dma_semaphore, #tpu.memory_space<semaphore_mem>>) src(%dma_wait3A_158 : memref<320xi32, #tpu.memory_space<hbm>>) dst(%arg18 : memref<320xi32, #tpu.memory_space<vmem>>)
        tpu.yield
      }) : () -> ()
      "tpu.region"() ({
        %run_scoped3A_154 = tpu.sem_alloc : memref<!tpu.dma_semaphore, #tpu.memory_space<semaphore_mem>>
        %dma_start3A_155 = tpu.memref_slice %arg7[%add3A_61] : memref<3200000xi32, #tpu.memory_space<hbm>> -> memref<320xi32, #tpu.memory_space<hbm>>
        %dma_start3A_156 = tpu.memref_slice %arg7[%add3A_61] : memref<3200000xi32, #tpu.memory_space<hbm>> -> memref<320xi32, #tpu.memory_space<hbm>>
        tpu.enqueue_dma source(%dma_start3A_156 : memref<320xi32, #tpu.memory_space<hbm>>) target(%arg19 : memref<320xi32, #tpu.memory_space<vmem>>) target_semaphore(%run_scoped3A_154 : memref<!tpu.dma_semaphore, #tpu.memory_space<semaphore_mem>>)
        %dma_wait3A_157 = tpu.memref_slice %arg7[%add3A_61] : memref<3200000xi32, #tpu.memory_space<hbm>> -> memref<320xi32, #tpu.memory_space<hbm>>
        %dma_wait3A_158 = tpu.memref_slice %arg7[%add3A_61] : memref<3200000xi32, #tpu.memory_space<hbm>> -> memref<320xi32, #tpu.memory_space<hbm>>
        tpu.wait_dma2 semaphore(%run_scoped3A_154 : memref<!tpu.dma_semaphore, #tpu.memory_space<semaphore_mem>>) src(%dma_wait3A_158 : memref<320xi32, #tpu.memory_space<hbm>>) dst(%arg19 : memref<320xi32, #tpu.memory_space<vmem>>)
        tpu.yield
      }) : () -> ()
      %dma_start3A_62 = arith.constant 0 : i32
      %dma_start3A_63 = arith.constant 0 : i32
      %dma_start3A_64 = arith.constant 0 : i32
      %dma_start3A_65 = tpu.memref_slice %arg17[%dma_start3A_62, %dma_start3A_63, %dma_start3A_64] : memref<2x768x16xf32, #tpu.memory_space<vmem>> -> memref<1x320x16xf32, #tpu.memory_space<vmem>>
      %dma_start3A_66 = tpu.memref_squeeze %dma_start3A_65 : memref<1x320x16xf32, #tpu.memory_space<vmem>> -> memref<320x16xf32, #tpu.memory_space<vmem>>
      %dma_start3A_67 = arith.constant 0 : i32
      %dma_start3A_68 = arith.constant 0 : i32
      %dma_start3A_69 = tpu.memref_slice %arg4[%dma_start3A_67, %dma_start3A_68] : memref<100352x16xf32, #tpu.memory_space<hbm>> -> memref<100352x16xf32, #tpu.memory_space<hbm>>
      tpu.enqueue_indirect_dma source(%dma_start3A_69 : memref<100352x16xf32, #tpu.memory_space<hbm>>) target(%dma_start3A_66 : memref<320x16xf32, #tpu.memory_space<vmem>>) offsets(%arg18 : memref<320xi32, #tpu.memory_space<vmem>>) semaphore(%arg20 : memref<!tpu.dma_semaphore, #tpu.memory_space<semaphore_mem>>)
      %dma_wait3A_70 = arith.constant 0 : i32
      %dma_wait3A_71 = arith.constant 0 : i32
      %dma_wait3A_72 = arith.constant 0 : i32
      %dma_wait3A_73 = tpu.memref_slice %arg17[%dma_wait3A_70, %dma_wait3A_71, %dma_wait3A_72] : memref<2x768x16xf32, #tpu.memory_space<vmem>> -> memref<1x320x16xf32, #tpu.memory_space<vmem>>
      %dma_wait3A_74 = tpu.memref_squeeze %dma_wait3A_73 : memref<1x320x16xf32, #tpu.memory_space<vmem>> -> memref<320x16xf32, #tpu.memory_space<vmem>>
      %dma_wait3A_75 = arith.constant 0 : i32
      %dma_wait3A_76 = arith.constant 0 : i32
      %dma_wait3A_77 = tpu.memref_slice %arg4[%dma_wait3A_75, %dma_wait3A_76] : memref<100352x16xf32, #tpu.memory_space<hbm>> -> memref<100352x16xf32, #tpu.memory_space<hbm>>
      tpu.wait_indirect_dma semaphore(%arg20 : memref<!tpu.dma_semaphore, #tpu.memory_space<semaphore_mem>>) src(%dma_wait3A_77 : memref<100352x16xf32, #tpu.memory_space<hbm>>) dst(%dma_wait3A_74 : memref<320x16xf32, #tpu.memory_space<vmem>>)
      %run_scoped3A = arith.constant 0 : i32
      "tpu.region"() ({
        %run_scoped3A_154 = tpu.sem_alloc : memref<!tpu.dma_semaphore, #tpu.memory_space<semaphore_mem>>
        %dma_start3A_155 = arith.constant 0 : i32
        %dma_start3A_156 = arith.constant 0 : i32
        %dma_start3A_157 = tpu.memref_slice %arg17[%run_scoped3A, %dma_start3A_155, %dma_start3A_156] : memref<2x768x16xf32, #tpu.memory_space<vmem>> -> memref<1x320x16xf32, #tpu.memory_space<vmem>>
        %dma_start3A_158 = tpu.memref_squeeze %dma_start3A_157 : memref<1x320x16xf32, #tpu.memory_space<vmem>> -> memref<320x16xf32, #tpu.memory_space<vmem>>
        %dma_start3A_159 = arith.constant 0 : i32
        %dma_start3A_160 = arith.constant 0 : i32
        %dma_start3A_161 = tpu.memref_slice %arg14[%dma_start3A_159, %dma_start3A_160] : memref<100352x16xf32, #tpu.memory_space<vmem_shared>> -> memref<100352x16xf32, #tpu.memory_space<vmem_shared>>
        tpu.enqueue_indirect_dma source(%dma_start3A_158 : memref<320x16xf32, #tpu.memory_space<vmem>>) target(%dma_start3A_161 : memref<100352x16xf32, #tpu.memory_space<vmem_shared>>) offsets(%arg19 : memref<320xi32, #tpu.memory_space<vmem>>) semaphore(%run_scoped3A_154 : memref<!tpu.dma_semaphore, #tpu.memory_space<semaphore_mem>>) {add = true}
        %dma_wait3A_162 = arith.constant 0 : i32
        %dma_wait3A_163 = arith.constant 0 : i32
        %dma_wait3A_164 = tpu.memref_slice %arg17[%run_scoped3A, %dma_wait3A_162, %dma_wait3A_163] : memref<2x768x16xf32, #tpu.memory_space<vmem>> -> memref<1x320x16xf32, #tpu.memory_space<vmem>>
        %dma_wait3A_165 = tpu.memref_squeeze %dma_wait3A_164 : memref<1x320x16xf32, #tpu.memory_space<vmem>> -> memref<320x16xf32, #tpu.memory_space<vmem>>
        %dma_wait3A_166 = arith.constant 0 : i32
        %dma_wait3A_167 = arith.constant 0 : i32
        %dma_wait3A_168 = tpu.memref_slice %arg14[%dma_wait3A_166, %dma_wait3A_167] : memref<100352x16xf32, #tpu.memory_space<vmem_shared>> -> memref<100352x16xf32, #tpu.memory_space<vmem_shared>>
        tpu.wait_indirect_dma semaphore(%run_scoped3A_154 : memref<!tpu.dma_semaphore, #tpu.memory_space<semaphore_mem>>) src(%dma_wait3A_165 : memref<320x16xf32, #tpu.memory_space<vmem>>) dst(%dma_wait3A_168 : memref<100352x16xf32, #tpu.memory_space<vmem_shared>>)
        tpu.yield
      }) : () -> ()
      %barrier3A_78 = arith.constant 0 : index
      tpu.barrier barrier_id(%barrier3A_78)
      "tpu.region"() ({
        %run_scoped3A_154 = tpu.sem_alloc : memref<!tpu.dma_semaphore, #tpu.memory_space<semaphore_mem>>
        %dma_start3A_155 = arith.constant 0 : i32
        %dma_start3A_156 = tpu.memref_slice %arg12[%mul3A_0, %dma_start3A_155] : memref<100352x16xf32, #tpu.memory_space<hbm>> -> memref<6272x16xf32, #tpu.memory_space<hbm>>
        %dma_start3A_157 = arith.constant 0 : i32
        %dma_start3A_158 = tpu.memref_slice %arg14[%mul3A_0, %dma_start3A_157] : memref<100352x16xf32, #tpu.memory_space<vmem_shared>> -> memref<6272x16xf32, #tpu.memory_space<vmem_shared>>
        tpu.enqueue_dma source(%dma_start3A_158 : memref<6272x16xf32, #tpu.memory_space<vmem_shared>>) target(%dma_start3A_156 : memref<6272x16xf32, #tpu.memory_space<hbm>>) target_semaphore(%run_scoped3A_154 : memref<!tpu.dma_semaphore, #tpu.memory_space<semaphore_mem>>)
        %dma_wait3A_159 = arith.constant 0 : i32
        %dma_wait3A_160 = tpu.memref_slice %arg12[%mul3A_0, %dma_wait3A_159] : memref<100352x16xf32, #tpu.memory_space<hbm>> -> memref<6272x16xf32, #tpu.memory_space<hbm>>
        %dma_wait3A_161 = arith.constant 0 : i32
        %dma_wait3A_162 = tpu.memref_slice %arg14[%mul3A_0, %dma_wait3A_161] : memref<100352x16xf32, #tpu.memory_space<vmem_shared>> -> memref<6272x16xf32, #tpu.memory_space<vmem_shared>>
        tpu.wait_dma2 semaphore(%run_scoped3A_154 : memref<!tpu.dma_semaphore, #tpu.memory_space<semaphore_mem>>) src(%dma_wait3A_162 : memref<6272x16xf32, #tpu.memory_space<vmem_shared>>) dst(%dma_wait3A_160 : memref<6272x16xf32, #tpu.memory_space<hbm>>)
        tpu.yield
      }) : () -> ()
      "tpu.region"() ({
        %run_scoped3A_154 = tpu.sem_alloc : memref<!tpu.dma_semaphore, #tpu.memory_space<semaphore_mem>>
        %dma_start3A_155 = arith.constant 0 : i32
        %dma_start3A_156 = tpu.memref_slice %arg14[%mul3A_0, %dma_start3A_155] : memref<100352x16xf32, #tpu.memory_space<vmem_shared>> -> memref<6272x16xf32, #tpu.memory_space<vmem_shared>>
        %dma_start3A_157 = arith.constant 0 : i32
        %dma_start3A_158 = tpu.memref_slice %arg8[%mul3A_0, %dma_start3A_157] : memref<100352x16xf32, #tpu.memory_space<hbm>> -> memref<6272x16xf32, #tpu.memory_space<hbm>>
        tpu.enqueue_dma source(%dma_start3A_158 : memref<6272x16xf32, #tpu.memory_space<hbm>>) target(%dma_start3A_156 : memref<6272x16xf32, #tpu.memory_space<vmem_shared>>) target_semaphore(%run_scoped3A_154 : memref<!tpu.dma_semaphore, #tpu.memory_space<semaphore_mem>>)
        %dma_wait3A_159 = arith.constant 0 : i32
        %dma_wait3A_160 = tpu.memref_slice %arg14[%mul3A_0, %dma_wait3A_159] : memref<100352x16xf32, #tpu.memory_space<vmem_shared>> -> memref<6272x16xf32, #tpu.memory_space<vmem_shared>>
        %dma_wait3A_161 = arith.constant 0 : i32
        %dma_wait3A_162 = tpu.memref_slice %arg8[%mul3A_0, %dma_wait3A_161] : memref<100352x16xf32, #tpu.memory_space<hbm>> -> memref<6272x16xf32, #tpu.memory_space<hbm>>
        tpu.wait_dma2 semaphore(%run_scoped3A_154 : memref<!tpu.dma_semaphore, #tpu.memory_space<semaphore_mem>>) src(%dma_wait3A_162 : memref<6272x16xf32, #tpu.memory_space<hbm>>) dst(%dma_wait3A_160 : memref<6272x16xf32, #tpu.memory_space<vmem_shared>>)
        tpu.yield
      }) : () -> ()
      %barrier3A_79 = arith.constant 0 : index
      tpu.barrier barrier_id(%barrier3A_79)
      %dma_start3A_80 = arith.constant 0 : i32
      %dma_start3A_81 = arith.constant 0 : i32
      %dma_start3A_82 = tpu.memref_slice %arg15[%dma_start3A_80, %dma_start3A_81] : memref<3x768xi32, #tpu.memory_space<vmem>> -> memref<1x768xi32, #tpu.memory_space<vmem>>
      %dma_start3A_83 = tpu.memref_squeeze %dma_start3A_82 : memref<1x768xi32, #tpu.memory_space<vmem>> -> memref<768xi32, #tpu.memory_space<vmem>>
      %dma_start3A_84 = tpu.memref_slice %arg6[%mul3A_2] : memref<3200000xi32, #tpu.memory_space<hbm>> -> memref<768xi32, #tpu.memory_space<hbm>>
      %dma_start3A_85 = arith.constant 0 : i32
      %dma_start3A_86 = tpu.memref_slice %arg15[%dma_start3A_80, %dma_start3A_85] : memref<3x768xi32, #tpu.memory_space<vmem>> -> memref<1x768xi32, #tpu.memory_space<vmem>>
      %dma_start3A_87 = tpu.memref_squeeze %dma_start3A_86 : memref<1x768xi32, #tpu.memory_space<vmem>> -> memref<768xi32, #tpu.memory_space<vmem>>
      %dma_start3A_88 = tpu.memref_slice %arg6[%mul3A_2] : memref<3200000xi32, #tpu.memory_space<hbm>> -> memref<768xi32, #tpu.memory_space<hbm>>
      tpu.enqueue_dma source(%dma_start3A_88 : memref<768xi32, #tpu.memory_space<hbm>>) target(%dma_start3A_87 : memref<768xi32, #tpu.memory_space<vmem>>) target_semaphore(%arg23 : memref<!tpu.dma_semaphore, #tpu.memory_space<semaphore_mem>>)
      %dma_start3A_89 = arith.constant 0 : i32
      %dma_start3A_90 = arith.constant 0 : i32
      %dma_start3A_91 = tpu.memref_slice %arg16[%dma_start3A_89, %dma_start3A_90] : memref<3x768xi32, #tpu.memory_space<vmem>> -> memref<1x768xi32, #tpu.memory_space<vmem>>
      %dma_start3A_92 = tpu.memref_squeeze %dma_start3A_91 : memref<1x768xi32, #tpu.memory_space<vmem>> -> memref<768xi32, #tpu.memory_space<vmem>>
      %dma_start3A_93 = tpu.memref_slice %arg7[%mul3A_2] : memref<3200000xi32, #tpu.memory_space<hbm>> -> memref<768xi32, #tpu.memory_space<hbm>>
      %dma_start3A_94 = arith.constant 0 : i32
      %dma_start3A_95 = tpu.memref_slice %arg16[%dma_start3A_89, %dma_start3A_94] : memref<3x768xi32, #tpu.memory_space<vmem>> -> memref<1x768xi32, #tpu.memory_space<vmem>>
      %dma_start3A_96 = tpu.memref_squeeze %dma_start3A_95 : memref<1x768xi32, #tpu.memory_space<vmem>> -> memref<768xi32, #tpu.memory_space<vmem>>
      %dma_start3A_97 = tpu.memref_slice %arg7[%mul3A_2] : memref<3200000xi32, #tpu.memory_space<hbm>> -> memref<768xi32, #tpu.memory_space<hbm>>
      tpu.enqueue_dma source(%dma_start3A_97 : memref<768xi32, #tpu.memory_space<hbm>>) target(%dma_start3A_96 : memref<768xi32, #tpu.memory_space<vmem>>) target_semaphore(%arg23 : memref<!tpu.dma_semaphore, #tpu.memory_space<semaphore_mem>>)
      %scan3A_98 = arith.constant 0 : i32
      %scan3A_99 = arith.constant 0 : i32
      %scan3A_100 = arith.constant 130 : i32
      %scan3A_101 = arith.addi %scan3A_99, %scan3A_100 : i32
      %scan3A_102 = arith.constant 1 : i32
      scf.for %scan3A_154 = %scan3A_99 to %scan3A_101 step %scan3A_102  : i32 {
        %mul3A_155 = arith.constant 2 : i32
        %mul3A_156 = arith.muli %mul3A_155, %scan3A_154 : i32
        %add3A_157 = arith.constant 0 : i32
        %add3A_158 = arith.addi %mul3A_156, %add3A_157 : i32
        %rem3A = arith.constant 3 : i32
        %rem3A_159 = arith.remsi %add3A_158, %rem3A : i32
        %ge3A = arith.constant 1 : i32
        %ge3A_160 = arith.cmpi sge, %scan3A_154, %ge3A : i32
        %convert_element_type3A_161 = arith.extui %ge3A_160 : i1 to i32
        %cond3A_162 = arith.constant 0 : i32
        %cond3A_163 = arith.cmpi ne, %convert_element_type3A_161, %cond3A_162 : i32
        scf.if %cond3A_163 {
          %dma_wait3A_286 = arith.constant 0 : i32
          %dma_wait3A_287 = arith.constant 0 : i32
          %dma_wait3A_288 = arith.constant 0 : i32
          %dma_wait3A_289 = tpu.memref_slice %arg17[%dma_wait3A_286, %dma_wait3A_287, %dma_wait3A_288] : memref<2x768x16xf32, #tpu.memory_space<vmem>> -> memref<1x768x16xf32, #tpu.memory_space<vmem>>
          %dma_wait3A_290 = tpu.memref_squeeze %dma_wait3A_289 : memref<1x768x16xf32, #tpu.memory_space<vmem>> -> memref<768x16xf32, #tpu.memory_space<vmem>>
          %dma_wait3A_291 = arith.constant 0 : i32
          %dma_wait3A_292 = arith.constant 0 : i32
          %dma_wait3A_293 = tpu.memref_slice %arg9[%dma_wait3A_291, %dma_wait3A_292] : memref<100352x16xf32, #tpu.memory_space<hbm>> -> memref<768x16xf32, #tpu.memory_space<hbm>>
          %dma_wait3A_294 = arith.constant 0 : i32
          %dma_wait3A_295 = arith.constant 0 : i32
          %dma_wait3A_296 = tpu.memref_slice %arg17[%dma_wait3A_286, %dma_wait3A_294, %dma_wait3A_295] : memref<2x768x16xf32, #tpu.memory_space<vmem>> -> memref<1x768x16xf32, #tpu.memory_space<vmem>>
          %dma_wait3A_297 = tpu.memref_squeeze %dma_wait3A_296 : memref<1x768x16xf32, #tpu.memory_space<vmem>> -> memref<768x16xf32, #tpu.memory_space<vmem>>
          %dma_wait3A_298 = arith.constant 0 : i32
          %dma_wait3A_299 = arith.constant 0 : i32
          %dma_wait3A_300 = tpu.memref_slice %arg9[%dma_wait3A_298, %dma_wait3A_299] : memref<100352x16xf32, #tpu.memory_space<hbm>> -> memref<768x16xf32, #tpu.memory_space<hbm>>
          tpu.wait_dma2 semaphore(%arg21 : memref<!tpu.dma_semaphore, #tpu.memory_space<semaphore_mem>>) src(%dma_wait3A_300 : memref<768x16xf32, #tpu.memory_space<hbm>>) dst(%dma_wait3A_297 : memref<768x16xf32, #tpu.memory_space<vmem>>)
        } else {
        }
        %dma_wait3A_164 = arith.constant 0 : i32
        %dma_wait3A_165 = tpu.memref_slice %arg15[%rem3A_159, %dma_wait3A_164] : memref<3x768xi32, #tpu.memory_space<vmem>> -> memref<1x768xi32, #tpu.memory_space<vmem>>
        %dma_wait3A_166 = tpu.memref_squeeze %dma_wait3A_165 : memref<1x768xi32, #tpu.memory_space<vmem>> -> memref<768xi32, #tpu.memory_space<vmem>>
        %dma_wait3A_167 = tpu.memref_slice %arg6[%mul3A_2] : memref<3200000xi32, #tpu.memory_space<hbm>> -> memref<768xi32, #tpu.memory_space<hbm>>
        %dma_wait3A_168 = arith.constant 0 : i32
        %dma_wait3A_169 = tpu.memref_slice %arg15[%rem3A_159, %dma_wait3A_168] : memref<3x768xi32, #tpu.memory_space<vmem>> -> memref<1x768xi32, #tpu.memory_space<vmem>>
        %dma_wait3A_170 = tpu.memref_squeeze %dma_wait3A_169 : memref<1x768xi32, #tpu.memory_space<vmem>> -> memref<768xi32, #tpu.memory_space<vmem>>
        %dma_wait3A_171 = tpu.memref_slice %arg6[%mul3A_2] : memref<3200000xi32, #tpu.memory_space<hbm>> -> memref<768xi32, #tpu.memory_space<hbm>>
        tpu.wait_dma2 semaphore(%arg23 : memref<!tpu.dma_semaphore, #tpu.memory_space<semaphore_mem>>) src(%dma_wait3A_171 : memref<768xi32, #tpu.memory_space<hbm>>) dst(%dma_wait3A_170 : memref<768xi32, #tpu.memory_space<vmem>>)
        %dma_wait3A_172 = arith.constant 0 : i32
        %dma_wait3A_173 = tpu.memref_slice %arg16[%rem3A_159, %dma_wait3A_172] : memref<3x768xi32, #tpu.memory_space<vmem>> -> memref<1x768xi32, #tpu.memory_space<vmem>>
        %dma_wait3A_174 = tpu.memref_squeeze %dma_wait3A_173 : memref<1x768xi32, #tpu.memory_space<vmem>> -> memref<768xi32, #tpu.memory_space<vmem>>
        %dma_wait3A_175 = tpu.memref_slice %arg7[%mul3A_2] : memref<3200000xi32, #tpu.memory_space<hbm>> -> memref<768xi32, #tpu.memory_space<hbm>>
        %dma_wait3A_176 = arith.constant 0 : i32
        %dma_wait3A_177 = tpu.memref_slice %arg16[%rem3A_159, %dma_wait3A_176] : memref<3x768xi32, #tpu.memory_space<vmem>> -> memref<1x768xi32, #tpu.memory_space<vmem>>
        %dma_wait3A_178 = tpu.memref_squeeze %dma_wait3A_177 : memref<1x768xi32, #tpu.memory_space<vmem>> -> memref<768xi32, #tpu.memory_space<vmem>>
        %dma_wait3A_179 = tpu.memref_slice %arg7[%mul3A_2] : memref<3200000xi32, #tpu.memory_space<hbm>> -> memref<768xi32, #tpu.memory_space<hbm>>
        tpu.wait_dma2 semaphore(%arg23 : memref<!tpu.dma_semaphore, #tpu.memory_space<semaphore_mem>>) src(%dma_wait3A_179 : memref<768xi32, #tpu.memory_space<hbm>>) dst(%dma_wait3A_178 : memref<768xi32, #tpu.memory_space<vmem>>)
        %add3A_180 = arith.constant 1 : i32
        %add3A_181 = arith.addi %add3A_158, %add3A_180 : i32
        %lt3A = arith.constant 260 : i32
        %lt3A_182 = arith.cmpi slt, %add3A_181, %lt3A : i32
        %convert_element_type3A_183 = arith.extui %lt3A_182 : i1 to i32
        %cond3A_184 = arith.constant 0 : i32
        %cond3A_185 = arith.cmpi ne, %convert_element_type3A_183, %cond3A_184 : i32
        scf.if %cond3A_185 {
          %add3A_286 = arith.constant 1 : i32
          %add3A_287 = arith.addi %add3A_158, %add3A_286 : i32
          %mul3A_288 = arith.constant 768 : i32
          %mul3A_289 = arith.muli %add3A_287, %mul3A_288 : i32
          %add3A_290 = arith.addi %mul3A_2, %mul3A_289 : i32
          %add3A_291 = arith.constant 1 : i32
          %add3A_292 = arith.addi %add3A_158, %add3A_291 : i32
          %rem3A_293 = arith.constant 3 : i32
          %rem3A_294 = arith.remsi %add3A_292, %rem3A_293 : i32
          %dma_start3A_295 = arith.constant 0 : i32
          %dma_start3A_296 = tpu.memref_slice %arg15[%rem3A_294, %dma_start3A_295] : memref<3x768xi32, #tpu.memory_space<vmem>> -> memref<1x768xi32, #tpu.memory_space<vmem>>
          %dma_start3A_297 = tpu.memref_squeeze %dma_start3A_296 : memref<1x768xi32, #tpu.memory_space<vmem>> -> memref<768xi32, #tpu.memory_space<vmem>>
          %dma_start3A_298 = tpu.memref_slice %arg6[%add3A_290] : memref<3200000xi32, #tpu.memory_space<hbm>> -> memref<768xi32, #tpu.memory_space<hbm>>
          %dma_start3A_299 = arith.constant 0 : i32
          %dma_start3A_300 = tpu.memref_slice %arg15[%rem3A_294, %dma_start3A_299] : memref<3x768xi32, #tpu.memory_space<vmem>> -> memref<1x768xi32, #tpu.memory_space<vmem>>
          %dma_start3A_301 = tpu.memref_squeeze %dma_start3A_300 : memref<1x768xi32, #tpu.memory_space<vmem>> -> memref<768xi32, #tpu.memory_space<vmem>>
          %dma_start3A_302 = tpu.memref_slice %arg6[%add3A_290] : memref<3200000xi32, #tpu.memory_space<hbm>> -> memref<768xi32, #tpu.memory_space<hbm>>
          tpu.enqueue_dma source(%dma_start3A_302 : memref<768xi32, #tpu.memory_space<hbm>>) target(%dma_start3A_301 : memref<768xi32, #tpu.memory_space<vmem>>) target_semaphore(%arg23 : memref<!tpu.dma_semaphore, #tpu.memory_space<semaphore_mem>>)
          %dma_start3A_303 = arith.constant 0 : i32
          %dma_start3A_304 = tpu.memref_slice %arg16[%rem3A_294, %dma_start3A_303] : memref<3x768xi32, #tpu.memory_space<vmem>> -> memref<1x768xi32, #tpu.memory_space<vmem>>
          %dma_start3A_305 = tpu.memref_squeeze %dma_start3A_304 : memref<1x768xi32, #tpu.memory_space<vmem>> -> memref<768xi32, #tpu.memory_space<vmem>>
          %dma_start3A_306 = tpu.memref_slice %arg7[%add3A_290] : memref<3200000xi32, #tpu.memory_space<hbm>> -> memref<768xi32, #tpu.memory_space<hbm>>
          %dma_start3A_307 = arith.constant 0 : i32
          %dma_start3A_308 = tpu.memref_slice %arg16[%rem3A_294, %dma_start3A_307] : memref<3x768xi32, #tpu.memory_space<vmem>> -> memref<1x768xi32, #tpu.memory_space<vmem>>
          %dma_start3A_309 = tpu.memref_squeeze %dma_start3A_308 : memref<1x768xi32, #tpu.memory_space<vmem>> -> memref<768xi32, #tpu.memory_space<vmem>>
          %dma_start3A_310 = tpu.memref_slice %arg7[%add3A_290] : memref<3200000xi32, #tpu.memory_space<hbm>> -> memref<768xi32, #tpu.memory_space<hbm>>
          tpu.enqueue_dma source(%dma_start3A_310 : memref<768xi32, #tpu.memory_space<hbm>>) target(%dma_start3A_309 : memref<768xi32, #tpu.memory_space<vmem>>) target_semaphore(%arg23 : memref<!tpu.dma_semaphore, #tpu.memory_space<semaphore_mem>>)
        } else {
        }
        %dma_start3A_186 = arith.constant 0 : i32
        %dma_start3A_187 = arith.constant 0 : i32
        %dma_start3A_188 = arith.constant 0 : i32
        %dma_start3A_189 = tpu.memref_slice %arg17[%dma_start3A_186, %dma_start3A_187, %dma_start3A_188] : memref<2x768x16xf32, #tpu.memory_space<vmem>> -> memref<1x768x16xf32, #tpu.memory_space<vmem>>
        %dma_start3A_190 = tpu.memref_squeeze %dma_start3A_189 : memref<1x768x16xf32, #tpu.memory_space<vmem>> -> memref<768x16xf32, #tpu.memory_space<vmem>>
        %dma_start3A_191 = arith.constant 0 : i32
        %dma_start3A_192 = tpu.memref_slice %arg15[%rem3A_159, %dma_start3A_191] : memref<3x768xi32, #tpu.memory_space<vmem>> -> memref<1x768xi32, #tpu.memory_space<vmem>>
        %dma_start3A_193 = tpu.memref_squeeze %dma_start3A_192 : memref<1x768xi32, #tpu.memory_space<vmem>> -> memref<768xi32, #tpu.memory_space<vmem>>
        %dma_start3A_194 = arith.constant 0 : i32
        %dma_start3A_195 = arith.constant 0 : i32
        %dma_start3A_196 = tpu.memref_slice %arg5[%dma_start3A_194, %dma_start3A_195] : memref<100352x16xf32, #tpu.memory_space<hbm>> -> memref<100352x16xf32, #tpu.memory_space<hbm>>
        tpu.enqueue_indirect_dma source(%dma_start3A_196 : memref<100352x16xf32, #tpu.memory_space<hbm>>) target(%dma_start3A_190 : memref<768x16xf32, #tpu.memory_space<vmem>>) offsets(%dma_start3A_193 : memref<768xi32, #tpu.memory_space<vmem>>) semaphore(%arg20 : memref<!tpu.dma_semaphore, #tpu.memory_space<semaphore_mem>>)
        %dma_wait3A_197 = arith.constant 0 : i32
        %dma_wait3A_198 = arith.constant 0 : i32
        %dma_wait3A_199 = arith.constant 0 : i32
        %dma_wait3A_200 = tpu.memref_slice %arg17[%dma_wait3A_197, %dma_wait3A_198, %dma_wait3A_199] : memref<2x768x16xf32, #tpu.memory_space<vmem>> -> memref<1x768x16xf32, #tpu.memory_space<vmem>>
        %dma_wait3A_201 = tpu.memref_squeeze %dma_wait3A_200 : memref<1x768x16xf32, #tpu.memory_space<vmem>> -> memref<768x16xf32, #tpu.memory_space<vmem>>
        %dma_wait3A_202 = arith.constant 0 : i32
        %dma_wait3A_203 = tpu.memref_slice %arg15[%rem3A_159, %dma_wait3A_202] : memref<3x768xi32, #tpu.memory_space<vmem>> -> memref<1x768xi32, #tpu.memory_space<vmem>>
        %dma_wait3A_204 = tpu.memref_squeeze %dma_wait3A_203 : memref<1x768xi32, #tpu.memory_space<vmem>> -> memref<768xi32, #tpu.memory_space<vmem>>
        %dma_wait3A_205 = arith.constant 0 : i32
        %dma_wait3A_206 = arith.constant 0 : i32
        %dma_wait3A_207 = tpu.memref_slice %arg5[%dma_wait3A_205, %dma_wait3A_206] : memref<100352x16xf32, #tpu.memory_space<hbm>> -> memref<100352x16xf32, #tpu.memory_space<hbm>>
        tpu.wait_indirect_dma semaphore(%arg20 : memref<!tpu.dma_semaphore, #tpu.memory_space<semaphore_mem>>) src(%dma_wait3A_207 : memref<100352x16xf32, #tpu.memory_space<hbm>>) dst(%dma_wait3A_201 : memref<768x16xf32, #tpu.memory_space<vmem>>)
        %dma_start3A_208 = arith.constant 0 : i32
        %dma_start3A_209 = arith.constant 0 : i32
        %dma_start3A_210 = arith.constant 0 : i32
        %dma_start3A_211 = tpu.memref_slice %arg17[%dma_start3A_208, %dma_start3A_209, %dma_start3A_210] : memref<2x768x16xf32, #tpu.memory_space<vmem>> -> memref<1x768x16xf32, #tpu.memory_space<vmem>>
        %dma_start3A_212 = tpu.memref_squeeze %dma_start3A_211 : memref<1x768x16xf32, #tpu.memory_space<vmem>> -> memref<768x16xf32, #tpu.memory_space<vmem>>
        %dma_start3A_213 = arith.constant 0 : i32
        %dma_start3A_214 = tpu.memref_slice %arg16[%rem3A_159, %dma_start3A_213] : memref<3x768xi32, #tpu.memory_space<vmem>> -> memref<1x768xi32, #tpu.memory_space<vmem>>
        %dma_start3A_215 = tpu.memref_squeeze %dma_start3A_214 : memref<1x768xi32, #tpu.memory_space<vmem>> -> memref<768xi32, #tpu.memory_space<vmem>>
        %dma_start3A_216 = arith.constant 0 : i32
        %dma_start3A_217 = arith.constant 0 : i32
        %dma_start3A_218 = tpu.memref_slice %arg14[%dma_start3A_216, %dma_start3A_217] : memref<100352x16xf32, #tpu.memory_space<vmem_shared>> -> memref<100352x16xf32, #tpu.memory_space<vmem_shared>>
        tpu.enqueue_indirect_dma source(%dma_start3A_212 : memref<768x16xf32, #tpu.memory_space<vmem>>) target(%dma_start3A_218 : memref<100352x16xf32, #tpu.memory_space<vmem_shared>>) offsets(%dma_start3A_215 : memref<768xi32, #tpu.memory_space<vmem>>) semaphore(%arg21 : memref<!tpu.dma_semaphore, #tpu.memory_space<semaphore_mem>>) {add = true}
        %mul3A_219 = arith.constant 2 : i32
        %mul3A_220 = arith.muli %mul3A_219, %scan3A_154 : i32
        %add3A_221 = arith.constant 1 : i32
        %add3A_222 = arith.addi %mul3A_220, %add3A_221 : i32
        %rem3A_223 = arith.constant 3 : i32
        %rem3A_224 = arith.remsi %add3A_222, %rem3A_223 : i32
        %ge3A_225 = arith.constant 1 : i32
        %ge3A_226 = arith.cmpi sge, %scan3A_154, %ge3A_225 : i32
        %convert_element_type3A_227 = arith.extui %ge3A_226 : i1 to i32
        %cond3A_228 = arith.constant 0 : i32
        %cond3A_229 = arith.cmpi ne, %convert_element_type3A_227, %cond3A_228 : i32
        scf.if %cond3A_229 {
          %dma_wait3A_286 = arith.constant 1 : i32
          %dma_wait3A_287 = arith.constant 0 : i32
          %dma_wait3A_288 = arith.constant 0 : i32
          %dma_wait3A_289 = tpu.memref_slice %arg17[%dma_wait3A_286, %dma_wait3A_287, %dma_wait3A_288] : memref<2x768x16xf32, #tpu.memory_space<vmem>> -> memref<1x768x16xf32, #tpu.memory_space<vmem>>
          %dma_wait3A_290 = tpu.memref_squeeze %dma_wait3A_289 : memref<1x768x16xf32, #tpu.memory_space<vmem>> -> memref<768x16xf32, #tpu.memory_space<vmem>>
          %dma_wait3A_291 = arith.constant 0 : i32
          %dma_wait3A_292 = arith.constant 0 : i32
          %dma_wait3A_293 = tpu.memref_slice %arg9[%dma_wait3A_291, %dma_wait3A_292] : memref<100352x16xf32, #tpu.memory_space<hbm>> -> memref<768x16xf32, #tpu.memory_space<hbm>>
          %dma_wait3A_294 = arith.constant 0 : i32
          %dma_wait3A_295 = arith.constant 0 : i32
          %dma_wait3A_296 = tpu.memref_slice %arg17[%dma_wait3A_286, %dma_wait3A_294, %dma_wait3A_295] : memref<2x768x16xf32, #tpu.memory_space<vmem>> -> memref<1x768x16xf32, #tpu.memory_space<vmem>>
          %dma_wait3A_297 = tpu.memref_squeeze %dma_wait3A_296 : memref<1x768x16xf32, #tpu.memory_space<vmem>> -> memref<768x16xf32, #tpu.memory_space<vmem>>
          %dma_wait3A_298 = arith.constant 0 : i32
          %dma_wait3A_299 = arith.constant 0 : i32
          %dma_wait3A_300 = tpu.memref_slice %arg9[%dma_wait3A_298, %dma_wait3A_299] : memref<100352x16xf32, #tpu.memory_space<hbm>> -> memref<768x16xf32, #tpu.memory_space<hbm>>
          tpu.wait_dma2 semaphore(%arg22 : memref<!tpu.dma_semaphore, #tpu.memory_space<semaphore_mem>>) src(%dma_wait3A_300 : memref<768x16xf32, #tpu.memory_space<hbm>>) dst(%dma_wait3A_297 : memref<768x16xf32, #tpu.memory_space<vmem>>)
        } else {
        }
        %dma_wait3A_230 = arith.constant 0 : i32
        %dma_wait3A_231 = tpu.memref_slice %arg15[%rem3A_224, %dma_wait3A_230] : memref<3x768xi32, #tpu.memory_space<vmem>> -> memref<1x768xi32, #tpu.memory_space<vmem>>
        %dma_wait3A_232 = tpu.memref_squeeze %dma_wait3A_231 : memref<1x768xi32, #tpu.memory_space<vmem>> -> memref<768xi32, #tpu.memory_space<vmem>>
        %dma_wait3A_233 = tpu.memref_slice %arg6[%mul3A_2] : memref<3200000xi32, #tpu.memory_space<hbm>> -> memref<768xi32, #tpu.memory_space<hbm>>
        %dma_wait3A_234 = arith.constant 0 : i32
        %dma_wait3A_235 = tpu.memref_slice %arg15[%rem3A_224, %dma_wait3A_234] : memref<3x768xi32, #tpu.memory_space<vmem>> -> memref<1x768xi32, #tpu.memory_space<vmem>>
        %dma_wait3A_236 = tpu.memref_squeeze %dma_wait3A_235 : memref<1x768xi32, #tpu.memory_space<vmem>> -> memref<768xi32, #tpu.memory_space<vmem>>
        %dma_wait3A_237 = tpu.memref_slice %arg6[%mul3A_2] : memref<3200000xi32, #tpu.memory_space<hbm>> -> memref<768xi32, #tpu.memory_space<hbm>>
        tpu.wait_dma2 semaphore(%arg23 : memref<!tpu.dma_semaphore, #tpu.memory_space<semaphore_mem>>) src(%dma_wait3A_237 : memref<768xi32, #tpu.memory_space<hbm>>) dst(%dma_wait3A_236 : memref<768xi32, #tpu.memory_space<vmem>>)
        %dma_wait3A_238 = arith.constant 0 : i32
        %dma_wait3A_239 = tpu.memref_slice %arg16[%rem3A_224, %dma_wait3A_238] : memref<3x768xi32, #tpu.memory_space<vmem>> -> memref<1x768xi32, #tpu.memory_space<vmem>>
        %dma_wait3A_240 = tpu.memref_squeeze %dma_wait3A_239 : memref<1x768xi32, #tpu.memory_space<vmem>> -> memref<768xi32, #tpu.memory_space<vmem>>
        %dma_wait3A_241 = tpu.memref_slice %arg7[%mul3A_2] : memref<3200000xi32, #tpu.memory_space<hbm>> -> memref<768xi32, #tpu.memory_space<hbm>>
        %dma_wait3A_242 = arith.constant 0 : i32
        %dma_wait3A_243 = tpu.memref_slice %arg16[%rem3A_224, %dma_wait3A_242] : memref<3x768xi32, #tpu.memory_space<vmem>> -> memref<1x768xi32, #tpu.memory_space<vmem>>
        %dma_wait3A_244 = tpu.memref_squeeze %dma_wait3A_243 : memref<1x768xi32, #tpu.memory_space<vmem>> -> memref<768xi32, #tpu.memory_space<vmem>>
        %dma_wait3A_245 = tpu.memref_slice %arg7[%mul3A_2] : memref<3200000xi32, #tpu.memory_space<hbm>> -> memref<768xi32, #tpu.memory_space<hbm>>
        tpu.wait_dma2 semaphore(%arg23 : memref<!tpu.dma_semaphore, #tpu.memory_space<semaphore_mem>>) src(%dma_wait3A_245 : memref<768xi32, #tpu.memory_space<hbm>>) dst(%dma_wait3A_244 : memref<768xi32, #tpu.memory_space<vmem>>)
        %add3A_246 = arith.constant 1 : i32
        %add3A_247 = arith.addi %add3A_222, %add3A_246 : i32
        %lt3A_248 = arith.constant 260 : i32
        %lt3A_249 = arith.cmpi slt, %add3A_247, %lt3A_248 : i32
        %convert_element_type3A_250 = arith.extui %lt3A_249 : i1 to i32
        %cond3A_251 = arith.constant 0 : i32
        %cond3A_252 = arith.cmpi ne, %convert_element_type3A_250, %cond3A_251 : i32
        scf.if %cond3A_252 {
          %add3A_286 = arith.constant 1 : i32
          %add3A_287 = arith.addi %add3A_222, %add3A_286 : i32
          %mul3A_288 = arith.constant 768 : i32
          %mul3A_289 = arith.muli %add3A_287, %mul3A_288 : i32
          %add3A_290 = arith.addi %mul3A_2, %mul3A_289 : i32
          %add3A_291 = arith.constant 1 : i32
          %add3A_292 = arith.addi %add3A_222, %add3A_291 : i32
          %rem3A_293 = arith.constant 3 : i32
          %rem3A_294 = arith.remsi %add3A_292, %rem3A_293 : i32
          %dma_start3A_295 = arith.constant 0 : i32
          %dma_start3A_296 = tpu.memref_slice %arg15[%rem3A_294, %dma_start3A_295] : memref<3x768xi32, #tpu.memory_space<vmem>> -> memref<1x768xi32, #tpu.memory_space<vmem>>
          %dma_start3A_297 = tpu.memref_squeeze %dma_start3A_296 : memref<1x768xi32, #tpu.memory_space<vmem>> -> memref<768xi32, #tpu.memory_space<vmem>>
          %dma_start3A_298 = tpu.memref_slice %arg6[%add3A_290] : memref<3200000xi32, #tpu.memory_space<hbm>> -> memref<768xi32, #tpu.memory_space<hbm>>
          %dma_start3A_299 = arith.constant 0 : i32
          %dma_start3A_300 = tpu.memref_slice %arg15[%rem3A_294, %dma_start3A_299] : memref<3x768xi32, #tpu.memory_space<vmem>> -> memref<1x768xi32, #tpu.memory_space<vmem>>
          %dma_start3A_301 = tpu.memref_squeeze %dma_start3A_300 : memref<1x768xi32, #tpu.memory_space<vmem>> -> memref<768xi32, #tpu.memory_space<vmem>>
          %dma_start3A_302 = tpu.memref_slice %arg6[%add3A_290] : memref<3200000xi32, #tpu.memory_space<hbm>> -> memref<768xi32, #tpu.memory_space<hbm>>
          tpu.enqueue_dma source(%dma_start3A_302 : memref<768xi32, #tpu.memory_space<hbm>>) target(%dma_start3A_301 : memref<768xi32, #tpu.memory_space<vmem>>) target_semaphore(%arg23 : memref<!tpu.dma_semaphore, #tpu.memory_space<semaphore_mem>>)
          %dma_start3A_303 = arith.constant 0 : i32
          %dma_start3A_304 = tpu.memref_slice %arg16[%rem3A_294, %dma_start3A_303] : memref<3x768xi32, #tpu.memory_space<vmem>> -> memref<1x768xi32, #tpu.memory_space<vmem>>
          %dma_start3A_305 = tpu.memref_squeeze %dma_start3A_304 : memref<1x768xi32, #tpu.memory_space<vmem>> -> memref<768xi32, #tpu.memory_space<vmem>>
          %dma_start3A_306 = tpu.memref_slice %arg7[%add3A_290] : memref<3200000xi32, #tpu.memory_space<hbm>> -> memref<768xi32, #tpu.memory_space<hbm>>
          %dma_start3A_307 = arith.constant 0 : i32
          %dma_start3A_308 = tpu.memref_slice %arg16[%rem3A_294, %dma_start3A_307] : memref<3x768xi32, #tpu.memory_space<vmem>> -> memref<1x768xi32, #tpu.memory_space<vmem>>
          %dma_start3A_309 = tpu.memref_squeeze %dma_start3A_308 : memref<1x768xi32, #tpu.memory_space<vmem>> -> memref<768xi32, #tpu.memory_space<vmem>>
          %dma_start3A_310 = tpu.memref_slice %arg7[%add3A_290] : memref<3200000xi32, #tpu.memory_space<hbm>> -> memref<768xi32, #tpu.memory_space<hbm>>
          tpu.enqueue_dma source(%dma_start3A_310 : memref<768xi32, #tpu.memory_space<hbm>>) target(%dma_start3A_309 : memref<768xi32, #tpu.memory_space<vmem>>) target_semaphore(%arg23 : memref<!tpu.dma_semaphore, #tpu.memory_space<semaphore_mem>>)
        } else {
        }
        %dma_start3A_253 = arith.constant 1 : i32
        %dma_start3A_254 = arith.constant 0 : i32
        %dma_start3A_255 = arith.constant 0 : i32
        %dma_start3A_256 = tpu.memref_slice %arg17[%dma_start3A_253, %dma_start3A_254, %dma_start3A_255] : memref<2x768x16xf32, #tpu.memory_space<vmem>> -> memref<1x768x16xf32, #tpu.memory_space<vmem>>
        %dma_start3A_257 = tpu.memref_squeeze %dma_start3A_256 : memref<1x768x16xf32, #tpu.memory_space<vmem>> -> memref<768x16xf32, #tpu.memory_space<vmem>>
        %dma_start3A_258 = arith.constant 0 : i32
        %dma_start3A_259 = tpu.memref_slice %arg15[%rem3A_224, %dma_start3A_258] : memref<3x768xi32, #tpu.memory_space<vmem>> -> memref<1x768xi32, #tpu.memory_space<vmem>>
        %dma_start3A_260 = tpu.memref_squeeze %dma_start3A_259 : memref<1x768xi32, #tpu.memory_space<vmem>> -> memref<768xi32, #tpu.memory_space<vmem>>
        %dma_start3A_261 = arith.constant 0 : i32
        %dma_start3A_262 = arith.constant 0 : i32
        %dma_start3A_263 = tpu.memref_slice %arg5[%dma_start3A_261, %dma_start3A_262] : memref<100352x16xf32, #tpu.memory_space<hbm>> -> memref<100352x16xf32, #tpu.memory_space<hbm>>
        tpu.enqueue_indirect_dma source(%dma_start3A_263 : memref<100352x16xf32, #tpu.memory_space<hbm>>) target(%dma_start3A_257 : memref<768x16xf32, #tpu.memory_space<vmem>>) offsets(%dma_start3A_260 : memref<768xi32, #tpu.memory_space<vmem>>) semaphore(%arg20 : memref<!tpu.dma_semaphore, #tpu.memory_space<semaphore_mem>>)
        %dma_wait3A_264 = arith.constant 1 : i32
        %dma_wait3A_265 = arith.constant 0 : i32
        %dma_wait3A_266 = arith.constant 0 : i32
        %dma_wait3A_267 = tpu.memref_slice %arg17[%dma_wait3A_264, %dma_wait3A_265, %dma_wait3A_266] : memref<2x768x16xf32, #tpu.memory_space<vmem>> -> memref<1x768x16xf32, #tpu.memory_space<vmem>>
        %dma_wait3A_268 = tpu.memref_squeeze %dma_wait3A_267 : memref<1x768x16xf32, #tpu.memory_space<vmem>> -> memref<768x16xf32, #tpu.memory_space<vmem>>
        %dma_wait3A_269 = arith.constant 0 : i32
        %dma_wait3A_270 = tpu.memref_slice %arg15[%rem3A_224, %dma_wait3A_269] : memref<3x768xi32, #tpu.memory_space<vmem>> -> memref<1x768xi32, #tpu.memory_space<vmem>>
        %dma_wait3A_271 = tpu.memref_squeeze %dma_wait3A_270 : memref<1x768xi32, #tpu.memory_space<vmem>> -> memref<768xi32, #tpu.memory_space<vmem>>
        %dma_wait3A_272 = arith.constant 0 : i32
        %dma_wait3A_273 = arith.constant 0 : i32
        %dma_wait3A_274 = tpu.memref_slice %arg5[%dma_wait3A_272, %dma_wait3A_273] : memref<100352x16xf32, #tpu.memory_space<hbm>> -> memref<100352x16xf32, #tpu.memory_space<hbm>>
        tpu.wait_indirect_dma semaphore(%arg20 : memref<!tpu.dma_semaphore, #tpu.memory_space<semaphore_mem>>) src(%dma_wait3A_274 : memref<100352x16xf32, #tpu.memory_space<hbm>>) dst(%dma_wait3A_268 : memref<768x16xf32, #tpu.memory_space<vmem>>)
        %dma_start3A_275 = arith.constant 1 : i32
        %dma_start3A_276 = arith.constant 0 : i32
        %dma_start3A_277 = arith.constant 0 : i32
        %dma_start3A_278 = tpu.memref_slice %arg17[%dma_start3A_275, %dma_start3A_276, %dma_start3A_277] : memref<2x768x16xf32, #tpu.memory_space<vmem>> -> memref<1x768x16xf32, #tpu.memory_space<vmem>>
        %dma_start3A_279 = tpu.memref_squeeze %dma_start3A_278 : memref<1x768x16xf32, #tpu.memory_space<vmem>> -> memref<768x16xf32, #tpu.memory_space<vmem>>
        %dma_start3A_280 = arith.constant 0 : i32
        %dma_start3A_281 = tpu.memref_slice %arg16[%rem3A_224, %dma_start3A_280] : memref<3x768xi32, #tpu.memory_space<vmem>> -> memref<1x768xi32, #tpu.memory_space<vmem>>
        %dma_start3A_282 = tpu.memref_squeeze %dma_start3A_281 : memref<1x768xi32, #tpu.memory_space<vmem>> -> memref<768xi32, #tpu.memory_space<vmem>>
        %dma_start3A_283 = arith.constant 0 : i32
        %dma_start3A_284 = arith.constant 0 : i32
        %dma_start3A_285 = tpu.memref_slice %arg14[%dma_start3A_283, %dma_start3A_284] : memref<100352x16xf32, #tpu.memory_space<vmem_shared>> -> memref<100352x16xf32, #tpu.memory_space<vmem_shared>>
        tpu.enqueue_indirect_dma source(%dma_start3A_279 : memref<768x16xf32, #tpu.memory_space<vmem>>) target(%dma_start3A_285 : memref<100352x16xf32, #tpu.memory_space<vmem_shared>>) offsets(%dma_start3A_282 : memref<768xi32, #tpu.memory_space<vmem>>) semaphore(%arg22 : memref<!tpu.dma_semaphore, #tpu.memory_space<semaphore_mem>>) {add = true}
      }
      %scan3A_103 = arith.constant 130 : i32
      %dma_wait3A_104 = arith.constant 0 : i32
      %dma_wait3A_105 = arith.constant 0 : i32
      %dma_wait3A_106 = arith.constant 0 : i32
      %dma_wait3A_107 = tpu.memref_slice %arg17[%dma_wait3A_104, %dma_wait3A_105, %dma_wait3A_106] : memref<2x768x16xf32, #tpu.memory_space<vmem>> -> memref<1x768x16xf32, #tpu.memory_space<vmem>>
      %dma_wait3A_108 = tpu.memref_squeeze %dma_wait3A_107 : memref<1x768x16xf32, #tpu.memory_space<vmem>> -> memref<768x16xf32, #tpu.memory_space<vmem>>
      %dma_wait3A_109 = arith.constant 0 : i32
      %dma_wait3A_110 = arith.constant 0 : i32
      %dma_wait3A_111 = tpu.memref_slice %arg9[%dma_wait3A_109, %dma_wait3A_110] : memref<100352x16xf32, #tpu.memory_space<hbm>> -> memref<768x16xf32, #tpu.memory_space<hbm>>
      %dma_wait3A_112 = arith.constant 0 : i32
      %dma_wait3A_113 = arith.constant 0 : i32
      %dma_wait3A_114 = tpu.memref_slice %arg17[%dma_wait3A_104, %dma_wait3A_112, %dma_wait3A_113] : memref<2x768x16xf32, #tpu.memory_space<vmem>> -> memref<1x768x16xf32, #tpu.memory_space<vmem>>
      %dma_wait3A_115 = tpu.memref_squeeze %dma_wait3A_114 : memref<1x768x16xf32, #tpu.memory_space<vmem>> -> memref<768x16xf32, #tpu.memory_space<vmem>>
      %dma_wait3A_116 = arith.constant 0 : i32
      %dma_wait3A_117 = arith.constant 0 : i32
      %dma_wait3A_118 = tpu.memref_slice %arg9[%dma_wait3A_116, %dma_wait3A_117] : memref<100352x16xf32, #tpu.memory_space<hbm>> -> memref<768x16xf32, #tpu.memory_space<hbm>>
      tpu.wait_dma2 semaphore(%arg21 : memref<!tpu.dma_semaphore, #tpu.memory_space<semaphore_mem>>) src(%dma_wait3A_118 : memref<768x16xf32, #tpu.memory_space<hbm>>) dst(%dma_wait3A_115 : memref<768x16xf32, #tpu.memory_space<vmem>>)
      %dma_wait3A_119 = arith.constant 1 : i32
      %dma_wait3A_120 = arith.constant 0 : i32
      %dma_wait3A_121 = arith.constant 0 : i32
      %dma_wait3A_122 = tpu.memref_slice %arg17[%dma_wait3A_119, %dma_wait3A_120, %dma_wait3A_121] : memref<2x768x16xf32, #tpu.memory_space<vmem>> -> memref<1x768x16xf32, #tpu.memory_space<vmem>>
      %dma_wait3A_123 = tpu.memref_squeeze %dma_wait3A_122 : memref<1x768x16xf32, #tpu.memory_space<vmem>> -> memref<768x16xf32, #tpu.memory_space<vmem>>
      %dma_wait3A_124 = arith.constant 0 : i32
      %dma_wait3A_125 = arith.constant 0 : i32
      %dma_wait3A_126 = tpu.memref_slice %arg9[%dma_wait3A_124, %dma_wait3A_125] : memref<100352x16xf32, #tpu.memory_space<hbm>> -> memref<768x16xf32, #tpu.memory_space<hbm>>
      %dma_wait3A_127 = arith.constant 0 : i32
      %dma_wait3A_128 = arith.constant 0 : i32
      %dma_wait3A_129 = tpu.memref_slice %arg17[%dma_wait3A_119, %dma_wait3A_127, %dma_wait3A_128] : memref<2x768x16xf32, #tpu.memory_space<vmem>> -> memref<1x768x16xf32, #tpu.memory_space<vmem>>
      %dma_wait3A_130 = tpu.memref_squeeze %dma_wait3A_129 : memref<1x768x16xf32, #tpu.memory_space<vmem>> -> memref<768x16xf32, #tpu.memory_space<vmem>>
      %dma_wait3A_131 = arith.constant 0 : i32
      %dma_wait3A_132 = arith.constant 0 : i32
      %dma_wait3A_133 = tpu.memref_slice %arg9[%dma_wait3A_131, %dma_wait3A_132] : memref<100352x16xf32, #tpu.memory_space<hbm>> -> memref<768x16xf32, #tpu.memory_space<hbm>>
      tpu.wait_dma2 semaphore(%arg22 : memref<!tpu.dma_semaphore, #tpu.memory_space<semaphore_mem>>) src(%dma_wait3A_133 : memref<768x16xf32, #tpu.memory_space<hbm>>) dst(%dma_wait3A_130 : memref<768x16xf32, #tpu.memory_space<vmem>>)
      %add3A_134 = arith.constant 199680 : i32
      %add3A_135 = arith.addi %mul3A_2, %add3A_134 : i32
      "tpu.region"() ({
        %run_scoped3A_154 = tpu.sem_alloc : memref<!tpu.dma_semaphore, #tpu.memory_space<semaphore_mem>>
        %dma_start3A_155 = tpu.memref_slice %arg6[%add3A_135] : memref<3200000xi32, #tpu.memory_space<hbm>> -> memref<320xi32, #tpu.memory_space<hbm>>
        %dma_start3A_156 = tpu.memref_slice %arg6[%add3A_135] : memref<3200000xi32, #tpu.memory_space<hbm>> -> memref<320xi32, #tpu.memory_space<hbm>>
        tpu.enqueue_dma source(%dma_start3A_156 : memref<320xi32, #tpu.memory_space<hbm>>) target(%arg18 : memref<320xi32, #tpu.memory_space<vmem>>) target_semaphore(%run_scoped3A_154 : memref<!tpu.dma_semaphore, #tpu.memory_space<semaphore_mem>>)
        %dma_wait3A_157 = tpu.memref_slice %arg6[%add3A_135] : memref<3200000xi32, #tpu.memory_space<hbm>> -> memref<320xi32, #tpu.memory_space<hbm>>
        %dma_wait3A_158 = tpu.memref_slice %arg6[%add3A_135] : memref<3200000xi32, #tpu.memory_space<hbm>> -> memref<320xi32, #tpu.memory_space<hbm>>
        tpu.wait_dma2 semaphore(%run_scoped3A_154 : memref<!tpu.dma_semaphore, #tpu.memory_space<semaphore_mem>>) src(%dma_wait3A_158 : memref<320xi32, #tpu.memory_space<hbm>>) dst(%arg18 : memref<320xi32, #tpu.memory_space<vmem>>)
        tpu.yield
      }) : () -> ()
      "tpu.region"() ({
        %run_scoped3A_154 = tpu.sem_alloc : memref<!tpu.dma_semaphore, #tpu.memory_space<semaphore_mem>>
        %dma_start3A_155 = tpu.memref_slice %arg7[%add3A_135] : memref<3200000xi32, #tpu.memory_space<hbm>> -> memref<320xi32, #tpu.memory_space<hbm>>
        %dma_start3A_156 = tpu.memref_slice %arg7[%add3A_135] : memref<3200000xi32, #tpu.memory_space<hbm>> -> memref<320xi32, #tpu.memory_space<hbm>>
        tpu.enqueue_dma source(%dma_start3A_156 : memref<320xi32, #tpu.memory_space<hbm>>) target(%arg19 : memref<320xi32, #tpu.memory_space<vmem>>) target_semaphore(%run_scoped3A_154 : memref<!tpu.dma_semaphore, #tpu.memory_space<semaphore_mem>>)
        %dma_wait3A_157 = tpu.memref_slice %arg7[%add3A_135] : memref<3200000xi32, #tpu.memory_space<hbm>> -> memref<320xi32, #tpu.memory_space<hbm>>
        %dma_wait3A_158 = tpu.memref_slice %arg7[%add3A_135] : memref<3200000xi32, #tpu.memory_space<hbm>> -> memref<320xi32, #tpu.memory_space<hbm>>
        tpu.wait_dma2 semaphore(%run_scoped3A_154 : memref<!tpu.dma_semaphore, #tpu.memory_space<semaphore_mem>>) src(%dma_wait3A_158 : memref<320xi32, #tpu.memory_space<hbm>>) dst(%arg19 : memref<320xi32, #tpu.memory_space<vmem>>)
        tpu.yield
      }) : () -> ()
      %dma_start3A_136 = arith.constant 0 : i32
      %dma_start3A_137 = arith.constant 0 : i32
      %dma_start3A_138 = arith.constant 0 : i32
      %dma_start3A_139 = tpu.memref_slice %arg17[%dma_start3A_136, %dma_start3A_137, %dma_start3A_138] : memref<2x768x16xf32, #tpu.memory_space<vmem>> -> memref<1x320x16xf32, #tpu.memory_space<vmem>>
      %dma_start3A_140 = tpu.memref_squeeze %dma_start3A_139 : memref<1x320x16xf32, #tpu.memory_space<vmem>> -> memref<320x16xf32, #tpu.memory_space<vmem>>
      %dma_start3A_141 = arith.constant 0 : i32
      %dma_start3A_142 = arith.constant 0 : i32
      %dma_start3A_143 = tpu.memref_slice %arg5[%dma_start3A_141, %dma_start3A_142] : memref<100352x16xf32, #tpu.memory_space<hbm>> -> memref<100352x16xf32, #tpu.memory_space<hbm>>
      tpu.enqueue_indirect_dma source(%dma_start3A_143 : memref<100352x16xf32, #tpu.memory_space<hbm>>) target(%dma_start3A_140 : memref<320x16xf32, #tpu.memory_space<vmem>>) offsets(%arg18 : memref<320xi32, #tpu.memory_space<vmem>>) semaphore(%arg20 : memref<!tpu.dma_semaphore, #tpu.memory_space<semaphore_mem>>)
      %dma_wait3A_144 = arith.constant 0 : i32
      %dma_wait3A_145 = arith.constant 0 : i32
      %dma_wait3A_146 = arith.constant 0 : i32
      %dma_wait3A_147 = tpu.memref_slice %arg17[%dma_wait3A_144, %dma_wait3A_145, %dma_wait3A_146] : memref<2x768x16xf32, #tpu.memory_space<vmem>> -> memref<1x320x16xf32, #tpu.memory_space<vmem>>
      %dma_wait3A_148 = tpu.memref_squeeze %dma_wait3A_147 : memref<1x320x16xf32, #tpu.memory_space<vmem>> -> memref<320x16xf32, #tpu.memory_space<vmem>>
      %dma_wait3A_149 = arith.constant 0 : i32
      %dma_wait3A_150 = arith.constant 0 : i32
      %dma_wait3A_151 = tpu.memref_slice %arg5[%dma_wait3A_149, %dma_wait3A_150] : memref<100352x16xf32, #tpu.memory_space<hbm>> -> memref<100352x16xf32, #tpu.memory_space<hbm>>
      tpu.wait_indirect_dma semaphore(%arg20 : memref<!tpu.dma_semaphore, #tpu.memory_space<semaphore_mem>>) src(%dma_wait3A_151 : memref<100352x16xf32, #tpu.memory_space<hbm>>) dst(%dma_wait3A_148 : memref<320x16xf32, #tpu.memory_space<vmem>>)
      %run_scoped3A_152 = arith.constant 0 : i32
      "tpu.region"() ({
        %run_scoped3A_154 = tpu.sem_alloc : memref<!tpu.dma_semaphore, #tpu.memory_space<semaphore_mem>>
        %dma_start3A_155 = arith.constant 0 : i32
        %dma_start3A_156 = arith.constant 0 : i32
        %dma_start3A_157 = tpu.memref_slice %arg17[%run_scoped3A_152, %dma_start3A_155, %dma_start3A_156] : memref<2x768x16xf32, #tpu.memory_space<vmem>> -> memref<1x320x16xf32, #tpu.memory_space<vmem>>
        %dma_start3A_158 = tpu.memref_squeeze %dma_start3A_157 : memref<1x320x16xf32, #tpu.memory_space<vmem>> -> memref<320x16xf32, #tpu.memory_space<vmem>>
        %dma_start3A_159 = arith.constant 0 : i32
        %dma_start3A_160 = arith.constant 0 : i32
        %dma_start3A_161 = tpu.memref_slice %arg14[%dma_start3A_159, %dma_start3A_160] : memref<100352x16xf32, #tpu.memory_space<vmem_shared>> -> memref<100352x16xf32, #tpu.memory_space<vmem_shared>>
        tpu.enqueue_indirect_dma source(%dma_start3A_158 : memref<320x16xf32, #tpu.memory_space<vmem>>) target(%dma_start3A_161 : memref<100352x16xf32, #tpu.memory_space<vmem_shared>>) offsets(%arg19 : memref<320xi32, #tpu.memory_space<vmem>>) semaphore(%run_scoped3A_154 : memref<!tpu.dma_semaphore, #tpu.memory_space<semaphore_mem>>) {add = true}
        %dma_wait3A_162 = arith.constant 0 : i32
        %dma_wait3A_163 = arith.constant 0 : i32
        %dma_wait3A_164 = tpu.memref_slice %arg17[%run_scoped3A_152, %dma_wait3A_162, %dma_wait3A_163] : memref<2x768x16xf32, #tpu.memory_space<vmem>> -> memref<1x320x16xf32, #tpu.memory_space<vmem>>
        %dma_wait3A_165 = tpu.memref_squeeze %dma_wait3A_164 : memref<1x320x16xf32, #tpu.memory_space<vmem>> -> memref<320x16xf32, #tpu.memory_space<vmem>>
        %dma_wait3A_166 = arith.constant 0 : i32
        %dma_wait3A_167 = arith.constant 0 : i32
        %dma_wait3A_168 = tpu.memref_slice %arg14[%dma_wait3A_166, %dma_wait3A_167] : memref<100352x16xf32, #tpu.memory_space<vmem_shared>> -> memref<100352x16xf32, #tpu.memory_space<vmem_shared>>
        tpu.wait_indirect_dma semaphore(%run_scoped3A_154 : memref<!tpu.dma_semaphore, #tpu.memory_space<semaphore_mem>>) src(%dma_wait3A_165 : memref<320x16xf32, #tpu.memory_space<vmem>>) dst(%dma_wait3A_168 : memref<100352x16xf32, #tpu.memory_space<vmem_shared>>)
        tpu.yield
      }) : () -> ()
      %barrier3A_153 = arith.constant 0 : index
      tpu.barrier barrier_id(%barrier3A_153)
      "tpu.region"() ({
        %run_scoped3A_154 = tpu.sem_alloc : memref<!tpu.dma_semaphore, #tpu.memory_space<semaphore_mem>>
        %dma_start3A_155 = arith.constant 0 : i32
        %dma_start3A_156 = tpu.memref_slice %arg13[%mul3A_0, %dma_start3A_155] : memref<100352x16xf32, #tpu.memory_space<hbm>> -> memref<6272x16xf32, #tpu.memory_space<hbm>>
        %dma_start3A_157 = arith.constant 0 : i32
        %dma_start3A_158 = tpu.memref_slice %arg14[%mul3A_0, %dma_start3A_157] : memref<100352x16xf32, #tpu.memory_space<vmem_shared>> -> memref<6272x16xf32, #tpu.memory_space<vmem_shared>>
        tpu.enqueue_dma source(%dma_start3A_158 : memref<6272x16xf32, #tpu.memory_space<vmem_shared>>) target(%dma_start3A_156 : memref<6272x16xf32, #tpu.memory_space<hbm>>) target_semaphore(%run_scoped3A_154 : memref<!tpu.dma_semaphore, #tpu.memory_space<semaphore_mem>>)
        %dma_wait3A_159 = arith.constant 0 : i32
        %dma_wait3A_160 = tpu.memref_slice %arg13[%mul3A_0, %dma_wait3A_159] : memref<100352x16xf32, #tpu.memory_space<hbm>> -> memref<6272x16xf32, #tpu.memory_space<hbm>>
        %dma_wait3A_161 = arith.constant 0 : i32
        %dma_wait3A_162 = tpu.memref_slice %arg14[%mul3A_0, %dma_wait3A_161] : memref<100352x16xf32, #tpu.memory_space<vmem_shared>> -> memref<6272x16xf32, #tpu.memory_space<vmem_shared>>
        tpu.wait_dma2 semaphore(%run_scoped3A_154 : memref<!tpu.dma_semaphore, #tpu.memory_space<semaphore_mem>>) src(%dma_wait3A_162 : memref<6272x16xf32, #tpu.memory_space<vmem_shared>>) dst(%dma_wait3A_160 : memref<6272x16xf32, #tpu.memory_space<hbm>>)
        tpu.yield
      }) : () -> ()
    } else {
    }
    return
  }
}

#map = affine_map<(d0, d1) -> (0, 0)>
#map1 = affine_map<(d0, d1) -> (0)>
module attributes {stable_mosaic.version = 14 : i64} {
  func.func @_agg_a_body(%arg0: i32, %arg1: i32, %arg2: memref<100352x16xf32, #tpu.memory_space<hbm>>, %arg3: memref<3200000xi32, #tpu.memory_space<hbm>>, %arg4: memref<3200000xi32, #tpu.memory_space<hbm>>, %arg5: memref<100352x16xf32, #tpu.memory_space<hbm>>, %arg6: memref<100352x16xf32, #tpu.memory_space<hbm>>, %arg7: memref<100352x16xf32, #tpu.memory_space<hbm>>, %arg8: memref<100352x16xf32, #tpu.memory_space<hbm>>, %arg9: memref<100352x16xf32, #tpu.memory_space<vmem_shared>>, %arg10: memref<3x768xi32, #tpu.memory_space<vmem>>, %arg11: memref<3x768xi32, #tpu.memory_space<vmem>>, %arg12: memref<2x768x16xf32, #tpu.memory_space<vmem>>, %arg13: memref<160xi32, #tpu.memory_space<vmem>>, %arg14: memref<160xi32, #tpu.memory_space<vmem>>, %arg15: memref<!tpu.dma_semaphore, #tpu.memory_space<semaphore_mem>>, %arg16: memref<!tpu.dma_semaphore, #tpu.memory_space<semaphore_mem>>, %arg17: memref<!tpu.dma_semaphore, #tpu.memory_space<semaphore_mem>>, %arg18: memref<!tpu.dma_semaphore, #tpu.memory_space<semaphore_mem>>) attributes {dimension_semantics = [#tpu.dimension_semantics<core_parallel>, #tpu.dimension_semantics<subcore_parallel>], iteration_bounds = array<i64: 2, 16>, scalar_prefetch = 0 : i64, scratch_operands = 10 : i64, tpu.core_type = #tpu.core_type<sc_vector_subcore>, window_params = [{transform_indices = #map}, {transform_indices = #map1}, {transform_indices = #map1}, {transform_indices = #map}, {transform_indices = #map}, {transform_indices = #map}, {transform_indices = #map}]} {
    %mul3A = arith.constant 6272 : i32
    %mul3A_0 = arith.muli %arg1, %mul3A : i32
    "tpu.region"() ({
      %run_scoped3A_82 = tpu.sem_alloc : memref<!tpu.dma_semaphore, #tpu.memory_space<semaphore_mem>>
      %dma_start3A_83 = arith.constant 0 : i32
      %dma_start3A_84 = tpu.memref_slice %arg9[%mul3A_0, %dma_start3A_83] : memref<100352x16xf32, #tpu.memory_space<vmem_shared>> -> memref<6272x16xf32, #tpu.memory_space<vmem_shared>>
      %dma_start3A_85 = arith.constant 0 : i32
      %dma_start3A_86 = tpu.memref_slice %arg5[%mul3A_0, %dma_start3A_85] : memref<100352x16xf32, #tpu.memory_space<hbm>> -> memref<6272x16xf32, #tpu.memory_space<hbm>>
      tpu.enqueue_dma source(%dma_start3A_86 : memref<6272x16xf32, #tpu.memory_space<hbm>>) target(%dma_start3A_84 : memref<6272x16xf32, #tpu.memory_space<vmem_shared>>) target_semaphore(%run_scoped3A_82 : memref<!tpu.dma_semaphore, #tpu.memory_space<semaphore_mem>>)
      %dma_wait3A_87 = arith.constant 0 : i32
      %dma_wait3A_88 = tpu.memref_slice %arg9[%mul3A_0, %dma_wait3A_87] : memref<100352x16xf32, #tpu.memory_space<vmem_shared>> -> memref<6272x16xf32, #tpu.memory_space<vmem_shared>>
      %dma_wait3A_89 = arith.constant 0 : i32
      %dma_wait3A_90 = tpu.memref_slice %arg5[%mul3A_0, %dma_wait3A_89] : memref<100352x16xf32, #tpu.memory_space<hbm>> -> memref<6272x16xf32, #tpu.memory_space<hbm>>
      tpu.wait_dma2 semaphore(%run_scoped3A_82 : memref<!tpu.dma_semaphore, #tpu.memory_space<semaphore_mem>>) src(%dma_wait3A_90 : memref<6272x16xf32, #tpu.memory_space<hbm>>) dst(%dma_wait3A_88 : memref<6272x16xf32, #tpu.memory_space<vmem_shared>>)
      tpu.yield
    }) : () -> ()
    %barrier3A = arith.constant 0 : index
    tpu.barrier barrier_id(%barrier3A)
    %mul3A_1 = arith.constant 16 : i32
    %mul3A_2 = arith.muli %arg0, %mul3A_1 : i32
    %add3A = arith.addi %mul3A_2, %arg1 : i32
    %mul3A_3 = arith.constant 100000 : i32
    %mul3A_4 = arith.muli %add3A, %mul3A_3 : i32
    %dma_start3A = arith.constant 0 : i32
    %dma_start3A_5 = arith.constant 0 : i32
    %dma_start3A_6 = tpu.memref_slice %arg10[%dma_start3A, %dma_start3A_5] : memref<3x768xi32, #tpu.memory_space<vmem>> -> memref<1x768xi32, #tpu.memory_space<vmem>>
    %dma_start3A_7 = tpu.memref_squeeze %dma_start3A_6 : memref<1x768xi32, #tpu.memory_space<vmem>> -> memref<768xi32, #tpu.memory_space<vmem>>
    %dma_start3A_8 = tpu.memref_slice %arg3[%mul3A_4] : memref<3200000xi32, #tpu.memory_space<hbm>> -> memref<768xi32, #tpu.memory_space<hbm>>
    %dma_start3A_9 = arith.constant 0 : i32
    %dma_start3A_10 = tpu.memref_slice %arg10[%dma_start3A, %dma_start3A_9] : memref<3x768xi32, #tpu.memory_space<vmem>> -> memref<1x768xi32, #tpu.memory_space<vmem>>
    %dma_start3A_11 = tpu.memref_squeeze %dma_start3A_10 : memref<1x768xi32, #tpu.memory_space<vmem>> -> memref<768xi32, #tpu.memory_space<vmem>>
    %dma_start3A_12 = tpu.memref_slice %arg3[%mul3A_4] : memref<3200000xi32, #tpu.memory_space<hbm>> -> memref<768xi32, #tpu.memory_space<hbm>>
    tpu.enqueue_dma source(%dma_start3A_12 : memref<768xi32, #tpu.memory_space<hbm>>) target(%dma_start3A_11 : memref<768xi32, #tpu.memory_space<vmem>>) target_semaphore(%arg18 : memref<!tpu.dma_semaphore, #tpu.memory_space<semaphore_mem>>)
    %dma_start3A_13 = arith.constant 0 : i32
    %dma_start3A_14 = arith.constant 0 : i32
    %dma_start3A_15 = tpu.memref_slice %arg11[%dma_start3A_13, %dma_start3A_14] : memref<3x768xi32, #tpu.memory_space<vmem>> -> memref<1x768xi32, #tpu.memory_space<vmem>>
    %dma_start3A_16 = tpu.memref_squeeze %dma_start3A_15 : memref<1x768xi32, #tpu.memory_space<vmem>> -> memref<768xi32, #tpu.memory_space<vmem>>
    %dma_start3A_17 = tpu.memref_slice %arg4[%mul3A_4] : memref<3200000xi32, #tpu.memory_space<hbm>> -> memref<768xi32, #tpu.memory_space<hbm>>
    %dma_start3A_18 = arith.constant 0 : i32
    %dma_start3A_19 = tpu.memref_slice %arg11[%dma_start3A_13, %dma_start3A_18] : memref<3x768xi32, #tpu.memory_space<vmem>> -> memref<1x768xi32, #tpu.memory_space<vmem>>
    %dma_start3A_20 = tpu.memref_squeeze %dma_start3A_19 : memref<1x768xi32, #tpu.memory_space<vmem>> -> memref<768xi32, #tpu.memory_space<vmem>>
    %dma_start3A_21 = tpu.memref_slice %arg4[%mul3A_4] : memref<3200000xi32, #tpu.memory_space<hbm>> -> memref<768xi32, #tpu.memory_space<hbm>>
    tpu.enqueue_dma source(%dma_start3A_21 : memref<768xi32, #tpu.memory_space<hbm>>) target(%dma_start3A_20 : memref<768xi32, #tpu.memory_space<vmem>>) target_semaphore(%arg18 : memref<!tpu.dma_semaphore, #tpu.memory_space<semaphore_mem>>)
    %scan3A = arith.constant 0 : i32
    %scan3A_22 = arith.constant 0 : i32
    %scan3A_23 = arith.constant 65 : i32
    %scan3A_24 = arith.addi %scan3A_22, %scan3A_23 : i32
    %scan3A_25 = arith.constant 1 : i32
    scf.for %scan3A_82 = %scan3A_22 to %scan3A_24 step %scan3A_25  : i32 {
      %mul3A_83 = arith.constant 2 : i32
      %mul3A_84 = arith.muli %mul3A_83, %scan3A_82 : i32
      %add3A_85 = arith.constant 0 : i32
      %add3A_86 = arith.addi %mul3A_84, %add3A_85 : i32
      %rem3A = arith.constant 3 : i32
      %rem3A_87 = arith.remsi %add3A_86, %rem3A : i32
      %ge3A = arith.constant 1 : i32
      %ge3A_88 = arith.cmpi sge, %scan3A_82, %ge3A : i32
      %convert_element_type3A_89 = arith.extui %ge3A_88 : i1 to i32
      %cond3A_90 = arith.constant 0 : i32
      %cond3A_91 = arith.cmpi ne, %convert_element_type3A_89, %cond3A_90 : i32
      scf.if %cond3A_91 {
        %dma_wait3A_214 = arith.constant 0 : i32
        %dma_wait3A_215 = arith.constant 0 : i32
        %dma_wait3A_216 = arith.constant 0 : i32
        %dma_wait3A_217 = tpu.memref_slice %arg12[%dma_wait3A_214, %dma_wait3A_215, %dma_wait3A_216] : memref<2x768x16xf32, #tpu.memory_space<vmem>> -> memref<1x768x16xf32, #tpu.memory_space<vmem>>
        %dma_wait3A_218 = tpu.memref_squeeze %dma_wait3A_217 : memref<1x768x16xf32, #tpu.memory_space<vmem>> -> memref<768x16xf32, #tpu.memory_space<vmem>>
        %dma_wait3A_219 = arith.constant 0 : i32
        %dma_wait3A_220 = arith.constant 0 : i32
        %dma_wait3A_221 = tpu.memref_slice %arg6[%dma_wait3A_219, %dma_wait3A_220] : memref<100352x16xf32, #tpu.memory_space<hbm>> -> memref<768x16xf32, #tpu.memory_space<hbm>>
        %dma_wait3A_222 = arith.constant 0 : i32
        %dma_wait3A_223 = arith.constant 0 : i32
        %dma_wait3A_224 = tpu.memref_slice %arg12[%dma_wait3A_214, %dma_wait3A_222, %dma_wait3A_223] : memref<2x768x16xf32, #tpu.memory_space<vmem>> -> memref<1x768x16xf32, #tpu.memory_space<vmem>>
        %dma_wait3A_225 = tpu.memref_squeeze %dma_wait3A_224 : memref<1x768x16xf32, #tpu.memory_space<vmem>> -> memref<768x16xf32, #tpu.memory_space<vmem>>
        %dma_wait3A_226 = arith.constant 0 : i32
        %dma_wait3A_227 = arith.constant 0 : i32
        %dma_wait3A_228 = tpu.memref_slice %arg6[%dma_wait3A_226, %dma_wait3A_227] : memref<100352x16xf32, #tpu.memory_space<hbm>> -> memref<768x16xf32, #tpu.memory_space<hbm>>
        tpu.wait_dma2 semaphore(%arg16 : memref<!tpu.dma_semaphore, #tpu.memory_space<semaphore_mem>>) src(%dma_wait3A_228 : memref<768x16xf32, #tpu.memory_space<hbm>>) dst(%dma_wait3A_225 : memref<768x16xf32, #tpu.memory_space<vmem>>)
      } else {
      }
      %dma_wait3A_92 = arith.constant 0 : i32
      %dma_wait3A_93 = tpu.memref_slice %arg10[%rem3A_87, %dma_wait3A_92] : memref<3x768xi32, #tpu.memory_space<vmem>> -> memref<1x768xi32, #tpu.memory_space<vmem>>
      %dma_wait3A_94 = tpu.memref_squeeze %dma_wait3A_93 : memref<1x768xi32, #tpu.memory_space<vmem>> -> memref<768xi32, #tpu.memory_space<vmem>>
      %dma_wait3A_95 = tpu.memref_slice %arg3[%mul3A_4] : memref<3200000xi32, #tpu.memory_space<hbm>> -> memref<768xi32, #tpu.memory_space<hbm>>
      %dma_wait3A_96 = arith.constant 0 : i32
      %dma_wait3A_97 = tpu.memref_slice %arg10[%rem3A_87, %dma_wait3A_96] : memref<3x768xi32, #tpu.memory_space<vmem>> -> memref<1x768xi32, #tpu.memory_space<vmem>>
      %dma_wait3A_98 = tpu.memref_squeeze %dma_wait3A_97 : memref<1x768xi32, #tpu.memory_space<vmem>> -> memref<768xi32, #tpu.memory_space<vmem>>
      %dma_wait3A_99 = tpu.memref_slice %arg3[%mul3A_4] : memref<3200000xi32, #tpu.memory_space<hbm>> -> memref<768xi32, #tpu.memory_space<hbm>>
      tpu.wait_dma2 semaphore(%arg18 : memref<!tpu.dma_semaphore, #tpu.memory_space<semaphore_mem>>) src(%dma_wait3A_99 : memref<768xi32, #tpu.memory_space<hbm>>) dst(%dma_wait3A_98 : memref<768xi32, #tpu.memory_space<vmem>>)
      %dma_wait3A_100 = arith.constant 0 : i32
      %dma_wait3A_101 = tpu.memref_slice %arg11[%rem3A_87, %dma_wait3A_100] : memref<3x768xi32, #tpu.memory_space<vmem>> -> memref<1x768xi32, #tpu.memory_space<vmem>>
      %dma_wait3A_102 = tpu.memref_squeeze %dma_wait3A_101 : memref<1x768xi32, #tpu.memory_space<vmem>> -> memref<768xi32, #tpu.memory_space<vmem>>
      %dma_wait3A_103 = tpu.memref_slice %arg4[%mul3A_4] : memref<3200000xi32, #tpu.memory_space<hbm>> -> memref<768xi32, #tpu.memory_space<hbm>>
      %dma_wait3A_104 = arith.constant 0 : i32
      %dma_wait3A_105 = tpu.memref_slice %arg11[%rem3A_87, %dma_wait3A_104] : memref<3x768xi32, #tpu.memory_space<vmem>> -> memref<1x768xi32, #tpu.memory_space<vmem>>
      %dma_wait3A_106 = tpu.memref_squeeze %dma_wait3A_105 : memref<1x768xi32, #tpu.memory_space<vmem>> -> memref<768xi32, #tpu.memory_space<vmem>>
      %dma_wait3A_107 = tpu.memref_slice %arg4[%mul3A_4] : memref<3200000xi32, #tpu.memory_space<hbm>> -> memref<768xi32, #tpu.memory_space<hbm>>
      tpu.wait_dma2 semaphore(%arg18 : memref<!tpu.dma_semaphore, #tpu.memory_space<semaphore_mem>>) src(%dma_wait3A_107 : memref<768xi32, #tpu.memory_space<hbm>>) dst(%dma_wait3A_106 : memref<768xi32, #tpu.memory_space<vmem>>)
      %add3A_108 = arith.constant 1 : i32
      %add3A_109 = arith.addi %add3A_86, %add3A_108 : i32
      %lt3A = arith.constant 130 : i32
      %lt3A_110 = arith.cmpi slt, %add3A_109, %lt3A : i32
      %convert_element_type3A_111 = arith.extui %lt3A_110 : i1 to i32
      %cond3A_112 = arith.constant 0 : i32
      %cond3A_113 = arith.cmpi ne, %convert_element_type3A_111, %cond3A_112 : i32
      scf.if %cond3A_113 {
        %add3A_214 = arith.constant 1 : i32
        %add3A_215 = arith.addi %add3A_86, %add3A_214 : i32
        %mul3A_216 = arith.constant 768 : i32
        %mul3A_217 = arith.muli %add3A_215, %mul3A_216 : i32
        %add3A_218 = arith.addi %mul3A_4, %mul3A_217 : i32
        %add3A_219 = arith.constant 1 : i32
        %add3A_220 = arith.addi %add3A_86, %add3A_219 : i32
        %rem3A_221 = arith.constant 3 : i32
        %rem3A_222 = arith.remsi %add3A_220, %rem3A_221 : i32
        %dma_start3A_223 = arith.constant 0 : i32
        %dma_start3A_224 = tpu.memref_slice %arg10[%rem3A_222, %dma_start3A_223] : memref<3x768xi32, #tpu.memory_space<vmem>> -> memref<1x768xi32, #tpu.memory_space<vmem>>
        %dma_start3A_225 = tpu.memref_squeeze %dma_start3A_224 : memref<1x768xi32, #tpu.memory_space<vmem>> -> memref<768xi32, #tpu.memory_space<vmem>>
        %dma_start3A_226 = tpu.memref_slice %arg3[%add3A_218] : memref<3200000xi32, #tpu.memory_space<hbm>> -> memref<768xi32, #tpu.memory_space<hbm>>
        %dma_start3A_227 = arith.constant 0 : i32
        %dma_start3A_228 = tpu.memref_slice %arg10[%rem3A_222, %dma_start3A_227] : memref<3x768xi32, #tpu.memory_space<vmem>> -> memref<1x768xi32, #tpu.memory_space<vmem>>
        %dma_start3A_229 = tpu.memref_squeeze %dma_start3A_228 : memref<1x768xi32, #tpu.memory_space<vmem>> -> memref<768xi32, #tpu.memory_space<vmem>>
        %dma_start3A_230 = tpu.memref_slice %arg3[%add3A_218] : memref<3200000xi32, #tpu.memory_space<hbm>> -> memref<768xi32, #tpu.memory_space<hbm>>
        tpu.enqueue_dma source(%dma_start3A_230 : memref<768xi32, #tpu.memory_space<hbm>>) target(%dma_start3A_229 : memref<768xi32, #tpu.memory_space<vmem>>) target_semaphore(%arg18 : memref<!tpu.dma_semaphore, #tpu.memory_space<semaphore_mem>>)
        %dma_start3A_231 = arith.constant 0 : i32
        %dma_start3A_232 = tpu.memref_slice %arg11[%rem3A_222, %dma_start3A_231] : memref<3x768xi32, #tpu.memory_space<vmem>> -> memref<1x768xi32, #tpu.memory_space<vmem>>
        %dma_start3A_233 = tpu.memref_squeeze %dma_start3A_232 : memref<1x768xi32, #tpu.memory_space<vmem>> -> memref<768xi32, #tpu.memory_space<vmem>>
        %dma_start3A_234 = tpu.memref_slice %arg4[%add3A_218] : memref<3200000xi32, #tpu.memory_space<hbm>> -> memref<768xi32, #tpu.memory_space<hbm>>
        %dma_start3A_235 = arith.constant 0 : i32
        %dma_start3A_236 = tpu.memref_slice %arg11[%rem3A_222, %dma_start3A_235] : memref<3x768xi32, #tpu.memory_space<vmem>> -> memref<1x768xi32, #tpu.memory_space<vmem>>
        %dma_start3A_237 = tpu.memref_squeeze %dma_start3A_236 : memref<1x768xi32, #tpu.memory_space<vmem>> -> memref<768xi32, #tpu.memory_space<vmem>>
        %dma_start3A_238 = tpu.memref_slice %arg4[%add3A_218] : memref<3200000xi32, #tpu.memory_space<hbm>> -> memref<768xi32, #tpu.memory_space<hbm>>
        tpu.enqueue_dma source(%dma_start3A_238 : memref<768xi32, #tpu.memory_space<hbm>>) target(%dma_start3A_237 : memref<768xi32, #tpu.memory_space<vmem>>) target_semaphore(%arg18 : memref<!tpu.dma_semaphore, #tpu.memory_space<semaphore_mem>>)
      } else {
      }
      %dma_start3A_114 = arith.constant 0 : i32
      %dma_start3A_115 = arith.constant 0 : i32
      %dma_start3A_116 = arith.constant 0 : i32
      %dma_start3A_117 = tpu.memref_slice %arg12[%dma_start3A_114, %dma_start3A_115, %dma_start3A_116] : memref<2x768x16xf32, #tpu.memory_space<vmem>> -> memref<1x768x16xf32, #tpu.memory_space<vmem>>
      %dma_start3A_118 = tpu.memref_squeeze %dma_start3A_117 : memref<1x768x16xf32, #tpu.memory_space<vmem>> -> memref<768x16xf32, #tpu.memory_space<vmem>>
      %dma_start3A_119 = arith.constant 0 : i32
      %dma_start3A_120 = tpu.memref_slice %arg10[%rem3A_87, %dma_start3A_119] : memref<3x768xi32, #tpu.memory_space<vmem>> -> memref<1x768xi32, #tpu.memory_space<vmem>>
      %dma_start3A_121 = tpu.memref_squeeze %dma_start3A_120 : memref<1x768xi32, #tpu.memory_space<vmem>> -> memref<768xi32, #tpu.memory_space<vmem>>
      %dma_start3A_122 = arith.constant 0 : i32
      %dma_start3A_123 = arith.constant 0 : i32
      %dma_start3A_124 = tpu.memref_slice %arg2[%dma_start3A_122, %dma_start3A_123] : memref<100352x16xf32, #tpu.memory_space<hbm>> -> memref<100352x16xf32, #tpu.memory_space<hbm>>
      tpu.enqueue_indirect_dma source(%dma_start3A_124 : memref<100352x16xf32, #tpu.memory_space<hbm>>) target(%dma_start3A_118 : memref<768x16xf32, #tpu.memory_space<vmem>>) offsets(%dma_start3A_121 : memref<768xi32, #tpu.memory_space<vmem>>) semaphore(%arg15 : memref<!tpu.dma_semaphore, #tpu.memory_space<semaphore_mem>>)
      %dma_wait3A_125 = arith.constant 0 : i32
      %dma_wait3A_126 = arith.constant 0 : i32
      %dma_wait3A_127 = arith.constant 0 : i32
      %dma_wait3A_128 = tpu.memref_slice %arg12[%dma_wait3A_125, %dma_wait3A_126, %dma_wait3A_127] : memref<2x768x16xf32, #tpu.memory_space<vmem>> -> memref<1x768x16xf32, #tpu.memory_space<vmem>>
      %dma_wait3A_129 = tpu.memref_squeeze %dma_wait3A_128 : memref<1x768x16xf32, #tpu.memory_space<vmem>> -> memref<768x16xf32, #tpu.memory_space<vmem>>
      %dma_wait3A_130 = arith.constant 0 : i32
      %dma_wait3A_131 = tpu.memref_slice %arg10[%rem3A_87, %dma_wait3A_130] : memref<3x768xi32, #tpu.memory_space<vmem>> -> memref<1x768xi32, #tpu.memory_space<vmem>>
      %dma_wait3A_132 = tpu.memref_squeeze %dma_wait3A_131 : memref<1x768xi32, #tpu.memory_space<vmem>> -> memref<768xi32, #tpu.memory_space<vmem>>
      %dma_wait3A_133 = arith.constant 0 : i32
      %dma_wait3A_134 = arith.constant 0 : i32
      %dma_wait3A_135 = tpu.memref_slice %arg2[%dma_wait3A_133, %dma_wait3A_134] : memref<100352x16xf32, #tpu.memory_space<hbm>> -> memref<100352x16xf32, #tpu.memory_space<hbm>>
      tpu.wait_indirect_dma semaphore(%arg15 : memref<!tpu.dma_semaphore, #tpu.memory_space<semaphore_mem>>) src(%dma_wait3A_135 : memref<100352x16xf32, #tpu.memory_space<hbm>>) dst(%dma_wait3A_129 : memref<768x16xf32, #tpu.memory_space<vmem>>)
      %dma_start3A_136 = arith.constant 0 : i32
      %dma_start3A_137 = arith.constant 0 : i32
      %dma_start3A_138 = arith.constant 0 : i32
      %dma_start3A_139 = tpu.memref_slice %arg12[%dma_start3A_136, %dma_start3A_137, %dma_start3A_138] : memref<2x768x16xf32, #tpu.memory_space<vmem>> -> memref<1x768x16xf32, #tpu.memory_space<vmem>>
      %dma_start3A_140 = tpu.memref_squeeze %dma_start3A_139 : memref<1x768x16xf32, #tpu.memory_space<vmem>> -> memref<768x16xf32, #tpu.memory_space<vmem>>
      %dma_start3A_141 = arith.constant 0 : i32
      %dma_start3A_142 = tpu.memref_slice %arg11[%rem3A_87, %dma_start3A_141] : memref<3x768xi32, #tpu.memory_space<vmem>> -> memref<1x768xi32, #tpu.memory_space<vmem>>
      %dma_start3A_143 = tpu.memref_squeeze %dma_start3A_142 : memref<1x768xi32, #tpu.memory_space<vmem>> -> memref<768xi32, #tpu.memory_space<vmem>>
      %dma_start3A_144 = arith.constant 0 : i32
      %dma_start3A_145 = arith.constant 0 : i32
      %dma_start3A_146 = tpu.memref_slice %arg9[%dma_start3A_144, %dma_start3A_145] : memref<100352x16xf32, #tpu.memory_space<vmem_shared>> -> memref<100352x16xf32, #tpu.memory_space<vmem_shared>>
      tpu.enqueue_indirect_dma source(%dma_start3A_140 : memref<768x16xf32, #tpu.memory_space<vmem>>) target(%dma_start3A_146 : memref<100352x16xf32, #tpu.memory_space<vmem_shared>>) offsets(%dma_start3A_143 : memref<768xi32, #tpu.memory_space<vmem>>) semaphore(%arg16 : memref<!tpu.dma_semaphore, #tpu.memory_space<semaphore_mem>>) {add = true}
      %mul3A_147 = arith.constant 2 : i32
      %mul3A_148 = arith.muli %mul3A_147, %scan3A_82 : i32
      %add3A_149 = arith.constant 1 : i32
      %add3A_150 = arith.addi %mul3A_148, %add3A_149 : i32
      %rem3A_151 = arith.constant 3 : i32
      %rem3A_152 = arith.remsi %add3A_150, %rem3A_151 : i32
      %ge3A_153 = arith.constant 1 : i32
      %ge3A_154 = arith.cmpi sge, %scan3A_82, %ge3A_153 : i32
      %convert_element_type3A_155 = arith.extui %ge3A_154 : i1 to i32
      %cond3A_156 = arith.constant 0 : i32
      %cond3A_157 = arith.cmpi ne, %convert_element_type3A_155, %cond3A_156 : i32
      scf.if %cond3A_157 {
        %dma_wait3A_214 = arith.constant 1 : i32
        %dma_wait3A_215 = arith.constant 0 : i32
        %dma_wait3A_216 = arith.constant 0 : i32
        %dma_wait3A_217 = tpu.memref_slice %arg12[%dma_wait3A_214, %dma_wait3A_215, %dma_wait3A_216] : memref<2x768x16xf32, #tpu.memory_space<vmem>> -> memref<1x768x16xf32, #tpu.memory_space<vmem>>
        %dma_wait3A_218 = tpu.memref_squeeze %dma_wait3A_217 : memref<1x768x16xf32, #tpu.memory_space<vmem>> -> memref<768x16xf32, #tpu.memory_space<vmem>>
        %dma_wait3A_219 = arith.constant 0 : i32
        %dma_wait3A_220 = arith.constant 0 : i32
        %dma_wait3A_221 = tpu.memref_slice %arg6[%dma_wait3A_219, %dma_wait3A_220] : memref<100352x16xf32, #tpu.memory_space<hbm>> -> memref<768x16xf32, #tpu.memory_space<hbm>>
        %dma_wait3A_222 = arith.constant 0 : i32
        %dma_wait3A_223 = arith.constant 0 : i32
        %dma_wait3A_224 = tpu.memref_slice %arg12[%dma_wait3A_214, %dma_wait3A_222, %dma_wait3A_223] : memref<2x768x16xf32, #tpu.memory_space<vmem>> -> memref<1x768x16xf32, #tpu.memory_space<vmem>>
        %dma_wait3A_225 = tpu.memref_squeeze %dma_wait3A_224 : memref<1x768x16xf32, #tpu.memory_space<vmem>> -> memref<768x16xf32, #tpu.memory_space<vmem>>
        %dma_wait3A_226 = arith.constant 0 : i32
        %dma_wait3A_227 = arith.constant 0 : i32
        %dma_wait3A_228 = tpu.memref_slice %arg6[%dma_wait3A_226, %dma_wait3A_227] : memref<100352x16xf32, #tpu.memory_space<hbm>> -> memref<768x16xf32, #tpu.memory_space<hbm>>
        tpu.wait_dma2 semaphore(%arg17 : memref<!tpu.dma_semaphore, #tpu.memory_space<semaphore_mem>>) src(%dma_wait3A_228 : memref<768x16xf32, #tpu.memory_space<hbm>>) dst(%dma_wait3A_225 : memref<768x16xf32, #tpu.memory_space<vmem>>)
      } else {
      }
      %dma_wait3A_158 = arith.constant 0 : i32
      %dma_wait3A_159 = tpu.memref_slice %arg10[%rem3A_152, %dma_wait3A_158] : memref<3x768xi32, #tpu.memory_space<vmem>> -> memref<1x768xi32, #tpu.memory_space<vmem>>
      %dma_wait3A_160 = tpu.memref_squeeze %dma_wait3A_159 : memref<1x768xi32, #tpu.memory_space<vmem>> -> memref<768xi32, #tpu.memory_space<vmem>>
      %dma_wait3A_161 = tpu.memref_slice %arg3[%mul3A_4] : memref<3200000xi32, #tpu.memory_space<hbm>> -> memref<768xi32, #tpu.memory_space<hbm>>
      %dma_wait3A_162 = arith.constant 0 : i32
      %dma_wait3A_163 = tpu.memref_slice %arg10[%rem3A_152, %dma_wait3A_162] : memref<3x768xi32, #tpu.memory_space<vmem>> -> memref<1x768xi32, #tpu.memory_space<vmem>>
      %dma_wait3A_164 = tpu.memref_squeeze %dma_wait3A_163 : memref<1x768xi32, #tpu.memory_space<vmem>> -> memref<768xi32, #tpu.memory_space<vmem>>
      %dma_wait3A_165 = tpu.memref_slice %arg3[%mul3A_4] : memref<3200000xi32, #tpu.memory_space<hbm>> -> memref<768xi32, #tpu.memory_space<hbm>>
      tpu.wait_dma2 semaphore(%arg18 : memref<!tpu.dma_semaphore, #tpu.memory_space<semaphore_mem>>) src(%dma_wait3A_165 : memref<768xi32, #tpu.memory_space<hbm>>) dst(%dma_wait3A_164 : memref<768xi32, #tpu.memory_space<vmem>>)
      %dma_wait3A_166 = arith.constant 0 : i32
      %dma_wait3A_167 = tpu.memref_slice %arg11[%rem3A_152, %dma_wait3A_166] : memref<3x768xi32, #tpu.memory_space<vmem>> -> memref<1x768xi32, #tpu.memory_space<vmem>>
      %dma_wait3A_168 = tpu.memref_squeeze %dma_wait3A_167 : memref<1x768xi32, #tpu.memory_space<vmem>> -> memref<768xi32, #tpu.memory_space<vmem>>
      %dma_wait3A_169 = tpu.memref_slice %arg4[%mul3A_4] : memref<3200000xi32, #tpu.memory_space<hbm>> -> memref<768xi32, #tpu.memory_space<hbm>>
      %dma_wait3A_170 = arith.constant 0 : i32
      %dma_wait3A_171 = tpu.memref_slice %arg11[%rem3A_152, %dma_wait3A_170] : memref<3x768xi32, #tpu.memory_space<vmem>> -> memref<1x768xi32, #tpu.memory_space<vmem>>
      %dma_wait3A_172 = tpu.memref_squeeze %dma_wait3A_171 : memref<1x768xi32, #tpu.memory_space<vmem>> -> memref<768xi32, #tpu.memory_space<vmem>>
      %dma_wait3A_173 = tpu.memref_slice %arg4[%mul3A_4] : memref<3200000xi32, #tpu.memory_space<hbm>> -> memref<768xi32, #tpu.memory_space<hbm>>
      tpu.wait_dma2 semaphore(%arg18 : memref<!tpu.dma_semaphore, #tpu.memory_space<semaphore_mem>>) src(%dma_wait3A_173 : memref<768xi32, #tpu.memory_space<hbm>>) dst(%dma_wait3A_172 : memref<768xi32, #tpu.memory_space<vmem>>)
      %add3A_174 = arith.constant 1 : i32
      %add3A_175 = arith.addi %add3A_150, %add3A_174 : i32
      %lt3A_176 = arith.constant 130 : i32
      %lt3A_177 = arith.cmpi slt, %add3A_175, %lt3A_176 : i32
      %convert_element_type3A_178 = arith.extui %lt3A_177 : i1 to i32
      %cond3A_179 = arith.constant 0 : i32
      %cond3A_180 = arith.cmpi ne, %convert_element_type3A_178, %cond3A_179 : i32
      scf.if %cond3A_180 {
        %add3A_214 = arith.constant 1 : i32
        %add3A_215 = arith.addi %add3A_150, %add3A_214 : i32
        %mul3A_216 = arith.constant 768 : i32
        %mul3A_217 = arith.muli %add3A_215, %mul3A_216 : i32
        %add3A_218 = arith.addi %mul3A_4, %mul3A_217 : i32
        %add3A_219 = arith.constant 1 : i32
        %add3A_220 = arith.addi %add3A_150, %add3A_219 : i32
        %rem3A_221 = arith.constant 3 : i32
        %rem3A_222 = arith.remsi %add3A_220, %rem3A_221 : i32
        %dma_start3A_223 = arith.constant 0 : i32
        %dma_start3A_224 = tpu.memref_slice %arg10[%rem3A_222, %dma_start3A_223] : memref<3x768xi32, #tpu.memory_space<vmem>> -> memref<1x768xi32, #tpu.memory_space<vmem>>
        %dma_start3A_225 = tpu.memref_squeeze %dma_start3A_224 : memref<1x768xi32, #tpu.memory_space<vmem>> -> memref<768xi32, #tpu.memory_space<vmem>>
        %dma_start3A_226 = tpu.memref_slice %arg3[%add3A_218] : memref<3200000xi32, #tpu.memory_space<hbm>> -> memref<768xi32, #tpu.memory_space<hbm>>
        %dma_start3A_227 = arith.constant 0 : i32
        %dma_start3A_228 = tpu.memref_slice %arg10[%rem3A_222, %dma_start3A_227] : memref<3x768xi32, #tpu.memory_space<vmem>> -> memref<1x768xi32, #tpu.memory_space<vmem>>
        %dma_start3A_229 = tpu.memref_squeeze %dma_start3A_228 : memref<1x768xi32, #tpu.memory_space<vmem>> -> memref<768xi32, #tpu.memory_space<vmem>>
        %dma_start3A_230 = tpu.memref_slice %arg3[%add3A_218] : memref<3200000xi32, #tpu.memory_space<hbm>> -> memref<768xi32, #tpu.memory_space<hbm>>
        tpu.enqueue_dma source(%dma_start3A_230 : memref<768xi32, #tpu.memory_space<hbm>>) target(%dma_start3A_229 : memref<768xi32, #tpu.memory_space<vmem>>) target_semaphore(%arg18 : memref<!tpu.dma_semaphore, #tpu.memory_space<semaphore_mem>>)
        %dma_start3A_231 = arith.constant 0 : i32
        %dma_start3A_232 = tpu.memref_slice %arg11[%rem3A_222, %dma_start3A_231] : memref<3x768xi32, #tpu.memory_space<vmem>> -> memref<1x768xi32, #tpu.memory_space<vmem>>
        %dma_start3A_233 = tpu.memref_squeeze %dma_start3A_232 : memref<1x768xi32, #tpu.memory_space<vmem>> -> memref<768xi32, #tpu.memory_space<vmem>>
        %dma_start3A_234 = tpu.memref_slice %arg4[%add3A_218] : memref<3200000xi32, #tpu.memory_space<hbm>> -> memref<768xi32, #tpu.memory_space<hbm>>
        %dma_start3A_235 = arith.constant 0 : i32
        %dma_start3A_236 = tpu.memref_slice %arg11[%rem3A_222, %dma_start3A_235] : memref<3x768xi32, #tpu.memory_space<vmem>> -> memref<1x768xi32, #tpu.memory_space<vmem>>
        %dma_start3A_237 = tpu.memref_squeeze %dma_start3A_236 : memref<1x768xi32, #tpu.memory_space<vmem>> -> memref<768xi32, #tpu.memory_space<vmem>>
        %dma_start3A_238 = tpu.memref_slice %arg4[%add3A_218] : memref<3200000xi32, #tpu.memory_space<hbm>> -> memref<768xi32, #tpu.memory_space<hbm>>
        tpu.enqueue_dma source(%dma_start3A_238 : memref<768xi32, #tpu.memory_space<hbm>>) target(%dma_start3A_237 : memref<768xi32, #tpu.memory_space<vmem>>) target_semaphore(%arg18 : memref<!tpu.dma_semaphore, #tpu.memory_space<semaphore_mem>>)
      } else {
      }
      %dma_start3A_181 = arith.constant 1 : i32
      %dma_start3A_182 = arith.constant 0 : i32
      %dma_start3A_183 = arith.constant 0 : i32
      %dma_start3A_184 = tpu.memref_slice %arg12[%dma_start3A_181, %dma_start3A_182, %dma_start3A_183] : memref<2x768x16xf32, #tpu.memory_space<vmem>> -> memref<1x768x16xf32, #tpu.memory_space<vmem>>
      %dma_start3A_185 = tpu.memref_squeeze %dma_start3A_184 : memref<1x768x16xf32, #tpu.memory_space<vmem>> -> memref<768x16xf32, #tpu.memory_space<vmem>>
      %dma_start3A_186 = arith.constant 0 : i32
      %dma_start3A_187 = tpu.memref_slice %arg10[%rem3A_152, %dma_start3A_186] : memref<3x768xi32, #tpu.memory_space<vmem>> -> memref<1x768xi32, #tpu.memory_space<vmem>>
      %dma_start3A_188 = tpu.memref_squeeze %dma_start3A_187 : memref<1x768xi32, #tpu.memory_space<vmem>> -> memref<768xi32, #tpu.memory_space<vmem>>
      %dma_start3A_189 = arith.constant 0 : i32
      %dma_start3A_190 = arith.constant 0 : i32
      %dma_start3A_191 = tpu.memref_slice %arg2[%dma_start3A_189, %dma_start3A_190] : memref<100352x16xf32, #tpu.memory_space<hbm>> -> memref<100352x16xf32, #tpu.memory_space<hbm>>
      tpu.enqueue_indirect_dma source(%dma_start3A_191 : memref<100352x16xf32, #tpu.memory_space<hbm>>) target(%dma_start3A_185 : memref<768x16xf32, #tpu.memory_space<vmem>>) offsets(%dma_start3A_188 : memref<768xi32, #tpu.memory_space<vmem>>) semaphore(%arg15 : memref<!tpu.dma_semaphore, #tpu.memory_space<semaphore_mem>>)
      %dma_wait3A_192 = arith.constant 1 : i32
      %dma_wait3A_193 = arith.constant 0 : i32
      %dma_wait3A_194 = arith.constant 0 : i32
      %dma_wait3A_195 = tpu.memref_slice %arg12[%dma_wait3A_192, %dma_wait3A_193, %dma_wait3A_194] : memref<2x768x16xf32, #tpu.memory_space<vmem>> -> memref<1x768x16xf32, #tpu.memory_space<vmem>>
      %dma_wait3A_196 = tpu.memref_squeeze %dma_wait3A_195 : memref<1x768x16xf32, #tpu.memory_space<vmem>> -> memref<768x16xf32, #tpu.memory_space<vmem>>
      %dma_wait3A_197 = arith.constant 0 : i32
      %dma_wait3A_198 = tpu.memref_slice %arg10[%rem3A_152, %dma_wait3A_197] : memref<3x768xi32, #tpu.memory_space<vmem>> -> memref<1x768xi32, #tpu.memory_space<vmem>>
      %dma_wait3A_199 = tpu.memref_squeeze %dma_wait3A_198 : memref<1x768xi32, #tpu.memory_space<vmem>> -> memref<768xi32, #tpu.memory_space<vmem>>
      %dma_wait3A_200 = arith.constant 0 : i32
      %dma_wait3A_201 = arith.constant 0 : i32
      %dma_wait3A_202 = tpu.memref_slice %arg2[%dma_wait3A_200, %dma_wait3A_201] : memref<100352x16xf32, #tpu.memory_space<hbm>> -> memref<100352x16xf32, #tpu.memory_space<hbm>>
      tpu.wait_indirect_dma semaphore(%arg15 : memref<!tpu.dma_semaphore, #tpu.memory_space<semaphore_mem>>) src(%dma_wait3A_202 : memref<100352x16xf32, #tpu.memory_space<hbm>>) dst(%dma_wait3A_196 : memref<768x16xf32, #tpu.memory_space<vmem>>)
      %dma_start3A_203 = arith.constant 1 : i32
      %dma_start3A_204 = arith.constant 0 : i32
      %dma_start3A_205 = arith.constant 0 : i32
      %dma_start3A_206 = tpu.memref_slice %arg12[%dma_start3A_203, %dma_start3A_204, %dma_start3A_205] : memref<2x768x16xf32, #tpu.memory_space<vmem>> -> memref<1x768x16xf32, #tpu.memory_space<vmem>>
      %dma_start3A_207 = tpu.memref_squeeze %dma_start3A_206 : memref<1x768x16xf32, #tpu.memory_space<vmem>> -> memref<768x16xf32, #tpu.memory_space<vmem>>
      %dma_start3A_208 = arith.constant 0 : i32
      %dma_start3A_209 = tpu.memref_slice %arg11[%rem3A_152, %dma_start3A_208] : memref<3x768xi32, #tpu.memory_space<vmem>> -> memref<1x768xi32, #tpu.memory_space<vmem>>
      %dma_start3A_210 = tpu.memref_squeeze %dma_start3A_209 : memref<1x768xi32, #tpu.memory_space<vmem>> -> memref<768xi32, #tpu.memory_space<vmem>>
      %dma_start3A_211 = arith.constant 0 : i32
      %dma_start3A_212 = arith.constant 0 : i32
      %dma_start3A_213 = tpu.memref_slice %arg9[%dma_start3A_211, %dma_start3A_212] : memref<100352x16xf32, #tpu.memory_space<vmem_shared>> -> memref<100352x16xf32, #tpu.memory_space<vmem_shared>>
      tpu.enqueue_indirect_dma source(%dma_start3A_207 : memref<768x16xf32, #tpu.memory_space<vmem>>) target(%dma_start3A_213 : memref<100352x16xf32, #tpu.memory_space<vmem_shared>>) offsets(%dma_start3A_210 : memref<768xi32, #tpu.memory_space<vmem>>) semaphore(%arg17 : memref<!tpu.dma_semaphore, #tpu.memory_space<semaphore_mem>>) {add = true}
    }
    %scan3A_26 = arith.constant 65 : i32
    %dma_wait3A = arith.constant 0 : i32
    %dma_wait3A_27 = arith.constant 0 : i32
    %dma_wait3A_28 = arith.constant 0 : i32
    %dma_wait3A_29 = tpu.memref_slice %arg12[%dma_wait3A, %dma_wait3A_27, %dma_wait3A_28] : memref<2x768x16xf32, #tpu.memory_space<vmem>> -> memref<1x768x16xf32, #tpu.memory_space<vmem>>
    %dma_wait3A_30 = tpu.memref_squeeze %dma_wait3A_29 : memref<1x768x16xf32, #tpu.memory_space<vmem>> -> memref<768x16xf32, #tpu.memory_space<vmem>>
    %dma_wait3A_31 = arith.constant 0 : i32
    %dma_wait3A_32 = arith.constant 0 : i32
    %dma_wait3A_33 = tpu.memref_slice %arg6[%dma_wait3A_31, %dma_wait3A_32] : memref<100352x16xf32, #tpu.memory_space<hbm>> -> memref<768x16xf32, #tpu.memory_space<hbm>>
    %dma_wait3A_34 = arith.constant 0 : i32
    %dma_wait3A_35 = arith.constant 0 : i32
    %dma_wait3A_36 = tpu.memref_slice %arg12[%dma_wait3A, %dma_wait3A_34, %dma_wait3A_35] : memref<2x768x16xf32, #tpu.memory_space<vmem>> -> memref<1x768x16xf32, #tpu.memory_space<vmem>>
    %dma_wait3A_37 = tpu.memref_squeeze %dma_wait3A_36 : memref<1x768x16xf32, #tpu.memory_space<vmem>> -> memref<768x16xf32, #tpu.memory_space<vmem>>
    %dma_wait3A_38 = arith.constant 0 : i32
    %dma_wait3A_39 = arith.constant 0 : i32
    %dma_wait3A_40 = tpu.memref_slice %arg6[%dma_wait3A_38, %dma_wait3A_39] : memref<100352x16xf32, #tpu.memory_space<hbm>> -> memref<768x16xf32, #tpu.memory_space<hbm>>
    tpu.wait_dma2 semaphore(%arg16 : memref<!tpu.dma_semaphore, #tpu.memory_space<semaphore_mem>>) src(%dma_wait3A_40 : memref<768x16xf32, #tpu.memory_space<hbm>>) dst(%dma_wait3A_37 : memref<768x16xf32, #tpu.memory_space<vmem>>)
    %dma_wait3A_41 = arith.constant 1 : i32
    %dma_wait3A_42 = arith.constant 0 : i32
    %dma_wait3A_43 = arith.constant 0 : i32
    %dma_wait3A_44 = tpu.memref_slice %arg12[%dma_wait3A_41, %dma_wait3A_42, %dma_wait3A_43] : memref<2x768x16xf32, #tpu.memory_space<vmem>> -> memref<1x768x16xf32, #tpu.memory_space<vmem>>
    %dma_wait3A_45 = tpu.memref_squeeze %dma_wait3A_44 : memref<1x768x16xf32, #tpu.memory_space<vmem>> -> memref<768x16xf32, #tpu.memory_space<vmem>>
    %dma_wait3A_46 = arith.constant 0 : i32
    %dma_wait3A_47 = arith.constant 0 : i32
    %dma_wait3A_48 = tpu.memref_slice %arg6[%dma_wait3A_46, %dma_wait3A_47] : memref<100352x16xf32, #tpu.memory_space<hbm>> -> memref<768x16xf32, #tpu.memory_space<hbm>>
    %dma_wait3A_49 = arith.constant 0 : i32
    %dma_wait3A_50 = arith.constant 0 : i32
    %dma_wait3A_51 = tpu.memref_slice %arg12[%dma_wait3A_41, %dma_wait3A_49, %dma_wait3A_50] : memref<2x768x16xf32, #tpu.memory_space<vmem>> -> memref<1x768x16xf32, #tpu.memory_space<vmem>>
    %dma_wait3A_52 = tpu.memref_squeeze %dma_wait3A_51 : memref<1x768x16xf32, #tpu.memory_space<vmem>> -> memref<768x16xf32, #tpu.memory_space<vmem>>
    %dma_wait3A_53 = arith.constant 0 : i32
    %dma_wait3A_54 = arith.constant 0 : i32
    %dma_wait3A_55 = tpu.memref_slice %arg6[%dma_wait3A_53, %dma_wait3A_54] : memref<100352x16xf32, #tpu.memory_space<hbm>> -> memref<768x16xf32, #tpu.memory_space<hbm>>
    tpu.wait_dma2 semaphore(%arg17 : memref<!tpu.dma_semaphore, #tpu.memory_space<semaphore_mem>>) src(%dma_wait3A_55 : memref<768x16xf32, #tpu.memory_space<hbm>>) dst(%dma_wait3A_52 : memref<768x16xf32, #tpu.memory_space<vmem>>)
    %add3A_56 = arith.constant 99840 : i32
    %add3A_57 = arith.addi %mul3A_4, %add3A_56 : i32
    "tpu.region"() ({
      %run_scoped3A_82 = tpu.sem_alloc : memref<!tpu.dma_semaphore, #tpu.memory_space<semaphore_mem>>
      %dma_start3A_83 = tpu.memref_slice %arg3[%add3A_57] : memref<3200000xi32, #tpu.memory_space<hbm>> -> memref<160xi32, #tpu.memory_space<hbm>>
      %dma_start3A_84 = tpu.memref_slice %arg3[%add3A_57] : memref<3200000xi32, #tpu.memory_space<hbm>> -> memref<160xi32, #tpu.memory_space<hbm>>
      tpu.enqueue_dma source(%dma_start3A_84 : memref<160xi32, #tpu.memory_space<hbm>>) target(%arg13 : memref<160xi32, #tpu.memory_space<vmem>>) target_semaphore(%run_scoped3A_82 : memref<!tpu.dma_semaphore, #tpu.memory_space<semaphore_mem>>)
      %dma_wait3A_85 = tpu.memref_slice %arg3[%add3A_57] : memref<3200000xi32, #tpu.memory_space<hbm>> -> memref<160xi32, #tpu.memory_space<hbm>>
      %dma_wait3A_86 = tpu.memref_slice %arg3[%add3A_57] : memref<3200000xi32, #tpu.memory_space<hbm>> -> memref<160xi32, #tpu.memory_space<hbm>>
      tpu.wait_dma2 semaphore(%run_scoped3A_82 : memref<!tpu.dma_semaphore, #tpu.memory_space<semaphore_mem>>) src(%dma_wait3A_86 : memref<160xi32, #tpu.memory_space<hbm>>) dst(%arg13 : memref<160xi32, #tpu.memory_space<vmem>>)
      tpu.yield
    }) : () -> ()
    "tpu.region"() ({
      %run_scoped3A_82 = tpu.sem_alloc : memref<!tpu.dma_semaphore, #tpu.memory_space<semaphore_mem>>
      %dma_start3A_83 = tpu.memref_slice %arg4[%add3A_57] : memref<3200000xi32, #tpu.memory_space<hbm>> -> memref<160xi32, #tpu.memory_space<hbm>>
      %dma_start3A_84 = tpu.memref_slice %arg4[%add3A_57] : memref<3200000xi32, #tpu.memory_space<hbm>> -> memref<160xi32, #tpu.memory_space<hbm>>
      tpu.enqueue_dma source(%dma_start3A_84 : memref<160xi32, #tpu.memory_space<hbm>>) target(%arg14 : memref<160xi32, #tpu.memory_space<vmem>>) target_semaphore(%run_scoped3A_82 : memref<!tpu.dma_semaphore, #tpu.memory_space<semaphore_mem>>)
      %dma_wait3A_85 = tpu.memref_slice %arg4[%add3A_57] : memref<3200000xi32, #tpu.memory_space<hbm>> -> memref<160xi32, #tpu.memory_space<hbm>>
      %dma_wait3A_86 = tpu.memref_slice %arg4[%add3A_57] : memref<3200000xi32, #tpu.memory_space<hbm>> -> memref<160xi32, #tpu.memory_space<hbm>>
      tpu.wait_dma2 semaphore(%run_scoped3A_82 : memref<!tpu.dma_semaphore, #tpu.memory_space<semaphore_mem>>) src(%dma_wait3A_86 : memref<160xi32, #tpu.memory_space<hbm>>) dst(%arg14 : memref<160xi32, #tpu.memory_space<vmem>>)
      tpu.yield
    }) : () -> ()
    %dma_start3A_58 = arith.constant 0 : i32
    %dma_start3A_59 = arith.constant 0 : i32
    %dma_start3A_60 = arith.constant 0 : i32
    %dma_start3A_61 = tpu.memref_slice %arg12[%dma_start3A_58, %dma_start3A_59, %dma_start3A_60] : memref<2x768x16xf32, #tpu.memory_space<vmem>> -> memref<1x160x16xf32, #tpu.memory_space<vmem>>
    %dma_start3A_62 = tpu.memref_squeeze %dma_start3A_61 : memref<1x160x16xf32, #tpu.memory_space<vmem>> -> memref<160x16xf32, #tpu.memory_space<vmem>>
    %dma_start3A_63 = arith.constant 0 : i32
    %dma_start3A_64 = arith.constant 0 : i32
    %dma_start3A_65 = tpu.memref_slice %arg2[%dma_start3A_63, %dma_start3A_64] : memref<100352x16xf32, #tpu.memory_space<hbm>> -> memref<100352x16xf32, #tpu.memory_space<hbm>>
    tpu.enqueue_indirect_dma source(%dma_start3A_65 : memref<100352x16xf32, #tpu.memory_space<hbm>>) target(%dma_start3A_62 : memref<160x16xf32, #tpu.memory_space<vmem>>) offsets(%arg13 : memref<160xi32, #tpu.memory_space<vmem>>) semaphore(%arg15 : memref<!tpu.dma_semaphore, #tpu.memory_space<semaphore_mem>>)
    %dma_wait3A_66 = arith.constant 0 : i32
    %dma_wait3A_67 = arith.constant 0 : i32
    %dma_wait3A_68 = arith.constant 0 : i32
    %dma_wait3A_69 = tpu.memref_slice %arg12[%dma_wait3A_66, %dma_wait3A_67, %dma_wait3A_68] : memref<2x768x16xf32, #tpu.memory_space<vmem>> -> memref<1x160x16xf32, #tpu.memory_space<vmem>>
    %dma_wait3A_70 = tpu.memref_squeeze %dma_wait3A_69 : memref<1x160x16xf32, #tpu.memory_space<vmem>> -> memref<160x16xf32, #tpu.memory_space<vmem>>
    %dma_wait3A_71 = arith.constant 0 : i32
    %dma_wait3A_72 = arith.constant 0 : i32
    %dma_wait3A_73 = tpu.memref_slice %arg2[%dma_wait3A_71, %dma_wait3A_72] : memref<100352x16xf32, #tpu.memory_space<hbm>> -> memref<100352x16xf32, #tpu.memory_space<hbm>>
    tpu.wait_indirect_dma semaphore(%arg15 : memref<!tpu.dma_semaphore, #tpu.memory_space<semaphore_mem>>) src(%dma_wait3A_73 : memref<100352x16xf32, #tpu.memory_space<hbm>>) dst(%dma_wait3A_70 : memref<160x16xf32, #tpu.memory_space<vmem>>)
    %run_scoped3A = arith.constant 0 : i32
    "tpu.region"() ({
      %run_scoped3A_82 = tpu.sem_alloc : memref<!tpu.dma_semaphore, #tpu.memory_space<semaphore_mem>>
      %dma_start3A_83 = arith.constant 0 : i32
      %dma_start3A_84 = arith.constant 0 : i32
      %dma_start3A_85 = tpu.memref_slice %arg12[%run_scoped3A, %dma_start3A_83, %dma_start3A_84] : memref<2x768x16xf32, #tpu.memory_space<vmem>> -> memref<1x160x16xf32, #tpu.memory_space<vmem>>
      %dma_start3A_86 = tpu.memref_squeeze %dma_start3A_85 : memref<1x160x16xf32, #tpu.memory_space<vmem>> -> memref<160x16xf32, #tpu.memory_space<vmem>>
      %dma_start3A_87 = arith.constant 0 : i32
      %dma_start3A_88 = arith.constant 0 : i32
      %dma_start3A_89 = tpu.memref_slice %arg9[%dma_start3A_87, %dma_start3A_88] : memref<100352x16xf32, #tpu.memory_space<vmem_shared>> -> memref<100352x16xf32, #tpu.memory_space<vmem_shared>>
      tpu.enqueue_indirect_dma source(%dma_start3A_86 : memref<160x16xf32, #tpu.memory_space<vmem>>) target(%dma_start3A_89 : memref<100352x16xf32, #tpu.memory_space<vmem_shared>>) offsets(%arg14 : memref<160xi32, #tpu.memory_space<vmem>>) semaphore(%run_scoped3A_82 : memref<!tpu.dma_semaphore, #tpu.memory_space<semaphore_mem>>) {add = true}
      %dma_wait3A_90 = arith.constant 0 : i32
      %dma_wait3A_91 = arith.constant 0 : i32
      %dma_wait3A_92 = tpu.memref_slice %arg12[%run_scoped3A, %dma_wait3A_90, %dma_wait3A_91] : memref<2x768x16xf32, #tpu.memory_space<vmem>> -> memref<1x160x16xf32, #tpu.memory_space<vmem>>
      %dma_wait3A_93 = tpu.memref_squeeze %dma_wait3A_92 : memref<1x160x16xf32, #tpu.memory_space<vmem>> -> memref<160x16xf32, #tpu.memory_space<vmem>>
      %dma_wait3A_94 = arith.constant 0 : i32
      %dma_wait3A_95 = arith.constant 0 : i32
      %dma_wait3A_96 = tpu.memref_slice %arg9[%dma_wait3A_94, %dma_wait3A_95] : memref<100352x16xf32, #tpu.memory_space<vmem_shared>> -> memref<100352x16xf32, #tpu.memory_space<vmem_shared>>
      tpu.wait_indirect_dma semaphore(%run_scoped3A_82 : memref<!tpu.dma_semaphore, #tpu.memory_space<semaphore_mem>>) src(%dma_wait3A_93 : memref<160x16xf32, #tpu.memory_space<vmem>>) dst(%dma_wait3A_96 : memref<100352x16xf32, #tpu.memory_space<vmem_shared>>)
      tpu.yield
    }) : () -> ()
    %barrier3A_74 = arith.constant 0 : index
    tpu.barrier barrier_id(%barrier3A_74)
    %eq3A = arith.constant 0 : i32
    %eq3A_75 = arith.cmpi eq, %arg0, %eq3A : i32
    %convert_element_type3A = arith.extui %eq3A_75 : i1 to i32
    %cond3A = arith.constant 0 : i32
    %cond3A_76 = arith.cmpi ne, %convert_element_type3A, %cond3A : i32
    scf.if %cond3A_76 {
      "tpu.region"() ({
        %run_scoped3A_82 = tpu.sem_alloc : memref<!tpu.dma_semaphore, #tpu.memory_space<semaphore_mem>>
        %dma_start3A_83 = arith.constant 0 : i32
        %dma_start3A_84 = tpu.memref_slice %arg7[%mul3A_0, %dma_start3A_83] : memref<100352x16xf32, #tpu.memory_space<hbm>> -> memref<6272x16xf32, #tpu.memory_space<hbm>>
        %dma_start3A_85 = arith.constant 0 : i32
        %dma_start3A_86 = tpu.memref_slice %arg9[%mul3A_0, %dma_start3A_85] : memref<100352x16xf32, #tpu.memory_space<vmem_shared>> -> memref<6272x16xf32, #tpu.memory_space<vmem_shared>>
        tpu.enqueue_dma source(%dma_start3A_86 : memref<6272x16xf32, #tpu.memory_space<vmem_shared>>) target(%dma_start3A_84 : memref<6272x16xf32, #tpu.memory_space<hbm>>) target_semaphore(%run_scoped3A_82 : memref<!tpu.dma_semaphore, #tpu.memory_space<semaphore_mem>>)
        %dma_wait3A_87 = arith.constant 0 : i32
        %dma_wait3A_88 = tpu.memref_slice %arg7[%mul3A_0, %dma_wait3A_87] : memref<100352x16xf32, #tpu.memory_space<hbm>> -> memref<6272x16xf32, #tpu.memory_space<hbm>>
        %dma_wait3A_89 = arith.constant 0 : i32
        %dma_wait3A_90 = tpu.memref_slice %arg9[%mul3A_0, %dma_wait3A_89] : memref<100352x16xf32, #tpu.memory_space<vmem_shared>> -> memref<6272x16xf32, #tpu.memory_space<vmem_shared>>
        tpu.wait_dma2 semaphore(%run_scoped3A_82 : memref<!tpu.dma_semaphore, #tpu.memory_space<semaphore_mem>>) src(%dma_wait3A_90 : memref<6272x16xf32, #tpu.memory_space<vmem_shared>>) dst(%dma_wait3A_88 : memref<6272x16xf32, #tpu.memory_space<hbm>>)
        tpu.yield
      }) : () -> ()
    } else {
    }
    %eq3A_77 = arith.constant 1 : i32
    %eq3A_78 = arith.cmpi eq, %arg0, %eq3A_77 : i32
    %convert_element_type3A_79 = arith.extui %eq3A_78 : i1 to i32
    %cond3A_80 = arith.constant 0 : i32
    %cond3A_81 = arith.cmpi ne, %convert_element_type3A_79, %cond3A_80 : i32
    scf.if %cond3A_81 {
      "tpu.region"() ({
        %run_scoped3A_82 = tpu.sem_alloc : memref<!tpu.dma_semaphore, #tpu.memory_space<semaphore_mem>>
        %dma_start3A_83 = arith.constant 0 : i32
        %dma_start3A_84 = tpu.memref_slice %arg8[%mul3A_0, %dma_start3A_83] : memref<100352x16xf32, #tpu.memory_space<hbm>> -> memref<6272x16xf32, #tpu.memory_space<hbm>>
        %dma_start3A_85 = arith.constant 0 : i32
        %dma_start3A_86 = tpu.memref_slice %arg9[%mul3A_0, %dma_start3A_85] : memref<100352x16xf32, #tpu.memory_space<vmem_shared>> -> memref<6272x16xf32, #tpu.memory_space<vmem_shared>>
        tpu.enqueue_dma source(%dma_start3A_86 : memref<6272x16xf32, #tpu.memory_space<vmem_shared>>) target(%dma_start3A_84 : memref<6272x16xf32, #tpu.memory_space<hbm>>) target_semaphore(%run_scoped3A_82 : memref<!tpu.dma_semaphore, #tpu.memory_space<semaphore_mem>>)
        %dma_wait3A_87 = arith.constant 0 : i32
        %dma_wait3A_88 = tpu.memref_slice %arg8[%mul3A_0, %dma_wait3A_87] : memref<100352x16xf32, #tpu.memory_space<hbm>> -> memref<6272x16xf32, #tpu.memory_space<hbm>>
        %dma_wait3A_89 = arith.constant 0 : i32
        %dma_wait3A_90 = tpu.memref_slice %arg9[%mul3A_0, %dma_wait3A_89] : memref<100352x16xf32, #tpu.memory_space<vmem_shared>> -> memref<6272x16xf32, #tpu.memory_space<vmem_shared>>
        tpu.wait_dma2 semaphore(%run_scoped3A_82 : memref<!tpu.dma_semaphore, #tpu.memory_space<semaphore_mem>>) src(%dma_wait3A_90 : memref<6272x16xf32, #tpu.memory_space<vmem_shared>>) dst(%dma_wait3A_88 : memref<6272x16xf32, #tpu.memory_space<hbm>>)
        tpu.yield
      }) : () -> ()
    } else {
    }
    return
  }
}

module attributes {stable_mosaic.version = 14 : i64} {
  func.func @_mlp_a_body(%arg0: i32, %arg1: memref<2048x16xf32, #tpu.memory_space<vmem>>, %arg2: memref<2048x16xf32, #tpu.memory_space<vmem>>, %arg3: memref<2048x16xf32, #tpu.memory_space<vmem>>, %arg4: memref<16x64xf32, #tpu.memory_space<vmem>>, %arg5: memref<1x64xf32, #tpu.memory_space<vmem>>, %arg6: memref<64x64xf32, #tpu.memory_space<vmem>>, %arg7: memref<1x64xf32, #tpu.memory_space<vmem>>, %arg8: memref<2048x16xf32, #tpu.memory_space<vmem>>, %arg9: memref<2048x16xf32, #tpu.memory_space<vmem>>, %arg10: memref<2048x16xf32, #tpu.memory_space<vmem>>, %arg11: memref<2048x16xf32, #tpu.memory_space<vmem>>) attributes {dimension_semantics = [#tpu.dimension_semantics<arbitrary>], iteration_bounds = array<i64: 49>, scalar_prefetch = 0 : i64, scratch_operands = 0 : i64, tpu.core_type = #tpu.core_type<tc>, window_params = [{transform_indices = @transform_0, window_bounds = array<i64: 2048, 16>}, {transform_indices = @transform_1, window_bounds = array<i64: 2048, 16>}, {transform_indices = @transform_2, window_bounds = array<i64: 2048, 16>}, {pipeline_mode = #tpu.pipeline_mode<synchronous>, transform_indices = @transform_3, window_bounds = array<i64: 16, 64>}, {pipeline_mode = #tpu.pipeline_mode<synchronous>, transform_indices = @transform_4, window_bounds = array<i64: 1, 64>}, {pipeline_mode = #tpu.pipeline_mode<synchronous>, transform_indices = @transform_5, window_bounds = array<i64: 64, 64>}, {pipeline_mode = #tpu.pipeline_mode<synchronous>, transform_indices = @transform_6, window_bounds = array<i64: 1, 64>}, {transform_indices = @transform_7, window_bounds = array<i64: 2048, 16>}, {transform_indices = @transform_8, window_bounds = array<i64: 2048, 16>}, {transform_indices = @transform_9, window_bounds = array<i64: 2048, 16>}, {transform_indices = @transform_10, window_bounds = array<i64: 2048, 16>}]} {
    %get3A = arith.constant 0 : index
    %get3A_0 = arith.constant 0 : index
    %get3A_1 = vector.load %arg1[%get3A, %get3A_0] : memref<2048x16xf32, #tpu.memory_space<vmem>>, vector<2048x16xf32>
    %get3A_2 = arith.constant 0 : index
    %get3A_3 = arith.constant 0 : index
    %get3A_4 = vector.load %arg2[%get3A_2, %get3A_3] : memref<2048x16xf32, #tpu.memory_space<vmem>>, vector<2048x16xf32>
    %add3A = arith.addf %get3A_1, %get3A_4 : vector<2048x16xf32>
    %get3A_5 = arith.constant 0 : index
    %get3A_6 = arith.constant 0 : index
    %get3A_7 = vector.load %arg3[%get3A_5, %get3A_6] : memref<2048x16xf32, #tpu.memory_space<vmem>>, vector<2048x16xf32>
    %add3A_8 = arith.addf %add3A, %get3A_7 : vector<2048x16xf32>
    %get3A_9 = arith.constant 0 : index
    %get3A_10 = arith.constant 0 : index
    %get3A_11 = vector.load %arg4[%get3A_9, %get3A_10] : memref<16x64xf32, #tpu.memory_space<vmem>>, vector<16x64xf32>
    %dot_general3A = arith.constant dense<0.000000e+00> : vector<2048x64xf32>
    %dot_general3A_12 = tpu.matmul %add3A_8, %get3A_11, %dot_general3A {dimension_numbers = #tpu.dot_dimension_numbers<[1], [0], [0], [1], [0, 0, 1, 1], [], []>, transpose_lhs_hint = false} : vector<2048x16xf32>, vector<16x64xf32>, vector<2048x64xf32> -> vector<2048x64xf32>
    %get3A_13 = arith.constant 0 : index
    %get3A_14 = arith.constant 0 : index
    %get3A_15 = vector.load %arg5[%get3A_13, %get3A_14] : memref<1x64xf32, #tpu.memory_space<vmem>>, vector<1x64xf32>
    %add3A_16 = vector.broadcast %get3A_15 : vector<1x64xf32> to vector<2048x64xf32>
    %add3A_17 = arith.addf %dot_general3A_12, %add3A_16 : vector<2048x64xf32>
    %max3A = arith.constant 0.000000e+00 : f32
    %max3A_18 = vector.broadcast %max3A : f32 to vector<2048x64xf32>
    %max3A_19 = arith.maximumf %add3A_17, %max3A_18 : vector<2048x64xf32>
    %get3A_20 = arith.constant 0 : index
    %get3A_21 = arith.constant 0 : index
    %get3A_22 = vector.load %arg6[%get3A_20, %get3A_21] : memref<64x64xf32, #tpu.memory_space<vmem>>, vector<64x64xf32>
    %dot_general3A_23 = arith.constant dense<0.000000e+00> : vector<2048x64xf32>
    %dot_general3A_24 = tpu.matmul %max3A_19, %get3A_22, %dot_general3A_23 {dimension_numbers = #tpu.dot_dimension_numbers<[1], [0], [0], [1], [0, 0, 1, 1], [], []>, transpose_lhs_hint = false} : vector<2048x64xf32>, vector<64x64xf32>, vector<2048x64xf32> -> vector<2048x64xf32>
    %get3A_25 = arith.constant 0 : index
    %get3A_26 = arith.constant 0 : index
    %get3A_27 = vector.load %arg7[%get3A_25, %get3A_26] : memref<1x64xf32, #tpu.memory_space<vmem>>, vector<1x64xf32>
    %add3A_28 = vector.broadcast %get3A_27 : vector<1x64xf32> to vector<2048x64xf32>
    %add3A_29 = arith.addf %dot_general3A_24, %add3A_28 : vector<2048x64xf32>
    %max3A_30 = arith.constant 0.000000e+00 : f32
    %max3A_31 = vector.broadcast %max3A_30 : f32 to vector<2048x64xf32>
    %max3A_32 = arith.maximumf %add3A_29, %max3A_31 : vector<2048x64xf32>
    %max3A_33 = arith.constant 0.000000e+00 : f32
    %max3A_34 = vector.broadcast %max3A_33 : f32 to vector<2048x64xf32>
    %max3A_35 = arith.maximumf %max3A_32, %max3A_34 : vector<2048x64xf32>
    %slice3A = vector.extract_strided_slice %max3A_35 {offsets = [0, 0], sizes = [2048, 16], strides = [1, 1]} : vector<2048x64xf32> to vector<2048x16xf32>
    %swap3A = arith.constant 0 : index
    %swap3A_36 = arith.constant 0 : index
    %swap3A_37 = vector.load %arg8[%swap3A, %swap3A_36] : memref<2048x16xf32, #tpu.memory_space<vmem>>, vector<2048x16xf32>
    tpu.vector_store %arg8[%swap3A, %swap3A_36], %slice3A {strides = array<i32>} : memref<2048x16xf32, #tpu.memory_space<vmem>>, vector<2048x16xf32>,
    %slice3A_38 = vector.extract_strided_slice %max3A_35 {offsets = [0, 16], sizes = [2048, 16], strides = [1, 1]} : vector<2048x64xf32> to vector<2048x16xf32>
    %swap3A_39 = arith.constant 0 : index
    %swap3A_40 = arith.constant 0 : index
    %swap3A_41 = vector.load %arg9[%swap3A_39, %swap3A_40] : memref<2048x16xf32, #tpu.memory_space<vmem>>, vector<2048x16xf32>
    tpu.vector_store %arg9[%swap3A_39, %swap3A_40], %slice3A_38 {strides = array<i32>} : memref<2048x16xf32, #tpu.memory_space<vmem>>, vector<2048x16xf32>,
    %slice3A_42 = vector.extract_strided_slice %max3A_35 {offsets = [0, 32], sizes = [2048, 16], strides = [1, 1]} : vector<2048x64xf32> to vector<2048x16xf32>
    %swap3A_43 = arith.constant 0 : index
    %swap3A_44 = arith.constant 0 : index
    %swap3A_45 = vector.load %arg10[%swap3A_43, %swap3A_44] : memref<2048x16xf32, #tpu.memory_space<vmem>>, vector<2048x16xf32>
    tpu.vector_store %arg10[%swap3A_43, %swap3A_44], %slice3A_42 {strides = array<i32>} : memref<2048x16xf32, #tpu.memory_space<vmem>>, vector<2048x16xf32>,
    %slice3A_46 = vector.extract_strided_slice %max3A_35 {offsets = [0, 48], sizes = [2048, 16], strides = [1, 1]} : vector<2048x64xf32> to vector<2048x16xf32>
    %swap3A_47 = arith.constant 0 : index
    %swap3A_48 = arith.constant 0 : index
    %swap3A_49 = vector.load %arg11[%swap3A_47, %swap3A_48] : memref<2048x16xf32, #tpu.memory_space<vmem>>, vector<2048x16xf32>
    tpu.vector_store %arg11[%swap3A_47, %swap3A_48], %slice3A_46 {strides = array<i32>} : memref<2048x16xf32, #tpu.memory_space<vmem>>, vector<2048x16xf32>,
    return
  }
  func.func @transform_0(%arg0: i32) -> (i32, i32) {
    %c0_i32 = arith.constant 0 : i32
    %c0_i32_0 = arith.constant 0 : i32
    return %arg0, %c0_i32 : i32, i32
  }
  func.func @transform_1(%arg0: i32) -> (i32, i32) {
    %c0_i32 = arith.constant 0 : i32
    %c0_i32_0 = arith.constant 0 : i32
    return %arg0, %c0_i32 : i32, i32
  }
  func.func @transform_2(%arg0: i32) -> (i32, i32) {
    %c0_i32 = arith.constant 0 : i32
    %c0_i32_0 = arith.constant 0 : i32
    return %arg0, %c0_i32 : i32, i32
  }
  func.func @transform_3(%arg0: i32) -> (i32, i32) {
    %c0_i32 = arith.constant 0 : i32
    %c0_i32_0 = arith.constant 0 : i32
    %c0_i32_1 = arith.constant 0 : i32
    return %c0_i32, %c0_i32_0 : i32, i32
  }
  func.func @transform_4(%arg0: i32) -> (i32, i32) {
    %c0_i32 = arith.constant 0 : i32
    %c0_i32_0 = arith.constant 0 : i32
    %c0_i32_1 = arith.constant 0 : i32
    return %c0_i32, %c0_i32_0 : i32, i32
  }
  func.func @transform_5(%arg0: i32) -> (i32, i32) {
    %c0_i32 = arith.constant 0 : i32
    %c0_i32_0 = arith.constant 0 : i32
    %c0_i32_1 = arith.constant 0 : i32
    return %c0_i32, %c0_i32_0 : i32, i32
  }
  func.func @transform_6(%arg0: i32) -> (i32, i32) {
    %c0_i32 = arith.constant 0 : i32
    %c0_i32_0 = arith.constant 0 : i32
    %c0_i32_1 = arith.constant 0 : i32
    return %c0_i32, %c0_i32_0 : i32, i32
  }
  func.func @transform_7(%arg0: i32) -> (i32, i32) {
    %c0_i32 = arith.constant 0 : i32
    %c0_i32_0 = arith.constant 0 : i32
    return %arg0, %c0_i32 : i32, i32
  }
  func.func @transform_8(%arg0: i32) -> (i32, i32) {
    %c0_i32 = arith.constant 0 : i32
    %c0_i32_0 = arith.constant 0 : i32
    return %arg0, %c0_i32 : i32, i32
  }
  func.func @transform_9(%arg0: i32) -> (i32, i32) {
    %c0_i32 = arith.constant 0 : i32
    %c0_i32_0 = arith.constant 0 : i32
    return %arg0, %c0_i32 : i32, i32
  }
  func.func @transform_10(%arg0: i32) -> (i32, i32) {
    %c0_i32 = arith.constant 0 : i32
    %c0_i32_0 = arith.constant 0 : i32
    return %arg0, %c0_i32 : i32, i32
  }
}

module attributes {stable_mosaic.version = 14 : i64} {
  func.func @_mlp_b_body(%arg0: i32, %arg1: memref<2048x16xf32, #tpu.memory_space<vmem>>, %arg2: memref<2048x16xf32, #tpu.memory_space<vmem>>, %arg3: memref<2048x16xf32, #tpu.memory_space<vmem>>, %arg4: memref<2048x16xf32, #tpu.memory_space<vmem>>, %arg5: memref<2048x16xf32, #tpu.memory_space<vmem>>, %arg6: memref<2048x16xf32, #tpu.memory_space<vmem>>, %arg7: memref<2048x16xf32, #tpu.memory_space<vmem>>, %arg8: memref<2048x16xf32, #tpu.memory_space<vmem>>, %arg9: memref<2048x1xi32, #tpu.memory_space<vmem>>, %arg10: memref<64x64xf32, #tpu.memory_space<vmem>>, %arg11: memref<1x64xf32, #tpu.memory_space<vmem>>, %arg12: memref<64x64xf32, #tpu.memory_space<vmem>>, %arg13: memref<1x64xf32, #tpu.memory_space<vmem>>, %arg14: memref<64x1xf32, #tpu.memory_space<vmem>>, %arg15: memref<1x1xf32, #tpu.memory_space<vmem>>, %arg16: memref<256x1xf32, #tpu.memory_space<vmem>>, %arg17: memref<256x128xf32, #tpu.memory_space<vmem>>) attributes {dimension_semantics = [#tpu.dimension_semantics<arbitrary>], iteration_bounds = array<i64: 49>, scalar_prefetch = 0 : i64, scratch_operands = 1 : i64, tpu.core_type = #tpu.core_type<tc>, window_params = [{transform_indices = @transform_0, window_bounds = array<i64: 2048, 16>}, {transform_indices = @transform_1, window_bounds = array<i64: 2048, 16>}, {transform_indices = @transform_2, window_bounds = array<i64: 2048, 16>}, {transform_indices = @transform_3, window_bounds = array<i64: 2048, 16>}, {transform_indices = @transform_4, window_bounds = array<i64: 2048, 16>}, {transform_indices = @transform_5, window_bounds = array<i64: 2048, 16>}, {transform_indices = @transform_6, window_bounds = array<i64: 2048, 16>}, {transform_indices = @transform_7, window_bounds = array<i64: 2048, 16>}, {transform_indices = @transform_8, window_bounds = array<i64: 2048, 1>}, {pipeline_mode = #tpu.pipeline_mode<synchronous>, transform_indices = @transform_9, window_bounds = array<i64: 64, 64>}, {pipeline_mode = #tpu.pipeline_mode<synchronous>, transform_indices = @transform_10, window_bounds = array<i64: 1, 64>}, {pipeline_mode = #tpu.pipeline_mode<synchronous>, transform_indices = @transform_11, window_bounds = array<i64: 64, 64>}, {pipeline_mode = #tpu.pipeline_mode<synchronous>, transform_indices = @transform_12, window_bounds = array<i64: 1, 64>}, {pipeline_mode = #tpu.pipeline_mode<synchronous>, transform_indices = @transform_13, window_bounds = array<i64: 64, 1>}, {pipeline_mode = #tpu.pipeline_mode<synchronous>, transform_indices = @transform_14, window_bounds = array<i64: 1, 1>}, {pipeline_mode = #tpu.pipeline_mode<synchronous>, transform_indices = @transform_15, window_bounds = array<i64: 256, 1>}]} {
    %eq3A = arith.constant 0 : i32
    %eq3A_0 = arith.cmpi eq, %arg0, %eq3A : i32
    %convert_element_type3A = arith.extui %eq3A_0 : i1 to i32
    %cond3A = arith.constant 0 : i32
    %cond3A_1 = arith.cmpi ne, %convert_element_type3A, %cond3A : i32
    scf.if %cond3A_1 {
      %broadcast_in_dim3A_74 = arith.constant 0.000000e+00 : f32
      %broadcast_in_dim3A_75 = vector.broadcast %broadcast_in_dim3A_74 : f32 to vector<256x128xf32>
      %swap3A_76 = arith.constant 0 : index
      %swap3A_77 = arith.constant 0 : index
      %swap3A_78 = vector.load %arg17[%swap3A_76, %swap3A_77] : memref<256x128xf32, #tpu.memory_space<vmem>>, vector<256x128xf32>
      tpu.vector_store %arg17[%swap3A_76, %swap3A_77], %broadcast_in_dim3A_75 {strides = array<i32>} : memref<256x128xf32, #tpu.memory_space<vmem>>, vector<256x128xf32>,
    } else {
    }
    %get3A = arith.constant 0 : index
    %get3A_2 = arith.constant 0 : index
    %get3A_3 = vector.load %arg1[%get3A, %get3A_2] : memref<2048x16xf32, #tpu.memory_space<vmem>>, vector<2048x16xf32>
    %get3A_4 = arith.constant 0 : index
    %get3A_5 = arith.constant 0 : index
    %get3A_6 = vector.load %arg5[%get3A_4, %get3A_5] : memref<2048x16xf32, #tpu.memory_space<vmem>>, vector<2048x16xf32>
    %add3A = arith.addf %get3A_3, %get3A_6 : vector<2048x16xf32>
    %get3A_7 = arith.constant 0 : index
    %get3A_8 = arith.constant 0 : index
    %get3A_9 = vector.load %arg2[%get3A_7, %get3A_8] : memref<2048x16xf32, #tpu.memory_space<vmem>>, vector<2048x16xf32>
    %get3A_10 = arith.constant 0 : index
    %get3A_11 = arith.constant 0 : index
    %get3A_12 = vector.load %arg6[%get3A_10, %get3A_11] : memref<2048x16xf32, #tpu.memory_space<vmem>>, vector<2048x16xf32>
    %add3A_13 = arith.addf %get3A_9, %get3A_12 : vector<2048x16xf32>
    %get3A_14 = arith.constant 0 : index
    %get3A_15 = arith.constant 0 : index
    %get3A_16 = vector.load %arg3[%get3A_14, %get3A_15] : memref<2048x16xf32, #tpu.memory_space<vmem>>, vector<2048x16xf32>
    %get3A_17 = arith.constant 0 : index
    %get3A_18 = arith.constant 0 : index
    %get3A_19 = vector.load %arg7[%get3A_17, %get3A_18] : memref<2048x16xf32, #tpu.memory_space<vmem>>, vector<2048x16xf32>
    %add3A_20 = arith.addf %get3A_16, %get3A_19 : vector<2048x16xf32>
    %get3A_21 = arith.constant 0 : index
    %get3A_22 = arith.constant 0 : index
    %get3A_23 = vector.load %arg4[%get3A_21, %get3A_22] : memref<2048x16xf32, #tpu.memory_space<vmem>>, vector<2048x16xf32>
    %get3A_24 = arith.constant 0 : index
    %get3A_25 = arith.constant 0 : index
    %get3A_26 = vector.load %arg8[%get3A_24, %get3A_25] : memref<2048x16xf32, #tpu.memory_space<vmem>>, vector<2048x16xf32>
    %add3A_27 = arith.addf %get3A_23, %get3A_26 : vector<2048x16xf32>
    %concatenate3A = tpu.concatenate %add3A, %add3A_13, %add3A_20, %add3A_27 in 1 : vector<2048x16xf32>, vector<2048x16xf32>, vector<2048x16xf32>, vector<2048x16xf32> -> vector<2048x64xf32>
    %get3A_28 = arith.constant 0 : index
    %get3A_29 = arith.constant 0 : index
    %get3A_30 = vector.load %arg10[%get3A_28, %get3A_29] : memref<64x64xf32, #tpu.memory_space<vmem>>, vector<64x64xf32>
    %dot_general3A = arith.constant dense<0.000000e+00> : vector<2048x64xf32>
    %dot_general3A_31 = tpu.matmul %concatenate3A, %get3A_30, %dot_general3A {dimension_numbers = #tpu.dot_dimension_numbers<[1], [0], [0], [1], [0, 0, 1, 1], [], []>, transpose_lhs_hint = false} : vector<2048x64xf32>, vector<64x64xf32>, vector<2048x64xf32> -> vector<2048x64xf32>
    %get3A_32 = arith.constant 0 : index
    %get3A_33 = arith.constant 0 : index
    %get3A_34 = vector.load %arg11[%get3A_32, %get3A_33] : memref<1x64xf32, #tpu.memory_space<vmem>>, vector<1x64xf32>
    %add3A_35 = vector.broadcast %get3A_34 : vector<1x64xf32> to vector<2048x64xf32>
    %add3A_36 = arith.addf %dot_general3A_31, %add3A_35 : vector<2048x64xf32>
    %max3A = arith.constant 0.000000e+00 : f32
    %max3A_37 = vector.broadcast %max3A : f32 to vector<2048x64xf32>
    %max3A_38 = arith.maximumf %add3A_36, %max3A_37 : vector<2048x64xf32>
    %get3A_39 = arith.constant 0 : index
    %get3A_40 = arith.constant 0 : index
    %get3A_41 = vector.load %arg12[%get3A_39, %get3A_40] : memref<64x64xf32, #tpu.memory_space<vmem>>, vector<64x64xf32>
    %dot_general3A_42 = arith.constant dense<0.000000e+00> : vector<2048x64xf32>
    %dot_general3A_43 = tpu.matmul %max3A_38, %get3A_41, %dot_general3A_42 {dimension_numbers = #tpu.dot_dimension_numbers<[1], [0], [0], [1], [0, 0, 1, 1], [], []>, transpose_lhs_hint = false} : vector<2048x64xf32>, vector<64x64xf32>, vector<2048x64xf32> -> vector<2048x64xf32>
    %get3A_44 = arith.constant 0 : index
    %get3A_45 = arith.constant 0 : index
    %get3A_46 = vector.load %arg13[%get3A_44, %get3A_45] : memref<1x64xf32, #tpu.memory_space<vmem>>, vector<1x64xf32>
    %add3A_47 = vector.broadcast %get3A_46 : vector<1x64xf32> to vector<2048x64xf32>
    %add3A_48 = arith.addf %dot_general3A_43, %add3A_47 : vector<2048x64xf32>
    %max3A_49 = arith.constant 0.000000e+00 : f32
    %max3A_50 = vector.broadcast %max3A_49 : f32 to vector<2048x64xf32>
    %max3A_51 = arith.maximumf %add3A_48, %max3A_50 : vector<2048x64xf32>
    %get3A_52 = arith.constant 0 : index
    %get3A_53 = arith.constant 0 : index
    %get3A_54 = vector.load %arg9[%get3A_52, %get3A_53] : memref<2048x1xi32, #tpu.memory_space<vmem>>, vector<2048x1xi32>
    %iota3A = tpu.iota {dimensions = array<i32: 1>} : vector<2048x256xi32>
    %eq3A_55 = vector.broadcast %get3A_54 : vector<2048x1xi32> to vector<2048x256xi32>
    %eq3A_56 = arith.cmpi eq, %eq3A_55, %iota3A : vector<2048x256xi32>
    %convert_element_type3A_57 = arith.extui %eq3A_56 : vector<2048x256xi1> to vector<2048x256xi32>
    %convert_element_type3A_58 = arith.sitofp %convert_element_type3A_57 : vector<2048x256xi32> to vector<2048x256xf32>
    %broadcast_in_dim3A = arith.constant 1.000000e+00 : f32
    %broadcast_in_dim3A_59 = vector.broadcast %broadcast_in_dim3A : f32 to vector<2048x64xf32>
    %concatenate3A_60 = tpu.concatenate %max3A_51, %broadcast_in_dim3A_59 in 1 : vector<2048x64xf32>, vector<2048x64xf32> -> vector<2048x128xf32>
    %get3A_61 = arith.constant 0 : index
    %get3A_62 = arith.constant 0 : index
    %get3A_63 = vector.load %arg17[%get3A_61, %get3A_62] : memref<256x128xf32, #tpu.memory_space<vmem>>, vector<256x128xf32>
    %dot_general3A_64 = arith.constant dense<0.000000e+00> : vector<256x128xf32>
    %dot_general3A_65 = tpu.matmul %convert_element_type3A_58, %concatenate3A_60, %dot_general3A_64 {dimension_numbers = #tpu.dot_dimension_numbers<[0], [0], [1], [1], [0, 1, 1, 1], [], []>, transpose_lhs_hint = false} : vector<2048x256xf32>, vector<2048x128xf32>, vector<256x128xf32> -> vector<256x128xf32>
    %add3A_66 = arith.addf %get3A_63, %dot_general3A_65 : vector<256x128xf32>
    %swap3A = arith.constant 0 : index
    %swap3A_67 = arith.constant 0 : index
    %swap3A_68 = vector.load %arg17[%swap3A, %swap3A_67] : memref<256x128xf32, #tpu.memory_space<vmem>>, vector<256x128xf32>
    tpu.vector_store %arg17[%swap3A, %swap3A_67], %add3A_66 {strides = array<i32>} : memref<256x128xf32, #tpu.memory_space<vmem>>, vector<256x128xf32>,
    %eq3A_69 = arith.constant 48 : i32
    %eq3A_70 = arith.cmpi eq, %arg0, %eq3A_69 : i32
    %convert_element_type3A_71 = arith.extui %eq3A_70 : i1 to i32
    %cond3A_72 = arith.constant 0 : i32
    %cond3A_73 = arith.cmpi ne, %convert_element_type3A_71, %cond3A_72 : i32
    scf.if %cond3A_73 {
      %get3A_74 = arith.constant 0 : index
      %get3A_75 = arith.constant 0 : index
      %get3A_76 = vector.load %arg17[%get3A_74, %get3A_75] : memref<256x128xf32, #tpu.memory_space<vmem>>, vector<256x128xf32>
      %slice3A = vector.extract_strided_slice %get3A_76 {offsets = [0, 0], sizes = [256, 64], strides = [1, 1]} : vector<256x128xf32> to vector<256x64xf32>
      %slice3A_77 = vector.extract_strided_slice %get3A_76 {offsets = [0, 64], sizes = [256, 1], strides = [1, 1]} : vector<256x128xf32> to vector<256x1xf32>
      %max3A_78 = arith.constant 1.000000e+00 : f32
      %max3A_79 = vector.broadcast %max3A_78 : f32 to vector<256x1xf32>
      %max3A_80 = arith.maximumf %slice3A_77, %max3A_79 : vector<256x1xf32>
      %div3A = vector.broadcast %max3A_80 : vector<256x1xf32> to vector<256x64xf32>
      %div3A_81 = arith.divf %slice3A, %div3A : vector<256x64xf32>
      %get3A_82 = arith.constant 0 : index
      %get3A_83 = arith.constant 0 : index
      %get3A_84 = vector.load %arg14[%get3A_82, %get3A_83] : memref<64x1xf32, #tpu.memory_space<vmem>>, vector<64x1xf32>
      %dot_general3A_85 = arith.constant dense<0.000000e+00> : vector<256x1xf32>
      %dot_general3A_86 = tpu.matmul %div3A_81, %get3A_84, %dot_general3A_85 {dimension_numbers = #tpu.dot_dimension_numbers<[1], [0], [0], [1], [0, 0, 1, 1], [], []>, transpose_lhs_hint = false} : vector<256x64xf32>, vector<64x1xf32>, vector<256x1xf32> -> vector<256x1xf32>
      %get3A_87 = arith.constant 0 : index
      %get3A_88 = arith.constant 0 : index
      %get3A_89 = vector.load %arg15[%get3A_87, %get3A_88] : memref<1x1xf32, #tpu.memory_space<vmem>>, vector<1x1xf32>
      %get3A_90 = vector.extract %get3A_89[0, 0] : f32 from vector<1x1xf32>
      %add3A_91 = vector.broadcast %get3A_90 : f32 to vector<256x1xf32>
      %add3A_92 = arith.addf %dot_general3A_86, %add3A_91 : vector<256x1xf32>
      %swap3A_93 = arith.constant 0 : index
      %swap3A_94 = arith.constant 0 : index
      %swap3A_95 = vector.load %arg16[%swap3A_93, %swap3A_94] : memref<256x1xf32, #tpu.memory_space<vmem>>, vector<256x1xf32>
      tpu.vector_store %arg16[%swap3A_93, %swap3A_94], %add3A_92 {strides = array<i32>} : memref<256x1xf32, #tpu.memory_space<vmem>>, vector<256x1xf32>,
    } else {
    }
    return
  }
  func.func @transform_0(%arg0: i32) -> (i32, i32) {
    %c0_i32 = arith.constant 0 : i32
    %c0_i32_0 = arith.constant 0 : i32
    return %arg0, %c0_i32 : i32, i32
  }
  func.func @transform_1(%arg0: i32) -> (i32, i32) {
    %c0_i32 = arith.constant 0 : i32
    %c0_i32_0 = arith.constant 0 : i32
    return %arg0, %c0_i32 : i32, i32
  }
  func.func @transform_2(%arg0: i32) -> (i32, i32) {
    %c0_i32 = arith.constant 0 : i32
    %c0_i32_0 = arith.constant 0 : i32
    return %arg0, %c0_i32 : i32, i32
  }
  func.func @transform_3(%arg0: i32) -> (i32, i32) {
    %c0_i32 = arith.constant 0 : i32
    %c0_i32_0 = arith.constant 0 : i32
    return %arg0, %c0_i32 : i32, i32
  }
  func.func @transform_4(%arg0: i32) -> (i32, i32) {
    %c0_i32 = arith.constant 0 : i32
    %c0_i32_0 = arith.constant 0 : i32
    return %arg0, %c0_i32 : i32, i32
  }
  func.func @transform_5(%arg0: i32) -> (i32, i32) {
    %c0_i32 = arith.constant 0 : i32
    %c0_i32_0 = arith.constant 0 : i32
    return %arg0, %c0_i32 : i32, i32
  }
  func.func @transform_6(%arg0: i32) -> (i32, i32) {
    %c0_i32 = arith.constant 0 : i32
    %c0_i32_0 = arith.constant 0 : i32
    return %arg0, %c0_i32 : i32, i32
  }
  func.func @transform_7(%arg0: i32) -> (i32, i32) {
    %c0_i32 = arith.constant 0 : i32
    %c0_i32_0 = arith.constant 0 : i32
    return %arg0, %c0_i32 : i32, i32
  }
  func.func @transform_8(%arg0: i32) -> (i32, i32) {
    %c0_i32 = arith.constant 0 : i32
    %c0_i32_0 = arith.constant 0 : i32
    return %arg0, %c0_i32 : i32, i32
  }
  func.func @transform_9(%arg0: i32) -> (i32, i32) {
    %c0_i32 = arith.constant 0 : i32
    %c0_i32_0 = arith.constant 0 : i32
    %c0_i32_1 = arith.constant 0 : i32
    return %c0_i32, %c0_i32_0 : i32, i32
  }
  func.func @transform_10(%arg0: i32) -> (i32, i32) {
    %c0_i32 = arith.constant 0 : i32
    %c0_i32_0 = arith.constant 0 : i32
    %c0_i32_1 = arith.constant 0 : i32
    return %c0_i32, %c0_i32_0 : i32, i32
  }
  func.func @transform_11(%arg0: i32) -> (i32, i32) {
    %c0_i32 = arith.constant 0 : i32
    %c0_i32_0 = arith.constant 0 : i32
    %c0_i32_1 = arith.constant 0 : i32
    return %c0_i32, %c0_i32_0 : i32, i32
  }
  func.func @transform_12(%arg0: i32) -> (i32, i32) {
    %c0_i32 = arith.constant 0 : i32
    %c0_i32_0 = arith.constant 0 : i32
    %c0_i32_1 = arith.constant 0 : i32
    return %c0_i32, %c0_i32_0 : i32, i32
  }
  func.func @transform_13(%arg0: i32) -> (i32, i32) {
    %c0_i32 = arith.constant 0 : i32
    %c0_i32_0 = arith.constant 0 : i32
    %c0_i32_1 = arith.constant 0 : i32
    return %c0_i32, %c0_i32_0 : i32, i32
  }
  func.func @transform_14(%arg0: i32) -> (i32, i32) {
    %c0_i32 = arith.constant 0 : i32
    %c0_i32_0 = arith.constant 0 : i32
    %c0_i32_1 = arith.constant 0 : i32
    return %c0_i32, %c0_i32_0 : i32, i32
  }
  func.func @transform_15(%arg0: i32) -> (i32, i32) {
    %c0_i32 = arith.constant 0 : i32
    %c0_i32_0 = arith.constant 0 : i32
    %c0_i32_1 = arith.constant 0 : i32
    return %c0_i32, %c0_i32_0 : i32, i32
  }
}

</mosaic_0001>

<sc_bundles>
// kernel: kernel.6.cloned.1.call-start
scs
__scs_entry_jumppad:
0x0: {  	(pc) =	sbr.rel $0x88, $3  }
0x1: {  	(tag) =	ssettag $0x0;
	lr =	simm.s32 $0x1  }
0x2: {  	[smem:$0x3F93] =	sst lr;
	_ =	strace $0xD0000000  }
0x3: {  	_ = 	snop  }
0x4: {  	_ = 	snop  }
0x5: {  	_ = 	snop  }
0x6: {  	_ = 	snop  }
0x7: {  	_ = 	snop  }
__scs_overlays_trampoline_lowered:
0x8: {  	[smem:$0x3FA2] =	sst s0  }
0x9: {  	[smem:$0x3FA3] =	sst s1  }
0xa: {  	[smem:$0x3FA4] =	sst s2  }
0xb: {  	[smem:$0x3FA5] =	sst s3  }
0xc: {  	[smem:$0x3FA6] =	sst s4  }
0xd: {  	[smem:$0x3FA7] =	sst s5  }
0xe: {  	[smem:$0x3FA8] =	sst s6  }
0xf: {  	[smem:$0x3FA9] =	sst s7  }
0x10: {  	[smem:$0x3FAA] =	sst s8  }
0x11: {  	[smem:$0x3FAB] =	sst s9;
	s0 =	simm.s32 @!p0 $0x0  }
0x12: {  	s1 =	sld [smem:$0x3F91];
	s0 =	simm.s32 @p0 $0x1  }
0x13: {  	[smem:$0x3FAC] =	sst s0;
	s0 =	simm.s32 @!p1 $0x0  }
0x14: {  	s2 =	sld [smem:$0x3F90];
	s0 =	simm.s32 @p1 $0x1  }
0x15: {  	[smem:$0x3FAD] =	sst s0;
	s0 =	simm.s32 @!p2 $0x0  }
0x16: {  	s3 =	sld [smem:$0x3FDB];
	s0 =	simm.s32 @p2 $0x1  }
0x17: {  	s4 =	simm.s32 $0x1BF5;
	[smem:$0x3FAF] =	sst s0  }
0x18: {  	s0 =	sld [smem:$0x3F92];
	_ =	swait.ge [sflag:s4], $0x0  }
0x19: {  	s7 =	sld [smem:$0x3F93]  }
0x1a: {  	s8 =	sadd.s32 $0xFFFFE003, lr  }
0x1b: {  	s9 =	sadd.s32 $0xFFFFFEF7, lr;
	s5 =	simm.s32 $0xFFFFFFFF;
	p2 =	slt.u32 s8, $0xFFFFF086  }
0x1c: {  	p1 =	slt.u32 s9, $0xF7A;
	s5 =	simm.s32 @!p2 $0x0  }
0x1d: {  	s5 =	simm.s32 @p1 $0x1;
	p0 =	seq.s32 s7, s2  }
0x1e: {  	s7 =	smul.u32 @!p0 $0xF7A, s2;
	p2 =	seq.s32 @!p0 s5, $0x0  }
0x1f: {  	s9 =	smul.u32 $0xF7A, s1;
	s8 =	simm.s32 @!p0 $0x1BF5;
	p2 =	por !p2, p0  }
0x20: {  	[sflag:s8] =	ssyncset.s32 @!p0 $0xFFFFF086;
	s6 =	sadd.s32 @!p0 s3, s7;
	s7 =	simm.s32 @!p0 $0x108  }
0x21: {  	s3 =	sadd.s32 s3, s9;
	s6 =	sadd.s32 @!p0 $0x88, s6;
	s7 =	simm.s32 @p2 $0x1082  }
0x22: {  	[simem:s7], [sflag:s8] =	dma.local @!p0 [hbm:s6], $0xF7A  }
0x23: {  	s9 =	sor.u32 $0xD0000000, s2;
	s6 =	simm.s32 $0x108;
	_ =	swait.ge @!p0 [sflag:s8], $0x0  }
0x24: {  	s3 =	sadd.s32 $0x88, s3;
	s6 =	simm.s32 @!p1 $0x1082;
	[sflag:s4] =	ssyncset.s32 $0xFFFFF086  }
0x25: {  	[simem:s6], [sflag:s4] =	dma.local [hbm:s3], $0xF7A  }
0x26: {  	[smem:$0x3F93] =	sst s1;
	(tag) =	ssettag s2;
	_ =	strace s9  }
0x27: {  	s1 =	sld [smem:$0x3FA3]  }
0x28: {  	s2 =	sld [smem:$0x3FA4]  }
0x29: {  	s4 =	sld [smem:$0x3FA6]  }
0x2a: {  	p0 =	seq.s32 s5, $0x0;
	s5 =	sld [smem:$0x3FA7]  }
0x2b: {  	s6 =	sld [smem:$0x3FA8]  }
0x2c: {  	s7 =	sld [smem:$0x3FA9]  }
0x2d: {  	s3 =	simm.s32 $0x108;
	s8 =	sld [smem:$0x3FAA]  }
0x2e: {  	s3 =	simm.s32 @!p0 $0x1082;
	s9 =	sld [smem:$0x3FAB]  }
0x2f: {  	lr =	sadd.s32 s0, s3;
	s0 =	sld [smem:$0x3FA2]  }
0x30: {  	s3 =	sld [smem:$0x3FA5]  }
0x31: {  	[smem:$0x3FAE] =	sst s10  }
0x32: {  	s10 =	sld [smem:$0x3FAC];
	_ =	sdelay $0x3  }
0x33: {  	p0 =	seq.s32 s10, $0x1;
	s10 =	sld [smem:$0x3FAE];
	_ =	sdelay $0x3  }
0x34: {  	[smem:$0x3FAE] =	sst s10  }
0x35: {  	s10 =	sld [smem:$0x3FAD];
	_ =	sdelay $0x3  }
0x36: {  	p1 =	seq.s32 s10, $0x1;
	s10 =	sld [smem:$0x3FAE];
	_ =	sdelay $0x3  }
0x37: {  	[smem:$0x3FAE] =	sst s10  }
0x38: {  	s10 =	sld [smem:$0x3FAF]  }
0x39: {  	_ = 	snop;
	(pc) =	sbr.ind lr, $3  }
0x3a: {  	_ = 	snop  }
0x3b: {  	_ = 	snop  }
0x3c: {  	p2 =	seq.s32 s10, $0x1;
	s10 =	sld [smem:$0x3FAE]  }
0x3d: {  	_ =	shalt  }
0x3e: {  	_ =	shalt  }
0x3f: {  	_ =	shalt  }
0x40: {  	_ =	shalt  }
0x41: {  	_ =	shalt  }
0x42: {  	_ =	shalt  }
0x43: {  	_ =	shalt  }
0x44: {  	_ =	shalt  }
0x45: {  	_ =	shalt  }
0x46: {  	_ =	shalt  }
0x47: {  	_ =	shalt  }
0x48: {  	_ =	shalt  }
0x49: {  	_ =	shalt  }
0x4a: {  	_ =	shalt  }
0x4b: {  	_ =	shalt  }
0x4c: {  	_ =	shalt  }
0x4d: {  	_ =	shalt  }
0x4e: {  	_ =	shalt  }
0x4f: {  	_ =	shalt  }
0x50: {  	_ =	shalt  }
0x51: {  	_ =	shalt  }
0x52: {  	_ =	shalt  }
0x53: {  	_ =	shalt  }
0x54: {  	_ =	shalt  }
0x55: {  	_ =	shalt  }
0x56: {  	_ =	shalt  }
0x57: {  	_ =	shalt  }
0x58: {  	_ =	shalt  }
0x59: {  	_ =	shalt  }
0x5a: {  	_ =	shalt  }
0x5b: {  	_ =	shalt  }
0x5c: {  	_ =	shalt  }
0x5d: {  	_ =	shalt  }
0x5e: {  	_ =	shalt  }
0x5f: {  	_ =	shalt  }
0x60: {  	_ =	shalt  }
0x61: {  	_ =	shalt  }
0x62: {  	_ =	shalt  }
0x63: {  	_ =	shalt  }
0x64: {  	_ =	shalt  }
0x65: {  	_ =	shalt  }
0x66: {  	_ =	shalt  }
0x67: {  	_ =	shalt  }
0x68: {  	_ =	shalt  }
0x69: {  	_ =	shalt  }
0x6a: {  	_ =	shalt  }
0x6b: {  	_ =	shalt  }
0x6c: {  	_ =	shalt  }
0x6d: {  	_ =	shalt  }
0x6e: {  	_ =	shalt  }
0x6f: {  	_ =	shalt  }
0x70: {  	_ =	shalt  }
0x71: {  	_ =	shalt  }
0x72: {  	_ =	shalt  }
0x73: {  	_ =	shalt  }
0x74: {  	_ =	shalt  }
0x75: {  	_ =	shalt  }
0x76: {  	_ =	shalt  }
0x77: {  	_ =	shalt  }
0x78: {  	_ =	shalt  }
0x79: {  	_ =	shalt  }
0x7a: {  	_ =	shalt  }
0x7b: {  	_ =	shalt  }
0x7c: {  	_ =	shalt  }
0x7d: {  	_ =	shalt  }
0x7e: {  	_ =	shalt  }
0x7f: {  	_ =	shalt  }
0x80: {  	_ =	shalt  }
0x81: {  	_ =	shalt  }
0x82: {  	_ =	shalt  }
0x83: {  	_ =	shalt  }
0x84: {  	_ =	shalt  }
0x85: {  	_ =	shalt  }
0x86: {  	_ =	shalt  }
0x87: {  	_ =	shalt  }
.Lfunc_end0:
.L_simem_size_0:
called_computation_lowered:
.L_overlay_start_0:
0x88: {  	s2 =	sld [smem:$0x3FD9]  }
0x89: {  	s3 =	sld [smem:$0x3FFE];
	_ =	sdelay $0x1  }
0x8a: {  	s1 =	srdreg.scid  }
0x8b: {  	s0 =	sand.u32 $0x1, s1  }
0x8c: {  	s16 =	sshll.u32 s0, $0xA;
	s2 =	sadd.s32 s3, s2  }
0x8d: {  	s2 =	sadd.s32 s2, s16  }
0x8e: {  	[smem:$0x3FBA] =	sst s2  }
0x8f: {  	_ = 	snop  }
0x90: {  	(tm) =	ssettm $0x1  }
0x91: {  	s17 =	sld [smem:$0x3FFB];
	_ =	sdelay $0x3  }
0x92: {  	_ =	strace s17  }
0x93: {  	s2 =	sld [smem:$0x3FFC];
	_ =	sdelay $0x3  }
0x94: {  	_ =	strace s2  }
0x95: {  	s2 =	sld [smem:$0x3FFD];
	_ =	sdelay $0x3  }
0x96: {  	_ =	strace s2  }
0x97: {  	_ =	strace $0x8FFFFFFF  }
0x98: {  	s18 =	sld [smem:$0x3FDB];
	_ =	sdelay $0x1  }
0x99: {  	s19 =	simm.s32 $_scs_section_size  }
0x9a: {  	s4 =	simm.s32 $_size__tile_overlayer_lowered;
	s5 =	simm.s32 $_tile_overlayer_lowered  }
0x9b: {  	s22 =	simm.s32 $0x1BFF;
	s21 =	sshll.u32 s5, $0x1;
	s2 =	sadd.s32 s19, s18  }
0x9c: {  	s6 =	simm.s32 $0x0;
	s20 =	sshll.u32 s4, $0x1;
	s4 =	sadd.s32 s21, s2  }
0x9d: {  	[timem:s6], [sflag:s22] =	dma.local [hbm:s4], s20  }
0x9e: {  	_ =	swait.ge [sflag:s22], s20  }
0x9f: {  	s3 =	ssub.s32 $0x0, s20;
	[sflag:s22] =	ssyncset.done $0x0  }
0xa0: {  	[sflag:s22] =	ssyncadd.s32 s3;
	_ =	sdelay $0x1  }
0xa1: {  	s23 =	simm.s32 $0x1B8B  }
0xa2: {  	_ =	swait.ge [sflag:s23], $0x1  }
0xa3: {  	[sflag:s23] =	ssyncset.done $0x0  }
0xa4: {  	s25 =	simm.s32 $0x1B8E;
	s24 =	sld [smem:$0x3FFE];
	[sflag:s23] =	ssyncadd.s32 $0xFFFFFFFF  }
0xa5: {  	s26 =	simm.s32 $execute0_lowered;
	[smem:$0x3FD2] =	sst s25  }
0xa6: {  	s4 =	sshll.u32 s26, $0x1;
	_ =	strace $0x80000046;
	[dreg:$0x1] =	wrdreg $0xFFFFFFFF  }
0xa7: {  	s28 =	simm.s32 $_size_execute0_lowered;
	s2 =	sadd.s32 s2, s4;
	[dreg:$0x0] =	wrdreg $0x0  }
0xa8: {  	s4 =	sshll.u32 s28, $0x1;
	[dreg:$0x2] =	wrdreg s2  }
0xa9: {  	[dreg:$0x3] =	wrdreg s4  }
0xaa: {  	[dreg:$0x4] =	wrdreg $0xC0  }
0xab: {  	_ =	task [dreg:s6], $0x5FFFF  }
0xac: {  	[dreg:$0x1] =	wrdreg $0xFFFFFFFF  }
0xad: {  	[dreg:$0x0] =	wrdreg $0x60  }
0xae: {  	[dreg:$0x2] =	wrdreg s24  }
0xaf: {  	[dreg:$0x3] =	wrdreg $0x0  }
0xb0: {  	[dreg:$0x4] =	wrdreg $0x9  }
0xb1: {  	_ =	task.clear_ibuf [dreg:s6], $0x5FFFF;
	_ =	strace $0x90000046  }
0xb2: {  	s29 =	simm.s32 $0x9;
	_ =	strace $0x80000048  }
0xb3: {  	_ =	swait.ge [sflag:s29], $0x1  }
0xb4: {  	[sflag:s29] =	ssyncadd.s32 $0xFFFFFFFF  }
0xb5: {  	_ =	strace $0x90000048  }
0xb6: {  	_ =	sfence  }
0xb7: {  	s30 =	sld [smem:$0x0];
	_ =	sdelay $0x2  }
0xb8: {  	s31 =	sshll.u32 s1, $0xD;
	s1 =	sshrl.u32 s1, $0x2  }
0xb9: {  	s3 =	sand.u32 $0x4000, s31;
	s1 =	sadd.s32 s1, s30  }
0xba: {  	s0 =	sor.u32 s3, s0;
	s1 =	sshll.u32 s1, $0x11  }
0xbb: {  	s0 =	sor.u32 s1, s0  }
0xbc: {  	s0 =	sadd.s32 $0x8F2B, s0  }
0xbd: {  	[sflag:s0] =	ssyncadd.remote.s32 $0x1  }
0xbe: {  	_ =	sfence.sel $0xFFFF  }
0xbf: {  	[dreg:$0x0] =	wrdreg $0xFFFFFFFF;
	(pc) =	sbr.abs _section_cstart, $3  }
0xc0: {  	[dreg:$0x1] =	wrdreg $0xFFFFFFFF  }
0xc1: {  	_ =	task.clear_ibuf [dreg:s6], $0x2FFFF;
	_ =	strace $0x9FFFFFFF  }
0xc2: {  	(tm) =	ssettm $0x7FFFFFFF  }
0xc3: {  	_ =	shalt  }
tec
execute0_lowered:
.L_overlay_start_1:
0x0: {  	(tag) =	ssettag $0x1  }
0x1: {  	s0 =	rddreg [dreg:$0x0]  }
0x2: {  	s1 =	rddreg [dreg:$0x1]  }
0x3: {  	s3 =	simm.s32 $0x0;
	s13 =	stileid.u32;
	s2 =	srdreg.scid  }
0x4: {  	s19 =	simm.s32 $0x5;
	s29 =	simm.s32 $0x3;
	[smem:$0x7FF] =	sst s3  }
0x5: {  	s4 =	sadd.s32 $0xC6C00, s0;
	s7 =	smul.u32 $0x18800, s13;
	s2 =	sand.u32 $0x1, s2  }
0x6: {  	s5 =	sadd.s32 $0x65000, s0;
	s6 =	sadd.s32 $0x3400, s0;
	s24 =	sshll.u32 s13, $0x6  }
0x7: {  	_ =	strace $0x80000047;
	s8 =	sshll.u32 s2, $0x4;
	s10 =	ssub.s32 $0x2, s2  }
0x8: {  	s12 =	smul.u32 $0x186A00, s2;
	p0 =	seq.s32 s2, $0x1;
	s2 =	simm.s32 $0x128C00  }
0x9: {  	s9 =	sshrl.u32 s7, $0x3;
	s8 =	sor.u32 s13, s8;
	s22 =	sshrl.u32 s10, $0x1  }
0xa: {  	s7 =	sadd.s32 s7, s1;
	s13 =	smul.u32 $0x186A0, s13;
	s2 =	simm.s32 @!p0 $0x159C00  }
0xb: {  	s0 =	sadd.s32 s9, s0;
	s8 =	smul.u32 $0x186A0, s8;
	s9 =	ssub.s32 s10, s22  }
0xc: {  	s18 =	sshrl.u32 s7, $0x3;
	s22 =	simm.s32 $0x4;
	s23 =	sadd.s32 $0xF7C00, s0  }
0xd: {  	s28 =	sadd.s32 s13, s12;
	s9 =	smax.u32 s9, $0x1;
	s0 =	sadd.s32 s2, s0  }
0xe: {  	s2 =	simm.s32 $0x0;
	[dreg:$0x3] =	wrdreg s23;
	s11 =	sshrl.u32 s8, $0x3  }
0xf: {  	s8 =	sor.u32 $0x1C05, s24;
	s30 =	sadd.s32 $0x300, s28;
	[dreg:$0x8] =	wrdreg s9  }
0x10: {  	[dreg:$0x9] =	wrdreg s0;
	s17 =	sadd.s32 $0x600, s28;
	s23 =	simm.s32 $0x300  }
0x11: {  	s24 =	simm.s32 $0x19A00;
	s25 =	sadd.s32 $0x30C0, s11;
	s14 =	sadd.s32 s5, s11  }
0x12: {  	s11 =	sadd.s32 s6, s11;
	s31 =	sshrl.u32 s30, $0x3;
	[dreg:$0x4] =	wrdreg s14  }
0x13: {  	[dreg:$0x5] =	wrdreg s11;
	s26 =	sadd.s32 s5, s25;
	s10 =	sadd.s32 s6, s25  }
0x14: {  	s15 =	sadd.s32 s31, s6;
	s16 =	sadd.s32 s31, s5;
	[dreg:$0x6] =	wrdreg s26  }
0x15: {  	s25 =	simm.s32 $0x1;
	[dreg:$0x7] =	wrdreg s10;
	s26 =	simm.s32 $0x1CA00  }
.LBB2_1:
0x16: {  	s0 =	rddreg [dreg:$0x3]  }
0x17: {  	[spmem:s18], [sflag:s8] =	dma.local [hbm:s0], $0x3100  }
0x18: {  	_ =	swait.ge [sflag:s19], $0x3100  }
0x19: {  	[sflag:s19] =	ssyncset.done $0x0  }
0x1a: {  	s7 =	simm.s32 $0x18800;
	[sflag:s19] =	ssyncadd.s32 $0xFFFFCF00  }
0x1b: {  	s21 =	simm.s32 $0x19100;
	p0 =	por $0x1, $0x1;
	[bflag:$0x0] =	sbarrier.arrive $0xFFFF  }
0x1c: {  	s28 =	simm.s32 $0x1;
	p0 =	por p0, p0;
	s14 =	rddreg [dreg:$0x4]  }
0x1d: {  	[tilespmem:s7], [sflag:$0x4] =	stream.linear.gather [hbm4b:s14+s3], $0x300, $0x38;
	[tilespmem:$0x1FB40] =	vst v63  }
0x1e: {  	s9 =	simm.s32 @!p0 $0x2;
	s20 =	rddreg [dreg:$0x5];
	s7 =	smul.u32 $0xAB, s28  }
0x1f: {  	[tilespmem:s21], [sflag:$0x4] =	stream.linear.gather [hbm4b:s20+s3], $0x300, $0x38;
	[tilespmem:$0x1FB40] =	vst v63  }
0x20: {  	s7 =	sshrl.u32 s7, $0x9;
	_ =	swait.ge @!p0 [sflag:s9], $0x3000  }
0x21: {  	s10 =	smul.u32 $0xAB, s3;
	s7 =	sand.u32 $0x7F, s7;
	[sflag:s9] =	ssyncset.done @!p0 $0x0  }
0x22: {  	s7 =	smul.u32 $0x3, s7;
	[sflag:s9] =	ssyncadd.s32 @!p0 $0xFFFFD000  }
0x23: {  	s30 =	sshrl.u32 s10, $0x9;
	_ =	swait.ge [sflag:s22], $0x300  }
0x24: {  	s9 =	sand.u32 $0x7F, s30;
	s7 =	ssub.s32 $0x1, s7;
	[sflag:s22] =	ssyncset.done $0x0  }
0x25: {  	s9 =	smul.u32 $0x3, s9;
	s7 =	sand.u32 $0xFF, s7;
	[sflag:s22] =	ssyncadd.s32 $0xFFFFFD00  }
0x26: {  	s7 =	smul.u32 $0x300, s7;
	_ =	swait.ge [sflag:s22], $0x300  }
0x27: {  	s9 =	ssub.s32 $0x0, s9;
	[sflag:s22] =	ssyncset.done $0x0  }
0x28: {  	s9 =	sand.u32 $0xFF, s9;
	s12 =	sadd.s32 $0x18800, s7;
	[sflag:s22] =	ssyncadd.s32 $0xFFFFFD00  }
0x29: {  	[tilespmem:s12], [sflag:$0x4] =	stream.linear.gather [hbm4b:s16+s3], $0x300, $0x38;
	[tilespmem:$0x1FB40] =	vst v63  }
0x2a: {  	s9 =	smul.u32 $0x300, s9;
	s10 =	sadd.s32 $0x19100, s7  }
0x2b: {  	[tilespmem:s10], [sflag:$0x4] =	stream.linear.gather [hbm4b:s15+s3], $0x300, $0x38;
	[tilespmem:$0x1FB40] =	vst v63  }
0x2c: {  	s31 =	sadd.s32 $0x18800, s9  }
0x2d: {  	[tilespmem:s24], [sflag:$0x1] =	stream.indirect.gather [hbm4b:s4+s23], $0x10, s31, s23, $0xb8;
	[tilespmem:$0x1FB40] =	vst v63  }
0x2e: {  	p1 =	por $0x0, $0x0;
	_ =	swait.ge [sflag:s25], $0x3000  }
0x2f: {  	s7 =	simm.s32 @!p1 $0x2;
	[sflag:s25] =	ssyncset.done $0x0  }
0x30: {  	s7 =	sand.u32 @!p1 $0xFF, s7;
	s9 =	sadd.s32 $0x19100, s9;
	[sflag:s25] =	ssyncadd.s32 $0xFFFFD000  }
0x31: {  	[spmem:s1] =	stream.indirect.scatter.add.f32 [tilespmem:s24], [sflag:$0x2], $0x10, s9, s23, $0xb8;
	[tilespmem:$0x1FB40] =	vst v63  }
0x32: {  	s7 =	smul.u32 @!p1 $0xAB, s7;
	s9 =	simm.s32 @!p0 $0x3  }
0x33: {  	_ =	swait.ge @!p0 [sflag:s9], $0x3000  }
0x34: {  	s7 =	sshrl.u32 @!p1 s7, $0x9;
	[sflag:s9] =	ssyncset.done @!p0 $0x0  }
0x35: {  	s7 =	smul.u32 @!p1 $0x3, s7;
	[sflag:s9] =	ssyncadd.s32 @!p0 $0xFFFFD000  }
0x36: {  	_ =	swait.ge [sflag:s22], $0x300  }
0x37: {  	s7 =	ssub.s32 @!p1 $0x2, s7;
	[sflag:s22] =	ssyncset.done $0x0  }
0x38: {  	s7 =	sand.u32 @!p1 $0xFF, s7;
	[sflag:s22] =	ssyncadd.s32 $0xFFFFFD00  }
0x39: {  	p6 =	por $0x0, $0x0;
	s7 =	smul.u32 @!p1 $0x300, s7;
	_ =	swait.ge [sflag:s22], $0x300  }
0x3a: {  	s13 =	simm.s32 @!p1 $0x0;
	s9 =	sshrl.u32 @!p1 s17, $0x3;
	[sflag:s22] =	ssyncset.done $0x0  }
0x3b: {  	s14 =	sadd.s32 @!p1 $0x18800, s7;
	s11 =	sadd.s32 @!p1 s5, s9;
	[sflag:s22] =	ssyncadd.s32 $0xFFFFFD00  }
0x3c: {  	[tilespmem:s14], [sflag:$0x4] =	stream.linear.gather @!p1 [hbm4b:s11+s13], $0x300, $0x38;
	[tilespmem:$0x1FB40] =	vst v63  }
0x3d: {  	s21 =	simm.s32 $0x2;
	s7 =	sadd.s32 @!p1 $0x19100, s7;
	s9 =	sadd.s32 @!p1 s6, s9  }
0x3e: {  	[tilespmem:s7], [sflag:$0x4] =	stream.linear.gather @!p1 [hbm4b:s9+s13], $0x300, $0x38;
	[tilespmem:$0x1FB40] =	vst v63  }
0x3f: {  	s20 =	sadd.s32 $0x600, s17;
	p0 =	por p6, p6;
	s11 =	simm.s32 $0x4  }
0x40: {  	[tilespmem:s26], [sflag:$0x1] =	stream.indirect.gather [hbm4b:s4+s23], $0x10, s12, s23, $0xb8;
	[tilespmem:$0x1FB40] =	vst v63  }
0x41: {  	s14 =	simm.s32 @!p0 $0x2;
	s7 =	sadd.s32 $0xC0, s15;
	_ =	swait.ge [sflag:s25], $0x3000  }
0x42: {  	s9 =	sadd.s32 $0xC0, s16;
	s13 =	simm.s32 $0x3;
	[sflag:s25] =	ssyncset.done $0x0  }
.LBB2_2:
0x43: {  	p2 =	seq.s32 s11, $0x0  }
0x44: {  	s30 =	smul.u32 $0xAB, s13;
	[sflag:s25] =	ssyncadd.s32 $0xFFFFD000;
	s12 =	smov.u32 s11  }
0x45: {  	[spmem:s1] =	stream.indirect.scatter.add.f32 [tilespmem:s26], [sflag:$0x3], $0x10, s10, s23, $0xb8;
	[tilespmem:$0x1FB40] =	vst v63  }
0x46: {  	s11 =	sadd.s32 $0x2, s11;
	_ =	swait.ge @!p0 [sflag:s14], $0x3000;
	s10 =	sshrl.u32 s30, $0x9  }
0x47: {  	s30 =	smul.u32 $0xAB, s21;
	[sflag:s14] =	ssyncset.done @!p0 $0x0;
	s10 =	sand.u32 $0x7F, s10  }
0x48: {  	p1 =	sne.s32 s11, $0x82;
	[sflag:s14] =	ssyncadd.s32 @!p0 $0xFFFFD000;
	s10 =	smul.u32 $0x3, s10  }
0x49: {  	s14 =	sshrl.u32 s30, $0x9;
	_ =	swait.ge [sflag:s22], $0x300  }
0x4a: {  	s14 =	sand.u32 $0x7F, s14;
	[sflag:s22] =	ssyncset.done $0x0;
	s10 =	ssub.s32 s13, s10  }
0x4b: {  	s13 =	smul.u32 $0x3, s14;
	[sflag:s22] =	ssyncadd.s32 $0xFFFFFD00;
	s10 =	sand.u32 $0xFF, s10  }
0x4c: {  	_ =	swait.ge [sflag:s22], $0x300;
	s10 =	smul.u32 $0x300, s10  }
0x4d: {  	s13 =	ssub.s32 s21, s13;
	[sflag:s22] =	ssyncset.done $0x0  }
0x4e: {  	s14 =	sand.u32 $0xFF, s13;
	[sflag:s22] =	ssyncadd.s32 $0xFFFFFD00;
	s13 =	sadd.s32 $0x18800, s10  }
0x4f: {  	[tilespmem:s13], [sflag:$0x4] =	stream.linear.gather [hbm4b:s9+s3], $0x300, $0x38;
	[tilespmem:$0x1FB40] =	vst v63  }
0x50: {  	s14 =	smul.u32 $0x300, s14;
	s10 =	sadd.s32 $0x19100, s10  }
0x51: {  	[tilespmem:s10], [sflag:$0x4] =	stream.linear.gather [hbm4b:s7+s3], $0x300, $0x38;
	[tilespmem:$0x1FB40] =	vst v63  }
0x52: {  	s30 =	sadd.s32 $0x18800, s14  }
0x53: {  	[tilespmem:s24], [sflag:$0x1] =	stream.indirect.gather [hbm4b:s4+s23], $0x10, s30, s23, $0xb8;
	[tilespmem:$0x1FB40] =	vst v63  }
0x54: {  	p3 =	seq.s32 s21, $0x80;
	s30 =	simm.s32 @!p0 $0x3;
	_ =	swait.ge [sflag:s25], $0x3000  }
0x55: {  	s31 =	sadd.s32 @!p3 $0x2, s21;
	s21 =	sshrl.u32 @!p3 s20, $0x3;
	[sflag:s25] =	ssyncset.done $0x0  }
0x56: {  	s0 =	sand.u32 @!p3 $0xFF, s31;
	s14 =	sadd.s32 $0x19100, s14;
	[sflag:s25] =	ssyncadd.s32 $0xFFFFD000  }
0x57: {  	[spmem:s1] =	stream.indirect.scatter.add.f32 [tilespmem:s24], [sflag:$0x2], $0x10, s14, s23, $0xb8;
	[tilespmem:$0x1FB40] =	vst v63  }
0x58: {  	s0 =	smul.u32 @!p3 $0xAB, s0;
	s14 =	sadd.s32 @!p3 s5, s21;
	_ =	swait.ge @!p0 [sflag:s30], $0x3000  }
0x59: {  	s28 =	sadd.s32 @!p3 s6, s21;
	s21 =	smov.u32 s12;
	[sflag:s30] =	ssyncset.done @!p0 $0x0  }
0x5a: {  	s0 =	sshrl.u32 @!p3 s0, $0x9;
	[sflag:s30] =	ssyncadd.s32 @!p0 $0xFFFFD000;
	p0 =	por p2, p2  }
0x5b: {  	s0 =	smul.u32 @!p3 $0x3, s0;
	_ =	swait.ge [sflag:s22], $0x300  }
0x5c: {  	[sflag:s22] =	ssyncset.done $0x0  }
0x5d: {  	s0 =	ssub.s32 @!p3 s31, s0;
	[sflag:s22] =	ssyncadd.s32 $0xFFFFFD00  }
0x5e: {  	s0 =	sand.u32 @!p3 $0xFF, s0  }
0x5f: {  	s0 =	smul.u32 @!p3 $0x300, s0;
	_ =	swait.ge [sflag:s22], $0x300  }
0x60: {  	s12 =	simm.s32 @!p3 $0x0;
	[sflag:s22] =	ssyncset.done $0x0  }
0x61: {  	s30 =	sadd.s32 @!p3 $0x18800, s0;
	s0 =	sadd.s32 @!p3 $0x19100, s0;
	[sflag:s22] =	ssyncadd.s32 $0xFFFFFD00  }
0x62: {  	[tilespmem:s30], [sflag:$0x4] =	stream.linear.gather @!p3 [hbm4b:s14+s12], $0x300, $0x38;
	[tilespmem:$0x1FB40] =	vst v63  }
0x63: {  	_ = 	snop  }
0x64: {  	[tilespmem:s0], [sflag:$0x4] =	stream.linear.gather @!p3 [hbm4b:s28+s12], $0x300, $0x38;
	[tilespmem:$0x1FB40] =	vst v63  }
.Ltmp0:
0x65: {  	_ = 	snop;
	(pc) =	sbr.rel @p1 .LBB2_2-.Ltmp0, $4  }
0x66: {  	s20 =	sadd.s32 $0x600, s20  }
0x67: {  	[tilespmem:s26], [sflag:$0x1] =	stream.indirect.gather [hbm4b:s4+s23], $0x10, s13, s23, $0xb8;
	[tilespmem:$0x1FB40] =	vst v63  }
0x68: {  	s9 =	sadd.s32 $0xC0, s9;
	s7 =	sadd.s32 $0xC0, s7;
	_ =	swait.ge [sflag:s25], $0x3000  }
0x69: {  	s14 =	simm.s32 @!p0 $0x2;
	s13 =	sadd.s32 $0x1, s21;
	[sflag:s25] =	ssyncset.done $0x0  }
0x6a: {  	s0 =	smul.u32 $0xAB, s13;
	[sflag:s25] =	ssyncadd.s32 $0xFFFFD000  }
0x6b: {  	[spmem:s1] =	stream.indirect.scatter.add.f32 [tilespmem:s26], [sflag:$0x3], $0x10, s10, s23, $0xb8;
	[tilespmem:$0x1FB40] =	vst v63  }
0x6c: {  	_ =	swait.ge @!p0 [sflag:s14], $0x3000;
	s0 =	sshrl.u32 s0, $0x9  }
0x6d: {  	s30 =	smul.u32 $0xAB, s21;
	[sflag:s14] =	ssyncset.done @!p0 $0x0;
	s0 =	sand.u32 $0x7F, s0  }
0x6e: {  	[sflag:s14] =	ssyncadd.s32 @!p0 $0xFFFFD000;
	s0 =	smul.u32 $0x3, s0  }
0x6f: {  	s10 =	sshrl.u32 s30, $0x9;
	_ =	swait.ge [sflag:s22], $0x300  }
0x70: {  	s10 =	sand.u32 $0x7F, s10;
	[sflag:s22] =	ssyncset.done $0x0;
	s0 =	ssub.s32 s13, s0  }
0x71: {  	s10 =	smul.u32 $0x3, s10;
	[sflag:s22] =	ssyncadd.s32 $0xFFFFFD00;
	s0 =	sand.u32 $0xFF, s0  }
0x72: {  	_ =	swait.ge [sflag:s22], $0x300;
	s0 =	smul.u32 $0x300, s0  }
0x73: {  	s10 =	ssub.s32 s21, s10;
	[sflag:s22] =	ssyncset.done $0x0  }
0x74: {  	s10 =	sand.u32 $0xFF, s10;
	[sflag:s22] =	ssyncadd.s32 $0xFFFFFD00;
	s11 =	sadd.s32 $0x18800, s0  }
0x75: {  	[tilespmem:s11], [sflag:$0x4] =	stream.linear.gather [hbm4b:s9+s3], $0x300, $0x38;
	[tilespmem:$0x1FB40] =	vst v63  }
0x76: {  	s31 =	smul.u32 $0x300, s10;
	s0 =	sadd.s32 $0x19100, s0  }
0x77: {  	[tilespmem:s0], [sflag:$0x4] =	stream.linear.gather [hbm4b:s7+s3], $0x300, $0x38;
	[tilespmem:$0x1FB40] =	vst v63  }
0x78: {  	s10 =	sadd.s32 $0x18800, s31  }
0x79: {  	[tilespmem:s24], [sflag:$0x1] =	stream.indirect.gather [hbm4b:s4+s23], $0x10, s10, s23, $0xb8;
	[tilespmem:$0x1FB40] =	vst v63  }
0x7a: {  	p1 =	seq.s32 s21, $0x80;
	_ =	swait.ge [sflag:s25], $0x3000  }
0x7b: {  	s7 =	sadd.s32 @!p1 $0x2, s21;
	[sflag:s25] =	ssyncset.done $0x0  }
0x7c: {  	s9 =	sadd.s32 $0x19100, s31;
	s10 =	sand.u32 @!p1 $0xFF, s7;
	[sflag:s25] =	ssyncadd.s32 $0xFFFFD000  }
0x7d: {  	[spmem:s1] =	stream.indirect.scatter.add.f32 [tilespmem:s24], [sflag:$0x2], $0x10, s9, s23, $0xb8;
	[tilespmem:$0x1FB40] =	vst v63  }
0x7e: {  	s10 =	smul.u32 @!p1 $0xAB, s10;
	s9 =	simm.s32 @!p0 $0x3  }
0x7f: {  	_ =	swait.ge @!p0 [sflag:s9], $0x3000  }
0x80: {  	s10 =	sshrl.u32 @!p1 s10, $0x9;
	[sflag:s9] =	ssyncset.done @!p0 $0x0  }
0x81: {  	[sflag:s9] =	ssyncadd.s32 @!p0 $0xFFFFD000;
	s9 =	smul.u32 @!p1 $0x3, s10  }
0x82: {  	_ =	swait.ge [sflag:s22], $0x300  }
0x83: {  	[sflag:s22] =	ssyncset.done $0x0;
	s7 =	ssub.s32 @!p1 s7, s9  }
0x84: {  	[sflag:s22] =	ssyncadd.s32 $0xFFFFFD00;
	s7 =	sand.u32 @!p1 $0xFF, s7  }
0x85: {  	_ =	swait.ge [sflag:s22], $0x300;
	s7 =	smul.u32 @!p1 $0x300, s7  }
0x86: {  	s12 =	simm.s32 @!p1 $0x0;
	s9 =	sshrl.u32 @!p1 s20, $0x3;
	[sflag:s22] =	ssyncset.done $0x0  }
0x87: {  	s10 =	sadd.s32 @!p1 s5, s9;
	[sflag:s22] =	ssyncadd.s32 $0xFFFFFD00;
	s13 =	sadd.s32 @!p1 $0x18800, s7  }
0x88: {  	[tilespmem:s13], [sflag:$0x4] =	stream.linear.gather @!p1 [hbm4b:s10+s12], $0x300, $0x38;
	[tilespmem:$0x1FB40] =	vst v63  }
0x89: {  	s9 =	sadd.s32 @!p1 s6, s9;
	s7 =	sadd.s32 @!p1 $0x19100, s7  }
0x8a: {  	[tilespmem:s7], [sflag:$0x4] =	stream.linear.gather @!p1 [hbm4b:s9+s12], $0x300, $0x38;
	[tilespmem:$0x1FB40] =	vst v63  }
0x8b: {  	_ = 	snop  }
0x8c: {  	[tilespmem:s26], [sflag:$0x1] =	stream.indirect.gather [hbm4b:s4+s23], $0x10, s11, s23, $0xb8;
	[tilespmem:$0x1FB40] =	vst v63  }
0x8d: {  	_ =	swait.ge [sflag:s25], $0x3000  }
0x8e: {  	[sflag:s25] =	ssyncset.done $0x0  }
0x8f: {  	s12 =	simm.s32 $0x2;
	[sflag:s25] =	ssyncadd.s32 $0xFFFFD000  }
0x90: {  	[spmem:s1] =	stream.indirect.scatter.add.f32 [tilespmem:s26], [sflag:$0x3], $0x10, s0, s23, $0xb8;
	[tilespmem:$0x1FB40] =	vst v63  }
0x91: {  	_ =	swait.ge [sflag:s12], $0x3000  }
0x92: {  	[sflag:s12] =	ssyncset.done $0x0  }
0x93: {  	[sflag:s12] =	ssyncadd.s32 $0xFFFFD000  }
0x94: {  	_ =	swait.ge [sflag:s29], $0x3000  }
0x95: {  	[sflag:s29] =	ssyncset.done $0x0  }
0x96: {  	s14 =	simm.s32 $0x1FA00;
	s13 =	rddreg [dreg:$0x6];
	[sflag:s29] =	ssyncadd.s32 $0xFFFFD000  }
0x97: {  	[tilespmem:s14], [sflag:$0x5] =	stream.linear.gather [hbm4b:s13+s3], $0xA0, $0x38;
	[tilespmem:$0x1FB40] =	vst v63  }
0x98: {  	_ =	swait.ge [sflag:s19], $0xA0  }
0x99: {  	[sflag:s19] =	ssyncset.done $0x0  }
0x9a: {  	s21 =	simm.s32 $0x1FAA0;
	s20 =	rddreg [dreg:$0x7];
	[sflag:s19] =	ssyncadd.s32 $0xFFFFFF60  }
0x9b: {  	[tilespmem:s21], [sflag:$0x5] =	stream.linear.gather [hbm4b:s20+s3], $0xA0, $0x38;
	[tilespmem:$0x1FB40] =	vst v63  }
0x9c: {  	_ =	swait.ge [sflag:s19], $0xA0  }
0x9d: {  	[sflag:s19] =	ssyncset.done $0x0  }
0x9e: {  	s28 =	simm.s32 $0xA0;
	[sflag:s19] =	ssyncadd.s32 $0xFFFFFF60  }
0x9f: {  	[tilespmem:s24], [sflag:$0x1] =	stream.indirect.gather [hbm4b:s4+s28], $0x10, s14, s28, $0xb8;
	[tilespmem:$0x1FB40] =	vst v63  }
0xa0: {  	_ =	swait.ge [sflag:s25], $0xA00  }
0xa1: {  	[sflag:s25] =	ssyncset.done $0x0  }
0xa2: {  	[sflag:s25] =	ssyncadd.s32 $0xFFFFF600  }
0xa3: {  	[spmem:s1] =	stream.indirect.scatter.add.f32 [tilespmem:s24], [sflag:$0x5], $0x10, s21, s28, $0xb8;
	[tilespmem:$0x1FB40] =	vst v63  }
0xa4: {  	_ =	swait.ge [sflag:s19], $0xA00  }
0xa5: {  	[sflag:s19] =	ssyncset.done $0x0  }
0xa6: {  	[sflag:s19] =	ssyncadd.s32 $0xFFFFF600  }
0xa7: {  	[bflag:$0x0] =	sbarrier.arrive $0xFFFF  }
0xa8: {  	s30 =	rddreg [dreg:$0x9]  }
0xa9: {  	[hbm:s30], [sflag:s8] =	dma.local [spmem:s18], $0x3100  }
0xaa: {  	_ =	swait.ge [sflag:s19], $0x3100  }
0xab: {  	s2 =	sadd.s32 $0x1, s2;
	s31 =	rddreg [dreg:$0x8]  }
0xac: {  	p0 =	sne.s32 s2, s31  }
.Ltmp1:
0xad: {  	_ = 	snop;
	(pc) =	sbr.rel @p0 .LBB2_1-.Ltmp1, $3  }
0xae: {  	_ =	sdelay $0x1  }
0xaf: {  	[sflag:s19] =	ssyncset.done $0x0  }
0xb0: {  	[sflag:s19] =	ssyncadd.s32 $0xFFFFCF00  }
0xb1: {  	_ =	sfence.sel $0x180000  }
0xb2: {  	[bflag:$0x0] =	sbarrier.arrive $0xFFFF  }
0xb3: {  	_ =	strace $0x90000047  }
0xb4: {  	s0 =	stileid.u32;
	[bflag:$0x2] =	sbarrier.arrive $0xFFFF  }
0xb5: {  	p0 =	sne.s32 s0, $0x0;
	s0 =	rddreg [dreg:$0x2]  }
0xb6: {  	s0 =	sadd.s32 @!p0 $0x100000, s0  }
0xb7: {  	[sflag:s0] =	ssyncadd.tile.s32 @!p0 $0x1;
	_ =	shalt  }
.Lfunc_end2:
_tile_overlayer_lowered:
.L_overlay_start_2:
0xb8: {  	(tag) =	ssettag $0x2  }
0xb9: {  	s0 =	rddreg [dreg:$0x0];
	s2 =	stileid.u32  }
0xba: {  	s1 =	rddreg [dreg:$0x1];
	p0 =	sne.s32 s2, $0x0  }
0xbb: {  	s3 =	rddreg [dreg:$0x2];
	[bflag:$0x3] =	sbarrier.arrive $0xFFFF;
	s2 =	simm.s32 @!p0 $0x1C05  }
0xbc: {  	[timem:s3], [sflag:s2] =	dma.local @!p0 [hbm:s0], s1  }
0xbd: {  	s0 =	simm.s32 @!p0 $0x5  }
0xbe: {  	_ =	swait.ge @!p0 [sflag:s0], s1  }
0xbf: {  	s1 =	ssub.s32 @!p0 $0x0, s1;
	[sflag:s0] =	ssyncset.done @!p0 $0x0  }
0xc0: {  	[sflag:s0] =	ssyncadd.s32 @!p0 s1  }
0xc1: {  	[bflag:$0x3] =	sbarrier.arrive $0xFFFF  }
0xc2: {  	_ =	shalt  }

// kernel: kernel.9.cloned.1.call-start
scs
__scs_entry_jumppad:
0x0: {  	(pc) =	sbr.rel $0x88, $3  }
0x1: {  	(tag) =	ssettag $0x0;
	lr =	simm.s32 $0x1  }
0x2: {  	[smem:$0x3F93] =	sst lr;
	_ =	strace $0xD0000000  }
0x3: {  	_ = 	snop  }
0x4: {  	_ = 	snop  }
0x5: {  	_ = 	snop  }
0x6: {  	_ = 	snop  }
0x7: {  	_ = 	snop  }
__scs_overlays_trampoline_lowered:
0x8: {  	[smem:$0x3FA2] =	sst s0  }
0x9: {  	[smem:$0x3FA3] =	sst s1  }
0xa: {  	[smem:$0x3FA4] =	sst s2  }
0xb: {  	[smem:$0x3FA5] =	sst s3  }
0xc: {  	[smem:$0x3FA6] =	sst s4  }
0xd: {  	[smem:$0x3FA7] =	sst s5  }
0xe: {  	[smem:$0x3FA8] =	sst s6  }
0xf: {  	[smem:$0x3FA9] =	sst s7  }
0x10: {  	[smem:$0x3FAA] =	sst s8  }
0x11: {  	[smem:$0x3FAB] =	sst s9;
	s0 =	simm.s32 @!p0 $0x0  }
0x12: {  	s1 =	sld [smem:$0x3F91];
	s0 =	simm.s32 @p0 $0x1  }
0x13: {  	[smem:$0x3FAC] =	sst s0;
	s0 =	simm.s32 @!p1 $0x0  }
0x14: {  	s2 =	sld [smem:$0x3F90];
	s0 =	simm.s32 @p1 $0x1  }
0x15: {  	[smem:$0x3FAD] =	sst s0;
	s0 =	simm.s32 @!p2 $0x0  }
0x16: {  	s3 =	sld [smem:$0x3FDB];
	s0 =	simm.s32 @p2 $0x1  }
0x17: {  	s4 =	simm.s32 $0x1BF5;
	[smem:$0x3FAF] =	sst s0  }
0x18: {  	s0 =	sld [smem:$0x3F92];
	_ =	swait.ge [sflag:s4], $0x0  }
0x19: {  	s7 =	sld [smem:$0x3F93]  }
0x1a: {  	s8 =	sadd.s32 $0xFFFFE003, lr  }
0x1b: {  	s9 =	sadd.s32 $0xFFFFFEF7, lr;
	s5 =	simm.s32 $0xFFFFFFFF;
	p2 =	slt.u32 s8, $0xFFFFF086  }
0x1c: {  	p1 =	slt.u32 s9, $0xF7A;
	s5 =	simm.s32 @!p2 $0x0  }
0x1d: {  	s5 =	simm.s32 @p1 $0x1;
	p0 =	seq.s32 s7, s2  }
0x1e: {  	s7 =	smul.u32 @!p0 $0xF7A, s2;
	p2 =	seq.s32 @!p0 s5, $0x0  }
0x1f: {  	s9 =	smul.u32 $0xF7A, s1;
	s8 =	simm.s32 @!p0 $0x1BF5;
	p2 =	por !p2, p0  }
0x20: {  	[sflag:s8] =	ssyncset.s32 @!p0 $0xFFFFF086;
	s6 =	sadd.s32 @!p0 s3, s7;
	s7 =	simm.s32 @!p0 $0x108  }
0x21: {  	s3 =	sadd.s32 s3, s9;
	s6 =	sadd.s32 @!p0 $0x88, s6;
	s7 =	simm.s32 @p2 $0x1082  }
0x22: {  	[simem:s7], [sflag:s8] =	dma.local @!p0 [hbm:s6], $0xF7A  }
0x23: {  	s9 =	sor.u32 $0xD0000000, s2;
	s6 =	simm.s32 $0x108;
	_ =	swait.ge @!p0 [sflag:s8], $0x0  }
0x24: {  	s3 =	sadd.s32 $0x88, s3;
	s6 =	simm.s32 @!p1 $0x1082;
	[sflag:s4] =	ssyncset.s32 $0xFFFFF086  }
0x25: {  	[simem:s6], [sflag:s4] =	dma.local [hbm:s3], $0xF7A  }
0x26: {  	[smem:$0x3F93] =	sst s1;
	(tag) =	ssettag s2;
	_ =	strace s9  }
0x27: {  	s1 =	sld [smem:$0x3FA3]  }
0x28: {  	s2 =	sld [smem:$0x3FA4]  }
0x29: {  	s4 =	sld [smem:$0x3FA6]  }
0x2a: {  	p0 =	seq.s32 s5, $0x0;
	s5 =	sld [smem:$0x3FA7]  }
0x2b: {  	s6 =	sld [smem:$0x3FA8]  }
0x2c: {  	s7 =	sld [smem:$0x3FA9]  }
0x2d: {  	s3 =	simm.s32 $0x108;
	s8 =	sld [smem:$0x3FAA]  }
0x2e: {  	s3 =	simm.s32 @!p0 $0x1082;
	s9 =	sld [smem:$0x3FAB]  }
0x2f: {  	lr =	sadd.s32 s0, s3;
	s0 =	sld [smem:$0x3FA2]  }
0x30: {  	s3 =	sld [smem:$0x3FA5]  }
0x31: {  	[smem:$0x3FAE] =	sst s10  }
0x32: {  	s10 =	sld [smem:$0x3FAC];
	_ =	sdelay $0x3  }
0x33: {  	p0 =	seq.s32 s10, $0x1;
	s10 =	sld [smem:$0x3FAE];
	_ =	sdelay $0x3  }
0x34: {  	[smem:$0x3FAE] =	sst s10  }
0x35: {  	s10 =	sld [smem:$0x3FAD];
	_ =	sdelay $0x3  }
0x36: {  	p1 =	seq.s32 s10, $0x1;
	s10 =	sld [smem:$0x3FAE];
	_ =	sdelay $0x3  }
0x37: {  	[smem:$0x3FAE] =	sst s10  }
0x38: {  	s10 =	sld [smem:$0x3FAF]  }
0x39: {  	_ = 	snop;
	(pc) =	sbr.ind lr, $3  }
0x3a: {  	_ = 	snop  }
0x3b: {  	_ = 	snop  }
0x3c: {  	p2 =	seq.s32 s10, $0x1;
	s10 =	sld [smem:$0x3FAE]  }
0x3d: {  	_ =	shalt  }
0x3e: {  	_ =	shalt  }
0x3f: {  	_ =	shalt  }
0x40: {  	_ =	shalt  }
0x41: {  	_ =	shalt  }
0x42: {  	_ =	shalt  }
0x43: {  	_ =	shalt  }
0x44: {  	_ =	shalt  }
0x45: {  	_ =	shalt  }
0x46: {  	_ =	shalt  }
0x47: {  	_ =	shalt  }
0x48: {  	_ =	shalt  }
0x49: {  	_ =	shalt  }
0x4a: {  	_ =	shalt  }
0x4b: {  	_ =	shalt  }
0x4c: {  	_ =	shalt  }
0x4d: {  	_ =	shalt  }
0x4e: {  	_ =	shalt  }
0x4f: {  	_ =	shalt  }
0x50: {  	_ =	shalt  }
0x51: {  	_ =	shalt  }
0x52: {  	_ =	shalt  }
0x53: {  	_ =	shalt  }
0x54: {  	_ =	shalt  }
0x55: {  	_ =	shalt  }
0x56: {  	_ =	shalt  }
0x57: {  	_ =	shalt  }
0x58: {  	_ =	shalt  }
0x59: {  	_ =	shalt  }
0x5a: {  	_ =	shalt  }
0x5b: {  	_ =	shalt  }
0x5c: {  	_ =	shalt  }
0x5d: {  	_ =	shalt  }
0x5e: {  	_ =	shalt  }
0x5f: {  	_ =	shalt  }
0x60: {  	_ =	shalt  }
0x61: {  	_ =	shalt  }
0x62: {  	_ =	shalt  }
0x63: {  	_ =	shalt  }
0x64: {  	_ =	shalt  }
0x65: {  	_ =	shalt  }
0x66: {  	_ =	shalt  }
0x67: {  	_ =	shalt  }
0x68: {  	_ =	shalt  }
0x69: {  	_ =	shalt  }
0x6a: {  	_ =	shalt  }
0x6b: {  	_ =	shalt  }
0x6c: {  	_ =	shalt  }
0x6d: {  	_ =	shalt  }
0x6e: {  	_ =	shalt  }
0x6f: {  	_ =	shalt  }
0x70: {  	_ =	shalt  }
0x71: {  	_ =	shalt  }
0x72: {  	_ =	shalt  }
0x73: {  	_ =	shalt  }
0x74: {  	_ =	shalt  }
0x75: {  	_ =	shalt  }
0x76: {  	_ =	shalt  }
0x77: {  	_ =	shalt  }
0x78: {  	_ =	shalt  }
0x79: {  	_ =	shalt  }
0x7a: {  	_ =	shalt  }
0x7b: {  	_ =	shalt  }
0x7c: {  	_ =	shalt  }
0x7d: {  	_ =	shalt  }
0x7e: {  	_ =	shalt  }
0x7f: {  	_ =	shalt  }
0x80: {  	_ =	shalt  }
0x81: {  	_ =	shalt  }
0x82: {  	_ =	shalt  }
0x83: {  	_ =	shalt  }
0x84: {  	_ =	shalt  }
0x85: {  	_ =	shalt  }
0x86: {  	_ =	shalt  }
0x87: {  	_ =	shalt  }
.Lfunc_end0:
.L_simem_size_0:
called_computation.1_lowered:
.L_overlay_start_0:
0x88: {  	s2 =	sld [smem:$0x3FD9]  }
0x89: {  	s3 =	sld [smem:$0x3FFE];
	_ =	sdelay $0x1  }
0x8a: {  	s1 =	srdreg.scid  }
0x8b: {  	s0 =	sand.u32 $0x1, s1  }
0x8c: {  	s16 =	sshll.u32 s0, $0xA;
	s2 =	sadd.s32 s3, s2  }
0x8d: {  	s2 =	sadd.s32 s2, s16  }
0x8e: {  	[smem:$0x3FBA] =	sst s2  }
0x8f: {  	_ = 	snop  }
0x90: {  	(tm) =	ssettm $0x1  }
0x91: {  	s17 =	sld [smem:$0x3FFB];
	_ =	sdelay $0x3  }
0x92: {  	_ =	strace s17  }
0x93: {  	s2 =	sld [smem:$0x3FFC];
	_ =	sdelay $0x3  }
0x94: {  	_ =	strace s2  }
0x95: {  	s2 =	sld [smem:$0x3FFD];
	_ =	sdelay $0x3  }
0x96: {  	_ =	strace s2  }
0x97: {  	_ =	strace $0x8FFFFFFF  }
0x98: {  	s18 =	sld [smem:$0x3FDB];
	_ =	sdelay $0x1  }
0x99: {  	s19 =	simm.s32 $_scs_section_size  }
0x9a: {  	s4 =	simm.s32 $_size__tile_overlayer_lowered;
	s5 =	simm.s32 $_tile_overlayer_lowered  }
0x9b: {  	s22 =	simm.s32 $0x1BFF;
	s21 =	sshll.u32 s5, $0x1;
	s2 =	sadd.s32 s19, s18  }
0x9c: {  	s6 =	simm.s32 $0x0;
	s20 =	sshll.u32 s4, $0x1;
	s4 =	sadd.s32 s21, s2  }
0x9d: {  	[timem:s6], [sflag:s22] =	dma.local [hbm:s4], s20  }
0x9e: {  	_ =	swait.ge [sflag:s22], s20  }
0x9f: {  	s3 =	ssub.s32 $0x0, s20;
	[sflag:s22] =	ssyncset.done $0x0  }
0xa0: {  	[sflag:s22] =	ssyncadd.s32 s3;
	_ =	sdelay $0x1  }
0xa1: {  	s23 =	simm.s32 $0x1B8B  }
0xa2: {  	_ =	swait.ge [sflag:s23], $0x1  }
0xa3: {  	[sflag:s23] =	ssyncset.done $0x0  }
0xa4: {  	s25 =	simm.s32 $0x1B8E;
	s24 =	sld [smem:$0x3FFE];
	[sflag:s23] =	ssyncadd.s32 $0xFFFFFFFF  }
0xa5: {  	s26 =	simm.s32 $execute0_lowered;
	[smem:$0x3FD2] =	sst s25  }
0xa6: {  	s4 =	sshll.u32 s26, $0x1;
	_ =	strace $0x80000049;
	[dreg:$0x1] =	wrdreg $0xFFFFFFFF  }
0xa7: {  	s28 =	simm.s32 $_size_execute0_lowered;
	s2 =	sadd.s32 s2, s4;
	[dreg:$0x0] =	wrdreg $0x0  }
0xa8: {  	s4 =	sshll.u32 s28, $0x1;
	[dreg:$0x2] =	wrdreg s2  }
0xa9: {  	[dreg:$0x3] =	wrdreg s4  }
0xaa: {  	[dreg:$0x4] =	wrdreg $0xC0  }
0xab: {  	_ =	task [dreg:s6], $0x5FFFF  }
0xac: {  	[dreg:$0x1] =	wrdreg $0xFFFFFFFF  }
0xad: {  	[dreg:$0x0] =	wrdreg $0x60  }
0xae: {  	[dreg:$0x2] =	wrdreg s24  }
0xaf: {  	[dreg:$0x3] =	wrdreg $0x0  }
0xb0: {  	[dreg:$0x4] =	wrdreg $0x9  }
0xb1: {  	_ =	task.clear_ibuf [dreg:s6], $0x5FFFF;
	_ =	strace $0x90000049  }
0xb2: {  	s29 =	simm.s32 $0x9;
	_ =	strace $0x8000004B  }
0xb3: {  	_ =	swait.ge [sflag:s29], $0x1  }
0xb4: {  	[sflag:s29] =	ssyncadd.s32 $0xFFFFFFFF  }
0xb5: {  	_ =	strace $0x9000004B  }
0xb6: {  	_ =	sfence  }
0xb7: {  	s30 =	sld [smem:$0x0];
	_ =	sdelay $0x2  }
0xb8: {  	s31 =	sshll.u32 s1, $0xD;
	s1 =	sshrl.u32 s1, $0x2  }
0xb9: {  	s3 =	sand.u32 $0x4000, s31;
	s1 =	sadd.s32 s1, s30  }
0xba: {  	s0 =	sor.u32 s3, s0;
	s1 =	sshll.u32 s1, $0x11  }
0xbb: {  	s0 =	sor.u32 s1, s0  }
0xbc: {  	s0 =	sadd.s32 $0x8F2B, s0  }
0xbd: {  	[sflag:s0] =	ssyncadd.remote.s32 $0x1  }
0xbe: {  	_ =	sfence.sel $0xFFFF  }
0xbf: {  	[dreg:$0x0] =	wrdreg $0xFFFFFFFF;
	(pc) =	sbr.abs _section_cstart, $3  }
0xc0: {  	[dreg:$0x1] =	wrdreg $0xFFFFFFFF  }
0xc1: {  	_ =	task.clear_ibuf [dreg:s6], $0x2FFFF;
	_ =	strace $0x9FFFFFFF  }
0xc2: {  	(tm) =	ssettm $0x7FFFFFFF  }
0xc3: {  	_ =	shalt  }
tec
execute0_lowered:
.L_overlay_start_1:
0x0: {  	(tag) =	ssettag $0x1  }
0x1: {  	s0 =	rddreg [dreg:$0x0]  }
0x2: {  	s1 =	rddreg [dreg:$0x1];
	s2 =	simm.s32 $0x0  }
0x3: {  	s15 =	stileid.u32;
	s8 =	srdreg.scid;
	s28 =	simm.s32 $0x300  }
0x4: {  	s29 =	simm.s32 $0x19A00;
	s31 =	simm.s32 $0x1CA00;
	[smem:$0x7FF] =	sst s2  }
0x5: {  	s30 =	simm.s32 $0x1;
	s4 =	sadd.s32 $0x128C00, s0;
	s6 =	sadd.s32 $0x18AC00, s0  }
0x6: {  	s5 =	sadd.s32 $0xC6C00, s0;
	s7 =	sadd.s32 $0x159C00, s0;
	s3 =	smul.u32 $0x18800, s15  }
0x7: {  	s9 =	sadd.s32 $0x65000, s0;
	s10 =	sadd.s32 $0x3400, s0;
	s14 =	smul.u32 $0x30D40, s15  }
0x8: {  	s8 =	sand.u32 $0x1, s8;
	s11 =	sadd.s32 $0x21DC00, s0;
	s23 =	smul.u32 $0x61A8, s15  }
0x9: {  	s26 =	sshll.u32 s15, $0x6;
	_ =	strace $0x8000004A;
	[dreg:$0x3] =	wrdreg s11  }
0xa: {  	s16 =	ssub.s32 $0x2, s8;
	p0 =	seq.s32 s8, $0x1;
	s12 =	sshrl.u32 s3, $0x3  }
0xb: {  	s3 =	sadd.s32 s3, s1;
	s19 =	sshrl.u32 s14, $0x3;
	[dreg:$0x4] =	wrdreg s12  }
0xc: {  	s12 =	sadd.s32 s12, s0;
	s0 =	sadd.s32 $0x1BBC00, s0;
	[dreg:$0x6] =	wrdreg s3  }
0xd: {  	s13 =	sshrl.u32 s16, $0x1;
	s20 =	sadd.s32 s9, s19;
	[dreg:$0x5] =	wrdreg s0  }
0xe: {  	s17 =	ssub.s32 s16, s13;
	s21 =	sadd.s32 s10, s19;
	[dreg:$0x8] =	wrdreg s20  }
0xf: {  	s3 =	sadd.s32 $0x6180, s19;
	s18 =	sadd.s32 $0xF7C00, s12;
	[dreg:$0x9] =	wrdreg s21  }
0x10: {  	s22 =	sadd.s32 s9, s3;
	s3 =	sadd.s32 s10, s3;
	[dreg:$0x7] =	wrdreg s18  }
0x11: {  	s24 =	sadd.s32 $0x24EC00, s12;
	s25 =	sadd.s32 $0x1ECC00, s12;
	[dreg:$0xa] =	wrdreg s22  }
.Ltmp0:
0x12: {  	s0 =	smax.u32 s17, $0x1;
	[dreg:$0xb] =	wrdreg s3;
	(pc) =	sbr.rel .LBB2_1-.Ltmp0, $4  }
0x13: {  	s20 =	sor.u32 $0x1C05, s26;
	s21 =	sadd.s32 s23, s10;
	[dreg:$0xc] =	wrdreg s24  }
0x14: {  	s26 =	simm.s32 $0x4;
	s10 =	simm.s32 $0x140;
	[dreg:$0xd] =	wrdreg s25  }
0x15: {  	[dreg:$0xe] =	wrdreg s0;
	s22 =	sadd.s32 s23, s9;
	s23 =	simm.s32 $0x5  }
0x16: {  	s0 =	simm.s32 $0x2;
	s3 =	simm.s32 $0x3;
	s18 =	simm.s32 $0x0  }
.LBB2_11:
0x17: {  	[sflag:s30] =	ssyncset.done $0x0  }
0x18: {  	s8 =	smul.u32 $0xAAAB, s12;
	[sflag:s30] =	ssyncadd.s32 $0xFFFFD000  }
0x19: {  	[spmem:s1] =	stream.indirect.scatter.add.f32 [tilespmem:s31], [sflag:$0x3], $0x10, s19, s28, $0xb8;
	[tilespmem:$0x1FC80] =	vst v63  }
0x1a: {  	_ =	swait.ge @!p1 [sflag:s14], $0x3000  }
0x1b: {  	s9 =	smul.u32 $0xAAAB, s11;
	s8 =	sshrl.u32 s8, $0x11;
	[sflag:s14] =	ssyncset.done @!p1 $0x0  }
0x1c: {  	s8 =	smul.u32 $0x3, s8;
	[sflag:s14] =	ssyncadd.s32 @!p1 $0xFFFFD000  }
0x1d: {  	s9 =	sshrl.u32 s9, $0x11;
	_ =	swait.ge [sflag:s26], $0x300  }
0x1e: {  	s9 =	smul.u32 $0x3, s9;
	s8 =	ssub.s32 s12, s8;
	[sflag:s26] =	ssyncset.done $0x0  }
0x1f: {  	s13 =	sadd.s32 s25, s22;
	s8 =	smul.u32 $0x300, s8;
	[sflag:s26] =	ssyncadd.s32 $0xFFFFFD00  }
0x20: {  	s16 =	sadd.s32 s25, s21;
	s13 =	sadd.s32 $0x60, s13;
	_ =	swait.ge [sflag:s26], $0x300  }
0x21: {  	s9 =	ssub.s32 s11, s9;
	s8 =	sand.u32 $0xFF00, s8;
	[sflag:s26] =	ssyncset.done $0x0  }
0x22: {  	s9 =	smul.u32 $0x300, s9;
	s17 =	sadd.s32 $0x18800, s8;
	[sflag:s26] =	ssyncadd.s32 $0xFFFFFD00  }
0x23: {  	[tilespmem:s17], [sflag:$0x4] =	stream.linear.gather [hbm4b:s13+s2], $0x300, $0x38;
	[tilespmem:$0x1FC80] =	vst v63  }
0x24: {  	s12 =	sadd.s32 $0x60, s16;
	s9 =	sand.u32 $0xFF00, s9;
	s8 =	sadd.s32 $0x19100, s8  }
0x25: {  	[tilespmem:s8], [sflag:$0x4] =	stream.linear.gather [hbm4b:s12+s2], $0x300, $0x38;
	[tilespmem:$0x1FC80] =	vst v63  }
0x26: {  	s19 =	sadd.s32 $0x18800, s9  }
0x27: {  	[tilespmem:s29], [sflag:$0x1] =	stream.indirect.gather [hbm4b:s7+s28], $0x10, s19, s28, $0xb8;
	[tilespmem:$0x1FC80] =	vst v63  }
0x28: {  	_ =	swait.ge [sflag:s30], $0x3000  }
0x29: {  	p2 =	seq.s32 s25, $0x60C0;
	[sflag:s30] =	ssyncset.done $0x0  }
0x2a: {  	s11 =	sadd.s32 @!p2 $0x2, s11;
	s9 =	sadd.s32 $0x19100, s9;
	[sflag:s30] =	ssyncadd.s32 $0xFFFFD000  }
0x2b: {  	[spmem:s1] =	stream.indirect.scatter.add.f32 [tilespmem:s29], [sflag:$0x2], $0x10, s9, s28, $0xb8;
	[tilespmem:$0x1FC80] =	vst v63  }
0x2c: {  	s12 =	smul.u32 @!p2 $0xAAAB, s11;
	s9 =	simm.s32 @!p1 $0x3  }
0x2d: {  	_ =	swait.ge @!p1 [sflag:s9], $0x3000  }
0x2e: {  	s12 =	sshrl.u32 @!p2 s12, $0x11;
	[sflag:s9] =	ssyncset.done @!p1 $0x0  }
0x2f: {  	[sflag:s9] =	ssyncadd.s32 @!p1 $0xFFFFD000;
	s9 =	smul.u32 @!p2 $0x3, s12  }
0x30: {  	_ =	swait.ge [sflag:s26], $0x300  }
0x31: {  	[sflag:s26] =	ssyncset.done $0x0;
	s9 =	ssub.s32 @!p2 s11, s9  }
0x32: {  	[sflag:s26] =	ssyncadd.s32 $0xFFFFFD00;
	s9 =	smul.u32 @!p2 $0x300, s9  }
0x33: {  	s13 =	simm.s32 @!p2 $0x0;
	s12 =	sadd.s32 @!p2 s25, s21;
	_ =	swait.ge [sflag:s26], $0x300  }
0x34: {  	s11 =	sadd.s32 @!p2 s25, s22;
	[sflag:s26] =	ssyncset.done $0x0;
	s9 =	sand.u32 @!p2 $0xFF00, s9  }
0x35: {  	s11 =	sadd.s32 @!p2 $0xC0, s11;
	[sflag:s26] =	ssyncadd.s32 $0xFFFFFD00;
	s15 =	sadd.s32 @!p2 $0x18800, s9  }
0x36: {  	[tilespmem:s15], [sflag:$0x4] =	stream.linear.gather @!p2 [hbm4b:s11+s13], $0x300, $0x38;
	[tilespmem:$0x1FC80] =	vst v63  }
0x37: {  	s9 =	sadd.s32 @!p2 $0x19100, s9;
	s11 =	sadd.s32 @!p2 $0xC0, s12  }
0x38: {  	[tilespmem:s9], [sflag:$0x4] =	stream.linear.gather @!p2 [hbm4b:s11+s13], $0x300, $0x38;
	[tilespmem:$0x1FC80] =	vst v63  }
0x39: {  	_ = 	snop  }
0x3a: {  	[tilespmem:s31], [sflag:$0x1] =	stream.indirect.gather [hbm4b:s7+s28], $0x10, s17, s28, $0xb8;
	[tilespmem:$0x1FC80] =	vst v63  }
0x3b: {  	_ =	swait.ge [sflag:s30], $0x3000  }
0x3c: {  	[sflag:s30] =	ssyncset.done $0x0  }
0x3d: {  	s11 =	smov.u32 s7;
	s9 =	rddreg [dreg:$0x5];
	[sflag:s30] =	ssyncadd.s32 $0xFFFFD000  }
0x3e: {  	[spmem:s1] =	stream.indirect.scatter.add.f32 [tilespmem:s31], [sflag:$0x3], $0x10, s8, s28, $0xb8;
	[tilespmem:$0x1FC80] =	vst v63  }
.LBB2_12:
0x3f: {  	_ =	swait.ge [sflag:s0], $0x3000  }
0x40: {  	[sflag:s0] =	ssyncset.done $0x0  }
0x41: {  	[sflag:s0] =	ssyncadd.s32 $0xFFFFD000  }
0x42: {  	_ =	swait.ge [sflag:s3], $0x3000  }
0x43: {  	[sflag:s3] =	ssyncset.done $0x0  }
0x44: {  	s12 =	simm.s32 $0x1FA00;
	s8 =	rddreg [dreg:$0xa];
	[sflag:s3] =	ssyncadd.s32 $0xFFFFD000  }
0x45: {  	[tilespmem:s12], [sflag:$0x5] =	stream.linear.gather [hbm4b:s8+s2], $0x140, $0x38;
	[tilespmem:$0x1FC80] =	vst v63  }
0x46: {  	_ =	swait.ge [sflag:s23], $0x140  }
0x47: {  	[sflag:s23] =	ssyncset.done $0x0  }
0x48: {  	s13 =	simm.s32 $0x1FB40;
	s17 =	rddreg [dreg:$0xb];
	[sflag:s23] =	ssyncadd.s32 $0xFFFFFEC0  }
0x49: {  	[tilespmem:s13], [sflag:$0x5] =	stream.linear.gather [hbm4b:s17+s2], $0x140, $0x38;
	[tilespmem:$0x1FC80] =	vst v63  }
0x4a: {  	_ =	swait.ge [sflag:s23], $0x140  }
0x4b: {  	[sflag:s23] =	ssyncset.done $0x0  }
0x4c: {  	[sflag:s23] =	ssyncadd.s32 $0xFFFFFEC0  }
0x4d: {  	[tilespmem:s29], [sflag:$0x1] =	stream.indirect.gather [hbm4b:s11+s10], $0x10, s12, s10, $0xb8;
	[tilespmem:$0x1FC80] =	vst v63  }
0x4e: {  	_ =	swait.ge [sflag:s30], $0x1400  }
0x4f: {  	[sflag:s30] =	ssyncset.done $0x0  }
0x50: {  	[sflag:s30] =	ssyncadd.s32 $0xFFFFEC00  }
0x51: {  	[spmem:s1] =	stream.indirect.scatter.add.f32 [tilespmem:s29], [sflag:$0x5], $0x10, s13, s10, $0xb8;
	[tilespmem:$0x1FC80] =	vst v63  }
0x52: {  	_ =	swait.ge [sflag:s23], $0x1400  }
0x53: {  	[sflag:s23] =	ssyncset.done $0x0  }
0x54: {  	s19 =	rddreg [dreg:$0x4];
	[sflag:s23] =	ssyncadd.s32 $0xFFFFEC00  }
0x55: {  	s8 =	sadd.s32 s9, s19;
	[bflag:$0x0] =	sbarrier.arrive $0xFFFF  }
0x56: {  	[hbm:s8], [sflag:s20] =	dma.local [spmem:s24], $0x3100  }
0x57: {  	_ =	swait.ge [sflag:s23], $0x3100  }
0x58: {  	s18 =	sadd.s32 $0x1, s18;
	s25 =	rddreg [dreg:$0xe]  }
0x59: {  	p1 =	sne.s32 s18, s25  }
.Ltmp1:
0x5a: {  	_ = 	snop;
	(pc) =	sbr.rel @!p1 .LBB2_13-.Ltmp1, $3  }
0x5b: {  	_ =	sdelay $0x1  }
0x5c: {  	[sflag:s23] =	ssyncset.done $0x0  }
0x5d: {  	[sflag:s23] =	ssyncadd.s32 $0xFFFFCF00  }
.LBB2_1:
0x5e: {  	s8 =	rddreg [dreg:$0x6]  }
0x5f: {  	s16 =	rddreg [dreg:$0x7];
	s24 =	sshrl.u32 s8, $0x3  }
0x60: {  	[spmem:s24], [sflag:s20] =	dma.local [hbm:s16], $0x3100  }
0x61: {  	_ =	swait.ge [sflag:s23], $0x3100  }
0x62: {  	[sflag:s23] =	ssyncset.done $0x0  }
0x63: {  	[sflag:s23] =	ssyncadd.s32 $0xFFFFCF00  }
.Ltmp2:
0x64: {  	[bflag:$0x0] =	sbarrier.arrive $0xFFFF;
	(pc) =	sbr.rel @!p0 .LBB2_2-.Ltmp2, $4  }
0x65: {  	s9 =	simm.s32 $0x18800;
	s17 =	rddreg [dreg:$0x8]  }
0x66: {  	[tilespmem:s9], [sflag:$0x4] =	stream.linear.gather [hbm4b:s17+s2], $0x300, $0x38;
	[tilespmem:$0x1FC80] =	vst v63  }
0x67: {  	s25 =	simm.s32 $0x19100;
	p1 =	por $0x1, $0x1;
	s19 =	rddreg [dreg:$0x9]  }
0x68: {  	[tilespmem:s25], [sflag:$0x4] =	stream.linear.gather [hbm4b:s19+s2], $0x300, $0x38;
	[tilespmem:$0x1FC80] =	vst v63  }
0x69: {  	s8 =	simm.s32 $0x1;
	p1 =	por p1, p1  }
0x6a: {  	s8 =	smul.u32 $0xAAAB, s8;
	s9 =	simm.s32 @!p1 $0x2  }
0x6b: {  	_ =	swait.ge @!p1 [sflag:s9], $0x3000  }
0x6c: {  	s11 =	smul.u32 $0xAAAB, s2;
	s8 =	sshrl.u32 s8, $0x11;
	[sflag:s9] =	ssyncset.done @!p1 $0x0  }
0x6d: {  	s8 =	smul.u32 $0x3, s8;
	[sflag:s9] =	ssyncadd.s32 @!p1 $0xFFFFD000  }
0x6e: {  	s14 =	sshrl.u32 s11, $0x11;
	_ =	swait.ge [sflag:s26], $0x300  }
0x6f: {  	s9 =	smul.u32 $0x3, s14;
	s8 =	ssub.s32 $0x1, s8;
	[sflag:s26] =	ssyncset.done $0x0  }
0x70: {  	s12 =	sadd.s32 $0x0, s22;
	s8 =	smul.u32 $0x300, s8;
	[sflag:s26] =	ssyncadd.s32 $0xFFFFFD00  }
0x71: {  	s15 =	sadd.s32 $0x0, s21;
	s12 =	sadd.s32 $0x60, s12;
	_ =	swait.ge [sflag:s26], $0x300  }
0x72: {  	s9 =	ssub.s32 $0x0, s9;
	s8 =	sand.u32 $0xFF00, s8;
	[sflag:s26] =	ssyncset.done $0x0  }
0x73: {  	s9 =	smul.u32 $0x300, s9;
	s13 =	sadd.s32 $0x18800, s8;
	[sflag:s26] =	ssyncadd.s32 $0xFFFFFD00  }
0x74: {  	[tilespmem:s13], [sflag:$0x4] =	stream.linear.gather [hbm4b:s12+s2], $0x300, $0x38;
	[tilespmem:$0x1FC80] =	vst v63  }
0x75: {  	s16 =	sadd.s32 $0x60, s15;
	s9 =	sand.u32 $0xFF00, s9;
	s19 =	sadd.s32 $0x19100, s8  }
0x76: {  	[tilespmem:s19], [sflag:$0x4] =	stream.linear.gather [hbm4b:s16+s2], $0x300, $0x38;
	[tilespmem:$0x1FC80] =	vst v63  }
0x77: {  	s17 =	sadd.s32 $0x18800, s9  }
0x78: {  	[tilespmem:s29], [sflag:$0x1] =	stream.indirect.gather [hbm4b:s6+s28], $0x10, s17, s28, $0xb8;
	[tilespmem:$0x1FC80] =	vst v63  }
0x79: {  	p2 =	por $0x0, $0x0;
	_ =	swait.ge [sflag:s30], $0x3000  }
0x7a: {  	s25 =	sadd.s32 $0x19100, s9;
	s9 =	simm.s32 @!p2 $0x2;
	[sflag:s30] =	ssyncset.done $0x0  }
0x7b: {  	s8 =	simm.s32 @!p1 $0x3;
	s9 =	smul.u32 @!p2 $0xAAAB, s9;
	[sflag:s30] =	ssyncadd.s32 $0xFFFFD000  }
0x7c: {  	[spmem:s1] =	stream.indirect.scatter.add.f32 [tilespmem:s29], [sflag:$0x2], $0x10, s25, s28, $0xb8;
	[tilespmem:$0x1FC80] =	vst v63  }
0x7d: {  	_ =	swait.ge @!p1 [sflag:s8], $0x3000  }
0x7e: {  	s9 =	sshrl.u32 @!p2 s9, $0x11;
	[sflag:s8] =	ssyncset.done @!p1 $0x0  }
0x7f: {  	[sflag:s8] =	ssyncadd.s32 @!p1 $0xFFFFD000;
	s8 =	smul.u32 @!p2 $0x3, s9  }
0x80: {  	_ =	swait.ge [sflag:s26], $0x300  }
0x81: {  	[sflag:s26] =	ssyncset.done $0x0;
	s8 =	ssub.s32 @!p2 $0x2, s8  }
0x82: {  	p6 =	por $0x0, $0x0;
	[sflag:s26] =	ssyncadd.s32 $0xFFFFFD00;
	s8 =	smul.u32 @!p2 $0x300, s8  }
0x83: {  	s11 =	sadd.s32 @!p2 $0x0, s21;
	s12 =	simm.s32 @!p2 $0x0;
	_ =	swait.ge [sflag:s26], $0x300  }
0x84: {  	s9 =	sadd.s32 @!p2 $0x0, s22;
	[sflag:s26] =	ssyncset.done $0x0;
	s8 =	sand.u32 @!p2 $0xFF00, s8  }
0x85: {  	s9 =	sadd.s32 @!p2 $0xC0, s9;
	[sflag:s26] =	ssyncadd.s32 $0xFFFFFD00;
	s14 =	sadd.s32 @!p2 $0x18800, s8  }
0x86: {  	[tilespmem:s14], [sflag:$0x4] =	stream.linear.gather @!p2 [hbm4b:s9+s12], $0x300, $0x38;
	[tilespmem:$0x1FC80] =	vst v63  }
0x87: {  	p1 =	por p6, p6;
	s8 =	sadd.s32 @!p2 $0x19100, s8;
	s9 =	sadd.s32 @!p2 $0xC0, s11  }
0x88: {  	[tilespmem:s8], [sflag:$0x4] =	stream.linear.gather @!p2 [hbm4b:s9+s12], $0x300, $0x38;
	[tilespmem:$0x1FC80] =	vst v63  }
0x89: {  	s25 =	simm.s32 $0xC0;
	s11 =	simm.s32 $0x2;
	s14 =	simm.s32 @!p1 $0x2  }
0x8a: {  	[tilespmem:s31], [sflag:$0x1] =	stream.indirect.gather [hbm4b:s6+s28], $0x10, s13, s28, $0xb8;
	[tilespmem:$0x1FC80] =	vst v63  }
0x8b: {  	s9 =	simm.s32 $0x180;
	s12 =	simm.s32 $0x3;
	_ =	swait.ge [sflag:s30], $0x3000  }
.LBB2_8:
0x8c: {  	p3 =	seq.s32 s9, $0x0;
	s8 =	smul.u32 $0xAAAB, s12;
	[sflag:s30] =	ssyncset.done $0x0  }
0x8d: {  	s13 =	smov.u32 s9;
	s9 =	sadd.s32 $0xC0, s9;
	[sflag:s30] =	ssyncadd.s32 $0xFFFFD000  }
0x8e: {  	[spmem:s1] =	stream.indirect.scatter.add.f32 [tilespmem:s31], [sflag:$0x3], $0x10, s19, s28, $0xb8;
	[tilespmem:$0x1FC80] =	vst v63  }
0x8f: {  	p2 =	sne.s32 s9, $0x6180;
	s8 =	sshrl.u32 s8, $0x11;
	_ =	swait.ge @!p1 [sflag:s14], $0x3000  }
0x90: {  	s8 =	smul.u32 $0x3, s8;
	[sflag:s14] =	ssyncset.done @!p1 $0x0  }
0x91: {  	s15 =	smul.u32 $0xAAAB, s11;
	[sflag:s14] =	ssyncadd.s32 @!p1 $0xFFFFD000  }
0x92: {  	s8 =	ssub.s32 s12, s8;
	_ =	swait.ge [sflag:s26], $0x300  }
0x93: {  	s12 =	sshrl.u32 s15, $0x11;
	s8 =	smul.u32 $0x300, s8;
	[sflag:s26] =	ssyncset.done $0x0  }
0x94: {  	s14 =	sadd.s32 s25, s21;
	s12 =	smul.u32 $0x3, s12;
	[sflag:s26] =	ssyncadd.s32 $0xFFFFFD00  }
0x95: {  	s15 =	sadd.s32 s25, s22;
	s8 =	sand.u32 $0xFF00, s8;
	_ =	swait.ge [sflag:s26], $0x300  }
0x96: {  	s16 =	ssub.s32 s11, s12;
	s12 =	sadd.s32 $0x18800, s8;
	[sflag:s26] =	ssyncset.done $0x0  }
0x97: {  	s15 =	sadd.s32 $0x60, s15;
	s16 =	smul.u32 $0x300, s16;
	[sflag:s26] =	ssyncadd.s32 $0xFFFFFD00  }
0x98: {  	[tilespmem:s12], [sflag:$0x4] =	stream.linear.gather [hbm4b:s15+s2], $0x300, $0x38;
	[tilespmem:$0x1FC80] =	vst v63  }
0x99: {  	s19 =	sadd.s32 $0x19100, s8;
	s8 =	sadd.s32 $0x60, s14;
	s15 =	sand.u32 $0xFF00, s16  }
0x9a: {  	[tilespmem:s19], [sflag:$0x4] =	stream.linear.gather [hbm4b:s8+s2], $0x300, $0x38;
	[tilespmem:$0x1FC80] =	vst v63  }
0x9b: {  	s8 =	sadd.s32 $0x18800, s15  }
0x9c: {  	[tilespmem:s29], [sflag:$0x1] =	stream.indirect.gather [hbm4b:s6+s28], $0x10, s8, s28, $0xb8;
	[tilespmem:$0x1FC80] =	vst v63  }
0x9d: {  	s8 =	simm.s32 @!p1 $0x3;
	_ =	swait.ge [sflag:s30], $0x3000  }
0x9e: {  	p4 =	seq.s32 s25, $0x60C0;
	s14 =	sadd.s32 $0x19100, s15;
	[sflag:s30] =	ssyncset.done $0x0  }
0x9f: {  	s16 =	sadd.s32 @!p4 s25, s22;
	s15 =	sadd.s32 @!p4 $0x2, s11;
	[sflag:s30] =	ssyncadd.s32 $0xFFFFD000  }
0xa0: {  	[spmem:s1] =	stream.indirect.scatter.add.f32 [tilespmem:s29], [sflag:$0x2], $0x10, s14, s28, $0xb8;
	[tilespmem:$0x1FC80] =	vst v63  }
0xa1: {  	s16 =	sadd.s32 @!p4 $0xC0, s16;
	s14 =	smul.u32 @!p4 $0xAAAB, s15;
	_ =	swait.ge @!p1 [sflag:s8], $0x3000  }
0xa2: {  	s17 =	sadd.s32 @!p4 s25, s21;
	s25 =	smov.u32 s13;
	[sflag:s8] =	ssyncset.done @!p1 $0x0  }
0xa3: {  	s13 =	sadd.s32 @!p4 $0xC0, s17;
	[sflag:s8] =	ssyncadd.s32 @!p1 $0xFFFFD000;
	s8 =	sshrl.u32 @!p4 s14, $0x11  }
0xa4: {  	p1 =	por p3, p3;
	_ =	swait.ge [sflag:s26], $0x300;
	s8 =	smul.u32 @!p4 $0x3, s8  }
0xa5: {  	[sflag:s26] =	ssyncset.done $0x0  }
0xa6: {  	[sflag:s26] =	ssyncadd.s32 $0xFFFFFD00;
	s8 =	ssub.s32 @!p4 s15, s8  }
0xa7: {  	_ =	swait.ge [sflag:s26], $0x300;
	s8 =	smul.u32 @!p4 $0x300, s8  }
0xa8: {  	[sflag:s26] =	ssyncset.done $0x0  }
0xa9: {  	s14 =	simm.s32 @!p4 $0x0;
	[sflag:s26] =	ssyncadd.s32 $0xFFFFFD00;
	s8 =	sand.u32 @!p4 $0xFF00, s8  }
0xaa: {  	s15 =	sadd.s32 @!p4 $0x18800, s8;
	s8 =	sadd.s32 @!p4 $0x19100, s8  }
0xab: {  	[tilespmem:s15], [sflag:$0x4] =	stream.linear.gather @!p4 [hbm4b:s16+s14], $0x300, $0x38;
	[tilespmem:$0x1FC80] =	vst v63  }
.Ltmp3:
0xac: {  	(pc) =	sbr.rel @p2 .LBB2_8-.Ltmp3, $4  }
0xad: {  	[tilespmem:s8], [sflag:$0x4] =	stream.linear.gather @!p4 [hbm4b:s13+s14], $0x300, $0x38;
	[tilespmem:$0x1FC80] =	vst v63  }
0xae: {  	s11 =	sadd.s32 $0x2, s11  }
0xaf: {  	[tilespmem:s31], [sflag:$0x1] =	stream.indirect.gather [hbm4b:s6+s28], $0x10, s12, s28, $0xb8;
	[tilespmem:$0x1FC80] =	vst v63  }
0xb0: {  	s14 =	simm.s32 @!p1 $0x2;
	s12 =	sadd.s32 $0x1, s11;
	_ =	swait.ge [sflag:s30], $0x3000  }
0xb1: {  	[sflag:s30] =	ssyncset.done $0x0  }
0xb2: {  	s8 =	smul.u32 $0xAAAB, s12;
	[sflag:s30] =	ssyncadd.s32 $0xFFFFD000  }
0xb3: {  	[spmem:s1] =	stream.indirect.scatter.add.f32 [tilespmem:s31], [sflag:$0x3], $0x10, s19, s28, $0xb8;
	[tilespmem:$0x1FC80] =	vst v63  }
0xb4: {  	_ =	swait.ge @!p1 [sflag:s14], $0x3000  }
0xb5: {  	s9 =	smul.u32 $0xAAAB, s11;
	s8 =	sshrl.u32 s8, $0x11;
	[sflag:s14] =	ssyncset.done @!p1 $0x0  }
0xb6: {  	s8 =	smul.u32 $0x3, s8;
	[sflag:s14] =	ssyncadd.s32 @!p1 $0xFFFFD000  }
0xb7: {  	s9 =	sshrl.u32 s9, $0x11;
	_ =	swait.ge [sflag:s26], $0x300  }
0xb8: {  	s9 =	smul.u32 $0x3, s9;
	s8 =	ssub.s32 s12, s8;
	[sflag:s26] =	ssyncset.done $0x0  }
0xb9: {  	s13 =	sadd.s32 s25, s22;
	s8 =	smul.u32 $0x300, s8;
	[sflag:s26] =	ssyncadd.s32 $0xFFFFFD00  }
0xba: {  	s16 =	sadd.s32 s25, s21;
	s13 =	sadd.s32 $0x60, s13;
	_ =	swait.ge [sflag:s26], $0x300  }
0xbb: {  	s9 =	ssub.s32 s11, s9;
	s8 =	sand.u32 $0xFF00, s8;
	[sflag:s26] =	ssyncset.done $0x0  }
0xbc: {  	s9 =	smul.u32 $0x300, s9;
	s17 =	sadd.s32 $0x18800, s8;
	[sflag:s26] =	ssyncadd.s32 $0xFFFFFD00  }
0xbd: {  	[tilespmem:s17], [sflag:$0x4] =	stream.linear.gather [hbm4b:s13+s2], $0x300, $0x38;
	[tilespmem:$0x1FC80] =	vst v63  }
0xbe: {  	s12 =	sadd.s32 $0x60, s16;
	s9 =	sand.u32 $0xFF00, s9;
	s8 =	sadd.s32 $0x19100, s8  }
0xbf: {  	[tilespmem:s8], [sflag:$0x4] =	stream.linear.gather [hbm4b:s12+s2], $0x300, $0x38;
	[tilespmem:$0x1FC80] =	vst v63  }
0xc0: {  	s19 =	sadd.s32 $0x18800, s9  }
0xc1: {  	[tilespmem:s29], [sflag:$0x1] =	stream.indirect.gather [hbm4b:s6+s28], $0x10, s19, s28, $0xb8;
	[tilespmem:$0x1FC80] =	vst v63  }
0xc2: {  	_ =	swait.ge [sflag:s30], $0x3000  }
0xc3: {  	p2 =	seq.s32 s25, $0x60C0;
	[sflag:s30] =	ssyncset.done $0x0  }
0xc4: {  	s11 =	sadd.s32 @!p2 $0x2, s11;
	s9 =	sadd.s32 $0x19100, s9;
	[sflag:s30] =	ssyncadd.s32 $0xFFFFD000  }
0xc5: {  	[spmem:s1] =	stream.indirect.scatter.add.f32 [tilespmem:s29], [sflag:$0x2], $0x10, s9, s28, $0xb8;
	[tilespmem:$0x1FC80] =	vst v63  }
0xc6: {  	s12 =	smul.u32 @!p2 $0xAAAB, s11;
	s9 =	simm.s32 @!p1 $0x3  }
0xc7: {  	_ =	swait.ge @!p1 [sflag:s9], $0x3000  }
0xc8: {  	s12 =	sshrl.u32 @!p2 s12, $0x11;
	[sflag:s9] =	ssyncset.done @!p1 $0x0  }
0xc9: {  	[sflag:s9] =	ssyncadd.s32 @!p1 $0xFFFFD000;
	s9 =	smul.u32 @!p2 $0x3, s12  }
0xca: {  	_ =	swait.ge [sflag:s26], $0x300  }
0xcb: {  	[sflag:s26] =	ssyncset.done $0x0;
	s9 =	ssub.s32 @!p2 s11, s9  }
0xcc: {  	[sflag:s26] =	ssyncadd.s32 $0xFFFFFD00;
	s9 =	smul.u32 @!p2 $0x300, s9  }
0xcd: {  	s12 =	simm.s32 @!p2 $0x0;
	_ =	swait.ge [sflag:s26], $0x300  }
0xce: {  	s11 =	sadd.s32 @!p2 s25, s22;
	[sflag:s26] =	ssyncset.done $0x0;
	s9 =	sand.u32 @!p2 $0xFF00, s9  }
0xcf: {  	s11 =	sadd.s32 @!p2 $0xC0, s11;
	[sflag:s26] =	ssyncadd.s32 $0xFFFFFD00;
	s13 =	sadd.s32 @!p2 $0x18800, s9  }
0xd0: {  	[tilespmem:s13], [sflag:$0x4] =	stream.linear.gather @!p2 [hbm4b:s11+s12], $0x300, $0x38;
	[tilespmem:$0x1FC80] =	vst v63  }
0xd1: {  	s11 =	sadd.s32 @!p2 s25, s21  }
0xd2: {  	s9 =	sadd.s32 @!p2 $0x19100, s9;
	s11 =	sadd.s32 @!p2 $0xC0, s11  }
0xd3: {  	[tilespmem:s9], [sflag:$0x4] =	stream.linear.gather @!p2 [hbm4b:s11+s12], $0x300, $0x38;
	[tilespmem:$0x1FC80] =	vst v63  }
0xd4: {  	_ = 	snop  }
0xd5: {  	[tilespmem:s31], [sflag:$0x1] =	stream.indirect.gather [hbm4b:s6+s28], $0x10, s17, s28, $0xb8;
	[tilespmem:$0x1FC80] =	vst v63  }
0xd6: {  	_ =	swait.ge [sflag:s30], $0x3000  }
0xd7: {  	[sflag:s30] =	ssyncset.done $0x0  }
0xd8: {  	[sflag:s30] =	ssyncadd.s32 $0xFFFFD000  }
0xd9: {  	[spmem:s1] =	stream.indirect.scatter.add.f32 [tilespmem:s31], [sflag:$0x3], $0x10, s8, s28, $0xb8;
	[tilespmem:$0x1FC80] =	vst v63  }
0xda: {  	_ =	swait.ge [sflag:s0], $0x3000  }
0xdb: {  	[sflag:s0] =	ssyncset.done $0x0  }
0xdc: {  	[sflag:s0] =	ssyncadd.s32 $0xFFFFD000  }
0xdd: {  	_ =	swait.ge [sflag:s3], $0x3000  }
0xde: {  	s13 =	simm.s32 $0x1FA00;
	[sflag:s3] =	ssyncset.done $0x0  }
0xdf: {  	s8 =	simm.s32 $0x0;
	s12 =	rddreg [dreg:$0xa];
	[sflag:s3] =	ssyncadd.s32 $0xFFFFD000  }
0xe0: {  	[tilespmem:s13], [sflag:$0x5] =	stream.linear.gather [hbm4b:s12+s8], $0x140, $0x38;
	[tilespmem:$0x1FC80] =	vst v63  }
0xe1: {  	_ =	swait.ge [sflag:s23], $0x140  }
0xe2: {  	[sflag:s23] =	ssyncset.done $0x0  }
0xe3: {  	s15 =	simm.s32 $0x1FB40;
	s14 =	rddreg [dreg:$0xb];
	[sflag:s23] =	ssyncadd.s32 $0xFFFFFEC0  }
0xe4: {  	[tilespmem:s15], [sflag:$0x5] =	stream.linear.gather [hbm4b:s14+s8], $0x140, $0x38;
	[tilespmem:$0x1FC80] =	vst v63  }
0xe5: {  	_ =	swait.ge [sflag:s23], $0x140  }
0xe6: {  	[sflag:s23] =	ssyncset.done $0x0  }
0xe7: {  	[sflag:s23] =	ssyncadd.s32 $0xFFFFFEC0  }
0xe8: {  	[tilespmem:s29], [sflag:$0x1] =	stream.indirect.gather [hbm4b:s6+s10], $0x10, s13, s10, $0xb8;
	[tilespmem:$0x1FC80] =	vst v63  }
0xe9: {  	_ =	swait.ge [sflag:s30], $0x1400  }
0xea: {  	[sflag:s30] =	ssyncset.done $0x0  }
0xeb: {  	[sflag:s30] =	ssyncadd.s32 $0xFFFFEC00  }
0xec: {  	[spmem:s1] =	stream.indirect.scatter.add.f32 [tilespmem:s29], [sflag:$0x5], $0x10, s15, s10, $0xb8;
	[tilespmem:$0x1FC80] =	vst v63  }
0xed: {  	_ =	swait.ge [sflag:s23], $0x1400  }
0xee: {  	[sflag:s23] =	ssyncset.done $0x0  }
0xef: {  	[sflag:s23] =	ssyncadd.s32 $0xFFFFEC00  }
0xf0: {  	[bflag:$0x0] =	sbarrier.arrive $0xFFFF  }
0xf1: {  	s16 =	rddreg [dreg:$0xd]  }
0xf2: {  	[hbm:s16], [sflag:s20] =	dma.local [spmem:s24], $0x3100  }
0xf3: {  	_ =	swait.ge [sflag:s23], $0x3100  }
0xf4: {  	[sflag:s23] =	ssyncset.done $0x0  }
0xf5: {  	s17 =	rddreg [dreg:$0x7];
	[sflag:s23] =	ssyncadd.s32 $0xFFFFCF00  }
0xf6: {  	[spmem:s24], [sflag:s20] =	dma.local [hbm:s17], $0x3100  }
0xf7: {  	_ =	swait.ge [sflag:s23], $0x3100  }
0xf8: {  	[sflag:s23] =	ssyncset.done $0x0  }
0xf9: {  	p5 =	por $0x1, $0x1;
	[sflag:s23] =	ssyncadd.s32 $0xFFFFCF00  }
0xfa: {  	p1 =	por p5, p5;
	[bflag:$0x0] =	sbarrier.arrive $0xFFFF  }
0xfb: {  	s25 =	simm.s32 $0x18800;
	s13 =	simm.s32 $0x1;
	s19 =	rddreg [dreg:$0x8]  }
0xfc: {  	[tilespmem:s25], [sflag:$0x4] =	stream.linear.gather [hbm4b:s19+s8], $0x300, $0x38;
	[tilespmem:$0x1FC80] =	vst v63  }
0xfd: {  	s12 =	simm.s32 $0x19100;
	s9 =	smul.u32 $0xAAAB, s13;
	s11 =	rddreg [dreg:$0x9]  }
0xfe: {  	[tilespmem:s12], [sflag:$0x4] =	stream.linear.gather [hbm4b:s11+s8], $0x300, $0x38;
	[tilespmem:$0x1FC80] =	vst v63  }
0xff: {  	s11 =	simm.s32 @!p1 $0x2  }
0x100: {  	s9 =	sshrl.u32 s9, $0x11;
	_ =	swait.ge @!p1 [sflag:s11], $0x3000  }
0x101: {  	s9 =	smul.u32 $0x3, s9;
	[sflag:s11] =	ssyncset.done @!p1 $0x0  }
0x102: {  	s8 =	smul.u32 $0xAAAB, s8;
	[sflag:s11] =	ssyncadd.s32 @!p1 $0xFFFFD000  }
0x103: {  	s9 =	ssub.s32 $0x1, s9;
	_ =	swait.ge [sflag:s26], $0x300  }
0x104: {  	s9 =	smul.u32 $0x300, s9;
	s8 =	sshrl.u32 s8, $0x11;
	[sflag:s26] =	ssyncset.done $0x0  }
0x105: {  	s14 =	sadd.s32 $0x0, s21;
	s8 =	smul.u32 $0x3, s8;
	[sflag:s26] =	ssyncadd.s32 $0xFFFFFD00  }
0x106: {  	s15 =	sadd.s32 $0x0, s22;
	s9 =	sand.u32 $0xFF00, s9;
	_ =	swait.ge [sflag:s26], $0x300  }
0x107: {  	s16 =	sadd.s32 $0x18800, s9;
	s8 =	ssub.s32 $0x0, s8;
	[sflag:s26] =	ssyncset.done $0x0  }
0x108: {  	s12 =	sadd.s32 $0x60, s15;
	s8 =	smul.u32 $0x300, s8;
	[sflag:s26] =	ssyncadd.s32 $0xFFFFFD00  }
0x109: {  	[tilespmem:s16], [sflag:$0x4] =	stream.linear.gather [hbm4b:s12+s2], $0x300, $0x38;
	[tilespmem:$0x1FC80] =	vst v63  }
0x10a: {  	s17 =	sadd.s32 $0x60, s14;
	s19 =	sadd.s32 $0x19100, s9;
	s8 =	sand.u32 $0xFF00, s8  }
0x10b: {  	[tilespmem:s19], [sflag:$0x4] =	stream.linear.gather [hbm4b:s17+s2], $0x300, $0x38;
	[tilespmem:$0x1FC80] =	vst v63  }
0x10c: {  	s25 =	sadd.s32 $0x18800, s8  }
0x10d: {  	[tilespmem:s29], [sflag:$0x1] =	stream.indirect.gather [hbm4b:s7+s28], $0x10, s25, s28, $0xb8;
	[tilespmem:$0x1FC80] =	vst v63  }
0x10e: {  	_ =	swait.ge [sflag:s30], $0x3000  }
0x10f: {  	p2 =	por $0x0, $0x0;
	[sflag:s30] =	ssyncset.done $0x0  }
0x110: {  	s9 =	simm.s32 @!p2 $0x2;
	s8 =	sadd.s32 $0x19100, s8;
	[sflag:s30] =	ssyncadd.s32 $0xFFFFD000  }
0x111: {  	[spmem:s1] =	stream.indirect.scatter.add.f32 [tilespmem:s29], [sflag:$0x2], $0x10, s8, s28, $0xb8;
	[tilespmem:$0x1FC80] =	vst v63  }
0x112: {  	s9 =	smul.u32 @!p2 $0xAAAB, s9;
	s8 =	simm.s32 @!p1 $0x3  }
0x113: {  	_ =	swait.ge @!p1 [sflag:s8], $0x3000  }
0x114: {  	s9 =	sshrl.u32 @!p2 s9, $0x11;
	[sflag:s8] =	ssyncset.done @!p1 $0x0  }
0x115: {  	[sflag:s8] =	ssyncadd.s32 @!p1 $0xFFFFD000;
	s8 =	smul.u32 @!p2 $0x3, s9  }
0x116: {  	_ =	swait.ge [sflag:s26], $0x300  }
0x117: {  	[sflag:s26] =	ssyncset.done $0x0;
	s8 =	ssub.s32 @!p2 $0x2, s8  }
0x118: {  	[sflag:s26] =	ssyncadd.s32 $0xFFFFFD00;
	s8 =	smul.u32 @!p2 $0x300, s8  }
0x119: {  	s11 =	simm.s32 @!p2 $0x0;
	_ =	swait.ge [sflag:s26], $0x300  }
0x11a: {  	s9 =	sadd.s32 @!p2 $0x0, s22;
	[sflag:s26] =	ssyncset.done $0x0;
	s8 =	sand.u32 @!p2 $0xFF00, s8  }
0x11b: {  	s9 =	sadd.s32 @!p2 $0xC0, s9;
	[sflag:s26] =	ssyncadd.s32 $0xFFFFFD00;
	s12 =	sadd.s32 @!p2 $0x18800, s8  }
0x11c: {  	[tilespmem:s12], [sflag:$0x4] =	stream.linear.gather @!p2 [hbm4b:s9+s11], $0x300, $0x38;
	[tilespmem:$0x1FC80] =	vst v63  }
0x11d: {  	p6 =	por $0x0, $0x0;
	s9 =	sadd.s32 @!p2 $0x0, s21  }
0x11e: {  	p1 =	por p6, p6;
	s8 =	sadd.s32 @!p2 $0x19100, s8;
	s9 =	sadd.s32 @!p2 $0xC0, s9  }
0x11f: {  	[tilespmem:s8], [sflag:$0x4] =	stream.linear.gather @!p2 [hbm4b:s9+s11], $0x300, $0x38;
	[tilespmem:$0x1FC80] =	vst v63  }
0x120: {  	s25 =	simm.s32 $0xC0;
	s14 =	simm.s32 @!p1 $0x2;
	s12 =	simm.s32 $0x3  }
0x121: {  	[tilespmem:s31], [sflag:$0x1] =	stream.indirect.gather [hbm4b:s7+s28], $0x10, s16, s28, $0xb8;
	[tilespmem:$0x1FC80] =	vst v63  }
0x122: {  	s9 =	simm.s32 $0x180;
	s11 =	simm.s32 $0x2;
	_ =	swait.ge [sflag:s30], $0x3000  }
.LBB2_10:
0x123: {  	p3 =	seq.s32 s9, $0x0;
	s8 =	smul.u32 $0xAAAB, s12;
	[sflag:s30] =	ssyncset.done $0x0  }
0x124: {  	s13 =	smov.u32 s9;
	s9 =	sadd.s32 $0xC0, s9;
	[sflag:s30] =	ssyncadd.s32 $0xFFFFD000  }
0x125: {  	[spmem:s1] =	stream.indirect.scatter.add.f32 [tilespmem:s31], [sflag:$0x3], $0x10, s19, s28, $0xb8;
	[tilespmem:$0x1FC80] =	vst v63  }
0x126: {  	p2 =	sne.s32 s9, $0x6180;
	s8 =	sshrl.u32 s8, $0x11;
	_ =	swait.ge @!p1 [sflag:s14], $0x3000  }
0x127: {  	s8 =	smul.u32 $0x3, s8;
	[sflag:s14] =	ssyncset.done @!p1 $0x0  }
0x128: {  	s15 =	smul.u32 $0xAAAB, s11;
	[sflag:s14] =	ssyncadd.s32 @!p1 $0xFFFFD000  }
0x129: {  	s8 =	ssub.s32 s12, s8;
	_ =	swait.ge [sflag:s26], $0x300  }
0x12a: {  	s12 =	sshrl.u32 s15, $0x11;
	s8 =	smul.u32 $0x300, s8;
	[sflag:s26] =	ssyncset.done $0x0  }
0x12b: {  	s14 =	sadd.s32 s25, s21;
	s12 =	smul.u32 $0x3, s12;
	[sflag:s26] =	ssyncadd.s32 $0xFFFFFD00  }
0x12c: {  	s15 =	sadd.s32 s25, s22;
	s8 =	sand.u32 $0xFF00, s8;
	_ =	swait.ge [sflag:s26], $0x300  }
0x12d: {  	s16 =	ssub.s32 s11, s12;
	s12 =	sadd.s32 $0x18800, s8;
	[sflag:s26] =	ssyncset.done $0x0  }
0x12e: {  	s15 =	sadd.s32 $0x60, s15;
	s16 =	smul.u32 $0x300, s16;
	[sflag:s26] =	ssyncadd.s32 $0xFFFFFD00  }
0x12f: {  	[tilespmem:s12], [sflag:$0x4] =	stream.linear.gather [hbm4b:s15+s2], $0x300, $0x38;
	[tilespmem:$0x1FC80] =	vst v63  }
0x130: {  	s19 =	sadd.s32 $0x19100, s8;
	s8 =	sadd.s32 $0x60, s14;
	s15 =	sand.u32 $0xFF00, s16  }
0x131: {  	[tilespmem:s19], [sflag:$0x4] =	stream.linear.gather [hbm4b:s8+s2], $0x300, $0x38;
	[tilespmem:$0x1FC80] =	vst v63  }
0x132: {  	s8 =	sadd.s32 $0x18800, s15  }
0x133: {  	[tilespmem:s29], [sflag:$0x1] =	stream.indirect.gather [hbm4b:s7+s28], $0x10, s8, s28, $0xb8;
	[tilespmem:$0x1FC80] =	vst v63  }
0x134: {  	s8 =	simm.s32 @!p1 $0x3;
	_ =	swait.ge [sflag:s30], $0x3000  }
0x135: {  	p4 =	seq.s32 s25, $0x60C0;
	s14 =	sadd.s32 $0x19100, s15;
	[sflag:s30] =	ssyncset.done $0x0  }
0x136: {  	s16 =	sadd.s32 @!p4 s25, s22;
	s15 =	sadd.s32 @!p4 $0x2, s11;
	[sflag:s30] =	ssyncadd.s32 $0xFFFFD000  }
0x137: {  	[spmem:s1] =	stream.indirect.scatter.add.f32 [tilespmem:s29], [sflag:$0x2], $0x10, s14, s28, $0xb8;
	[tilespmem:$0x1FC80] =	vst v63  }
0x138: {  	s16 =	sadd.s32 @!p4 $0xC0, s16;
	s14 =	smul.u32 @!p4 $0xAAAB, s15;
	_ =	swait.ge @!p1 [sflag:s8], $0x3000  }
0x139: {  	s17 =	sadd.s32 @!p4 s25, s21;
	s25 =	smov.u32 s13;
	[sflag:s8] =	ssyncset.done @!p1 $0x0  }
0x13a: {  	s13 =	sadd.s32 @!p4 $0xC0, s17;
	[sflag:s8] =	ssyncadd.s32 @!p1 $0xFFFFD000;
	s8 =	sshrl.u32 @!p4 s14, $0x11  }
0x13b: {  	p1 =	por p3, p3;
	_ =	swait.ge [sflag:s26], $0x300;
	s8 =	smul.u32 @!p4 $0x3, s8  }
0x13c: {  	[sflag:s26] =	ssyncset.done $0x0  }
0x13d: {  	[sflag:s26] =	ssyncadd.s32 $0xFFFFFD00;
	s8 =	ssub.s32 @!p4 s15, s8  }
0x13e: {  	_ =	swait.ge [sflag:s26], $0x300;
	s8 =	smul.u32 @!p4 $0x300, s8  }
0x13f: {  	[sflag:s26] =	ssyncset.done $0x0  }
0x140: {  	s14 =	simm.s32 @!p4 $0x0;
	[sflag:s26] =	ssyncadd.s32 $0xFFFFFD00;
	s8 =	sand.u32 @!p4 $0xFF00, s8  }
0x141: {  	s15 =	sadd.s32 @!p4 $0x18800, s8;
	s8 =	sadd.s32 @!p4 $0x19100, s8  }
0x142: {  	[tilespmem:s15], [sflag:$0x4] =	stream.linear.gather @!p4 [hbm4b:s16+s14], $0x300, $0x38;
	[tilespmem:$0x1FC80] =	vst v63  }
.Ltmp4:
0x143: {  	(pc) =	sbr.rel @p2 .LBB2_10-.Ltmp4, $4  }
0x144: {  	[tilespmem:s8], [sflag:$0x4] =	stream.linear.gather @!p4 [hbm4b:s13+s14], $0x300, $0x38;
	[tilespmem:$0x1FC80] =	vst v63  }
0x145: {  	s11 =	sadd.s32 $0x2, s11  }
0x146: {  	[tilespmem:s31], [sflag:$0x1] =	stream.indirect.gather [hbm4b:s7+s28], $0x10, s12, s28, $0xb8;
	[tilespmem:$0x1FC80] =	vst v63  }
0x147: {  	s14 =	simm.s32 @!p1 $0x2;
	s12 =	sadd.s32 $0x1, s11;
	_ =	swait.ge [sflag:s30], $0x3000  }
.Ltmp5:
0x148: {  	_ = 	snop;
	(pc) =	sbr.rel .LBB2_11-.Ltmp5, $1  }
0x149: {  	_ =	sdelay $0x3  }
.LBB2_2:
0x14a: {  	s9 =	simm.s32 $0x1;
	p1 =	por p1, p1  }
0x14b: {  	s9 =	smul.u32 $0xAAAB, s9;
	s11 =	simm.s32 @!p1 $0x2  }
0x14c: {  	_ =	swait.ge @!p1 [sflag:s11], $0x3000  }
0x14d: {  	s12 =	smul.u32 $0xAAAB, s2;
	s9 =	sshrl.u32 s9, $0x11;
	[sflag:s11] =	ssyncset.done @!p1 $0x0  }
0x14e: {  	s9 =	smul.u32 $0x3, s9;
	[sflag:s11] =	ssyncadd.s32 @!p1 $0xFFFFD000  }
0x14f: {  	s14 =	sshrl.u32 s12, $0x11;
	_ =	swait.ge [sflag:s26], $0x300  }
0x150: {  	s11 =	smul.u32 $0x3, s14;
	s9 =	ssub.s32 $0x1, s9;
	[sflag:s26] =	ssyncset.done $0x0  }
0x151: {  	s13 =	sadd.s32 $0x0, s22;
	s9 =	smul.u32 $0x300, s9;
	[sflag:s26] =	ssyncadd.s32 $0xFFFFFD00  }
0x152: {  	s15 =	sadd.s32 $0x0, s21;
	s13 =	sadd.s32 $0x60, s13;
	_ =	swait.ge [sflag:s26], $0x300  }
0x153: {  	s11 =	ssub.s32 $0x0, s11;
	s9 =	sand.u32 $0xFF00, s9;
	[sflag:s26] =	ssyncset.done $0x0  }
0x154: {  	s11 =	smul.u32 $0x300, s11;
	s14 =	sadd.s32 $0x18800, s9;
	[sflag:s26] =	ssyncadd.s32 $0xFFFFFD00  }
0x155: {  	[tilespmem:s14], [sflag:$0x4] =	stream.linear.gather [hbm4b:s13+s2], $0x300, $0x38;
	[tilespmem:$0x1FC80] =	vst v63  }
0x156: {  	s16 =	sadd.s32 $0x60, s15;
	s11 =	sand.u32 $0xFF00, s11;
	s19 =	sadd.s32 $0x19100, s9  }
0x157: {  	[tilespmem:s19], [sflag:$0x4] =	stream.linear.gather [hbm4b:s16+s2], $0x300, $0x38;
	[tilespmem:$0x1FC80] =	vst v63  }
0x158: {  	s17 =	sadd.s32 $0x18800, s11  }
0x159: {  	[tilespmem:s29], [sflag:$0x1] =	stream.indirect.gather [hbm4b:s4+s28], $0x10, s17, s28, $0xb8;
	[tilespmem:$0x1FC80] =	vst v63  }
0x15a: {  	p2 =	por $0x0, $0x0;
	_ =	swait.ge [sflag:s30], $0x3000  }
0x15b: {  	s25 =	sadd.s32 $0x19100, s11;
	s11 =	simm.s32 @!p2 $0x2;
	[sflag:s30] =	ssyncset.done $0x0  }
0x15c: {  	s9 =	simm.s32 @!p1 $0x3;
	s11 =	smul.u32 @!p2 $0xAAAB, s11;
	[sflag:s30] =	ssyncadd.s32 $0xFFFFD000  }
0x15d: {  	[spmem:s1] =	stream.indirect.scatter.add.f32 [tilespmem:s29], [sflag:$0x2], $0x10, s25, s28, $0xb8;
	[tilespmem:$0x1FC80] =	vst v63  }
0x15e: {  	_ =	swait.ge @!p1 [sflag:s9], $0x3000  }
0x15f: {  	s11 =	sshrl.u32 @!p2 s11, $0x11;
	[sflag:s9] =	ssyncset.done @!p1 $0x0  }
0x160: {  	[sflag:s9] =	ssyncadd.s32 @!p1 $0xFFFFD000;
	s9 =	smul.u32 @!p2 $0x3, s11  }
0x161: {  	_ =	swait.ge [sflag:s26], $0x300  }
0x162: {  	[sflag:s26] =	ssyncset.done $0x0;
	s9 =	ssub.s32 @!p2 $0x2, s9  }
0x163: {  	p6 =	por $0x0, $0x0;
	[sflag:s26] =	ssyncadd.s32 $0xFFFFFD00;
	s9 =	smul.u32 @!p2 $0x300, s9  }
0x164: {  	s12 =	sadd.s32 @!p2 $0x0, s21;
	s13 =	simm.s32 @!p2 $0x0;
	_ =	swait.ge [sflag:s26], $0x300  }
0x165: {  	s11 =	sadd.s32 @!p2 $0x0, s22;
	[sflag:s26] =	ssyncset.done $0x0;
	s9 =	sand.u32 @!p2 $0xFF00, s9  }
0x166: {  	s11 =	sadd.s32 @!p2 $0xC0, s11;
	[sflag:s26] =	ssyncadd.s32 $0xFFFFFD00;
	s25 =	sadd.s32 @!p2 $0x18800, s9  }
0x167: {  	[tilespmem:s25], [sflag:$0x4] =	stream.linear.gather @!p2 [hbm4b:s11+s13], $0x300, $0x38;
	[tilespmem:$0x1FC80] =	vst v63  }
0x168: {  	p1 =	por p6, p6;
	s9 =	sadd.s32 @!p2 $0x19100, s9;
	s11 =	sadd.s32 @!p2 $0xC0, s12  }
0x169: {  	[tilespmem:s9], [sflag:$0x4] =	stream.linear.gather @!p2 [hbm4b:s11+s13], $0x300, $0x38;
	[tilespmem:$0x1FC80] =	vst v63  }
0x16a: {  	s25 =	simm.s32 $0xC0;
	s12 =	simm.s32 $0x3;
	s9 =	simm.s32 $0x180  }
0x16b: {  	[tilespmem:s31], [sflag:$0x1] =	stream.indirect.gather [hbm4b:s4+s28], $0x10, s14, s28, $0xb8;
	[tilespmem:$0x1FC80] =	vst v63  }
0x16c: {  	s11 =	simm.s32 $0x2;
	s14 =	simm.s32 @!p1 $0x2;
	_ =	swait.ge [sflag:s30], $0x3000  }
.LBB2_3:
0x16d: {  	p3 =	seq.s32 s9, $0x0;
	s15 =	smul.u32 $0xAAAB, s12;
	[sflag:s30] =	ssyncset.done $0x0  }
0x16e: {  	s13 =	smov.u32 s9;
	s9 =	sadd.s32 $0xC0, s9;
	[sflag:s30] =	ssyncadd.s32 $0xFFFFD000  }
0x16f: {  	[spmem:s1] =	stream.indirect.scatter.add.f32 [tilespmem:s31], [sflag:$0x3], $0x10, s19, s28, $0xb8;
	[tilespmem:$0x1FC80] =	vst v63  }
0x170: {  	p2 =	sne.s32 s9, $0x6180;
	s15 =	sshrl.u32 s15, $0x11;
	_ =	swait.ge @!p1 [sflag:s14], $0x3000  }
0x171: {  	s15 =	smul.u32 $0x3, s15;
	[sflag:s14] =	ssyncset.done @!p1 $0x0  }
0x172: {  	s19 =	smul.u32 $0xAAAB, s11;
	[sflag:s14] =	ssyncadd.s32 @!p1 $0xFFFFD000  }
0x173: {  	s12 =	ssub.s32 s12, s15;
	_ =	swait.ge [sflag:s26], $0x300  }
0x174: {  	s14 =	sshrl.u32 s19, $0x11;
	s12 =	smul.u32 $0x300, s12;
	[sflag:s26] =	ssyncset.done $0x0  }
0x175: {  	s15 =	sadd.s32 s25, s21;
	s14 =	smul.u32 $0x3, s14;
	[sflag:s26] =	ssyncadd.s32 $0xFFFFFD00  }
0x176: {  	s16 =	sadd.s32 s25, s22;
	s19 =	sand.u32 $0xFF00, s12;
	_ =	swait.ge [sflag:s26], $0x300  }
0x177: {  	s14 =	ssub.s32 s11, s14;
	s12 =	sadd.s32 $0x18800, s19;
	[sflag:s26] =	ssyncset.done $0x0  }
0x178: {  	s16 =	sadd.s32 $0x60, s16;
	s14 =	smul.u32 $0x300, s14;
	[sflag:s26] =	ssyncadd.s32 $0xFFFFFD00  }
0x179: {  	[tilespmem:s12], [sflag:$0x4] =	stream.linear.gather [hbm4b:s16+s2], $0x300, $0x38;
	[tilespmem:$0x1FC80] =	vst v63  }
0x17a: {  	s15 =	sadd.s32 $0x60, s15;
	s19 =	sadd.s32 $0x19100, s19;
	s14 =	sand.u32 $0xFF00, s14  }
0x17b: {  	[tilespmem:s19], [sflag:$0x4] =	stream.linear.gather [hbm4b:s15+s2], $0x300, $0x38;
	[tilespmem:$0x1FC80] =	vst v63  }
0x17c: {  	s15 =	sadd.s32 $0x18800, s14  }
0x17d: {  	[tilespmem:s29], [sflag:$0x1] =	stream.indirect.gather [hbm4b:s4+s28], $0x10, s15, s28, $0xb8;
	[tilespmem:$0x1FC80] =	vst v63  }
0x17e: {  	s15 =	simm.s32 @!p1 $0x3;
	_ =	swait.ge [sflag:s30], $0x3000  }
0x17f: {  	p4 =	seq.s32 s25, $0x60C0;
	s14 =	sadd.s32 $0x19100, s14;
	[sflag:s30] =	ssyncset.done $0x0  }
0x180: {  	s8 =	sadd.s32 @!p4 s25, s22;
	s16 =	sadd.s32 @!p4 $0x2, s11;
	[sflag:s30] =	ssyncadd.s32 $0xFFFFD000  }
0x181: {  	[spmem:s1] =	stream.indirect.scatter.add.f32 [tilespmem:s29], [sflag:$0x2], $0x10, s14, s28, $0xb8;
	[tilespmem:$0x1FC80] =	vst v63  }
0x182: {  	s8 =	sadd.s32 @!p4 $0xC0, s8;
	s14 =	smul.u32 @!p4 $0xAAAB, s16;
	_ =	swait.ge @!p1 [sflag:s15], $0x3000  }
0x183: {  	s17 =	sadd.s32 @!p4 s25, s21;
	s25 =	smov.u32 s13;
	[sflag:s15] =	ssyncset.done @!p1 $0x0  }
0x184: {  	s13 =	sshrl.u32 @!p4 s14, $0x11;
	s14 =	sadd.s32 @!p4 $0xC0, s17;
	[sflag:s15] =	ssyncadd.s32 @!p1 $0xFFFFD000  }
0x185: {  	s13 =	smul.u32 @!p4 $0x3, s13;
	p1 =	por p3, p3;
	_ =	swait.ge [sflag:s26], $0x300  }
0x186: {  	[sflag:s26] =	ssyncset.done $0x0  }
0x187: {  	s13 =	ssub.s32 @!p4 s16, s13;
	[sflag:s26] =	ssyncadd.s32 $0xFFFFFD00  }
0x188: {  	s13 =	smul.u32 @!p4 $0x300, s13;
	_ =	swait.ge [sflag:s26], $0x300  }
0x189: {  	[sflag:s26] =	ssyncset.done $0x0  }
0x18a: {  	s15 =	simm.s32 @!p4 $0x0;
	s13 =	sand.u32 @!p4 $0xFF00, s13;
	[sflag:s26] =	ssyncadd.s32 $0xFFFFFD00  }
0x18b: {  	s16 =	sadd.s32 @!p4 $0x18800, s13;
	s13 =	sadd.s32 @!p4 $0x19100, s13  }
0x18c: {  	[tilespmem:s16], [sflag:$0x4] =	stream.linear.gather @!p4 [hbm4b:s8+s15], $0x300, $0x38;
	[tilespmem:$0x1FC80] =	vst v63  }
.Ltmp6:
0x18d: {  	(pc) =	sbr.rel @p2 .LBB2_3-.Ltmp6, $4  }
0x18e: {  	[tilespmem:s13], [sflag:$0x4] =	stream.linear.gather @!p4 [hbm4b:s14+s15], $0x300, $0x38;
	[tilespmem:$0x1FC80] =	vst v63  }
0x18f: {  	s11 =	sadd.s32 $0x2, s11  }
0x190: {  	[tilespmem:s31], [sflag:$0x1] =	stream.indirect.gather [hbm4b:s4+s28], $0x10, s12, s28, $0xb8;
	[tilespmem:$0x1FC80] =	vst v63  }
0x191: {  	s14 =	simm.s32 @!p1 $0x2;
	s12 =	sadd.s32 $0x1, s11;
	_ =	swait.ge [sflag:s30], $0x3000  }
0x192: {  	[sflag:s30] =	ssyncset.done $0x0  }
0x193: {  	s8 =	smul.u32 $0xAAAB, s12;
	[sflag:s30] =	ssyncadd.s32 $0xFFFFD000  }
0x194: {  	[spmem:s1] =	stream.indirect.scatter.add.f32 [tilespmem:s31], [sflag:$0x3], $0x10, s19, s28, $0xb8;
	[tilespmem:$0x1FC80] =	vst v63  }
0x195: {  	_ =	swait.ge @!p1 [sflag:s14], $0x3000  }
0x196: {  	s9 =	smul.u32 $0xAAAB, s11;
	s8 =	sshrl.u32 s8, $0x11;
	[sflag:s14] =	ssyncset.done @!p1 $0x0  }
0x197: {  	s8 =	smul.u32 $0x3, s8;
	[sflag:s14] =	ssyncadd.s32 @!p1 $0xFFFFD000  }
0x198: {  	s9 =	sshrl.u32 s9, $0x11;
	_ =	swait.ge [sflag:s26], $0x300  }
0x199: {  	s9 =	smul.u32 $0x3, s9;
	s8 =	ssub.s32 s12, s8;
	[sflag:s26] =	ssyncset.done $0x0  }
0x19a: {  	s13 =	sadd.s32 s25, s22;
	s8 =	smul.u32 $0x300, s8;
	[sflag:s26] =	ssyncadd.s32 $0xFFFFFD00  }
0x19b: {  	s16 =	sadd.s32 s25, s21;
	s13 =	sadd.s32 $0x60, s13;
	_ =	swait.ge [sflag:s26], $0x300  }
0x19c: {  	s9 =	ssub.s32 s11, s9;
	s8 =	sand.u32 $0xFF00, s8;
	[sflag:s26] =	ssyncset.done $0x0  }
0x19d: {  	s9 =	smul.u32 $0x300, s9;
	s17 =	sadd.s32 $0x18800, s8;
	[sflag:s26] =	ssyncadd.s32 $0xFFFFFD00  }
0x19e: {  	[tilespmem:s17], [sflag:$0x4] =	stream.linear.gather [hbm4b:s13+s2], $0x300, $0x38;
	[tilespmem:$0x1FC80] =	vst v63  }
0x19f: {  	s12 =	sadd.s32 $0x60, s16;
	s9 =	sand.u32 $0xFF00, s9;
	s8 =	sadd.s32 $0x19100, s8  }
0x1a0: {  	[tilespmem:s8], [sflag:$0x4] =	stream.linear.gather [hbm4b:s12+s2], $0x300, $0x38;
	[tilespmem:$0x1FC80] =	vst v63  }
0x1a1: {  	s19 =	sadd.s32 $0x18800, s9  }
0x1a2: {  	[tilespmem:s29], [sflag:$0x1] =	stream.indirect.gather [hbm4b:s4+s28], $0x10, s19, s28, $0xb8;
	[tilespmem:$0x1FC80] =	vst v63  }
0x1a3: {  	_ =	swait.ge [sflag:s30], $0x3000  }
0x1a4: {  	p2 =	seq.s32 s25, $0x60C0;
	[sflag:s30] =	ssyncset.done $0x0  }
0x1a5: {  	s11 =	sadd.s32 @!p2 $0x2, s11;
	s9 =	sadd.s32 $0x19100, s9;
	[sflag:s30] =	ssyncadd.s32 $0xFFFFD000  }
0x1a6: {  	[spmem:s1] =	stream.indirect.scatter.add.f32 [tilespmem:s29], [sflag:$0x2], $0x10, s9, s28, $0xb8;
	[tilespmem:$0x1FC80] =	vst v63  }
0x1a7: {  	s12 =	smul.u32 @!p2 $0xAAAB, s11;
	s9 =	simm.s32 @!p1 $0x3  }
0x1a8: {  	_ =	swait.ge @!p1 [sflag:s9], $0x3000  }
0x1a9: {  	s12 =	sshrl.u32 @!p2 s12, $0x11;
	[sflag:s9] =	ssyncset.done @!p1 $0x0  }
0x1aa: {  	[sflag:s9] =	ssyncadd.s32 @!p1 $0xFFFFD000;
	s9 =	smul.u32 @!p2 $0x3, s12  }
0x1ab: {  	_ =	swait.ge [sflag:s26], $0x300  }
0x1ac: {  	[sflag:s26] =	ssyncset.done $0x0;
	s9 =	ssub.s32 @!p2 s11, s9  }
0x1ad: {  	[sflag:s26] =	ssyncadd.s32 $0xFFFFFD00;
	s9 =	smul.u32 @!p2 $0x300, s9  }
0x1ae: {  	s12 =	simm.s32 @!p2 $0x0;
	_ =	swait.ge [sflag:s26], $0x300  }
0x1af: {  	s11 =	sadd.s32 @!p2 s25, s22;
	[sflag:s26] =	ssyncset.done $0x0;
	s9 =	sand.u32 @!p2 $0xFF00, s9  }
0x1b0: {  	s11 =	sadd.s32 @!p2 $0xC0, s11;
	[sflag:s26] =	ssyncadd.s32 $0xFFFFFD00;
	s13 =	sadd.s32 @!p2 $0x18800, s9  }
0x1b1: {  	[tilespmem:s13], [sflag:$0x4] =	stream.linear.gather @!p2 [hbm4b:s11+s12], $0x300, $0x38;
	[tilespmem:$0x1FC80] =	vst v63  }
0x1b2: {  	s11 =	sadd.s32 @!p2 s25, s21  }
0x1b3: {  	s9 =	sadd.s32 @!p2 $0x19100, s9;
	s11 =	sadd.s32 @!p2 $0xC0, s11  }
0x1b4: {  	[tilespmem:s9], [sflag:$0x4] =	stream.linear.gather @!p2 [hbm4b:s11+s12], $0x300, $0x38;
	[tilespmem:$0x1FC80] =	vst v63  }
0x1b5: {  	_ = 	snop  }
0x1b6: {  	[tilespmem:s31], [sflag:$0x1] =	stream.indirect.gather [hbm4b:s4+s28], $0x10, s17, s28, $0xb8;
	[tilespmem:$0x1FC80] =	vst v63  }
0x1b7: {  	_ =	swait.ge [sflag:s30], $0x3000  }
0x1b8: {  	[sflag:s30] =	ssyncset.done $0x0  }
0x1b9: {  	[sflag:s30] =	ssyncadd.s32 $0xFFFFD000  }
0x1ba: {  	[spmem:s1] =	stream.indirect.scatter.add.f32 [tilespmem:s31], [sflag:$0x3], $0x10, s8, s28, $0xb8;
	[tilespmem:$0x1FC80] =	vst v63  }
0x1bb: {  	_ =	swait.ge [sflag:s0], $0x3000  }
0x1bc: {  	[sflag:s0] =	ssyncset.done $0x0  }
0x1bd: {  	[sflag:s0] =	ssyncadd.s32 $0xFFFFD000  }
0x1be: {  	_ =	swait.ge [sflag:s3], $0x3000  }
0x1bf: {  	s13 =	simm.s32 $0x1FA00;
	[sflag:s3] =	ssyncset.done $0x0  }
0x1c0: {  	s8 =	simm.s32 $0x0;
	s12 =	rddreg [dreg:$0xa];
	[sflag:s3] =	ssyncadd.s32 $0xFFFFD000  }
0x1c1: {  	[tilespmem:s13], [sflag:$0x5] =	stream.linear.gather [hbm4b:s12+s8], $0x140, $0x38;
	[tilespmem:$0x1FC80] =	vst v63  }
0x1c2: {  	_ =	swait.ge [sflag:s23], $0x140  }
0x1c3: {  	[sflag:s23] =	ssyncset.done $0x0  }
0x1c4: {  	s15 =	simm.s32 $0x1FB40;
	s14 =	rddreg [dreg:$0xb];
	[sflag:s23] =	ssyncadd.s32 $0xFFFFFEC0  }
0x1c5: {  	[tilespmem:s15], [sflag:$0x5] =	stream.linear.gather [hbm4b:s14+s8], $0x140, $0x38;
	[tilespmem:$0x1FC80] =	vst v63  }
0x1c6: {  	_ =	swait.ge [sflag:s23], $0x140  }
0x1c7: {  	[sflag:s23] =	ssyncset.done $0x0  }
0x1c8: {  	[sflag:s23] =	ssyncadd.s32 $0xFFFFFEC0  }
0x1c9: {  	[tilespmem:s29], [sflag:$0x1] =	stream.indirect.gather [hbm4b:s4+s10], $0x10, s13, s10, $0xb8;
	[tilespmem:$0x1FC80] =	vst v63  }
0x1ca: {  	_ =	swait.ge [sflag:s30], $0x1400  }
0x1cb: {  	[sflag:s30] =	ssyncset.done $0x0  }
0x1cc: {  	[sflag:s30] =	ssyncadd.s32 $0xFFFFEC00  }
0x1cd: {  	[spmem:s1] =	stream.indirect.scatter.add.f32 [tilespmem:s29], [sflag:$0x5], $0x10, s15, s10, $0xb8;
	[tilespmem:$0x1FC80] =	vst v63  }
0x1ce: {  	_ =	swait.ge [sflag:s23], $0x1400  }
0x1cf: {  	[sflag:s23] =	ssyncset.done $0x0  }
0x1d0: {  	[sflag:s23] =	ssyncadd.s32 $0xFFFFEC00  }
0x1d1: {  	[bflag:$0x0] =	sbarrier.arrive $0xFFFF  }
0x1d2: {  	s16 =	rddreg [dreg:$0xc]  }
0x1d3: {  	[hbm:s16], [sflag:s20] =	dma.local [spmem:s24], $0x3100  }
0x1d4: {  	_ =	swait.ge [sflag:s23], $0x3100  }
0x1d5: {  	[sflag:s23] =	ssyncset.done $0x0  }
0x1d6: {  	s17 =	rddreg [dreg:$0x7];
	[sflag:s23] =	ssyncadd.s32 $0xFFFFCF00  }
0x1d7: {  	[spmem:s24], [sflag:s20] =	dma.local [hbm:s17], $0x3100  }
0x1d8: {  	_ =	swait.ge [sflag:s23], $0x3100  }
0x1d9: {  	[sflag:s23] =	ssyncset.done $0x0  }
0x1da: {  	p5 =	por $0x1, $0x1;
	[sflag:s23] =	ssyncadd.s32 $0xFFFFCF00  }
0x1db: {  	p1 =	por p5, p5;
	[bflag:$0x0] =	sbarrier.arrive $0xFFFF  }
0x1dc: {  	s25 =	simm.s32 $0x18800;
	s13 =	simm.s32 $0x1;
	s19 =	rddreg [dreg:$0x8]  }
0x1dd: {  	[tilespmem:s25], [sflag:$0x4] =	stream.linear.gather [hbm4b:s19+s8], $0x300, $0x38;
	[tilespmem:$0x1FC80] =	vst v63  }
0x1de: {  	s12 =	simm.s32 $0x19100;
	s9 =	smul.u32 $0xAAAB, s13;
	s11 =	rddreg [dreg:$0x9]  }
0x1df: {  	[tilespmem:s12], [sflag:$0x4] =	stream.linear.gather [hbm4b:s11+s8], $0x300, $0x38;
	[tilespmem:$0x1FC80] =	vst v63  }
0x1e0: {  	s11 =	simm.s32 @!p1 $0x2  }
0x1e1: {  	s9 =	sshrl.u32 s9, $0x11;
	_ =	swait.ge @!p1 [sflag:s11], $0x3000  }
0x1e2: {  	s9 =	smul.u32 $0x3, s9;
	[sflag:s11] =	ssyncset.done @!p1 $0x0  }
0x1e3: {  	s8 =	smul.u32 $0xAAAB, s8;
	[sflag:s11] =	ssyncadd.s32 @!p1 $0xFFFFD000  }
0x1e4: {  	s9 =	ssub.s32 $0x1, s9;
	_ =	swait.ge [sflag:s26], $0x300  }
0x1e5: {  	s9 =	smul.u32 $0x300, s9;
	s8 =	sshrl.u32 s8, $0x11;
	[sflag:s26] =	ssyncset.done $0x0  }
0x1e6: {  	s14 =	sadd.s32 $0x0, s21;
	s8 =	smul.u32 $0x3, s8;
	[sflag:s26] =	ssyncadd.s32 $0xFFFFFD00  }
0x1e7: {  	s15 =	sadd.s32 $0x0, s22;
	s9 =	sand.u32 $0xFF00, s9;
	_ =	swait.ge [sflag:s26], $0x300  }
0x1e8: {  	s16 =	sadd.s32 $0x18800, s9;
	s8 =	ssub.s32 $0x0, s8;
	[sflag:s26] =	ssyncset.done $0x0  }
0x1e9: {  	s12 =	sadd.s32 $0x60, s15;
	s8 =	smul.u32 $0x300, s8;
	[sflag:s26] =	ssyncadd.s32 $0xFFFFFD00  }
0x1ea: {  	[tilespmem:s16], [sflag:$0x4] =	stream.linear.gather [hbm4b:s12+s2], $0x300, $0x38;
	[tilespmem:$0x1FC80] =	vst v63  }
0x1eb: {  	s17 =	sadd.s32 $0x60, s14;
	s19 =	sadd.s32 $0x19100, s9;
	s8 =	sand.u32 $0xFF00, s8  }
0x1ec: {  	[tilespmem:s19], [sflag:$0x4] =	stream.linear.gather [hbm4b:s17+s2], $0x300, $0x38;
	[tilespmem:$0x1FC80] =	vst v63  }
0x1ed: {  	s25 =	sadd.s32 $0x18800, s8  }
0x1ee: {  	[tilespmem:s29], [sflag:$0x1] =	stream.indirect.gather [hbm4b:s5+s28], $0x10, s25, s28, $0xb8;
	[tilespmem:$0x1FC80] =	vst v63  }
0x1ef: {  	_ =	swait.ge [sflag:s30], $0x3000  }
0x1f0: {  	p2 =	por $0x0, $0x0;
	[sflag:s30] =	ssyncset.done $0x0  }
0x1f1: {  	s9 =	simm.s32 @!p2 $0x2;
	s8 =	sadd.s32 $0x19100, s8;
	[sflag:s30] =	ssyncadd.s32 $0xFFFFD000  }
0x1f2: {  	[spmem:s1] =	stream.indirect.scatter.add.f32 [tilespmem:s29], [sflag:$0x2], $0x10, s8, s28, $0xb8;
	[tilespmem:$0x1FC80] =	vst v63  }
0x1f3: {  	s9 =	smul.u32 @!p2 $0xAAAB, s9;
	s8 =	simm.s32 @!p1 $0x3  }
0x1f4: {  	_ =	swait.ge @!p1 [sflag:s8], $0x3000  }
0x1f5: {  	s9 =	sshrl.u32 @!p2 s9, $0x11;
	[sflag:s8] =	ssyncset.done @!p1 $0x0  }
0x1f6: {  	[sflag:s8] =	ssyncadd.s32 @!p1 $0xFFFFD000;
	s8 =	smul.u32 @!p2 $0x3, s9  }
0x1f7: {  	_ =	swait.ge [sflag:s26], $0x300  }
0x1f8: {  	[sflag:s26] =	ssyncset.done $0x0;
	s8 =	ssub.s32 @!p2 $0x2, s8  }
0x1f9: {  	[sflag:s26] =	ssyncadd.s32 $0xFFFFFD00;
	s8 =	smul.u32 @!p2 $0x300, s8  }
0x1fa: {  	s11 =	simm.s32 @!p2 $0x0;
	_ =	swait.ge [sflag:s26], $0x300  }
0x1fb: {  	s9 =	sadd.s32 @!p2 $0x0, s22;
	[sflag:s26] =	ssyncset.done $0x0;
	s8 =	sand.u32 @!p2 $0xFF00, s8  }
0x1fc: {  	s9 =	sadd.s32 @!p2 $0xC0, s9;
	[sflag:s26] =	ssyncadd.s32 $0xFFFFFD00;
	s12 =	sadd.s32 @!p2 $0x18800, s8  }
0x1fd: {  	[tilespmem:s12], [sflag:$0x4] =	stream.linear.gather @!p2 [hbm4b:s9+s11], $0x300, $0x38;
	[tilespmem:$0x1FC80] =	vst v63  }
0x1fe: {  	p6 =	por $0x0, $0x0;
	s9 =	sadd.s32 @!p2 $0x0, s21  }
0x1ff: {  	p1 =	por p6, p6;
	s8 =	sadd.s32 @!p2 $0x19100, s8;
	s9 =	sadd.s32 @!p2 $0xC0, s9  }
0x200: {  	[tilespmem:s8], [sflag:$0x4] =	stream.linear.gather @!p2 [hbm4b:s9+s11], $0x300, $0x38;
	[tilespmem:$0x1FC80] =	vst v63  }
0x201: {  	s25 =	simm.s32 $0xC0;
	s14 =	simm.s32 @!p1 $0x2;
	s12 =	simm.s32 $0x3  }
0x202: {  	[tilespmem:s31], [sflag:$0x1] =	stream.indirect.gather [hbm4b:s5+s28], $0x10, s16, s28, $0xb8;
	[tilespmem:$0x1FC80] =	vst v63  }
0x203: {  	s9 =	simm.s32 $0x180;
	s11 =	simm.s32 $0x2;
	_ =	swait.ge [sflag:s30], $0x3000  }
.LBB2_5:
0x204: {  	p3 =	seq.s32 s9, $0x0;
	s8 =	smul.u32 $0xAAAB, s12;
	[sflag:s30] =	ssyncset.done $0x0  }
0x205: {  	s13 =	smov.u32 s9;
	s9 =	sadd.s32 $0xC0, s9;
	[sflag:s30] =	ssyncadd.s32 $0xFFFFD000  }
0x206: {  	[spmem:s1] =	stream.indirect.scatter.add.f32 [tilespmem:s31], [sflag:$0x3], $0x10, s19, s28, $0xb8;
	[tilespmem:$0x1FC80] =	vst v63  }
0x207: {  	p2 =	seq.s32 s9, $0x6180;
	s8 =	sshrl.u32 s8, $0x11;
	_ =	swait.ge @!p1 [sflag:s14], $0x3000  }
0x208: {  	s8 =	smul.u32 $0x3, s8;
	[sflag:s14] =	ssyncset.done @!p1 $0x0  }
0x209: {  	s15 =	smul.u32 $0xAAAB, s11;
	[sflag:s14] =	ssyncadd.s32 @!p1 $0xFFFFD000  }
0x20a: {  	s8 =	ssub.s32 s12, s8;
	_ =	swait.ge [sflag:s26], $0x300  }
0x20b: {  	s12 =	sshrl.u32 s15, $0x11;
	s8 =	smul.u32 $0x300, s8;
	[sflag:s26] =	ssyncset.done $0x0  }
0x20c: {  	s14 =	sadd.s32 s25, s21;
	s12 =	smul.u32 $0x3, s12;
	[sflag:s26] =	ssyncadd.s32 $0xFFFFFD00  }
0x20d: {  	s15 =	sadd.s32 s25, s22;
	s8 =	sand.u32 $0xFF00, s8;
	_ =	swait.ge [sflag:s26], $0x300  }
0x20e: {  	s16 =	ssub.s32 s11, s12;
	s12 =	sadd.s32 $0x18800, s8;
	[sflag:s26] =	ssyncset.done $0x0  }
0x20f: {  	s15 =	sadd.s32 $0x60, s15;
	s16 =	smul.u32 $0x300, s16;
	[sflag:s26] =	ssyncadd.s32 $0xFFFFFD00  }
0x210: {  	[tilespmem:s12], [sflag:$0x4] =	stream.linear.gather [hbm4b:s15+s2], $0x300, $0x38;
	[tilespmem:$0x1FC80] =	vst v63  }
0x211: {  	s19 =	sadd.s32 $0x19100, s8;
	s8 =	sadd.s32 $0x60, s14;
	s15 =	sand.u32 $0xFF00, s16  }
0x212: {  	[tilespmem:s19], [sflag:$0x4] =	stream.linear.gather [hbm4b:s8+s2], $0x300, $0x38;
	[tilespmem:$0x1FC80] =	vst v63  }
0x213: {  	s8 =	sadd.s32 $0x18800, s15  }
0x214: {  	[tilespmem:s29], [sflag:$0x1] =	stream.indirect.gather [hbm4b:s5+s28], $0x10, s8, s28, $0xb8;
	[tilespmem:$0x1FC80] =	vst v63  }
0x215: {  	s8 =	simm.s32 @!p1 $0x3;
	_ =	swait.ge [sflag:s30], $0x3000  }
0x216: {  	p4 =	seq.s32 s25, $0x60C0;
	s14 =	sadd.s32 $0x19100, s15;
	[sflag:s30] =	ssyncset.done $0x0  }
0x217: {  	s16 =	sadd.s32 @!p4 s25, s22;
	s15 =	sadd.s32 @!p4 $0x2, s11;
	[sflag:s30] =	ssyncadd.s32 $0xFFFFD000  }
0x218: {  	[spmem:s1] =	stream.indirect.scatter.add.f32 [tilespmem:s29], [sflag:$0x2], $0x10, s14, s28, $0xb8;
	[tilespmem:$0x1FC80] =	vst v63  }
0x219: {  	s16 =	sadd.s32 @!p4 $0xC0, s16;
	s14 =	smul.u32 @!p4 $0xAAAB, s15;
	_ =	swait.ge @!p1 [sflag:s8], $0x3000  }
0x21a: {  	s17 =	sadd.s32 @!p4 s25, s21;
	s25 =	smov.u32 s13;
	[sflag:s8] =	ssyncset.done @!p1 $0x0  }
0x21b: {  	s13 =	sadd.s32 @!p4 $0xC0, s17;
	[sflag:s8] =	ssyncadd.s32 @!p1 $0xFFFFD000;
	s8 =	sshrl.u32 @!p4 s14, $0x11  }
0x21c: {  	p1 =	por p3, p3;
	_ =	swait.ge [sflag:s26], $0x300;
	s8 =	smul.u32 @!p4 $0x3, s8  }
0x21d: {  	[sflag:s26] =	ssyncset.done $0x0  }
0x21e: {  	[sflag:s26] =	ssyncadd.s32 $0xFFFFFD00;
	s8 =	ssub.s32 @!p4 s15, s8  }
0x21f: {  	_ =	swait.ge [sflag:s26], $0x300;
	s8 =	smul.u32 @!p4 $0x300, s8  }
0x220: {  	[sflag:s26] =	ssyncset.done $0x0  }
0x221: {  	s14 =	simm.s32 @!p4 $0x0;
	[sflag:s26] =	ssyncadd.s32 $0xFFFFFD00;
	s8 =	sand.u32 @!p4 $0xFF00, s8  }
0x222: {  	s15 =	sadd.s32 @!p4 $0x18800, s8;
	s8 =	sadd.s32 @!p4 $0x19100, s8  }
0x223: {  	[tilespmem:s15], [sflag:$0x4] =	stream.linear.gather @!p4 [hbm4b:s16+s14], $0x300, $0x38;
	[tilespmem:$0x1FC80] =	vst v63  }
.Ltmp7:
0x224: {  	(pc) =	sbr.rel @!p2 .LBB2_5-.Ltmp7, $4  }
0x225: {  	[tilespmem:s8], [sflag:$0x4] =	stream.linear.gather @!p4 [hbm4b:s13+s14], $0x300, $0x38;
	[tilespmem:$0x1FC80] =	vst v63  }
0x226: {  	s11 =	sadd.s32 $0x2, s11  }
0x227: {  	[tilespmem:s31], [sflag:$0x1] =	stream.indirect.gather [hbm4b:s5+s28], $0x10, s12, s28, $0xb8;
	[tilespmem:$0x1FC80] =	vst v63  }
0x228: {  	s14 =	simm.s32 @!p1 $0x2;
	s12 =	sadd.s32 $0x1, s11;
	_ =	swait.ge [sflag:s30], $0x3000  }
0x229: {  	[sflag:s30] =	ssyncset.done $0x0  }
0x22a: {  	s8 =	smul.u32 $0xAAAB, s12;
	[sflag:s30] =	ssyncadd.s32 $0xFFFFD000  }
0x22b: {  	[spmem:s1] =	stream.indirect.scatter.add.f32 [tilespmem:s31], [sflag:$0x3], $0x10, s19, s28, $0xb8;
	[tilespmem:$0x1FC80] =	vst v63  }
0x22c: {  	_ =	swait.ge @!p1 [sflag:s14], $0x3000  }
0x22d: {  	s9 =	smul.u32 $0xAAAB, s11;
	s8 =	sshrl.u32 s8, $0x11;
	[sflag:s14] =	ssyncset.done @!p1 $0x0  }
0x22e: {  	s8 =	smul.u32 $0x3, s8;
	[sflag:s14] =	ssyncadd.s32 @!p1 $0xFFFFD000  }
0x22f: {  	s9 =	sshrl.u32 s9, $0x11;
	_ =	swait.ge [sflag:s26], $0x300  }
0x230: {  	s9 =	smul.u32 $0x3, s9;
	s8 =	ssub.s32 s12, s8;
	[sflag:s26] =	ssyncset.done $0x0  }
0x231: {  	s13 =	sadd.s32 s25, s22;
	s8 =	smul.u32 $0x300, s8;
	[sflag:s26] =	ssyncadd.s32 $0xFFFFFD00  }
0x232: {  	s16 =	sadd.s32 s25, s21;
	s13 =	sadd.s32 $0x60, s13;
	_ =	swait.ge [sflag:s26], $0x300  }
0x233: {  	s9 =	ssub.s32 s11, s9;
	s8 =	sand.u32 $0xFF00, s8;
	[sflag:s26] =	ssyncset.done $0x0  }
0x234: {  	s9 =	smul.u32 $0x300, s9;
	s17 =	sadd.s32 $0x18800, s8;
	[sflag:s26] =	ssyncadd.s32 $0xFFFFFD00  }
0x235: {  	[tilespmem:s17], [sflag:$0x4] =	stream.linear.gather [hbm4b:s13+s2], $0x300, $0x38;
	[tilespmem:$0x1FC80] =	vst v63  }
0x236: {  	s12 =	sadd.s32 $0x60, s16;
	s9 =	sand.u32 $0xFF00, s9;
	s8 =	sadd.s32 $0x19100, s8  }
0x237: {  	[tilespmem:s8], [sflag:$0x4] =	stream.linear.gather [hbm4b:s12+s2], $0x300, $0x38;
	[tilespmem:$0x1FC80] =	vst v63  }
0x238: {  	s19 =	sadd.s32 $0x18800, s9  }
0x239: {  	[tilespmem:s29], [sflag:$0x1] =	stream.indirect.gather [hbm4b:s5+s28], $0x10, s19, s28, $0xb8;
	[tilespmem:$0x1FC80] =	vst v63  }
0x23a: {  	_ =	swait.ge [sflag:s30], $0x3000  }
0x23b: {  	p2 =	seq.s32 s25, $0x60C0;
	[sflag:s30] =	ssyncset.done $0x0  }
0x23c: {  	s11 =	sadd.s32 @!p2 $0x2, s11;
	s9 =	sadd.s32 $0x19100, s9;
	[sflag:s30] =	ssyncadd.s32 $0xFFFFD000  }
0x23d: {  	[spmem:s1] =	stream.indirect.scatter.add.f32 [tilespmem:s29], [sflag:$0x2], $0x10, s9, s28, $0xb8;
	[tilespmem:$0x1FC80] =	vst v63  }
0x23e: {  	s12 =	smul.u32 @!p2 $0xAAAB, s11;
	s9 =	simm.s32 @!p1 $0x3  }
0x23f: {  	_ =	swait.ge @!p1 [sflag:s9], $0x3000  }
0x240: {  	s12 =	sshrl.u32 @!p2 s12, $0x11;
	[sflag:s9] =	ssyncset.done @!p1 $0x0  }
0x241: {  	[sflag:s9] =	ssyncadd.s32 @!p1 $0xFFFFD000;
	s9 =	smul.u32 @!p2 $0x3, s12  }
0x242: {  	_ =	swait.ge [sflag:s26], $0x300  }
0x243: {  	[sflag:s26] =	ssyncset.done $0x0;
	s9 =	ssub.s32 @!p2 s11, s9  }
0x244: {  	[sflag:s26] =	ssyncadd.s32 $0xFFFFFD00;
	s9 =	smul.u32 @!p2 $0x300, s9  }
0x245: {  	s13 =	simm.s32 @!p2 $0x0;
	s12 =	sadd.s32 @!p2 s25, s21;
	_ =	swait.ge [sflag:s26], $0x300  }
0x246: {  	s11 =	sadd.s32 @!p2 s25, s22;
	[sflag:s26] =	ssyncset.done $0x0;
	s9 =	sand.u32 @!p2 $0xFF00, s9  }
0x247: {  	s11 =	sadd.s32 @!p2 $0xC0, s11;
	[sflag:s26] =	ssyncadd.s32 $0xFFFFFD00;
	s15 =	sadd.s32 @!p2 $0x18800, s9  }
0x248: {  	[tilespmem:s15], [sflag:$0x4] =	stream.linear.gather @!p2 [hbm4b:s11+s13], $0x300, $0x38;
	[tilespmem:$0x1FC80] =	vst v63  }
0x249: {  	s9 =	sadd.s32 @!p2 $0x19100, s9;
	s11 =	sadd.s32 @!p2 $0xC0, s12  }
0x24a: {  	[tilespmem:s9], [sflag:$0x4] =	stream.linear.gather @!p2 [hbm4b:s11+s13], $0x300, $0x38;
	[tilespmem:$0x1FC80] =	vst v63  }
0x24b: {  	_ = 	snop  }
0x24c: {  	[tilespmem:s31], [sflag:$0x1] =	stream.indirect.gather [hbm4b:s5+s28], $0x10, s17, s28, $0xb8;
	[tilespmem:$0x1FC80] =	vst v63  }
.Ltmp8:
0x24d: {  	_ = 	snop;
	(pc) =	sbr.rel .LBB2_12-.Ltmp8, $4  }
0x24e: {  	_ =	swait.ge [sflag:s30], $0x3000  }
0x24f: {  	[sflag:s30] =	ssyncset.done $0x0  }
0x250: {  	s11 =	smov.u32 s5;
	s9 =	rddreg [dreg:$0x3];
	[sflag:s30] =	ssyncadd.s32 $0xFFFFD000  }
0x251: {  	[spmem:s1] =	stream.indirect.scatter.add.f32 [tilespmem:s31], [sflag:$0x3], $0x10, s8, s28, $0xb8;
	[tilespmem:$0x1FC80] =	vst v63  }
.LBB2_13:
0x252: {  	_ =	sfence.sel $0x180000  }
0x253: {  	[bflag:$0x0] =	sbarrier.arrive $0xFFFF  }
0x254: {  	_ =	strace $0x9000004A  }
0x255: {  	s0 =	stileid.u32;
	[bflag:$0x2] =	sbarrier.arrive $0xFFFF  }
0x256: {  	p0 =	sne.s32 s0, $0x0;
	s0 =	rddreg [dreg:$0x2]  }
0x257: {  	s0 =	sadd.s32 @!p0 $0x100000, s0  }
0x258: {  	[sflag:s0] =	ssyncadd.tile.s32 @!p0 $0x1;
	_ =	shalt  }
.Lfunc_end2:
_tile_overlayer_lowered:
.L_overlay_start_2:
0x259: {  	(tag) =	ssettag $0x2  }
0x25a: {  	s0 =	rddreg [dreg:$0x0];
	s2 =	stileid.u32  }
0x25b: {  	s1 =	rddreg [dreg:$0x1];
	p0 =	sne.s32 s2, $0x0  }
0x25c: {  	s3 =	rddreg [dreg:$0x2];
	[bflag:$0x3] =	sbarrier.arrive $0xFFFF;
	s2 =	simm.s32 @!p0 $0x1C05  }
0x25d: {  	[timem:s3], [sflag:s2] =	dma.local @!p0 [hbm:s0], s1  }
0x25e: {  	s0 =	simm.s32 @!p0 $0x5  }
0x25f: {  	_ =	swait.ge @!p0 [sflag:s0], s1  }
0x260: {  	s1 =	ssub.s32 @!p0 $0x0, s1;
	[sflag:s0] =	ssyncset.done @!p0 $0x0  }
0x261: {  	[sflag:s0] =	ssyncadd.s32 @!p0 s1  }
0x262: {  	[bflag:$0x3] =	sbarrier.arrive $0xFFFF  }
0x263: {  	_ =	shalt  }

</sc_bundles>
